<compile_context>
chip_gen: v7x
topology: tpu7x:2x2x1
jax: 0.10.2.dev20260603
libtpu: 0.0.44.dev20260713+nightly
codegen_flags: <defaults>
</compile_context>

<pallas_src>
import functools

import jax
import jax.numpy as jnp
from jax import lax
from jax.experimental import pallas as pl
from jax.experimental.pallas import tpu as pltpu
from jax.experimental.pallas import tpu_sc as plsc

N = 10000
E = 320000
D = 128
H = 128
C = 10
G = 64

NC = 2
NS = 16
NW = NC * NS

K = 64
EW = 10240
CH = EW // K
NG = CH // 8
K2 = 128
CH2 = EW // K2
NG2 = CH2 // 8
NP = 10240
ROWS = NP // NS
SC_CH = K
OC = ROWS // SC_CH


def _sc_agg_body(table, src3d, dst3d, zeros_h, acc_out,
                 src_g, dst_g, rows0, rows1, rows2, rows3, acc_sh,
                 semg0, semg1, semg2, semg3, semi1, semi2):
    c = lax.axis_index("c")
    s = lax.axis_index("s")
    w = s * NC + c
    rows = (rows0, rows1, rows2, rows3)
    semg = (semg0, semg1, semg2, semg3)

    pltpu.sync_copy(zeros_h.at[pl.ds(s * ROWS, ROWS)],
                    acc_sh.at[pl.ds(s * ROWS, ROWS)])
    plsc.subcore_barrier()

    pltpu.sync_copy(src3d.at[w, pl.ds(0, 8)], src_g.at[pl.ds(0, 8)])
    pltpu.sync_copy(dst3d.at[w, pl.ds(0, 8)], dst_g.at[pl.ds(0, 8)])
    pltpu.async_copy(table.at[src_g.at[0]], rows0, semg0)
    pltpu.async_copy(table.at[src_g.at[1]], rows1, semg1)
    pltpu.async_copy(table.at[src_g.at[2]], rows2, semg2)

    def group(gr, carry):
        cur = lax.rem(gr, 2)
        nxt = lax.rem(gr + 1, 2)
        gf = jnp.minimum(gr + 1, NG - 1)
        gof = pl.multiple_of(gf * 8, 8)
        di1 = pltpu.async_copy(src3d.at[w, pl.ds(gof, 8)],
                               src_g.at[pl.ds(nxt * 8, 8)], semi1)
        di2 = pltpu.async_copy(dst3d.at[w, pl.ds(gof, 8)],
                               dst_g.at[pl.ds(nxt * 8, 8)], semi2)
        dgs = [None, None, None]
        for r in range(8):
            jrow = cur * 8 + r
            p = r % 4
            if r < 3:
                pltpu.make_async_copy(table.at[src_g.at[jrow]], rows[p],
                                      semg[p]).wait()
            else:
                dgs[r % 3].wait()
            if r == 5:
                di1.wait()
                di2.wait()
            nrow = jrow + 3 if r < 5 else nxt * 8 + (r - 5)
            pn = (r + 3) % 4
            dgs[r % 3] = pltpu.async_copy(table.at[src_g.at[nrow]],
                                          rows[pn], semg[pn])
            pltpu.sync_copy(rows[p], acc_sh.at[dst_g.at[jrow]], add=True)
        return carry

    lax.fori_loop(0, NG, group, 0)
    pltpu.make_async_copy(table.at[src_g.at[0]], rows0, semg0).wait()
    pltpu.make_async_copy(table.at[src_g.at[1]], rows1, semg1).wait()
    pltpu.make_async_copy(table.at[src_g.at[2]], rows2, semg2).wait()
    plsc.subcore_barrier()

    pltpu.sync_copy(acc_sh.at[pl.ds(s * ROWS, ROWS)],
                    acc_out.at[c, pl.ds(s * ROWS, ROWS)])


def _sc_count_body(dst3d2, zeros_h, ones_h, cnt_out,
                   dst_g, ones_v, cnt_sh, semi2, sems0):
    c = lax.axis_index("c")
    s = lax.axis_index("s")
    w = s * NC + c

    pltpu.sync_copy(zeros_h.at[pl.ds(s * ROWS, ROWS)],
                    cnt_sh.at[pl.ds(s * ROWS, ROWS)])
    pltpu.sync_copy(ones_h, ones_v)
    plsc.subcore_barrier()
    pltpu.sync_copy(dst3d2.at[w, pl.ds(0, 8)], dst_g.at[pl.ds(0, 8)])

    def group(gr, carry):
        cur = lax.rem(gr, 2)
        nxt = lax.rem(gr + 1, 2)
        gf = jnp.minimum(gr + 1, NG2 - 1)
        gof = pl.multiple_of(gf * 8, 8)
        di2 = pltpu.async_copy(dst3d2.at[w, pl.ds(gof, 8)],
                               dst_g.at[pl.ds(nxt * 8, 8)], semi2)
        dss = []
        for r in range(8):
            dss.append(pltpu.async_copy(
                ones_v, cnt_sh.at[dst_g.at[cur * 8 + r]], sems0, add=True))
        for dsd in dss:
            dsd.wait()
        di2.wait()
        return carry

    lax.fori_loop(0, NG2, group, 0)
    plsc.subcore_barrier()

    pltpu.sync_copy(cnt_sh.at[pl.ds(s * ROWS, ROWS)],
                    cnt_out.at[c, pl.ds(s * ROWS, ROWS)])


def _sc_mesh():
    return plsc.VectorSubcoreMesh(core_axis_name="c", subcore_axis_name="s",
                                  num_cores=NC, num_subcores=NS)


@functools.lru_cache(maxsize=None)
def _make_sc_agg():
    scratch = [
        pltpu.VMEM((2 * 8, K), jnp.int32),
        pltpu.VMEM((2 * 8, K), jnp.int32),
    ] + [pltpu.VMEM((K, D), jnp.float32)] * 4 + [
        pltpu.VMEM_SHARED((NP, D), jnp.float32),
    ] + [pltpu.SemaphoreType.DMA] * 6
    return pl.kernel(_sc_agg_body,
                     out_type=[jax.ShapeDtypeStruct((NC, NP, D), jnp.float32)],
                     mesh=_sc_mesh(), scratch_types=scratch, name="sc_agg")


@functools.lru_cache(maxsize=None)
def _make_sc_count():
    scratch = [
        pltpu.VMEM((2 * 8, K2), jnp.int32),
        pltpu.VMEM((K2, D), jnp.float32),
        pltpu.VMEM_SHARED((NP, D), jnp.float32),
        pltpu.SemaphoreType.DMA,
        pltpu.SemaphoreType.DMA,
    ]
    return pl.kernel(_sc_count_body,
                     out_type=[jax.ShapeDtypeStruct((NC, NP, D), jnp.float32)],
                     mesh=_sc_mesh(), scratch_types=scratch, name="sc_count")


_BN = 2000
_NB = N // _BN


def _tc_layer_common(acc_ref, cnt_ref, h_ref, b_ref, wl_ref, bl_ref, wr_ref,
                     ho_ref, pool_ref):
    i = pl.program_id(0)
    cnt = cnt_ref[0, :, 0:1] + cnt_ref[1, :, 0:1]
    inv = 1.0 / jnp.maximum(cnt, 1.0)
    agg = (acc_ref[0] + acc_ref[1]) * inv
    hmat = h_ref[...]
    out = (lax.dot_general(agg, wl_ref[...], (((1,), (1,)), ((), ())),
                           preferred_element_type=jnp.float32)
           + bl_ref[...]
           + lax.dot_general(hmat, wr_ref[...], (((1,), (1,)), ((), ())),
                             preferred_element_type=jnp.float32))
    ho_ref[...] = out
    onehot_t = (lax.broadcasted_iota(jnp.int32, (G, _BN), 0)
                == b_ref[0]).astype(jnp.float32)
    p = lax.dot_general(onehot_t, out, (((1,), (0,)), ((), ())),
                        preferred_element_type=jnp.float32)

    @pl.when(i == 0)
    def _():
        pool_ref[...] = jnp.zeros_like(pool_ref)

    pool_ref[...] += p


def _tc_layer_body(acc_ref, cnt_ref, h_ref, b_ref, wl_ref, bl_ref, wr_ref,
                   ho_ref, pool_ref):
    _tc_layer_common(acc_ref, cnt_ref, h_ref, b_ref, wl_ref, bl_ref, wr_ref,
                     ho_ref, pool_ref)


def _tc_layer3_body(acc_ref, cnt_ref, h_ref, b_ref, wl_ref, bl_ref, wr_ref,
                    p1_ref, p2_ref, w1_ref, b1_ref, w2_ref, b2_ref,
                    ho_ref, pool_ref, o_ref):
    _tc_layer_common(acc_ref, cnt_ref, h_ref, b_ref, wl_ref, bl_ref, wr_ref,
                     ho_ref, pool_ref)

    @pl.when(pl.program_id(0) == _NB - 1)
    def _():
        dn = (((1,), (1,)), ((), ()))
        z = (lax.dot_general(p1_ref[...], w1_ref[:, 0:H], dn,
                             preferred_element_type=jnp.float32)
             + lax.dot_general(p2_ref[...], w1_ref[:, H:2 * H], dn,
                               preferred_element_type=jnp.float32)
             + lax.dot_general(pool_ref[...], w1_ref[:, 2 * H:3 * H], dn,
                               preferred_element_type=jnp.float32))
        z = jnp.maximum(z + b1_ref[...], 0.0)
        z2 = lax.dot_general(z, w2_ref[...], dn,
                             preferred_element_type=jnp.float32) + b2_ref[...]
        m = jnp.max(z2, axis=-1, keepdims=True)
        lse = jnp.log(jnp.sum(jnp.exp(z2 - m), axis=-1, keepdims=True)) + m
        o_ref[...] = z2 - lse


_tc_layer = pl.pallas_call(
    _tc_layer_body,
    grid=(_NB,),
    in_specs=[
        pl.BlockSpec((NC, _BN, D), lambda i: (0, i, 0)),
        pl.BlockSpec((NC, _BN, D), lambda i: (0, i, 0)),
        pl.BlockSpec((_BN, D), lambda i: (i, 0)),
        pl.BlockSpec((1, 1, _BN), lambda i: (i, 0, 0)),
        pl.BlockSpec((H, D), lambda i: (0, 0)),
        pl.BlockSpec((1, H), lambda i: (0, 0)),
        pl.BlockSpec((H, D), lambda i: (0, 0)),
    ],
    out_specs=[
        pl.BlockSpec((_BN, H), lambda i: (i, 0)),
        pl.BlockSpec((G, H), lambda i: (0, 0)),
    ],
    out_shape=[
        jax.ShapeDtypeStruct((N, H), jnp.float32),
        jax.ShapeDtypeStruct((G, H), jnp.float32),
    ],
)


_tc_layer3 = pl.pallas_call(
    _tc_layer3_body,
    grid=(_NB,),
    in_specs=[
        pl.BlockSpec((NC, _BN, D), lambda i: (0, i, 0)),
        pl.BlockSpec((NC, _BN, D), lambda i: (0, i, 0)),
        pl.BlockSpec((_BN, D), lambda i: (i, 0)),
        pl.BlockSpec((1, 1, _BN), lambda i: (i, 0, 0)),
        pl.BlockSpec((H, D), lambda i: (0, 0)),
        pl.BlockSpec((1, H), lambda i: (0, 0)),
        pl.BlockSpec((H, D), lambda i: (0, 0)),
        pl.BlockSpec((G, H), lambda i: (0, 0)),
        pl.BlockSpec((G, H), lambda i: (0, 0)),
        pl.BlockSpec((H, 3 * H), lambda i: (0, 0)),
        pl.BlockSpec((1, H), lambda i: (0, 0)),
        pl.BlockSpec((C, H), lambda i: (0, 0)),
        pl.BlockSpec((1, C), lambda i: (0, 0)),
    ],
    out_specs=[
        pl.BlockSpec((_BN, H), lambda i: (i, 0)),
        pl.BlockSpec((G, H), lambda i: (0, 0)),
        pl.BlockSpec((G, C), lambda i: (0, 0)),
    ],
    out_shape=[
        jax.ShapeDtypeStruct((N, H), jnp.float32),
        jax.ShapeDtypeStruct((G, H), jnp.float32),
        jax.ShapeDtypeStruct((G, C), jnp.float32),
    ],
)


def kernel(x, edge_index, batch, Wl0, bl0, Wr0, Wl1, bl1, Wr1, Wl2, bl2,
           Wr2, W1, b1, W2, b2):
    npad = EW - E // NW
    pad_src = (jnp.arange(NW * npad, dtype=jnp.int32) % 64).reshape(NW, npad)
    pad_dst = (N + jnp.arange(NW * npad, dtype=jnp.int32)
               % (NP - N)).reshape(NW, npad)
    src3d = jnp.concatenate(
        [edge_index[0].reshape(NW, E // NW), pad_src], 1).reshape(NW, CH, K)
    dst3d = jnp.concatenate(
        [edge_index[1].reshape(NW, E // NW), pad_dst], 1).reshape(NW, CH, K)
    dst3d2 = dst3d.reshape(NW, CH2, K2)
    zeros_h = jnp.zeros((NP, D), jnp.float32)
    ones_h = jnp.ones((K2, D), jnp.float32)
    batch3d = batch.reshape(_NB, 1, _BN)

    cntp, = _make_sc_count()(dst3d2, zeros_h, ones_h)
    acc, = _make_sc_agg()(x, src3d, dst3d, zeros_h)
    h1, p1 = _tc_layer(acc, cntp, x, batch3d, Wl0, bl0.reshape(1, H), Wr0)
    acc, = _make_sc_agg()(h1, src3d, dst3d, zeros_h)
    h2, p2 = _tc_layer(acc, cntp, h1, batch3d, Wl1, bl1.reshape(1, H), Wr1)
    acc, = _make_sc_agg()(h2, src3d, dst3d, zeros_h)
    _, _, out = _tc_layer3(acc, cntp, h2, batch3d, Wl2, bl2.reshape(1, H),
                           Wr2, p1, p2, W1, b1.reshape(1, H), W2,
                           b2.reshape(1, C))
    return out

# --- scband reference (transcript-rebuilt; emitter-appended) ---
"""Pipeline reference for scband-graph-sage-12936441495647 (READ-ONLY COPY).

The authoritative reference and input builder live on the scoring server;
editing this copy changes nothing except your own understanding.
"""

import jax, jax.numpy as jnp
import numpy as np

N = 10000
E = 320000
D = 128
H = 128
C = 10
G = 64


def setup_inputs(seed: int = 0) -> dict:
    key = jax.random.key(seed)
    ks = jax.random.split(key, 24)
    inp = {}
    inp["x"] = jax.random.normal(ks[0], (N, D), dtype=jnp.float32)
    inp["edge_index"] = jax.random.randint(ks[1], (2, E), 0, N, dtype=jnp.int32)
    inp["batch"] = jnp.sort(jax.random.randint(ks[2], (N,), 0, G, dtype=jnp.int32))
    # SAGEConv params: lin_l (neighbor agg, with bias), lin_r (root, no bias)
    dims_in = [D, H, H]
    for i, din in enumerate(dims_in):
        s = 1.0 / np.sqrt(din)
        inp[f"Wl{i}"] = jax.random.uniform(ks[3 + 3 * i], (H, din), dtype=jnp.float32, minval=-s, maxval=s)
        inp[f"bl{i}"] = jnp.zeros((H,), dtype=jnp.float32)
        inp[f"Wr{i}"] = jax.random.uniform(ks[4 + 3 * i], (H, din), dtype=jnp.float32, minval=-s, maxval=s)
    s1 = 1.0 / np.sqrt(3 * H)
    inp["W1"] = jax.random.uniform(ks[14], (H, 3 * H), dtype=jnp.float32, minval=-s1, maxval=s1)
    inp["b1"] = jnp.zeros((H,), dtype=jnp.float32)
    s2 = 1.0 / np.sqrt(H)
    inp["W2"] = jax.random.uniform(ks[15], (C, H), dtype=jnp.float32, minval=-s2, maxval=s2)
    inp["b2"] = jnp.zeros((C,), dtype=jnp.float32)
    return inp


def _sage_conv(x, edge_index, Wl, bl, Wr):
    src = edge_index[0]
    dst = edge_index[1]
    msg = x[src]
    agg_sum = jax.ops.segment_sum(msg, dst, num_segments=N)
    cnt = jax.ops.segment_sum(jnp.ones((E,), dtype=x.dtype), dst, num_segments=N)
    agg = agg_sum / jnp.maximum(cnt, 1.0)[:, None]
    return agg @ Wl.T + bl + x @ Wr.T


def reference(x, edge_index, batch, Wl0, bl0, Wr0, Wl1, bl1, Wr1, Wl2, bl2, Wr2, W1, b1, W2, b2):
    h = x
    outs = []
    for (Wl, bl, Wr) in [(Wl0, bl0, Wr0), (Wl1, bl1, Wr1), (Wl2, bl2, Wr2)]:
        h = _sage_conv(h, edge_index, Wl, bl, Wr)
        outs.append(h)
    hc = jnp.concatenate(outs, axis=1)
    pooled = jax.ops.segment_sum(hc, batch, num_segments=G)
    z = jax.nn.relu(pooled @ W1.T + b1)
    # dropout is a no-op in eval mode
    z = z @ W2.T + b2
    return jax.nn.log_softmax(z, axis=-1)

if __name__ == "__main__":
    import jax
    _d = setup_inputs()
    print(jax.jit(kernel)(*tuple(_d.values())))

</pallas_src>

<mosaic_0001>
#map = affine_map<(d0, d1) -> (0, 0)>
#map1 = affine_map<(d0, d1) -> (0, 0, 0)>
module attributes {stable_mosaic.version = 14 : i64} {
  func.func @sc_agg(%arg0: i32, %arg1: i32, %arg2: memref<10000x128xf32, #tpu.memory_space<hbm>>, %arg3: memref<32x160x64xi32, #tpu.memory_space<hbm>>, %arg4: memref<32x160x64xi32, #tpu.memory_space<hbm>>, %arg5: memref<10240x128xf32, #tpu.memory_space<hbm>>, %arg6: memref<2x10240x128xf32, #tpu.memory_space<hbm>>, %arg7: memref<16x64xi32, #tpu.memory_space<vmem>>, %arg8: memref<16x64xi32, #tpu.memory_space<vmem>>, %arg9: memref<64x128xf32, #tpu.memory_space<vmem>>, %arg10: memref<64x128xf32, #tpu.memory_space<vmem>>, %arg11: memref<64x128xf32, #tpu.memory_space<vmem>>, %arg12: memref<64x128xf32, #tpu.memory_space<vmem>>, %arg13: memref<10240x128xf32, #tpu.memory_space<vmem_shared>>, %arg14: memref<!tpu.dma_semaphore, #tpu.memory_space<semaphore_mem>>, %arg15: memref<!tpu.dma_semaphore, #tpu.memory_space<semaphore_mem>>, %arg16: memref<!tpu.dma_semaphore, #tpu.memory_space<semaphore_mem>>, %arg17: memref<!tpu.dma_semaphore, #tpu.memory_space<semaphore_mem>>, %arg18: memref<!tpu.dma_semaphore, #tpu.memory_space<semaphore_mem>>, %arg19: memref<!tpu.dma_semaphore, #tpu.memory_space<semaphore_mem>>) attributes {dimension_semantics = [#tpu.dimension_semantics<core_parallel>, #tpu.dimension_semantics<subcore_parallel>], iteration_bounds = array<i64: 2, 16>, scalar_prefetch = 0 : i64, scratch_operands = 13 : i64, tpu.core_type = #tpu.core_type<sc_vector_subcore>, window_params = [{transform_indices = #map}, {transform_indices = #map1}, {transform_indices = #map1}, {transform_indices = #map}, {transform_indices = #map1}]} {
    %mul3A = arith.constant 2 : i32
    %mul3A_0 = arith.muli %arg1, %mul3A : i32
    %add3A = arith.addi %mul3A_0, %arg0 : i32
    %mul3A_1 = arith.constant 640 : i32
    %mul3A_2 = arith.muli %arg1, %mul3A_1 : i32
    %mul3A_3 = arith.constant 640 : i32
    %mul3A_4 = arith.muli %arg1, %mul3A_3 : i32
    "tpu.region"() ({
      %run_scoped3A = tpu.sem_alloc : memref<!tpu.dma_semaphore, #tpu.memory_space<semaphore_mem>>
      %dma_start3A_55 = arith.constant 0 : i32
      %dma_start3A_56 = tpu.memref_slice %arg13[%mul3A_4, %dma_start3A_55] : memref<10240x128xf32, #tpu.memory_space<vmem_shared>> -> memref<640x128xf32, #tpu.memory_space<vmem_shared>>
      %dma_start3A_57 = arith.constant 0 : i32
      %dma_start3A_58 = tpu.memref_slice %arg5[%mul3A_2, %dma_start3A_57] : memref<10240x128xf32, #tpu.memory_space<hbm>> -> memref<640x128xf32, #tpu.memory_space<hbm>>
      tpu.enqueue_dma source(%dma_start3A_58 : memref<640x128xf32, #tpu.memory_space<hbm>>) target(%dma_start3A_56 : memref<640x128xf32, #tpu.memory_space<vmem_shared>>) target_semaphore(%run_scoped3A : memref<!tpu.dma_semaphore, #tpu.memory_space<semaphore_mem>>)
      %dma_wait3A_59 = arith.constant 0 : i32
      %dma_wait3A_60 = tpu.memref_slice %arg13[%mul3A_4, %dma_wait3A_59] : memref<10240x128xf32, #tpu.memory_space<vmem_shared>> -> memref<640x128xf32, #tpu.memory_space<vmem_shared>>
      %dma_wait3A_61 = arith.constant 0 : i32
      %dma_wait3A_62 = tpu.memref_slice %arg5[%mul3A_2, %dma_wait3A_61] : memref<10240x128xf32, #tpu.memory_space<hbm>> -> memref<640x128xf32, #tpu.memory_space<hbm>>
      tpu.wait_dma2 semaphore(%run_scoped3A : memref<!tpu.dma_semaphore, #tpu.memory_space<semaphore_mem>>) src(%dma_wait3A_62 : memref<640x128xf32, #tpu.memory_space<hbm>>) dst(%dma_wait3A_60 : memref<640x128xf32, #tpu.memory_space<vmem_shared>>)
      tpu.yield
    }) : () -> ()
    %barrier3A = arith.constant 0 : index
    tpu.barrier barrier_id(%barrier3A)
    "tpu.region"() ({
      %run_scoped3A = tpu.sem_alloc : memref<!tpu.dma_semaphore, #tpu.memory_space<semaphore_mem>>
      %dma_start3A_55 = arith.constant 0 : i32
      %dma_start3A_56 = arith.constant 0 : i32
      %dma_start3A_57 = tpu.memref_slice %arg7[%dma_start3A_55, %dma_start3A_56] : memref<16x64xi32, #tpu.memory_space<vmem>> -> memref<8x64xi32, #tpu.memory_space<vmem>>
      %dma_start3A_58 = arith.constant 0 : i32
      %dma_start3A_59 = arith.constant 0 : i32
      %dma_start3A_60 = tpu.memref_slice %arg3[%add3A, %dma_start3A_58, %dma_start3A_59] : memref<32x160x64xi32, #tpu.memory_space<hbm>> -> memref<1x8x64xi32, #tpu.memory_space<hbm>>
      %dma_start3A_61 = tpu.memref_squeeze %dma_start3A_60 : memref<1x8x64xi32, #tpu.memory_space<hbm>> -> memref<8x64xi32, #tpu.memory_space<hbm>>
      %dma_start3A_62 = arith.constant 0 : i32
      %dma_start3A_63 = arith.constant 0 : i32
      %dma_start3A_64 = tpu.memref_slice %arg7[%dma_start3A_62, %dma_start3A_63] : memref<16x64xi32, #tpu.memory_space<vmem>> -> memref<8x64xi32, #tpu.memory_space<vmem>>
      %dma_start3A_65 = arith.constant 0 : i32
      %dma_start3A_66 = arith.constant 0 : i32
      %dma_start3A_67 = tpu.memref_slice %arg3[%add3A, %dma_start3A_65, %dma_start3A_66] : memref<32x160x64xi32, #tpu.memory_space<hbm>> -> memref<1x8x64xi32, #tpu.memory_space<hbm>>
      %dma_start3A_68 = tpu.memref_squeeze %dma_start3A_67 : memref<1x8x64xi32, #tpu.memory_space<hbm>> -> memref<8x64xi32, #tpu.memory_space<hbm>>
      tpu.enqueue_dma source(%dma_start3A_68 : memref<8x64xi32, #tpu.memory_space<hbm>>) target(%dma_start3A_64 : memref<8x64xi32, #tpu.memory_space<vmem>>) target_semaphore(%run_scoped3A : memref<!tpu.dma_semaphore, #tpu.memory_space<semaphore_mem>>)
      %dma_wait3A_69 = arith.constant 0 : i32
      %dma_wait3A_70 = arith.constant 0 : i32
      %dma_wait3A_71 = tpu.memref_slice %arg7[%dma_wait3A_69, %dma_wait3A_70] : memref<16x64xi32, #tpu.memory_space<vmem>> -> memref<8x64xi32, #tpu.memory_space<vmem>>
      %dma_wait3A_72 = arith.constant 0 : i32
      %dma_wait3A_73 = arith.constant 0 : i32
      %dma_wait3A_74 = tpu.memref_slice %arg3[%add3A, %dma_wait3A_72, %dma_wait3A_73] : memref<32x160x64xi32, #tpu.memory_space<hbm>> -> memref<1x8x64xi32, #tpu.memory_space<hbm>>
      %dma_wait3A_75 = tpu.memref_squeeze %dma_wait3A_74 : memref<1x8x64xi32, #tpu.memory_space<hbm>> -> memref<8x64xi32, #tpu.memory_space<hbm>>
      %dma_wait3A_76 = arith.constant 0 : i32
      %dma_wait3A_77 = arith.constant 0 : i32
      %dma_wait3A_78 = tpu.memref_slice %arg7[%dma_wait3A_76, %dma_wait3A_77] : memref<16x64xi32, #tpu.memory_space<vmem>> -> memref<8x64xi32, #tpu.memory_space<vmem>>
      %dma_wait3A_79 = arith.constant 0 : i32
      %dma_wait3A_80 = arith.constant 0 : i32
      %dma_wait3A_81 = tpu.memref_slice %arg3[%add3A, %dma_wait3A_79, %dma_wait3A_80] : memref<32x160x64xi32, #tpu.memory_space<hbm>> -> memref<1x8x64xi32, #tpu.memory_space<hbm>>
      %dma_wait3A_82 = tpu.memref_squeeze %dma_wait3A_81 : memref<1x8x64xi32, #tpu.memory_space<hbm>> -> memref<8x64xi32, #tpu.memory_space<hbm>>
      tpu.wait_dma2 semaphore(%run_scoped3A : memref<!tpu.dma_semaphore, #tpu.memory_space<semaphore_mem>>) src(%dma_wait3A_82 : memref<8x64xi32, #tpu.memory_space<hbm>>) dst(%dma_wait3A_78 : memref<8x64xi32, #tpu.memory_space<vmem>>)
      tpu.yield
    }) : () -> ()
    "tpu.region"() ({
      %run_scoped3A = tpu.sem_alloc : memref<!tpu.dma_semaphore, #tpu.memory_space<semaphore_mem>>
      %dma_start3A_55 = arith.constant 0 : i32
      %dma_start3A_56 = arith.constant 0 : i32
      %dma_start3A_57 = tpu.memref_slice %arg8[%dma_start3A_55, %dma_start3A_56] : memref<16x64xi32, #tpu.memory_space<vmem>> -> memref<8x64xi32, #tpu.memory_space<vmem>>
      %dma_start3A_58 = arith.constant 0 : i32
      %dma_start3A_59 = arith.constant 0 : i32
      %dma_start3A_60 = tpu.memref_slice %arg4[%add3A, %dma_start3A_58, %dma_start3A_59] : memref<32x160x64xi32, #tpu.memory_space<hbm>> -> memref<1x8x64xi32, #tpu.memory_space<hbm>>
      %dma_start3A_61 = tpu.memref_squeeze %dma_start3A_60 : memref<1x8x64xi32, #tpu.memory_space<hbm>> -> memref<8x64xi32, #tpu.memory_space<hbm>>
      %dma_start3A_62 = arith.constant 0 : i32
      %dma_start3A_63 = arith.constant 0 : i32
      %dma_start3A_64 = tpu.memref_slice %arg8[%dma_start3A_62, %dma_start3A_63] : memref<16x64xi32, #tpu.memory_space<vmem>> -> memref<8x64xi32, #tpu.memory_space<vmem>>
      %dma_start3A_65 = arith.constant 0 : i32
      %dma_start3A_66 = arith.constant 0 : i32
      %dma_start3A_67 = tpu.memref_slice %arg4[%add3A, %dma_start3A_65, %dma_start3A_66] : memref<32x160x64xi32, #tpu.memory_space<hbm>> -> memref<1x8x64xi32, #tpu.memory_space<hbm>>
      %dma_start3A_68 = tpu.memref_squeeze %dma_start3A_67 : memref<1x8x64xi32, #tpu.memory_space<hbm>> -> memref<8x64xi32, #tpu.memory_space<hbm>>
      tpu.enqueue_dma source(%dma_start3A_68 : memref<8x64xi32, #tpu.memory_space<hbm>>) target(%dma_start3A_64 : memref<8x64xi32, #tpu.memory_space<vmem>>) target_semaphore(%run_scoped3A : memref<!tpu.dma_semaphore, #tpu.memory_space<semaphore_mem>>)
      %dma_wait3A_69 = arith.constant 0 : i32
      %dma_wait3A_70 = arith.constant 0 : i32
      %dma_wait3A_71 = tpu.memref_slice %arg8[%dma_wait3A_69, %dma_wait3A_70] : memref<16x64xi32, #tpu.memory_space<vmem>> -> memref<8x64xi32, #tpu.memory_space<vmem>>
      %dma_wait3A_72 = arith.constant 0 : i32
      %dma_wait3A_73 = arith.constant 0 : i32
      %dma_wait3A_74 = tpu.memref_slice %arg4[%add3A, %dma_wait3A_72, %dma_wait3A_73] : memref<32x160x64xi32, #tpu.memory_space<hbm>> -> memref<1x8x64xi32, #tpu.memory_space<hbm>>
      %dma_wait3A_75 = tpu.memref_squeeze %dma_wait3A_74 : memref<1x8x64xi32, #tpu.memory_space<hbm>> -> memref<8x64xi32, #tpu.memory_space<hbm>>
      %dma_wait3A_76 = arith.constant 0 : i32
      %dma_wait3A_77 = arith.constant 0 : i32
      %dma_wait3A_78 = tpu.memref_slice %arg8[%dma_wait3A_76, %dma_wait3A_77] : memref<16x64xi32, #tpu.memory_space<vmem>> -> memref<8x64xi32, #tpu.memory_space<vmem>>
      %dma_wait3A_79 = arith.constant 0 : i32
      %dma_wait3A_80 = arith.constant 0 : i32
      %dma_wait3A_81 = tpu.memref_slice %arg4[%add3A, %dma_wait3A_79, %dma_wait3A_80] : memref<32x160x64xi32, #tpu.memory_space<hbm>> -> memref<1x8x64xi32, #tpu.memory_space<hbm>>
      %dma_wait3A_82 = tpu.memref_squeeze %dma_wait3A_81 : memref<1x8x64xi32, #tpu.memory_space<hbm>> -> memref<8x64xi32, #tpu.memory_space<hbm>>
      tpu.wait_dma2 semaphore(%run_scoped3A : memref<!tpu.dma_semaphore, #tpu.memory_space<semaphore_mem>>) src(%dma_wait3A_82 : memref<8x64xi32, #tpu.memory_space<hbm>>) dst(%dma_wait3A_78 : memref<8x64xi32, #tpu.memory_space<vmem>>)
      tpu.yield
    }) : () -> ()
    %dma_start3A = arith.constant 0 : i32
    %dma_start3A_5 = arith.constant 0 : i32
    %dma_start3A_6 = tpu.memref_slice %arg7[%dma_start3A, %dma_start3A_5] : memref<16x64xi32, #tpu.memory_space<vmem>> -> memref<1x64xi32, #tpu.memory_space<vmem>>
    %dma_start3A_7 = tpu.memref_squeeze %dma_start3A_6 : memref<1x64xi32, #tpu.memory_space<vmem>> -> memref<64xi32, #tpu.memory_space<vmem>>
    %dma_start3A_8 = arith.constant 0 : i32
    %dma_start3A_9 = arith.constant 0 : i32
    %dma_start3A_10 = tpu.memref_slice %arg2[%dma_start3A_8, %dma_start3A_9] : memref<10000x128xf32, #tpu.memory_space<hbm>> -> memref<10000x128xf32, #tpu.memory_space<hbm>>
    tpu.enqueue_indirect_dma source(%dma_start3A_10 : memref<10000x128xf32, #tpu.memory_space<hbm>>) target(%arg9 : memref<64x128xf32, #tpu.memory_space<vmem>>) offsets(%dma_start3A_7 : memref<64xi32, #tpu.memory_space<vmem>>) semaphore(%arg14 : memref<!tpu.dma_semaphore, #tpu.memory_space<semaphore_mem>>)
    %dma_start3A_11 = arith.constant 1 : i32
    %dma_start3A_12 = arith.constant 0 : i32
    %dma_start3A_13 = tpu.memref_slice %arg7[%dma_start3A_11, %dma_start3A_12] : memref<16x64xi32, #tpu.memory_space<vmem>> -> memref<1x64xi32, #tpu.memory_space<vmem>>
    %dma_start3A_14 = tpu.memref_squeeze %dma_start3A_13 : memref<1x64xi32, #tpu.memory_space<vmem>> -> memref<64xi32, #tpu.memory_space<vmem>>
    %dma_start3A_15 = arith.constant 0 : i32
    %dma_start3A_16 = arith.constant 0 : i32
    %dma_start3A_17 = tpu.memref_slice %arg2[%dma_start3A_15, %dma_start3A_16] : memref<10000x128xf32, #tpu.memory_space<hbm>> -> memref<10000x128xf32, #tpu.memory_space<hbm>>
    tpu.enqueue_indirect_dma source(%dma_start3A_17 : memref<10000x128xf32, #tpu.memory_space<hbm>>) target(%arg10 : memref<64x128xf32, #tpu.memory_space<vmem>>) offsets(%dma_start3A_14 : memref<64xi32, #tpu.memory_space<vmem>>) semaphore(%arg15 : memref<!tpu.dma_semaphore, #tpu.memory_space<semaphore_mem>>)
    %dma_start3A_18 = arith.constant 2 : i32
    %dma_start3A_19 = arith.constant 0 : i32
    %dma_start3A_20 = tpu.memref_slice %arg7[%dma_start3A_18, %dma_start3A_19] : memref<16x64xi32, #tpu.memory_space<vmem>> -> memref<1x64xi32, #tpu.memory_space<vmem>>
    %dma_start3A_21 = tpu.memref_squeeze %dma_start3A_20 : memref<1x64xi32, #tpu.memory_space<vmem>> -> memref<64xi32, #tpu.memory_space<vmem>>
    %dma_start3A_22 = arith.constant 0 : i32
    %dma_start3A_23 = arith.constant 0 : i32
    %dma_start3A_24 = tpu.memref_slice %arg2[%dma_start3A_22, %dma_start3A_23] : memref<10000x128xf32, #tpu.memory_space<hbm>> -> memref<10000x128xf32, #tpu.memory_space<hbm>>
    tpu.enqueue_indirect_dma source(%dma_start3A_24 : memref<10000x128xf32, #tpu.memory_space<hbm>>) target(%arg11 : memref<64x128xf32, #tpu.memory_space<vmem>>) offsets(%dma_start3A_21 : memref<64xi32, #tpu.memory_space<vmem>>) semaphore(%arg16 : memref<!tpu.dma_semaphore, #tpu.memory_space<semaphore_mem>>)
    %scan3A = arith.constant 0 : i32
    %scan3A_25 = arith.constant 0 : i32
    %scan3A_26 = arith.constant 20 : i32
    %scan3A_27 = arith.addi %scan3A_25, %scan3A_26 : i32
    %scan3A_28 = arith.constant 1 : i32
    scf.for %scan3A_55 = %scan3A_25 to %scan3A_27 step %scan3A_28  : i32 {
      %rem3A = arith.constant 2 : i32
      %rem3A_56 = arith.remsi %scan3A_55, %rem3A : i32
      %add3A_57 = arith.constant 1 : i32
      %add3A_58 = arith.addi %scan3A_55, %add3A_57 : i32
      %rem3A_59 = arith.constant 2 : i32
      %rem3A_60 = arith.remsi %add3A_58, %rem3A_59 : i32
      %add3A_61 = arith.constant 1 : i32
      %add3A_62 = arith.addi %scan3A_55, %add3A_61 : i32
      %min3A = arith.constant 19 : i32
      %min3A_63 = arith.minsi %add3A_62, %min3A : i32
      %mul3A_64 = arith.constant 8 : i32
      %mul3A_65 = arith.muli %min3A_63, %mul3A_64 : i32
      %multiple_of3A = tpu.assume_multiple %mul3A_65, 8 : i32
      %mul3A_66 = arith.constant 8 : i32
      %mul3A_67 = arith.muli %rem3A_60, %mul3A_66 : i32
      %dma_start3A_68 = arith.constant 0 : i32
      %dma_start3A_69 = tpu.memref_slice %arg7[%mul3A_67, %dma_start3A_68] : memref<16x64xi32, #tpu.memory_space<vmem>> -> memref<8x64xi32, #tpu.memory_space<vmem>>
      %dma_start3A_70 = arith.constant 0 : i32
      %dma_start3A_71 = tpu.memref_slice %arg3[%add3A, %multiple_of3A, %dma_start3A_70] : memref<32x160x64xi32, #tpu.memory_space<hbm>> -> memref<1x8x64xi32, #tpu.memory_space<hbm>>
      %dma_start3A_72 = tpu.memref_squeeze %dma_start3A_71 : memref<1x8x64xi32, #tpu.memory_space<hbm>> -> memref<8x64xi32, #tpu.memory_space<hbm>>
      %dma_start3A_73 = arith.constant 0 : i32
      %dma_start3A_74 = tpu.memref_slice %arg7[%mul3A_67, %dma_start3A_73] : memref<16x64xi32, #tpu.memory_space<vmem>> -> memref<8x64xi32, #tpu.memory_space<vmem>>
      %dma_start3A_75 = arith.constant 0 : i32
      %dma_start3A_76 = tpu.memref_slice %arg3[%add3A, %multiple_of3A, %dma_start3A_75] : memref<32x160x64xi32, #tpu.memory_space<hbm>> -> memref<1x8x64xi32, #tpu.memory_space<hbm>>
      %dma_start3A_77 = tpu.memref_squeeze %dma_start3A_76 : memref<1x8x64xi32, #tpu.memory_space<hbm>> -> memref<8x64xi32, #tpu.memory_space<hbm>>
      tpu.enqueue_dma source(%dma_start3A_77 : memref<8x64xi32, #tpu.memory_space<hbm>>) target(%dma_start3A_74 : memref<8x64xi32, #tpu.memory_space<vmem>>) target_semaphore(%arg18 : memref<!tpu.dma_semaphore, #tpu.memory_space<semaphore_mem>>)
      %mul3A_78 = arith.constant 8 : i32
      %mul3A_79 = arith.muli %rem3A_60, %mul3A_78 : i32
      %dma_start3A_80 = arith.constant 0 : i32
      %dma_start3A_81 = tpu.memref_slice %arg8[%mul3A_79, %dma_start3A_80] : memref<16x64xi32, #tpu.memory_space<vmem>> -> memref<8x64xi32, #tpu.memory_space<vmem>>
      %dma_start3A_82 = arith.constant 0 : i32
      %dma_start3A_83 = tpu.memref_slice %arg4[%add3A, %multiple_of3A, %dma_start3A_82] : memref<32x160x64xi32, #tpu.memory_space<hbm>> -> memref<1x8x64xi32, #tpu.memory_space<hbm>>
      %dma_start3A_84 = tpu.memref_squeeze %dma_start3A_83 : memref<1x8x64xi32, #tpu.memory_space<hbm>> -> memref<8x64xi32, #tpu.memory_space<hbm>>
      %dma_start3A_85 = arith.constant 0 : i32
      %dma_start3A_86 = tpu.memref_slice %arg8[%mul3A_79, %dma_start3A_85] : memref<16x64xi32, #tpu.memory_space<vmem>> -> memref<8x64xi32, #tpu.memory_space<vmem>>
      %dma_start3A_87 = arith.constant 0 : i32
      %dma_start3A_88 = tpu.memref_slice %arg4[%add3A, %multiple_of3A, %dma_start3A_87] : memref<32x160x64xi32, #tpu.memory_space<hbm>> -> memref<1x8x64xi32, #tpu.memory_space<hbm>>
      %dma_start3A_89 = tpu.memref_squeeze %dma_start3A_88 : memref<1x8x64xi32, #tpu.memory_space<hbm>> -> memref<8x64xi32, #tpu.memory_space<hbm>>
      tpu.enqueue_dma source(%dma_start3A_89 : memref<8x64xi32, #tpu.memory_space<hbm>>) target(%dma_start3A_86 : memref<8x64xi32, #tpu.memory_space<vmem>>) target_semaphore(%arg19 : memref<!tpu.dma_semaphore, #tpu.memory_space<semaphore_mem>>)
      %mul3A_90 = arith.constant 8 : i32
      %mul3A_91 = arith.muli %rem3A_56, %mul3A_90 : i32
      %add3A_92 = arith.constant 0 : i32
      %add3A_93 = arith.addi %mul3A_91, %add3A_92 : i32
      %dma_wait3A_94 = arith.constant 0 : i32
      %dma_wait3A_95 = tpu.memref_slice %arg7[%add3A_93, %dma_wait3A_94] : memref<16x64xi32, #tpu.memory_space<vmem>> -> memref<1x64xi32, #tpu.memory_space<vmem>>
      %dma_wait3A_96 = tpu.memref_squeeze %dma_wait3A_95 : memref<1x64xi32, #tpu.memory_space<vmem>> -> memref<64xi32, #tpu.memory_space<vmem>>
      %dma_wait3A_97 = arith.constant 0 : i32
      %dma_wait3A_98 = arith.constant 0 : i32
      %dma_wait3A_99 = tpu.memref_slice %arg2[%dma_wait3A_97, %dma_wait3A_98] : memref<10000x128xf32, #tpu.memory_space<hbm>> -> memref<10000x128xf32, #tpu.memory_space<hbm>>
      tpu.wait_indirect_dma semaphore(%arg14 : memref<!tpu.dma_semaphore, #tpu.memory_space<semaphore_mem>>) src(%dma_wait3A_99 : memref<10000x128xf32, #tpu.memory_space<hbm>>) dst(%arg9 : memref<64x128xf32, #tpu.memory_space<vmem>>)
      %add3A_100 = arith.constant 3 : i32
      %add3A_101 = arith.addi %add3A_93, %add3A_100 : i32
      %dma_start3A_102 = arith.constant 0 : i32
      %dma_start3A_103 = tpu.memref_slice %arg7[%add3A_101, %dma_start3A_102] : memref<16x64xi32, #tpu.memory_space<vmem>> -> memref<1x64xi32, #tpu.memory_space<vmem>>
      %dma_start3A_104 = tpu.memref_squeeze %dma_start3A_103 : memref<1x64xi32, #tpu.memory_space<vmem>> -> memref<64xi32, #tpu.memory_space<vmem>>
      %dma_start3A_105 = arith.constant 0 : i32
      %dma_start3A_106 = arith.constant 0 : i32
      %dma_start3A_107 = tpu.memref_slice %arg2[%dma_start3A_105, %dma_start3A_106] : memref<10000x128xf32, #tpu.memory_space<hbm>> -> memref<10000x128xf32, #tpu.memory_space<hbm>>
      tpu.enqueue_indirect_dma source(%dma_start3A_107 : memref<10000x128xf32, #tpu.memory_space<hbm>>) target(%arg12 : memref<64x128xf32, #tpu.memory_space<vmem>>) offsets(%dma_start3A_104 : memref<64xi32, #tpu.memory_space<vmem>>) semaphore(%arg17 : memref<!tpu.dma_semaphore, #tpu.memory_space<semaphore_mem>>)
      "tpu.region"() ({
        %run_scoped3A = tpu.sem_alloc : memref<!tpu.dma_semaphore, #tpu.memory_space<semaphore_mem>>
        %dma_start3A_260 = arith.constant 0 : i32
        %dma_start3A_261 = tpu.memref_slice %arg8[%add3A_93, %dma_start3A_260] : memref<16x64xi32, #tpu.memory_space<vmem>> -> memref<1x64xi32, #tpu.memory_space<vmem>>
        %dma_start3A_262 = tpu.memref_squeeze %dma_start3A_261 : memref<1x64xi32, #tpu.memory_space<vmem>> -> memref<64xi32, #tpu.memory_space<vmem>>
        %dma_start3A_263 = arith.constant 0 : i32
        %dma_start3A_264 = arith.constant 0 : i32
        %dma_start3A_265 = tpu.memref_slice %arg13[%dma_start3A_263, %dma_start3A_264] : memref<10240x128xf32, #tpu.memory_space<vmem_shared>> -> memref<10240x128xf32, #tpu.memory_space<vmem_shared>>
        tpu.enqueue_indirect_dma source(%arg9 : memref<64x128xf32, #tpu.memory_space<vmem>>) target(%dma_start3A_265 : memref<10240x128xf32, #tpu.memory_space<vmem_shared>>) offsets(%dma_start3A_262 : memref<64xi32, #tpu.memory_space<vmem>>) semaphore(%run_scoped3A : memref<!tpu.dma_semaphore, #tpu.memory_space<semaphore_mem>>) {add = true}
        %dma_wait3A_266 = arith.constant 0 : i32
        %dma_wait3A_267 = tpu.memref_slice %arg8[%add3A_93, %dma_wait3A_266] : memref<16x64xi32, #tpu.memory_space<vmem>> -> memref<1x64xi32, #tpu.memory_space<vmem>>
        %dma_wait3A_268 = tpu.memref_squeeze %dma_wait3A_267 : memref<1x64xi32, #tpu.memory_space<vmem>> -> memref<64xi32, #tpu.memory_space<vmem>>
        %dma_wait3A_269 = arith.constant 0 : i32
        %dma_wait3A_270 = arith.constant 0 : i32
        %dma_wait3A_271 = tpu.memref_slice %arg13[%dma_wait3A_269, %dma_wait3A_270] : memref<10240x128xf32, #tpu.memory_space<vmem_shared>> -> memref<10240x128xf32, #tpu.memory_space<vmem_shared>>
        tpu.wait_indirect_dma semaphore(%run_scoped3A : memref<!tpu.dma_semaphore, #tpu.memory_space<semaphore_mem>>) src(%arg9 : memref<64x128xf32, #tpu.memory_space<vmem>>) dst(%dma_wait3A_271 : memref<10240x128xf32, #tpu.memory_space<vmem_shared>>)
        tpu.yield
      }) : () -> ()
      %mul3A_108 = arith.constant 8 : i32
      %mul3A_109 = arith.muli %rem3A_56, %mul3A_108 : i32
      %add3A_110 = arith.constant 1 : i32
      %add3A_111 = arith.addi %mul3A_109, %add3A_110 : i32
      %dma_wait3A_112 = arith.constant 0 : i32
      %dma_wait3A_113 = tpu.memref_slice %arg7[%add3A_111, %dma_wait3A_112] : memref<16x64xi32, #tpu.memory_space<vmem>> -> memref<1x64xi32, #tpu.memory_space<vmem>>
      %dma_wait3A_114 = tpu.memref_squeeze %dma_wait3A_113 : memref<1x64xi32, #tpu.memory_space<vmem>> -> memref<64xi32, #tpu.memory_space<vmem>>
      %dma_wait3A_115 = arith.constant 0 : i32
      %dma_wait3A_116 = arith.constant 0 : i32
      %dma_wait3A_117 = tpu.memref_slice %arg2[%dma_wait3A_115, %dma_wait3A_116] : memref<10000x128xf32, #tpu.memory_space<hbm>> -> memref<10000x128xf32, #tpu.memory_space<hbm>>
      tpu.wait_indirect_dma semaphore(%arg15 : memref<!tpu.dma_semaphore, #tpu.memory_space<semaphore_mem>>) src(%dma_wait3A_117 : memref<10000x128xf32, #tpu.memory_space<hbm>>) dst(%arg10 : memref<64x128xf32, #tpu.memory_space<vmem>>)
      %add3A_118 = arith.constant 3 : i32
      %add3A_119 = arith.addi %add3A_111, %add3A_118 : i32
      %dma_start3A_120 = arith.constant 0 : i32
      %dma_start3A_121 = tpu.memref_slice %arg7[%add3A_119, %dma_start3A_120] : memref<16x64xi32, #tpu.memory_space<vmem>> -> memref<1x64xi32, #tpu.memory_space<vmem>>
      %dma_start3A_122 = tpu.memref_squeeze %dma_start3A_121 : memref<1x64xi32, #tpu.memory_space<vmem>> -> memref<64xi32, #tpu.memory_space<vmem>>
      %dma_start3A_123 = arith.constant 0 : i32
      %dma_start3A_124 = arith.constant 0 : i32
      %dma_start3A_125 = tpu.memref_slice %arg2[%dma_start3A_123, %dma_start3A_124] : memref<10000x128xf32, #tpu.memory_space<hbm>> -> memref<10000x128xf32, #tpu.memory_space<hbm>>
      tpu.enqueue_indirect_dma source(%dma_start3A_125 : memref<10000x128xf32, #tpu.memory_space<hbm>>) target(%arg9 : memref<64x128xf32, #tpu.memory_space<vmem>>) offsets(%dma_start3A_122 : memref<64xi32, #tpu.memory_space<vmem>>) semaphore(%arg14 : memref<!tpu.dma_semaphore, #tpu.memory_space<semaphore_mem>>)
      "tpu.region"() ({
        %run_scoped3A = tpu.sem_alloc : memref<!tpu.dma_semaphore, #tpu.memory_space<semaphore_mem>>
        %dma_start3A_260 = arith.constant 0 : i32
        %dma_start3A_261 = tpu.memref_slice %arg8[%add3A_111, %dma_start3A_260] : memref<16x64xi32, #tpu.memory_space<vmem>> -> memref<1x64xi32, #tpu.memory_space<vmem>>
        %dma_start3A_262 = tpu.memref_squeeze %dma_start3A_261 : memref<1x64xi32, #tpu.memory_space<vmem>> -> memref<64xi32, #tpu.memory_space<vmem>>
        %dma_start3A_263 = arith.constant 0 : i32
        %dma_start3A_264 = arith.constant 0 : i32
        %dma_start3A_265 = tpu.memref_slice %arg13[%dma_start3A_263, %dma_start3A_264] : memref<10240x128xf32, #tpu.memory_space<vmem_shared>> -> memref<10240x128xf32, #tpu.memory_space<vmem_shared>>
        tpu.enqueue_indirect_dma source(%arg10 : memref<64x128xf32, #tpu.memory_space<vmem>>) target(%dma_start3A_265 : memref<10240x128xf32, #tpu.memory_space<vmem_shared>>) offsets(%dma_start3A_262 : memref<64xi32, #tpu.memory_space<vmem>>) semaphore(%run_scoped3A : memref<!tpu.dma_semaphore, #tpu.memory_space<semaphore_mem>>) {add = true}
        %dma_wait3A_266 = arith.constant 0 : i32
        %dma_wait3A_267 = tpu.memref_slice %arg8[%add3A_111, %dma_wait3A_266] : memref<16x64xi32, #tpu.memory_space<vmem>> -> memref<1x64xi32, #tpu.memory_space<vmem>>
        %dma_wait3A_268 = tpu.memref_squeeze %dma_wait3A_267 : memref<1x64xi32, #tpu.memory_space<vmem>> -> memref<64xi32, #tpu.memory_space<vmem>>
        %dma_wait3A_269 = arith.constant 0 : i32
        %dma_wait3A_270 = arith.constant 0 : i32
        %dma_wait3A_271 = tpu.memref_slice %arg13[%dma_wait3A_269, %dma_wait3A_270] : memref<10240x128xf32, #tpu.memory_space<vmem_shared>> -> memref<10240x128xf32, #tpu.memory_space<vmem_shared>>
        tpu.wait_indirect_dma semaphore(%run_scoped3A : memref<!tpu.dma_semaphore, #tpu.memory_space<semaphore_mem>>) src(%arg10 : memref<64x128xf32, #tpu.memory_space<vmem>>) dst(%dma_wait3A_271 : memref<10240x128xf32, #tpu.memory_space<vmem_shared>>)
        tpu.yield
      }) : () -> ()
      %mul3A_126 = arith.constant 8 : i32
      %mul3A_127 = arith.muli %rem3A_56, %mul3A_126 : i32
      %add3A_128 = arith.constant 2 : i32
      %add3A_129 = arith.addi %mul3A_127, %add3A_128 : i32
      %dma_wait3A_130 = arith.constant 0 : i32
      %dma_wait3A_131 = tpu.memref_slice %arg7[%add3A_129, %dma_wait3A_130] : memref<16x64xi32, #tpu.memory_space<vmem>> -> memref<1x64xi32, #tpu.memory_space<vmem>>
      %dma_wait3A_132 = tpu.memref_squeeze %dma_wait3A_131 : memref<1x64xi32, #tpu.memory_space<vmem>> -> memref<64xi32, #tpu.memory_space<vmem>>
      %dma_wait3A_133 = arith.constant 0 : i32
      %dma_wait3A_134 = arith.constant 0 : i32
      %dma_wait3A_135 = tpu.memref_slice %arg2[%dma_wait3A_133, %dma_wait3A_134] : memref<10000x128xf32, #tpu.memory_space<hbm>> -> memref<10000x128xf32, #tpu.memory_space<hbm>>
      tpu.wait_indirect_dma semaphore(%arg16 : memref<!tpu.dma_semaphore, #tpu.memory_space<semaphore_mem>>) src(%dma_wait3A_135 : memref<10000x128xf32, #tpu.memory_space<hbm>>) dst(%arg11 : memref<64x128xf32, #tpu.memory_space<vmem>>)
      %add3A_136 = arith.constant 3 : i32
      %add3A_137 = arith.addi %add3A_129, %add3A_136 : i32
      %dma_start3A_138 = arith.constant 0 : i32
      %dma_start3A_139 = tpu.memref_slice %arg7[%add3A_137, %dma_start3A_138] : memref<16x64xi32, #tpu.memory_space<vmem>> -> memref<1x64xi32, #tpu.memory_space<vmem>>
      %dma_start3A_140 = tpu.memref_squeeze %dma_start3A_139 : memref<1x64xi32, #tpu.memory_space<vmem>> -> memref<64xi32, #tpu.memory_space<vmem>>
      %dma_start3A_141 = arith.constant 0 : i32
      %dma_start3A_142 = arith.constant 0 : i32
      %dma_start3A_143 = tpu.memref_slice %arg2[%dma_start3A_141, %dma_start3A_142] : memref<10000x128xf32, #tpu.memory_space<hbm>> -> memref<10000x128xf32, #tpu.memory_space<hbm>>
      tpu.enqueue_indirect_dma source(%dma_start3A_143 : memref<10000x128xf32, #tpu.memory_space<hbm>>) target(%arg10 : memref<64x128xf32, #tpu.memory_space<vmem>>) offsets(%dma_start3A_140 : memref<64xi32, #tpu.memory_space<vmem>>) semaphore(%arg15 : memref<!tpu.dma_semaphore, #tpu.memory_space<semaphore_mem>>)
      "tpu.region"() ({
        %run_scoped3A = tpu.sem_alloc : memref<!tpu.dma_semaphore, #tpu.memory_space<semaphore_mem>>
        %dma_start3A_260 = arith.constant 0 : i32
        %dma_start3A_261 = tpu.memref_slice %arg8[%add3A_129, %dma_start3A_260] : memref<16x64xi32, #tpu.memory_space<vmem>> -> memref<1x64xi32, #tpu.memory_space<vmem>>
        %dma_start3A_262 = tpu.memref_squeeze %dma_start3A_261 : memref<1x64xi32, #tpu.memory_space<vmem>> -> memref<64xi32, #tpu.memory_space<vmem>>
        %dma_start3A_263 = arith.constant 0 : i32
        %dma_start3A_264 = arith.constant 0 : i32
        %dma_start3A_265 = tpu.memref_slice %arg13[%dma_start3A_263, %dma_start3A_264] : memref<10240x128xf32, #tpu.memory_space<vmem_shared>> -> memref<10240x128xf32, #tpu.memory_space<vmem_shared>>
        tpu.enqueue_indirect_dma source(%arg11 : memref<64x128xf32, #tpu.memory_space<vmem>>) target(%dma_start3A_265 : memref<10240x128xf32, #tpu.memory_space<vmem_shared>>) offsets(%dma_start3A_262 : memref<64xi32, #tpu.memory_space<vmem>>) semaphore(%run_scoped3A : memref<!tpu.dma_semaphore, #tpu.memory_space<semaphore_mem>>) {add = true}
        %dma_wait3A_266 = arith.constant 0 : i32
        %dma_wait3A_267 = tpu.memref_slice %arg8[%add3A_129, %dma_wait3A_266] : memref<16x64xi32, #tpu.memory_space<vmem>> -> memref<1x64xi32, #tpu.memory_space<vmem>>
        %dma_wait3A_268 = tpu.memref_squeeze %dma_wait3A_267 : memref<1x64xi32, #tpu.memory_space<vmem>> -> memref<64xi32, #tpu.memory_space<vmem>>
        %dma_wait3A_269 = arith.constant 0 : i32
        %dma_wait3A_270 = arith.constant 0 : i32
        %dma_wait3A_271 = tpu.memref_slice %arg13[%dma_wait3A_269, %dma_wait3A_270] : memref<10240x128xf32, #tpu.memory_space<vmem_shared>> -> memref<10240x128xf32, #tpu.memory_space<vmem_shared>>
        tpu.wait_indirect_dma semaphore(%run_scoped3A : memref<!tpu.dma_semaphore, #tpu.memory_space<semaphore_mem>>) src(%arg11 : memref<64x128xf32, #tpu.memory_space<vmem>>) dst(%dma_wait3A_271 : memref<10240x128xf32, #tpu.memory_space<vmem_shared>>)
        tpu.yield
      }) : () -> ()
      %mul3A_144 = arith.constant 8 : i32
      %mul3A_145 = arith.muli %rem3A_56, %mul3A_144 : i32
      %add3A_146 = arith.constant 3 : i32
      %add3A_147 = arith.addi %mul3A_145, %add3A_146 : i32
      %dma_wait3A_148 = arith.constant 0 : i32
      %dma_wait3A_149 = tpu.memref_slice %arg7[%add3A_101, %dma_wait3A_148] : memref<16x64xi32, #tpu.memory_space<vmem>> -> memref<1x64xi32, #tpu.memory_space<vmem>>
      %dma_wait3A_150 = tpu.memref_squeeze %dma_wait3A_149 : memref<1x64xi32, #tpu.memory_space<vmem>> -> memref<64xi32, #tpu.memory_space<vmem>>
      %dma_wait3A_151 = arith.constant 0 : i32
      %dma_wait3A_152 = arith.constant 0 : i32
      %dma_wait3A_153 = tpu.memref_slice %arg2[%dma_wait3A_151, %dma_wait3A_152] : memref<10000x128xf32, #tpu.memory_space<hbm>> -> memref<10000x128xf32, #tpu.memory_space<hbm>>
      tpu.wait_indirect_dma semaphore(%arg17 : memref<!tpu.dma_semaphore, #tpu.memory_space<semaphore_mem>>) src(%dma_wait3A_153 : memref<10000x128xf32, #tpu.memory_space<hbm>>) dst(%arg12 : memref<64x128xf32, #tpu.memory_space<vmem>>)
      %add3A_154 = arith.constant 3 : i32
      %add3A_155 = arith.addi %add3A_147, %add3A_154 : i32
      %dma_start3A_156 = arith.constant 0 : i32
      %dma_start3A_157 = tpu.memref_slice %arg7[%add3A_155, %dma_start3A_156] : memref<16x64xi32, #tpu.memory_space<vmem>> -> memref<1x64xi32, #tpu.memory_space<vmem>>
      %dma_start3A_158 = tpu.memref_squeeze %dma_start3A_157 : memref<1x64xi32, #tpu.memory_space<vmem>> -> memref<64xi32, #tpu.memory_space<vmem>>
      %dma_start3A_159 = arith.constant 0 : i32
      %dma_start3A_160 = arith.constant 0 : i32
      %dma_start3A_161 = tpu.memref_slice %arg2[%dma_start3A_159, %dma_start3A_160] : memref<10000x128xf32, #tpu.memory_space<hbm>> -> memref<10000x128xf32, #tpu.memory_space<hbm>>
      tpu.enqueue_indirect_dma source(%dma_start3A_161 : memref<10000x128xf32, #tpu.memory_space<hbm>>) target(%arg11 : memref<64x128xf32, #tpu.memory_space<vmem>>) offsets(%dma_start3A_158 : memref<64xi32, #tpu.memory_space<vmem>>) semaphore(%arg16 : memref<!tpu.dma_semaphore, #tpu.memory_space<semaphore_mem>>)
      "tpu.region"() ({
        %run_scoped3A = tpu.sem_alloc : memref<!tpu.dma_semaphore, #tpu.memory_space<semaphore_mem>>
        %dma_start3A_260 = arith.constant 0 : i32
        %dma_start3A_261 = tpu.memref_slice %arg8[%add3A_147, %dma_start3A_260] : memref<16x64xi32, #tpu.memory_space<vmem>> -> memref<1x64xi32, #tpu.memory_space<vmem>>
        %dma_start3A_262 = tpu.memref_squeeze %dma_start3A_261 : memref<1x64xi32, #tpu.memory_space<vmem>> -> memref<64xi32, #tpu.memory_space<vmem>>
        %dma_start3A_263 = arith.constant 0 : i32
        %dma_start3A_264 = arith.constant 0 : i32
        %dma_start3A_265 = tpu.memref_slice %arg13[%dma_start3A_263, %dma_start3A_264] : memref<10240x128xf32, #tpu.memory_space<vmem_shared>> -> memref<10240x128xf32, #tpu.memory_space<vmem_shared>>
        tpu.enqueue_indirect_dma source(%arg12 : memref<64x128xf32, #tpu.memory_space<vmem>>) target(%dma_start3A_265 : memref<10240x128xf32, #tpu.memory_space<vmem_shared>>) offsets(%dma_start3A_262 : memref<64xi32, #tpu.memory_space<vmem>>) semaphore(%run_scoped3A : memref<!tpu.dma_semaphore, #tpu.memory_space<semaphore_mem>>) {add = true}
        %dma_wait3A_266 = arith.constant 0 : i32
        %dma_wait3A_267 = tpu.memref_slice %arg8[%add3A_147, %dma_wait3A_266] : memref<16x64xi32, #tpu.memory_space<vmem>> -> memref<1x64xi32, #tpu.memory_space<vmem>>
        %dma_wait3A_268 = tpu.memref_squeeze %dma_wait3A_267 : memref<1x64xi32, #tpu.memory_space<vmem>> -> memref<64xi32, #tpu.memory_space<vmem>>
        %dma_wait3A_269 = arith.constant 0 : i32
        %dma_wait3A_270 = arith.constant 0 : i32
        %dma_wait3A_271 = tpu.memref_slice %arg13[%dma_wait3A_269, %dma_wait3A_270] : memref<10240x128xf32, #tpu.memory_space<vmem_shared>> -> memref<10240x128xf32, #tpu.memory_space<vmem_shared>>
        tpu.wait_indirect_dma semaphore(%run_scoped3A : memref<!tpu.dma_semaphore, #tpu.memory_space<semaphore_mem>>) src(%arg12 : memref<64x128xf32, #tpu.memory_space<vmem>>) dst(%dma_wait3A_271 : memref<10240x128xf32, #tpu.memory_space<vmem_shared>>)
        tpu.yield
      }) : () -> ()
      %mul3A_162 = arith.constant 8 : i32
      %mul3A_163 = arith.muli %rem3A_56, %mul3A_162 : i32
      %add3A_164 = arith.constant 4 : i32
      %add3A_165 = arith.addi %mul3A_163, %add3A_164 : i32
      %dma_wait3A_166 = arith.constant 0 : i32
      %dma_wait3A_167 = tpu.memref_slice %arg7[%add3A_119, %dma_wait3A_166] : memref<16x64xi32, #tpu.memory_space<vmem>> -> memref<1x64xi32, #tpu.memory_space<vmem>>
      %dma_wait3A_168 = tpu.memref_squeeze %dma_wait3A_167 : memref<1x64xi32, #tpu.memory_space<vmem>> -> memref<64xi32, #tpu.memory_space<vmem>>
      %dma_wait3A_169 = arith.constant 0 : i32
      %dma_wait3A_170 = arith.constant 0 : i32
      %dma_wait3A_171 = tpu.memref_slice %arg2[%dma_wait3A_169, %dma_wait3A_170] : memref<10000x128xf32, #tpu.memory_space<hbm>> -> memref<10000x128xf32, #tpu.memory_space<hbm>>
      tpu.wait_indirect_dma semaphore(%arg14 : memref<!tpu.dma_semaphore, #tpu.memory_space<semaphore_mem>>) src(%dma_wait3A_171 : memref<10000x128xf32, #tpu.memory_space<hbm>>) dst(%arg9 : memref<64x128xf32, #tpu.memory_space<vmem>>)
      %add3A_172 = arith.constant 3 : i32
      %add3A_173 = arith.addi %add3A_165, %add3A_172 : i32
      %dma_start3A_174 = arith.constant 0 : i32
      %dma_start3A_175 = tpu.memref_slice %arg7[%add3A_173, %dma_start3A_174] : memref<16x64xi32, #tpu.memory_space<vmem>> -> memref<1x64xi32, #tpu.memory_space<vmem>>
      %dma_start3A_176 = tpu.memref_squeeze %dma_start3A_175 : memref<1x64xi32, #tpu.memory_space<vmem>> -> memref<64xi32, #tpu.memory_space<vmem>>
      %dma_start3A_177 = arith.constant 0 : i32
      %dma_start3A_178 = arith.constant 0 : i32
      %dma_start3A_179 = tpu.memref_slice %arg2[%dma_start3A_177, %dma_start3A_178] : memref<10000x128xf32, #tpu.memory_space<hbm>> -> memref<10000x128xf32, #tpu.memory_space<hbm>>
      tpu.enqueue_indirect_dma source(%dma_start3A_179 : memref<10000x128xf32, #tpu.memory_space<hbm>>) target(%arg12 : memref<64x128xf32, #tpu.memory_space<vmem>>) offsets(%dma_start3A_176 : memref<64xi32, #tpu.memory_space<vmem>>) semaphore(%arg17 : memref<!tpu.dma_semaphore, #tpu.memory_space<semaphore_mem>>)
      "tpu.region"() ({
        %run_scoped3A = tpu.sem_alloc : memref<!tpu.dma_semaphore, #tpu.memory_space<semaphore_mem>>
        %dma_start3A_260 = arith.constant 0 : i32
        %dma_start3A_261 = tpu.memref_slice %arg8[%add3A_165, %dma_start3A_260] : memref<16x64xi32, #tpu.memory_space<vmem>> -> memref<1x64xi32, #tpu.memory_space<vmem>>
        %dma_start3A_262 = tpu.memref_squeeze %dma_start3A_261 : memref<1x64xi32, #tpu.memory_space<vmem>> -> memref<64xi32, #tpu.memory_space<vmem>>
        %dma_start3A_263 = arith.constant 0 : i32
        %dma_start3A_264 = arith.constant 0 : i32
        %dma_start3A_265 = tpu.memref_slice %arg13[%dma_start3A_263, %dma_start3A_264] : memref<10240x128xf32, #tpu.memory_space<vmem_shared>> -> memref<10240x128xf32, #tpu.memory_space<vmem_shared>>
        tpu.enqueue_indirect_dma source(%arg9 : memref<64x128xf32, #tpu.memory_space<vmem>>) target(%dma_start3A_265 : memref<10240x128xf32, #tpu.memory_space<vmem_shared>>) offsets(%dma_start3A_262 : memref<64xi32, #tpu.memory_space<vmem>>) semaphore(%run_scoped3A : memref<!tpu.dma_semaphore, #tpu.memory_space<semaphore_mem>>) {add = true}
        %dma_wait3A_266 = arith.constant 0 : i32
        %dma_wait3A_267 = tpu.memref_slice %arg8[%add3A_165, %dma_wait3A_266] : memref<16x64xi32, #tpu.memory_space<vmem>> -> memref<1x64xi32, #tpu.memory_space<vmem>>
        %dma_wait3A_268 = tpu.memref_squeeze %dma_wait3A_267 : memref<1x64xi32, #tpu.memory_space<vmem>> -> memref<64xi32, #tpu.memory_space<vmem>>
        %dma_wait3A_269 = arith.constant 0 : i32
        %dma_wait3A_270 = arith.constant 0 : i32
        %dma_wait3A_271 = tpu.memref_slice %arg13[%dma_wait3A_269, %dma_wait3A_270] : memref<10240x128xf32, #tpu.memory_space<vmem_shared>> -> memref<10240x128xf32, #tpu.memory_space<vmem_shared>>
        tpu.wait_indirect_dma semaphore(%run_scoped3A : memref<!tpu.dma_semaphore, #tpu.memory_space<semaphore_mem>>) src(%arg9 : memref<64x128xf32, #tpu.memory_space<vmem>>) dst(%dma_wait3A_271 : memref<10240x128xf32, #tpu.memory_space<vmem_shared>>)
        tpu.yield
      }) : () -> ()
      %mul3A_180 = arith.constant 8 : i32
      %mul3A_181 = arith.muli %rem3A_56, %mul3A_180 : i32
      %add3A_182 = arith.constant 5 : i32
      %add3A_183 = arith.addi %mul3A_181, %add3A_182 : i32
      %dma_wait3A_184 = arith.constant 0 : i32
      %dma_wait3A_185 = tpu.memref_slice %arg7[%add3A_137, %dma_wait3A_184] : memref<16x64xi32, #tpu.memory_space<vmem>> -> memref<1x64xi32, #tpu.memory_space<vmem>>
      %dma_wait3A_186 = tpu.memref_squeeze %dma_wait3A_185 : memref<1x64xi32, #tpu.memory_space<vmem>> -> memref<64xi32, #tpu.memory_space<vmem>>
      %dma_wait3A_187 = arith.constant 0 : i32
      %dma_wait3A_188 = arith.constant 0 : i32
      %dma_wait3A_189 = tpu.memref_slice %arg2[%dma_wait3A_187, %dma_wait3A_188] : memref<10000x128xf32, #tpu.memory_space<hbm>> -> memref<10000x128xf32, #tpu.memory_space<hbm>>
      tpu.wait_indirect_dma semaphore(%arg15 : memref<!tpu.dma_semaphore, #tpu.memory_space<semaphore_mem>>) src(%dma_wait3A_189 : memref<10000x128xf32, #tpu.memory_space<hbm>>) dst(%arg10 : memref<64x128xf32, #tpu.memory_space<vmem>>)
      %dma_wait3A_190 = arith.constant 0 : i32
      %dma_wait3A_191 = tpu.memref_slice %arg7[%mul3A_67, %dma_wait3A_190] : memref<16x64xi32, #tpu.memory_space<vmem>> -> memref<8x64xi32, #tpu.memory_space<vmem>>
      %dma_wait3A_192 = arith.constant 0 : i32
      %dma_wait3A_193 = tpu.memref_slice %arg3[%add3A, %multiple_of3A, %dma_wait3A_192] : memref<32x160x64xi32, #tpu.memory_space<hbm>> -> memref<1x8x64xi32, #tpu.memory_space<hbm>>
      %dma_wait3A_194 = tpu.memref_squeeze %dma_wait3A_193 : memref<1x8x64xi32, #tpu.memory_space<hbm>> -> memref<8x64xi32, #tpu.memory_space<hbm>>
      %dma_wait3A_195 = arith.constant 0 : i32
      %dma_wait3A_196 = tpu.memref_slice %arg7[%mul3A_67, %dma_wait3A_195] : memref<16x64xi32, #tpu.memory_space<vmem>> -> memref<8x64xi32, #tpu.memory_space<vmem>>
      %dma_wait3A_197 = arith.constant 0 : i32
      %dma_wait3A_198 = tpu.memref_slice %arg3[%add3A, %multiple_of3A, %dma_wait3A_197] : memref<32x160x64xi32, #tpu.memory_space<hbm>> -> memref<1x8x64xi32, #tpu.memory_space<hbm>>
      %dma_wait3A_199 = tpu.memref_squeeze %dma_wait3A_198 : memref<1x8x64xi32, #tpu.memory_space<hbm>> -> memref<8x64xi32, #tpu.memory_space<hbm>>
      tpu.wait_dma2 semaphore(%arg18 : memref<!tpu.dma_semaphore, #tpu.memory_space<semaphore_mem>>) src(%dma_wait3A_199 : memref<8x64xi32, #tpu.memory_space<hbm>>) dst(%dma_wait3A_196 : memref<8x64xi32, #tpu.memory_space<vmem>>)
      %dma_wait3A_200 = arith.constant 0 : i32
      %dma_wait3A_201 = tpu.memref_slice %arg8[%mul3A_79, %dma_wait3A_200] : memref<16x64xi32, #tpu.memory_space<vmem>> -> memref<8x64xi32, #tpu.memory_space<vmem>>
      %dma_wait3A_202 = arith.constant 0 : i32
      %dma_wait3A_203 = tpu.memref_slice %arg4[%add3A, %multiple_of3A, %dma_wait3A_202] : memref<32x160x64xi32, #tpu.memory_space<hbm>> -> memref<1x8x64xi32, #tpu.memory_space<hbm>>
      %dma_wait3A_204 = tpu.memref_squeeze %dma_wait3A_203 : memref<1x8x64xi32, #tpu.memory_space<hbm>> -> memref<8x64xi32, #tpu.memory_space<hbm>>
      %dma_wait3A_205 = arith.constant 0 : i32
      %dma_wait3A_206 = tpu.memref_slice %arg8[%mul3A_79, %dma_wait3A_205] : memref<16x64xi32, #tpu.memory_space<vmem>> -> memref<8x64xi32, #tpu.memory_space<vmem>>
      %dma_wait3A_207 = arith.constant 0 : i32
      %dma_wait3A_208 = tpu.memref_slice %arg4[%add3A, %multiple_of3A, %dma_wait3A_207] : memref<32x160x64xi32, #tpu.memory_space<hbm>> -> memref<1x8x64xi32, #tpu.memory_space<hbm>>
      %dma_wait3A_209 = tpu.memref_squeeze %dma_wait3A_208 : memref<1x8x64xi32, #tpu.memory_space<hbm>> -> memref<8x64xi32, #tpu.memory_space<hbm>>
      tpu.wait_dma2 semaphore(%arg19 : memref<!tpu.dma_semaphore, #tpu.memory_space<semaphore_mem>>) src(%dma_wait3A_209 : memref<8x64xi32, #tpu.memory_space<hbm>>) dst(%dma_wait3A_206 : memref<8x64xi32, #tpu.memory_space<vmem>>)
      %mul3A_210 = arith.constant 8 : i32
      %mul3A_211 = arith.muli %rem3A_60, %mul3A_210 : i32
      %add3A_212 = arith.constant 0 : i32
      %add3A_213 = arith.addi %mul3A_211, %add3A_212 : i32
      %dma_start3A_214 = arith.constant 0 : i32
      %dma_start3A_215 = tpu.memref_slice %arg7[%add3A_213, %dma_start3A_214] : memref<16x64xi32, #tpu.memory_space<vmem>> -> memref<1x64xi32, #tpu.memory_space<vmem>>
      %dma_start3A_216 = tpu.memref_squeeze %dma_start3A_215 : memref<1x64xi32, #tpu.memory_space<vmem>> -> memref<64xi32, #tpu.memory_space<vmem>>
      %dma_start3A_217 = arith.constant 0 : i32
      %dma_start3A_218 = arith.constant 0 : i32
      %dma_start3A_219 = tpu.memref_slice %arg2[%dma_start3A_217, %dma_start3A_218] : memref<10000x128xf32, #tpu.memory_space<hbm>> -> memref<10000x128xf32, #tpu.memory_space<hbm>>
      tpu.enqueue_indirect_dma source(%dma_start3A_219 : memref<10000x128xf32, #tpu.memory_space<hbm>>) target(%arg9 : memref<64x128xf32, #tpu.memory_space<vmem>>) offsets(%dma_start3A_216 : memref<64xi32, #tpu.memory_space<vmem>>) semaphore(%arg14 : memref<!tpu.dma_semaphore, #tpu.memory_space<semaphore_mem>>)
      "tpu.region"() ({
        %run_scoped3A = tpu.sem_alloc : memref<!tpu.dma_semaphore, #tpu.memory_space<semaphore_mem>>
        %dma_start3A_260 = arith.constant 0 : i32
        %dma_start3A_261 = tpu.memref_slice %arg8[%add3A_183, %dma_start3A_260] : memref<16x64xi32, #tpu.memory_space<vmem>> -> memref<1x64xi32, #tpu.memory_space<vmem>>
        %dma_start3A_262 = tpu.memref_squeeze %dma_start3A_261 : memref<1x64xi32, #tpu.memory_space<vmem>> -> memref<64xi32, #tpu.memory_space<vmem>>
        %dma_start3A_263 = arith.constant 0 : i32
        %dma_start3A_264 = arith.constant 0 : i32
        %dma_start3A_265 = tpu.memref_slice %arg13[%dma_start3A_263, %dma_start3A_264] : memref<10240x128xf32, #tpu.memory_space<vmem_shared>> -> memref<10240x128xf32, #tpu.memory_space<vmem_shared>>
        tpu.enqueue_indirect_dma source(%arg10 : memref<64x128xf32, #tpu.memory_space<vmem>>) target(%dma_start3A_265 : memref<10240x128xf32, #tpu.memory_space<vmem_shared>>) offsets(%dma_start3A_262 : memref<64xi32, #tpu.memory_space<vmem>>) semaphore(%run_scoped3A : memref<!tpu.dma_semaphore, #tpu.memory_space<semaphore_mem>>) {add = true}
        %dma_wait3A_266 = arith.constant 0 : i32
        %dma_wait3A_267 = tpu.memref_slice %arg8[%add3A_183, %dma_wait3A_266] : memref<16x64xi32, #tpu.memory_space<vmem>> -> memref<1x64xi32, #tpu.memory_space<vmem>>
        %dma_wait3A_268 = tpu.memref_squeeze %dma_wait3A_267 : memref<1x64xi32, #tpu.memory_space<vmem>> -> memref<64xi32, #tpu.memory_space<vmem>>
        %dma_wait3A_269 = arith.constant 0 : i32
        %dma_wait3A_270 = arith.constant 0 : i32
        %dma_wait3A_271 = tpu.memref_slice %arg13[%dma_wait3A_269, %dma_wait3A_270] : memref<10240x128xf32, #tpu.memory_space<vmem_shared>> -> memref<10240x128xf32, #tpu.memory_space<vmem_shared>>
        tpu.wait_indirect_dma semaphore(%run_scoped3A : memref<!tpu.dma_semaphore, #tpu.memory_space<semaphore_mem>>) src(%arg10 : memref<64x128xf32, #tpu.memory_space<vmem>>) dst(%dma_wait3A_271 : memref<10240x128xf32, #tpu.memory_space<vmem_shared>>)
        tpu.yield
      }) : () -> ()
      %mul3A_220 = arith.constant 8 : i32
      %mul3A_221 = arith.muli %rem3A_56, %mul3A_220 : i32
      %add3A_222 = arith.constant 6 : i32
      %add3A_223 = arith.addi %mul3A_221, %add3A_222 : i32
      %dma_wait3A_224 = arith.constant 0 : i32
      %dma_wait3A_225 = tpu.memref_slice %arg7[%add3A_155, %dma_wait3A_224] : memref<16x64xi32, #tpu.memory_space<vmem>> -> memref<1x64xi32, #tpu.memory_space<vmem>>
      %dma_wait3A_226 = tpu.memref_squeeze %dma_wait3A_225 : memref<1x64xi32, #tpu.memory_space<vmem>> -> memref<64xi32, #tpu.memory_space<vmem>>
      %dma_wait3A_227 = arith.constant 0 : i32
      %dma_wait3A_228 = arith.constant 0 : i32
      %dma_wait3A_229 = tpu.memref_slice %arg2[%dma_wait3A_227, %dma_wait3A_228] : memref<10000x128xf32, #tpu.memory_space<hbm>> -> memref<10000x128xf32, #tpu.memory_space<hbm>>
      tpu.wait_indirect_dma semaphore(%arg16 : memref<!tpu.dma_semaphore, #tpu.memory_space<semaphore_mem>>) src(%dma_wait3A_229 : memref<10000x128xf32, #tpu.memory_space<hbm>>) dst(%arg11 : memref<64x128xf32, #tpu.memory_space<vmem>>)
      %mul3A_230 = arith.constant 8 : i32
      %mul3A_231 = arith.muli %rem3A_60, %mul3A_230 : i32
      %add3A_232 = arith.constant 1 : i32
      %add3A_233 = arith.addi %mul3A_231, %add3A_232 : i32
      %dma_start3A_234 = arith.constant 0 : i32
      %dma_start3A_235 = tpu.memref_slice %arg7[%add3A_233, %dma_start3A_234] : memref<16x64xi32, #tpu.memory_space<vmem>> -> memref<1x64xi32, #tpu.memory_space<vmem>>
      %dma_start3A_236 = tpu.memref_squeeze %dma_start3A_235 : memref<1x64xi32, #tpu.memory_space<vmem>> -> memref<64xi32, #tpu.memory_space<vmem>>
      %dma_start3A_237 = arith.constant 0 : i32
      %dma_start3A_238 = arith.constant 0 : i32
      %dma_start3A_239 = tpu.memref_slice %arg2[%dma_start3A_237, %dma_start3A_238] : memref<10000x128xf32, #tpu.memory_space<hbm>> -> memref<10000x128xf32, #tpu.memory_space<hbm>>
      tpu.enqueue_indirect_dma source(%dma_start3A_239 : memref<10000x128xf32, #tpu.memory_space<hbm>>) target(%arg10 : memref<64x128xf32, #tpu.memory_space<vmem>>) offsets(%dma_start3A_236 : memref<64xi32, #tpu.memory_space<vmem>>) semaphore(%arg15 : memref<!tpu.dma_semaphore, #tpu.memory_space<semaphore_mem>>)
      "tpu.region"() ({
        %run_scoped3A = tpu.sem_alloc : memref<!tpu.dma_semaphore, #tpu.memory_space<semaphore_mem>>
        %dma_start3A_260 = arith.constant 0 : i32
        %dma_start3A_261 = tpu.memref_slice %arg8[%add3A_223, %dma_start3A_260] : memref<16x64xi32, #tpu.memory_space<vmem>> -> memref<1x64xi32, #tpu.memory_space<vmem>>
        %dma_start3A_262 = tpu.memref_squeeze %dma_start3A_261 : memref<1x64xi32, #tpu.memory_space<vmem>> -> memref<64xi32, #tpu.memory_space<vmem>>
        %dma_start3A_263 = arith.constant 0 : i32
        %dma_start3A_264 = arith.constant 0 : i32
        %dma_start3A_265 = tpu.memref_slice %arg13[%dma_start3A_263, %dma_start3A_264] : memref<10240x128xf32, #tpu.memory_space<vmem_shared>> -> memref<10240x128xf32, #tpu.memory_space<vmem_shared>>
        tpu.enqueue_indirect_dma source(%arg11 : memref<64x128xf32, #tpu.memory_space<vmem>>) target(%dma_start3A_265 : memref<10240x128xf32, #tpu.memory_space<vmem_shared>>) offsets(%dma_start3A_262 : memref<64xi32, #tpu.memory_space<vmem>>) semaphore(%run_scoped3A : memref<!tpu.dma_semaphore, #tpu.memory_space<semaphore_mem>>) {add = true}
        %dma_wait3A_266 = arith.constant 0 : i32
        %dma_wait3A_267 = tpu.memref_slice %arg8[%add3A_223, %dma_wait3A_266] : memref<16x64xi32, #tpu.memory_space<vmem>> -> memref<1x64xi32, #tpu.memory_space<vmem>>
        %dma_wait3A_268 = tpu.memref_squeeze %dma_wait3A_267 : memref<1x64xi32, #tpu.memory_space<vmem>> -> memref<64xi32, #tpu.memory_space<vmem>>
        %dma_wait3A_269 = arith.constant 0 : i32
        %dma_wait3A_270 = arith.constant 0 : i32
        %dma_wait3A_271 = tpu.memref_slice %arg13[%dma_wait3A_269, %dma_wait3A_270] : memref<10240x128xf32, #tpu.memory_space<vmem_shared>> -> memref<10240x128xf32, #tpu.memory_space<vmem_shared>>
        tpu.wait_indirect_dma semaphore(%run_scoped3A : memref<!tpu.dma_semaphore, #tpu.memory_space<semaphore_mem>>) src(%arg11 : memref<64x128xf32, #tpu.memory_space<vmem>>) dst(%dma_wait3A_271 : memref<10240x128xf32, #tpu.memory_space<vmem_shared>>)
        tpu.yield
      }) : () -> ()
      %mul3A_240 = arith.constant 8 : i32
      %mul3A_241 = arith.muli %rem3A_56, %mul3A_240 : i32
      %add3A_242 = arith.constant 7 : i32
      %add3A_243 = arith.addi %mul3A_241, %add3A_242 : i32
      %dma_wait3A_244 = arith.constant 0 : i32
      %dma_wait3A_245 = tpu.memref_slice %arg7[%add3A_173, %dma_wait3A_244] : memref<16x64xi32, #tpu.memory_space<vmem>> -> memref<1x64xi32, #tpu.memory_space<vmem>>
      %dma_wait3A_246 = tpu.memref_squeeze %dma_wait3A_245 : memref<1x64xi32, #tpu.memory_space<vmem>> -> memref<64xi32, #tpu.memory_space<vmem>>
      %dma_wait3A_247 = arith.constant 0 : i32
      %dma_wait3A_248 = arith.constant 0 : i32
      %dma_wait3A_249 = tpu.memref_slice %arg2[%dma_wait3A_247, %dma_wait3A_248] : memref<10000x128xf32, #tpu.memory_space<hbm>> -> memref<10000x128xf32, #tpu.memory_space<hbm>>
      tpu.wait_indirect_dma semaphore(%arg17 : memref<!tpu.dma_semaphore, #tpu.memory_space<semaphore_mem>>) src(%dma_wait3A_249 : memref<10000x128xf32, #tpu.memory_space<hbm>>) dst(%arg12 : memref<64x128xf32, #tpu.memory_space<vmem>>)
      %mul3A_250 = arith.constant 8 : i32
      %mul3A_251 = arith.muli %rem3A_60, %mul3A_250 : i32
      %add3A_252 = arith.constant 2 : i32
      %add3A_253 = arith.addi %mul3A_251, %add3A_252 : i32
      %dma_start3A_254 = arith.constant 0 : i32
      %dma_start3A_255 = tpu.memref_slice %arg7[%add3A_253, %dma_start3A_254] : memref<16x64xi32, #tpu.memory_space<vmem>> -> memref<1x64xi32, #tpu.memory_space<vmem>>
      %dma_start3A_256 = tpu.memref_squeeze %dma_start3A_255 : memref<1x64xi32, #tpu.memory_space<vmem>> -> memref<64xi32, #tpu.memory_space<vmem>>
      %dma_start3A_257 = arith.constant 0 : i32
      %dma_start3A_258 = arith.constant 0 : i32
      %dma_start3A_259 = tpu.memref_slice %arg2[%dma_start3A_257, %dma_start3A_258] : memref<10000x128xf32, #tpu.memory_space<hbm>> -> memref<10000x128xf32, #tpu.memory_space<hbm>>
      tpu.enqueue_indirect_dma source(%dma_start3A_259 : memref<10000x128xf32, #tpu.memory_space<hbm>>) target(%arg11 : memref<64x128xf32, #tpu.memory_space<vmem>>) offsets(%dma_start3A_256 : memref<64xi32, #tpu.memory_space<vmem>>) semaphore(%arg16 : memref<!tpu.dma_semaphore, #tpu.memory_space<semaphore_mem>>)
      "tpu.region"() ({
        %run_scoped3A = tpu.sem_alloc : memref<!tpu.dma_semaphore, #tpu.memory_space<semaphore_mem>>
        %dma_start3A_260 = arith.constant 0 : i32
        %dma_start3A_261 = tpu.memref_slice %arg8[%add3A_243, %dma_start3A_260] : memref<16x64xi32, #tpu.memory_space<vmem>> -> memref<1x64xi32, #tpu.memory_space<vmem>>
        %dma_start3A_262 = tpu.memref_squeeze %dma_start3A_261 : memref<1x64xi32, #tpu.memory_space<vmem>> -> memref<64xi32, #tpu.memory_space<vmem>>
        %dma_start3A_263 = arith.constant 0 : i32
        %dma_start3A_264 = arith.constant 0 : i32
        %dma_start3A_265 = tpu.memref_slice %arg13[%dma_start3A_263, %dma_start3A_264] : memref<10240x128xf32, #tpu.memory_space<vmem_shared>> -> memref<10240x128xf32, #tpu.memory_space<vmem_shared>>
        tpu.enqueue_indirect_dma source(%arg12 : memref<64x128xf32, #tpu.memory_space<vmem>>) target(%dma_start3A_265 : memref<10240x128xf32, #tpu.memory_space<vmem_shared>>) offsets(%dma_start3A_262 : memref<64xi32, #tpu.memory_space<vmem>>) semaphore(%run_scoped3A : memref<!tpu.dma_semaphore, #tpu.memory_space<semaphore_mem>>) {add = true}
        %dma_wait3A_266 = arith.constant 0 : i32
        %dma_wait3A_267 = tpu.memref_slice %arg8[%add3A_243, %dma_wait3A_266] : memref<16x64xi32, #tpu.memory_space<vmem>> -> memref<1x64xi32, #tpu.memory_space<vmem>>
        %dma_wait3A_268 = tpu.memref_squeeze %dma_wait3A_267 : memref<1x64xi32, #tpu.memory_space<vmem>> -> memref<64xi32, #tpu.memory_space<vmem>>
        %dma_wait3A_269 = arith.constant 0 : i32
        %dma_wait3A_270 = arith.constant 0 : i32
        %dma_wait3A_271 = tpu.memref_slice %arg13[%dma_wait3A_269, %dma_wait3A_270] : memref<10240x128xf32, #tpu.memory_space<vmem_shared>> -> memref<10240x128xf32, #tpu.memory_space<vmem_shared>>
        tpu.wait_indirect_dma semaphore(%run_scoped3A : memref<!tpu.dma_semaphore, #tpu.memory_space<semaphore_mem>>) src(%arg12 : memref<64x128xf32, #tpu.memory_space<vmem>>) dst(%dma_wait3A_271 : memref<10240x128xf32, #tpu.memory_space<vmem_shared>>)
        tpu.yield
      }) : () -> ()
    }
    %scan3A_29 = arith.constant 20 : i32
    %dma_wait3A = arith.constant 0 : i32
    %dma_wait3A_30 = arith.constant 0 : i32
    %dma_wait3A_31 = tpu.memref_slice %arg7[%dma_wait3A, %dma_wait3A_30] : memref<16x64xi32, #tpu.memory_space<vmem>> -> memref<1x64xi32, #tpu.memory_space<vmem>>
    %dma_wait3A_32 = tpu.memref_squeeze %dma_wait3A_31 : memref<1x64xi32, #tpu.memory_space<vmem>> -> memref<64xi32, #tpu.memory_space<vmem>>
    %dma_wait3A_33 = arith.constant 0 : i32
    %dma_wait3A_34 = arith.constant 0 : i32
    %dma_wait3A_35 = tpu.memref_slice %arg2[%dma_wait3A_33, %dma_wait3A_34] : memref<10000x128xf32, #tpu.memory_space<hbm>> -> memref<10000x128xf32, #tpu.memory_space<hbm>>
    tpu.wait_indirect_dma semaphore(%arg14 : memref<!tpu.dma_semaphore, #tpu.memory_space<semaphore_mem>>) src(%dma_wait3A_35 : memref<10000x128xf32, #tpu.memory_space<hbm>>) dst(%arg9 : memref<64x128xf32, #tpu.memory_space<vmem>>)
    %dma_wait3A_36 = arith.constant 1 : i32
    %dma_wait3A_37 = arith.constant 0 : i32
    %dma_wait3A_38 = tpu.memref_slice %arg7[%dma_wait3A_36, %dma_wait3A_37] : memref<16x64xi32, #tpu.memory_space<vmem>> -> memref<1x64xi32, #tpu.memory_space<vmem>>
    %dma_wait3A_39 = tpu.memref_squeeze %dma_wait3A_38 : memref<1x64xi32, #tpu.memory_space<vmem>> -> memref<64xi32, #tpu.memory_space<vmem>>
    %dma_wait3A_40 = arith.constant 0 : i32
    %dma_wait3A_41 = arith.constant 0 : i32
    %dma_wait3A_42 = tpu.memref_slice %arg2[%dma_wait3A_40, %dma_wait3A_41] : memref<10000x128xf32, #tpu.memory_space<hbm>> -> memref<10000x128xf32, #tpu.memory_space<hbm>>
    tpu.wait_indirect_dma semaphore(%arg15 : memref<!tpu.dma_semaphore, #tpu.memory_space<semaphore_mem>>) src(%dma_wait3A_42 : memref<10000x128xf32, #tpu.memory_space<hbm>>) dst(%arg10 : memref<64x128xf32, #tpu.memory_space<vmem>>)
    %dma_wait3A_43 = arith.constant 2 : i32
    %dma_wait3A_44 = arith.constant 0 : i32
    %dma_wait3A_45 = tpu.memref_slice %arg7[%dma_wait3A_43, %dma_wait3A_44] : memref<16x64xi32, #tpu.memory_space<vmem>> -> memref<1x64xi32, #tpu.memory_space<vmem>>
    %dma_wait3A_46 = tpu.memref_squeeze %dma_wait3A_45 : memref<1x64xi32, #tpu.memory_space<vmem>> -> memref<64xi32, #tpu.memory_space<vmem>>
    %dma_wait3A_47 = arith.constant 0 : i32
    %dma_wait3A_48 = arith.constant 0 : i32
    %dma_wait3A_49 = tpu.memref_slice %arg2[%dma_wait3A_47, %dma_wait3A_48] : memref<10000x128xf32, #tpu.memory_space<hbm>> -> memref<10000x128xf32, #tpu.memory_space<hbm>>
    tpu.wait_indirect_dma semaphore(%arg16 : memref<!tpu.dma_semaphore, #tpu.memory_space<semaphore_mem>>) src(%dma_wait3A_49 : memref<10000x128xf32, #tpu.memory_space<hbm>>) dst(%arg11 : memref<64x128xf32, #tpu.memory_space<vmem>>)
    %barrier3A_50 = arith.constant 0 : index
    tpu.barrier barrier_id(%barrier3A_50)
    %mul3A_51 = arith.constant 640 : i32
    %mul3A_52 = arith.muli %arg1, %mul3A_51 : i32
    %mul3A_53 = arith.constant 640 : i32
    %mul3A_54 = arith.muli %arg1, %mul3A_53 : i32
    "tpu.region"() ({
      %run_scoped3A = tpu.sem_alloc : memref<!tpu.dma_semaphore, #tpu.memory_space<semaphore_mem>>
      %dma_start3A_55 = arith.constant 0 : i32
      %dma_start3A_56 = tpu.memref_slice %arg6[%arg0, %mul3A_54, %dma_start3A_55] : memref<2x10240x128xf32, #tpu.memory_space<hbm>> -> memref<1x640x128xf32, #tpu.memory_space<hbm>>
      %dma_start3A_57 = tpu.memref_squeeze %dma_start3A_56 : memref<1x640x128xf32, #tpu.memory_space<hbm>> -> memref<640x128xf32, #tpu.memory_space<hbm>>
      %dma_start3A_58 = arith.constant 0 : i32
      %dma_start3A_59 = tpu.memref_slice %arg13[%mul3A_52, %dma_start3A_58] : memref<10240x128xf32, #tpu.memory_space<vmem_shared>> -> memref<640x128xf32, #tpu.memory_space<vmem_shared>>
      tpu.enqueue_dma source(%dma_start3A_59 : memref<640x128xf32, #tpu.memory_space<vmem_shared>>) target(%dma_start3A_57 : memref<640x128xf32, #tpu.memory_space<hbm>>) target_semaphore(%run_scoped3A : memref<!tpu.dma_semaphore, #tpu.memory_space<semaphore_mem>>)
      %dma_wait3A_60 = arith.constant 0 : i32
      %dma_wait3A_61 = tpu.memref_slice %arg6[%arg0, %mul3A_54, %dma_wait3A_60] : memref<2x10240x128xf32, #tpu.memory_space<hbm>> -> memref<1x640x128xf32, #tpu.memory_space<hbm>>
      %dma_wait3A_62 = tpu.memref_squeeze %dma_wait3A_61 : memref<1x640x128xf32, #tpu.memory_space<hbm>> -> memref<640x128xf32, #tpu.memory_space<hbm>>
      %dma_wait3A_63 = arith.constant 0 : i32
      %dma_wait3A_64 = tpu.memref_slice %arg13[%mul3A_52, %dma_wait3A_63] : memref<10240x128xf32, #tpu.memory_space<vmem_shared>> -> memref<640x128xf32, #tpu.memory_space<vmem_shared>>
      tpu.wait_dma2 semaphore(%run_scoped3A : memref<!tpu.dma_semaphore, #tpu.memory_space<semaphore_mem>>) src(%dma_wait3A_64 : memref<640x128xf32, #tpu.memory_space<vmem_shared>>) dst(%dma_wait3A_62 : memref<640x128xf32, #tpu.memory_space<hbm>>)
      tpu.yield
    }) : () -> ()
    return
  }
}

#map = affine_map<(d0, d1) -> (0, 0)>
#map1 = affine_map<(d0, d1) -> (0, 0, 0)>
module attributes {stable_mosaic.version = 14 : i64} {
  func.func @sc_agg(%arg0: i32, %arg1: i32, %arg2: memref<10000x128xf32, #tpu.memory_space<hbm>>, %arg3: memref<32x160x64xi32, #tpu.memory_space<hbm>>, %arg4: memref<32x160x64xi32, #tpu.memory_space<hbm>>, %arg5: memref<10240x128xf32, #tpu.memory_space<hbm>>, %arg6: memref<2x10240x128xf32, #tpu.memory_space<hbm>>, %arg7: memref<16x64xi32, #tpu.memory_space<vmem>>, %arg8: memref<16x64xi32, #tpu.memory_space<vmem>>, %arg9: memref<64x128xf32, #tpu.memory_space<vmem>>, %arg10: memref<64x128xf32, #tpu.memory_space<vmem>>, %arg11: memref<64x128xf32, #tpu.memory_space<vmem>>, %arg12: memref<64x128xf32, #tpu.memory_space<vmem>>, %arg13: memref<10240x128xf32, #tpu.memory_space<vmem_shared>>, %arg14: memref<!tpu.dma_semaphore, #tpu.memory_space<semaphore_mem>>, %arg15: memref<!tpu.dma_semaphore, #tpu.memory_space<semaphore_mem>>, %arg16: memref<!tpu.dma_semaphore, #tpu.memory_space<semaphore_mem>>, %arg17: memref<!tpu.dma_semaphore, #tpu.memory_space<semaphore_mem>>, %arg18: memref<!tpu.dma_semaphore, #tpu.memory_space<semaphore_mem>>, %arg19: memref<!tpu.dma_semaphore, #tpu.memory_space<semaphore_mem>>) attributes {dimension_semantics = [#tpu.dimension_semantics<core_parallel>, #tpu.dimension_semantics<subcore_parallel>], iteration_bounds = array<i64: 2, 16>, scalar_prefetch = 0 : i64, scratch_operands = 13 : i64, tpu.core_type = #tpu.core_type<sc_vector_subcore>, window_params = [{transform_indices = #map}, {transform_indices = #map1}, {transform_indices = #map1}, {transform_indices = #map}, {transform_indices = #map1}]} {
    %mul3A = arith.constant 2 : i32
    %mul3A_0 = arith.muli %arg1, %mul3A : i32
    %add3A = arith.addi %mul3A_0, %arg0 : i32
    %mul3A_1 = arith.constant 640 : i32
    %mul3A_2 = arith.muli %arg1, %mul3A_1 : i32
    %mul3A_3 = arith.constant 640 : i32
    %mul3A_4 = arith.muli %arg1, %mul3A_3 : i32
    "tpu.region"() ({
      %run_scoped3A = tpu.sem_alloc : memref<!tpu.dma_semaphore, #tpu.memory_space<semaphore_mem>>
      %dma_start3A_55 = arith.constant 0 : i32
      %dma_start3A_56 = tpu.memref_slice %arg13[%mul3A_4, %dma_start3A_55] : memref<10240x128xf32, #tpu.memory_space<vmem_shared>> -> memref<640x128xf32, #tpu.memory_space<vmem_shared>>
      %dma_start3A_57 = arith.constant 0 : i32
      %dma_start3A_58 = tpu.memref_slice %arg5[%mul3A_2, %dma_start3A_57] : memref<10240x128xf32, #tpu.memory_space<hbm>> -> memref<640x128xf32, #tpu.memory_space<hbm>>
      tpu.enqueue_dma source(%dma_start3A_58 : memref<640x128xf32, #tpu.memory_space<hbm>>) target(%dma_start3A_56 : memref<640x128xf32, #tpu.memory_space<vmem_shared>>) target_semaphore(%run_scoped3A : memref<!tpu.dma_semaphore, #tpu.memory_space<semaphore_mem>>)
      %dma_wait3A_59 = arith.constant 0 : i32
      %dma_wait3A_60 = tpu.memref_slice %arg13[%mul3A_4, %dma_wait3A_59] : memref<10240x128xf32, #tpu.memory_space<vmem_shared>> -> memref<640x128xf32, #tpu.memory_space<vmem_shared>>
      %dma_wait3A_61 = arith.constant 0 : i32
      %dma_wait3A_62 = tpu.memref_slice %arg5[%mul3A_2, %dma_wait3A_61] : memref<10240x128xf32, #tpu.memory_space<hbm>> -> memref<640x128xf32, #tpu.memory_space<hbm>>
      tpu.wait_dma2 semaphore(%run_scoped3A : memref<!tpu.dma_semaphore, #tpu.memory_space<semaphore_mem>>) src(%dma_wait3A_62 : memref<640x128xf32, #tpu.memory_space<hbm>>) dst(%dma_wait3A_60 : memref<640x128xf32, #tpu.memory_space<vmem_shared>>)
      tpu.yield
    }) : () -> ()
    %barrier3A = arith.constant 0 : index
    tpu.barrier barrier_id(%barrier3A)
    "tpu.region"() ({
      %run_scoped3A = tpu.sem_alloc : memref<!tpu.dma_semaphore, #tpu.memory_space<semaphore_mem>>
      %dma_start3A_55 = arith.constant 0 : i32
      %dma_start3A_56 = arith.constant 0 : i32
      %dma_start3A_57 = tpu.memref_slice %arg7[%dma_start3A_55, %dma_start3A_56] : memref<16x64xi32, #tpu.memory_space<vmem>> -> memref<8x64xi32, #tpu.memory_space<vmem>>
      %dma_start3A_58 = arith.constant 0 : i32
      %dma_start3A_59 = arith.constant 0 : i32
      %dma_start3A_60 = tpu.memref_slice %arg3[%add3A, %dma_start3A_58, %dma_start3A_59] : memref<32x160x64xi32, #tpu.memory_space<hbm>> -> memref<1x8x64xi32, #tpu.memory_space<hbm>>
      %dma_start3A_61 = tpu.memref_squeeze %dma_start3A_60 : memref<1x8x64xi32, #tpu.memory_space<hbm>> -> memref<8x64xi32, #tpu.memory_space<hbm>>
      %dma_start3A_62 = arith.constant 0 : i32
      %dma_start3A_63 = arith.constant 0 : i32
      %dma_start3A_64 = tpu.memref_slice %arg7[%dma_start3A_62, %dma_start3A_63] : memref<16x64xi32, #tpu.memory_space<vmem>> -> memref<8x64xi32, #tpu.memory_space<vmem>>
      %dma_start3A_65 = arith.constant 0 : i32
      %dma_start3A_66 = arith.constant 0 : i32
      %dma_start3A_67 = tpu.memref_slice %arg3[%add3A, %dma_start3A_65, %dma_start3A_66] : memref<32x160x64xi32, #tpu.memory_space<hbm>> -> memref<1x8x64xi32, #tpu.memory_space<hbm>>
      %dma_start3A_68 = tpu.memref_squeeze %dma_start3A_67 : memref<1x8x64xi32, #tpu.memory_space<hbm>> -> memref<8x64xi32, #tpu.memory_space<hbm>>
      tpu.enqueue_dma source(%dma_start3A_68 : memref<8x64xi32, #tpu.memory_space<hbm>>) target(%dma_start3A_64 : memref<8x64xi32, #tpu.memory_space<vmem>>) target_semaphore(%run_scoped3A : memref<!tpu.dma_semaphore, #tpu.memory_space<semaphore_mem>>)
      %dma_wait3A_69 = arith.constant 0 : i32
      %dma_wait3A_70 = arith.constant 0 : i32
      %dma_wait3A_71 = tpu.memref_slice %arg7[%dma_wait3A_69, %dma_wait3A_70] : memref<16x64xi32, #tpu.memory_space<vmem>> -> memref<8x64xi32, #tpu.memory_space<vmem>>
      %dma_wait3A_72 = arith.constant 0 : i32
      %dma_wait3A_73 = arith.constant 0 : i32
      %dma_wait3A_74 = tpu.memref_slice %arg3[%add3A, %dma_wait3A_72, %dma_wait3A_73] : memref<32x160x64xi32, #tpu.memory_space<hbm>> -> memref<1x8x64xi32, #tpu.memory_space<hbm>>
      %dma_wait3A_75 = tpu.memref_squeeze %dma_wait3A_74 : memref<1x8x64xi32, #tpu.memory_space<hbm>> -> memref<8x64xi32, #tpu.memory_space<hbm>>
      %dma_wait3A_76 = arith.constant 0 : i32
      %dma_wait3A_77 = arith.constant 0 : i32
      %dma_wait3A_78 = tpu.memref_slice %arg7[%dma_wait3A_76, %dma_wait3A_77] : memref<16x64xi32, #tpu.memory_space<vmem>> -> memref<8x64xi32, #tpu.memory_space<vmem>>
      %dma_wait3A_79 = arith.constant 0 : i32
      %dma_wait3A_80 = arith.constant 0 : i32
      %dma_wait3A_81 = tpu.memref_slice %arg3[%add3A, %dma_wait3A_79, %dma_wait3A_80] : memref<32x160x64xi32, #tpu.memory_space<hbm>> -> memref<1x8x64xi32, #tpu.memory_space<hbm>>
      %dma_wait3A_82 = tpu.memref_squeeze %dma_wait3A_81 : memref<1x8x64xi32, #tpu.memory_space<hbm>> -> memref<8x64xi32, #tpu.memory_space<hbm>>
      tpu.wait_dma2 semaphore(%run_scoped3A : memref<!tpu.dma_semaphore, #tpu.memory_space<semaphore_mem>>) src(%dma_wait3A_82 : memref<8x64xi32, #tpu.memory_space<hbm>>) dst(%dma_wait3A_78 : memref<8x64xi32, #tpu.memory_space<vmem>>)
      tpu.yield
    }) : () -> ()
    "tpu.region"() ({
      %run_scoped3A = tpu.sem_alloc : memref<!tpu.dma_semaphore, #tpu.memory_space<semaphore_mem>>
      %dma_start3A_55 = arith.constant 0 : i32
      %dma_start3A_56 = arith.constant 0 : i32
      %dma_start3A_57 = tpu.memref_slice %arg8[%dma_start3A_55, %dma_start3A_56] : memref<16x64xi32, #tpu.memory_space<vmem>> -> memref<8x64xi32, #tpu.memory_space<vmem>>
      %dma_start3A_58 = arith.constant 0 : i32
      %dma_start3A_59 = arith.constant 0 : i32
      %dma_start3A_60 = tpu.memref_slice %arg4[%add3A, %dma_start3A_58, %dma_start3A_59] : memref<32x160x64xi32, #tpu.memory_space<hbm>> -> memref<1x8x64xi32, #tpu.memory_space<hbm>>
      %dma_start3A_61 = tpu.memref_squeeze %dma_start3A_60 : memref<1x8x64xi32, #tpu.memory_space<hbm>> -> memref<8x64xi32, #tpu.memory_space<hbm>>
      %dma_start3A_62 = arith.constant 0 : i32
      %dma_start3A_63 = arith.constant 0 : i32
      %dma_start3A_64 = tpu.memref_slice %arg8[%dma_start3A_62, %dma_start3A_63] : memref<16x64xi32, #tpu.memory_space<vmem>> -> memref<8x64xi32, #tpu.memory_space<vmem>>
      %dma_start3A_65 = arith.constant 0 : i32
      %dma_start3A_66 = arith.constant 0 : i32
      %dma_start3A_67 = tpu.memref_slice %arg4[%add3A, %dma_start3A_65, %dma_start3A_66] : memref<32x160x64xi32, #tpu.memory_space<hbm>> -> memref<1x8x64xi32, #tpu.memory_space<hbm>>
      %dma_start3A_68 = tpu.memref_squeeze %dma_start3A_67 : memref<1x8x64xi32, #tpu.memory_space<hbm>> -> memref<8x64xi32, #tpu.memory_space<hbm>>
      tpu.enqueue_dma source(%dma_start3A_68 : memref<8x64xi32, #tpu.memory_space<hbm>>) target(%dma_start3A_64 : memref<8x64xi32, #tpu.memory_space<vmem>>) target_semaphore(%run_scoped3A : memref<!tpu.dma_semaphore, #tpu.memory_space<semaphore_mem>>)
      %dma_wait3A_69 = arith.constant 0 : i32
      %dma_wait3A_70 = arith.constant 0 : i32
      %dma_wait3A_71 = tpu.memref_slice %arg8[%dma_wait3A_69, %dma_wait3A_70] : memref<16x64xi32, #tpu.memory_space<vmem>> -> memref<8x64xi32, #tpu.memory_space<vmem>>
      %dma_wait3A_72 = arith.constant 0 : i32
      %dma_wait3A_73 = arith.constant 0 : i32
      %dma_wait3A_74 = tpu.memref_slice %arg4[%add3A, %dma_wait3A_72, %dma_wait3A_73] : memref<32x160x64xi32, #tpu.memory_space<hbm>> -> memref<1x8x64xi32, #tpu.memory_space<hbm>>
      %dma_wait3A_75 = tpu.memref_squeeze %dma_wait3A_74 : memref<1x8x64xi32, #tpu.memory_space<hbm>> -> memref<8x64xi32, #tpu.memory_space<hbm>>
      %dma_wait3A_76 = arith.constant 0 : i32
      %dma_wait3A_77 = arith.constant 0 : i32
      %dma_wait3A_78 = tpu.memref_slice %arg8[%dma_wait3A_76, %dma_wait3A_77] : memref<16x64xi32, #tpu.memory_space<vmem>> -> memref<8x64xi32, #tpu.memory_space<vmem>>
      %dma_wait3A_79 = arith.constant 0 : i32
      %dma_wait3A_80 = arith.constant 0 : i32
      %dma_wait3A_81 = tpu.memref_slice %arg4[%add3A, %dma_wait3A_79, %dma_wait3A_80] : memref<32x160x64xi32, #tpu.memory_space<hbm>> -> memref<1x8x64xi32, #tpu.memory_space<hbm>>
      %dma_wait3A_82 = tpu.memref_squeeze %dma_wait3A_81 : memref<1x8x64xi32, #tpu.memory_space<hbm>> -> memref<8x64xi32, #tpu.memory_space<hbm>>
      tpu.wait_dma2 semaphore(%run_scoped3A : memref<!tpu.dma_semaphore, #tpu.memory_space<semaphore_mem>>) src(%dma_wait3A_82 : memref<8x64xi32, #tpu.memory_space<hbm>>) dst(%dma_wait3A_78 : memref<8x64xi32, #tpu.memory_space<vmem>>)
      tpu.yield
    }) : () -> ()
    %dma_start3A = arith.constant 0 : i32
    %dma_start3A_5 = arith.constant 0 : i32
    %dma_start3A_6 = tpu.memref_slice %arg7[%dma_start3A, %dma_start3A_5] : memref<16x64xi32, #tpu.memory_space<vmem>> -> memref<1x64xi32, #tpu.memory_space<vmem>>
    %dma_start3A_7 = tpu.memref_squeeze %dma_start3A_6 : memref<1x64xi32, #tpu.memory_space<vmem>> -> memref<64xi32, #tpu.memory_space<vmem>>
    %dma_start3A_8 = arith.constant 0 : i32
    %dma_start3A_9 = arith.constant 0 : i32
    %dma_start3A_10 = tpu.memref_slice %arg2[%dma_start3A_8, %dma_start3A_9] : memref<10000x128xf32, #tpu.memory_space<hbm>> -> memref<10000x128xf32, #tpu.memory_space<hbm>>
    tpu.enqueue_indirect_dma source(%dma_start3A_10 : memref<10000x128xf32, #tpu.memory_space<hbm>>) target(%arg9 : memref<64x128xf32, #tpu.memory_space<vmem>>) offsets(%dma_start3A_7 : memref<64xi32, #tpu.memory_space<vmem>>) semaphore(%arg14 : memref<!tpu.dma_semaphore, #tpu.memory_space<semaphore_mem>>)
    %dma_start3A_11 = arith.constant 1 : i32
    %dma_start3A_12 = arith.constant 0 : i32
    %dma_start3A_13 = tpu.memref_slice %arg7[%dma_start3A_11, %dma_start3A_12] : memref<16x64xi32, #tpu.memory_space<vmem>> -> memref<1x64xi32, #tpu.memory_space<vmem>>
    %dma_start3A_14 = tpu.memref_squeeze %dma_start3A_13 : memref<1x64xi32, #tpu.memory_space<vmem>> -> memref<64xi32, #tpu.memory_space<vmem>>
    %dma_start3A_15 = arith.constant 0 : i32
    %dma_start3A_16 = arith.constant 0 : i32
    %dma_start3A_17 = tpu.memref_slice %arg2[%dma_start3A_15, %dma_start3A_16] : memref<10000x128xf32, #tpu.memory_space<hbm>> -> memref<10000x128xf32, #tpu.memory_space<hbm>>
    tpu.enqueue_indirect_dma source(%dma_start3A_17 : memref<10000x128xf32, #tpu.memory_space<hbm>>) target(%arg10 : memref<64x128xf32, #tpu.memory_space<vmem>>) offsets(%dma_start3A_14 : memref<64xi32, #tpu.memory_space<vmem>>) semaphore(%arg15 : memref<!tpu.dma_semaphore, #tpu.memory_space<semaphore_mem>>)
    %dma_start3A_18 = arith.constant 2 : i32
    %dma_start3A_19 = arith.constant 0 : i32
    %dma_start3A_20 = tpu.memref_slice %arg7[%dma_start3A_18, %dma_start3A_19] : memref<16x64xi32, #tpu.memory_space<vmem>> -> memref<1x64xi32, #tpu.memory_space<vmem>>
    %dma_start3A_21 = tpu.memref_squeeze %dma_start3A_20 : memref<1x64xi32, #tpu.memory_space<vmem>> -> memref<64xi32, #tpu.memory_space<vmem>>
    %dma_start3A_22 = arith.constant 0 : i32
    %dma_start3A_23 = arith.constant 0 : i32
    %dma_start3A_24 = tpu.memref_slice %arg2[%dma_start3A_22, %dma_start3A_23] : memref<10000x128xf32, #tpu.memory_space<hbm>> -> memref<10000x128xf32, #tpu.memory_space<hbm>>
    tpu.enqueue_indirect_dma source(%dma_start3A_24 : memref<10000x128xf32, #tpu.memory_space<hbm>>) target(%arg11 : memref<64x128xf32, #tpu.memory_space<vmem>>) offsets(%dma_start3A_21 : memref<64xi32, #tpu.memory_space<vmem>>) semaphore(%arg16 : memref<!tpu.dma_semaphore, #tpu.memory_space<semaphore_mem>>)
    %scan3A = arith.constant 0 : i32
    %scan3A_25 = arith.constant 0 : i32
    %scan3A_26 = arith.constant 20 : i32
    %scan3A_27 = arith.addi %scan3A_25, %scan3A_26 : i32
    %scan3A_28 = arith.constant 1 : i32
    scf.for %scan3A_55 = %scan3A_25 to %scan3A_27 step %scan3A_28  : i32 {
      %rem3A = arith.constant 2 : i32
      %rem3A_56 = arith.remsi %scan3A_55, %rem3A : i32
      %add3A_57 = arith.constant 1 : i32
      %add3A_58 = arith.addi %scan3A_55, %add3A_57 : i32
      %rem3A_59 = arith.constant 2 : i32
      %rem3A_60 = arith.remsi %add3A_58, %rem3A_59 : i32
      %add3A_61 = arith.constant 1 : i32
      %add3A_62 = arith.addi %scan3A_55, %add3A_61 : i32
      %min3A = arith.constant 19 : i32
      %min3A_63 = arith.minsi %add3A_62, %min3A : i32
      %mul3A_64 = arith.constant 8 : i32
      %mul3A_65 = arith.muli %min3A_63, %mul3A_64 : i32
      %multiple_of3A = tpu.assume_multiple %mul3A_65, 8 : i32
      %mul3A_66 = arith.constant 8 : i32
      %mul3A_67 = arith.muli %rem3A_60, %mul3A_66 : i32
      %dma_start3A_68 = arith.constant 0 : i32
      %dma_start3A_69 = tpu.memref_slice %arg7[%mul3A_67, %dma_start3A_68] : memref<16x64xi32, #tpu.memory_space<vmem>> -> memref<8x64xi32, #tpu.memory_space<vmem>>
      %dma_start3A_70 = arith.constant 0 : i32
      %dma_start3A_71 = tpu.memref_slice %arg3[%add3A, %multiple_of3A, %dma_start3A_70] : memref<32x160x64xi32, #tpu.memory_space<hbm>> -> memref<1x8x64xi32, #tpu.memory_space<hbm>>
      %dma_start3A_72 = tpu.memref_squeeze %dma_start3A_71 : memref<1x8x64xi32, #tpu.memory_space<hbm>> -> memref<8x64xi32, #tpu.memory_space<hbm>>
      %dma_start3A_73 = arith.constant 0 : i32
      %dma_start3A_74 = tpu.memref_slice %arg7[%mul3A_67, %dma_start3A_73] : memref<16x64xi32, #tpu.memory_space<vmem>> -> memref<8x64xi32, #tpu.memory_space<vmem>>
      %dma_start3A_75 = arith.constant 0 : i32
      %dma_start3A_76 = tpu.memref_slice %arg3[%add3A, %multiple_of3A, %dma_start3A_75] : memref<32x160x64xi32, #tpu.memory_space<hbm>> -> memref<1x8x64xi32, #tpu.memory_space<hbm>>
      %dma_start3A_77 = tpu.memref_squeeze %dma_start3A_76 : memref<1x8x64xi32, #tpu.memory_space<hbm>> -> memref<8x64xi32, #tpu.memory_space<hbm>>
      tpu.enqueue_dma source(%dma_start3A_77 : memref<8x64xi32, #tpu.memory_space<hbm>>) target(%dma_start3A_74 : memref<8x64xi32, #tpu.memory_space<vmem>>) target_semaphore(%arg18 : memref<!tpu.dma_semaphore, #tpu.memory_space<semaphore_mem>>)
      %mul3A_78 = arith.constant 8 : i32
      %mul3A_79 = arith.muli %rem3A_60, %mul3A_78 : i32
      %dma_start3A_80 = arith.constant 0 : i32
      %dma_start3A_81 = tpu.memref_slice %arg8[%mul3A_79, %dma_start3A_80] : memref<16x64xi32, #tpu.memory_space<vmem>> -> memref<8x64xi32, #tpu.memory_space<vmem>>
      %dma_start3A_82 = arith.constant 0 : i32
      %dma_start3A_83 = tpu.memref_slice %arg4[%add3A, %multiple_of3A, %dma_start3A_82] : memref<32x160x64xi32, #tpu.memory_space<hbm>> -> memref<1x8x64xi32, #tpu.memory_space<hbm>>
      %dma_start3A_84 = tpu.memref_squeeze %dma_start3A_83 : memref<1x8x64xi32, #tpu.memory_space<hbm>> -> memref<8x64xi32, #tpu.memory_space<hbm>>
      %dma_start3A_85 = arith.constant 0 : i32
      %dma_start3A_86 = tpu.memref_slice %arg8[%mul3A_79, %dma_start3A_85] : memref<16x64xi32, #tpu.memory_space<vmem>> -> memref<8x64xi32, #tpu.memory_space<vmem>>
      %dma_start3A_87 = arith.constant 0 : i32
      %dma_start3A_88 = tpu.memref_slice %arg4[%add3A, %multiple_of3A, %dma_start3A_87] : memref<32x160x64xi32, #tpu.memory_space<hbm>> -> memref<1x8x64xi32, #tpu.memory_space<hbm>>
      %dma_start3A_89 = tpu.memref_squeeze %dma_start3A_88 : memref<1x8x64xi32, #tpu.memory_space<hbm>> -> memref<8x64xi32, #tpu.memory_space<hbm>>
      tpu.enqueue_dma source(%dma_start3A_89 : memref<8x64xi32, #tpu.memory_space<hbm>>) target(%dma_start3A_86 : memref<8x64xi32, #tpu.memory_space<vmem>>) target_semaphore(%arg19 : memref<!tpu.dma_semaphore, #tpu.memory_space<semaphore_mem>>)
      %mul3A_90 = arith.constant 8 : i32
      %mul3A_91 = arith.muli %rem3A_56, %mul3A_90 : i32
      %add3A_92 = arith.constant 0 : i32
      %add3A_93 = arith.addi %mul3A_91, %add3A_92 : i32
      %dma_wait3A_94 = arith.constant 0 : i32
      %dma_wait3A_95 = tpu.memref_slice %arg7[%add3A_93, %dma_wait3A_94] : memref<16x64xi32, #tpu.memory_space<vmem>> -> memref<1x64xi32, #tpu.memory_space<vmem>>
      %dma_wait3A_96 = tpu.memref_squeeze %dma_wait3A_95 : memref<1x64xi32, #tpu.memory_space<vmem>> -> memref<64xi32, #tpu.memory_space<vmem>>
      %dma_wait3A_97 = arith.constant 0 : i32
      %dma_wait3A_98 = arith.constant 0 : i32
      %dma_wait3A_99 = tpu.memref_slice %arg2[%dma_wait3A_97, %dma_wait3A_98] : memref<10000x128xf32, #tpu.memory_space<hbm>> -> memref<10000x128xf32, #tpu.memory_space<hbm>>
      tpu.wait_indirect_dma semaphore(%arg14 : memref<!tpu.dma_semaphore, #tpu.memory_space<semaphore_mem>>) src(%dma_wait3A_99 : memref<10000x128xf32, #tpu.memory_space<hbm>>) dst(%arg9 : memref<64x128xf32, #tpu.memory_space<vmem>>)
      %add3A_100 = arith.constant 3 : i32
      %add3A_101 = arith.addi %add3A_93, %add3A_100 : i32
      %dma_start3A_102 = arith.constant 0 : i32
      %dma_start3A_103 = tpu.memref_slice %arg7[%add3A_101, %dma_start3A_102] : memref<16x64xi32, #tpu.memory_space<vmem>> -> memref<1x64xi32, #tpu.memory_space<vmem>>
      %dma_start3A_104 = tpu.memref_squeeze %dma_start3A_103 : memref<1x64xi32, #tpu.memory_space<vmem>> -> memref<64xi32, #tpu.memory_space<vmem>>
      %dma_start3A_105 = arith.constant 0 : i32
      %dma_start3A_106 = arith.constant 0 : i32
      %dma_start3A_107 = tpu.memref_slice %arg2[%dma_start3A_105, %dma_start3A_106] : memref<10000x128xf32, #tpu.memory_space<hbm>> -> memref<10000x128xf32, #tpu.memory_space<hbm>>
      tpu.enqueue_indirect_dma source(%dma_start3A_107 : memref<10000x128xf32, #tpu.memory_space<hbm>>) target(%arg12 : memref<64x128xf32, #tpu.memory_space<vmem>>) offsets(%dma_start3A_104 : memref<64xi32, #tpu.memory_space<vmem>>) semaphore(%arg17 : memref<!tpu.dma_semaphore, #tpu.memory_space<semaphore_mem>>)
      "tpu.region"() ({
        %run_scoped3A = tpu.sem_alloc : memref<!tpu.dma_semaphore, #tpu.memory_space<semaphore_mem>>
        %dma_start3A_260 = arith.constant 0 : i32
        %dma_start3A_261 = tpu.memref_slice %arg8[%add3A_93, %dma_start3A_260] : memref<16x64xi32, #tpu.memory_space<vmem>> -> memref<1x64xi32, #tpu.memory_space<vmem>>
        %dma_start3A_262 = tpu.memref_squeeze %dma_start3A_261 : memref<1x64xi32, #tpu.memory_space<vmem>> -> memref<64xi32, #tpu.memory_space<vmem>>
        %dma_start3A_263 = arith.constant 0 : i32
        %dma_start3A_264 = arith.constant 0 : i32
        %dma_start3A_265 = tpu.memref_slice %arg13[%dma_start3A_263, %dma_start3A_264] : memref<10240x128xf32, #tpu.memory_space<vmem_shared>> -> memref<10240x128xf32, #tpu.memory_space<vmem_shared>>
        tpu.enqueue_indirect_dma source(%arg9 : memref<64x128xf32, #tpu.memory_space<vmem>>) target(%dma_start3A_265 : memref<10240x128xf32, #tpu.memory_space<vmem_shared>>) offsets(%dma_start3A_262 : memref<64xi32, #tpu.memory_space<vmem>>) semaphore(%run_scoped3A : memref<!tpu.dma_semaphore, #tpu.memory_space<semaphore_mem>>) {add = true}
        %dma_wait3A_266 = arith.constant 0 : i32
        %dma_wait3A_267 = tpu.memref_slice %arg8[%add3A_93, %dma_wait3A_266] : memref<16x64xi32, #tpu.memory_space<vmem>> -> memref<1x64xi32, #tpu.memory_space<vmem>>
        %dma_wait3A_268 = tpu.memref_squeeze %dma_wait3A_267 : memref<1x64xi32, #tpu.memory_space<vmem>> -> memref<64xi32, #tpu.memory_space<vmem>>
        %dma_wait3A_269 = arith.constant 0 : i32
        %dma_wait3A_270 = arith.constant 0 : i32
        %dma_wait3A_271 = tpu.memref_slice %arg13[%dma_wait3A_269, %dma_wait3A_270] : memref<10240x128xf32, #tpu.memory_space<vmem_shared>> -> memref<10240x128xf32, #tpu.memory_space<vmem_shared>>
        tpu.wait_indirect_dma semaphore(%run_scoped3A : memref<!tpu.dma_semaphore, #tpu.memory_space<semaphore_mem>>) src(%arg9 : memref<64x128xf32, #tpu.memory_space<vmem>>) dst(%dma_wait3A_271 : memref<10240x128xf32, #tpu.memory_space<vmem_shared>>)
        tpu.yield
      }) : () -> ()
      %mul3A_108 = arith.constant 8 : i32
      %mul3A_109 = arith.muli %rem3A_56, %mul3A_108 : i32
      %add3A_110 = arith.constant 1 : i32
      %add3A_111 = arith.addi %mul3A_109, %add3A_110 : i32
      %dma_wait3A_112 = arith.constant 0 : i32
      %dma_wait3A_113 = tpu.memref_slice %arg7[%add3A_111, %dma_wait3A_112] : memref<16x64xi32, #tpu.memory_space<vmem>> -> memref<1x64xi32, #tpu.memory_space<vmem>>
      %dma_wait3A_114 = tpu.memref_squeeze %dma_wait3A_113 : memref<1x64xi32, #tpu.memory_space<vmem>> -> memref<64xi32, #tpu.memory_space<vmem>>
      %dma_wait3A_115 = arith.constant 0 : i32
      %dma_wait3A_116 = arith.constant 0 : i32
      %dma_wait3A_117 = tpu.memref_slice %arg2[%dma_wait3A_115, %dma_wait3A_116] : memref<10000x128xf32, #tpu.memory_space<hbm>> -> memref<10000x128xf32, #tpu.memory_space<hbm>>
      tpu.wait_indirect_dma semaphore(%arg15 : memref<!tpu.dma_semaphore, #tpu.memory_space<semaphore_mem>>) src(%dma_wait3A_117 : memref<10000x128xf32, #tpu.memory_space<hbm>>) dst(%arg10 : memref<64x128xf32, #tpu.memory_space<vmem>>)
      %add3A_118 = arith.constant 3 : i32
      %add3A_119 = arith.addi %add3A_111, %add3A_118 : i32
      %dma_start3A_120 = arith.constant 0 : i32
      %dma_start3A_121 = tpu.memref_slice %arg7[%add3A_119, %dma_start3A_120] : memref<16x64xi32, #tpu.memory_space<vmem>> -> memref<1x64xi32, #tpu.memory_space<vmem>>
      %dma_start3A_122 = tpu.memref_squeeze %dma_start3A_121 : memref<1x64xi32, #tpu.memory_space<vmem>> -> memref<64xi32, #tpu.memory_space<vmem>>
      %dma_start3A_123 = arith.constant 0 : i32
      %dma_start3A_124 = arith.constant 0 : i32
      %dma_start3A_125 = tpu.memref_slice %arg2[%dma_start3A_123, %dma_start3A_124] : memref<10000x128xf32, #tpu.memory_space<hbm>> -> memref<10000x128xf32, #tpu.memory_space<hbm>>
      tpu.enqueue_indirect_dma source(%dma_start3A_125 : memref<10000x128xf32, #tpu.memory_space<hbm>>) target(%arg9 : memref<64x128xf32, #tpu.memory_space<vmem>>) offsets(%dma_start3A_122 : memref<64xi32, #tpu.memory_space<vmem>>) semaphore(%arg14 : memref<!tpu.dma_semaphore, #tpu.memory_space<semaphore_mem>>)
      "tpu.region"() ({
        %run_scoped3A = tpu.sem_alloc : memref<!tpu.dma_semaphore, #tpu.memory_space<semaphore_mem>>
        %dma_start3A_260 = arith.constant 0 : i32
        %dma_start3A_261 = tpu.memref_slice %arg8[%add3A_111, %dma_start3A_260] : memref<16x64xi32, #tpu.memory_space<vmem>> -> memref<1x64xi32, #tpu.memory_space<vmem>>
        %dma_start3A_262 = tpu.memref_squeeze %dma_start3A_261 : memref<1x64xi32, #tpu.memory_space<vmem>> -> memref<64xi32, #tpu.memory_space<vmem>>
        %dma_start3A_263 = arith.constant 0 : i32
        %dma_start3A_264 = arith.constant 0 : i32
        %dma_start3A_265 = tpu.memref_slice %arg13[%dma_start3A_263, %dma_start3A_264] : memref<10240x128xf32, #tpu.memory_space<vmem_shared>> -> memref<10240x128xf32, #tpu.memory_space<vmem_shared>>
        tpu.enqueue_indirect_dma source(%arg10 : memref<64x128xf32, #tpu.memory_space<vmem>>) target(%dma_start3A_265 : memref<10240x128xf32, #tpu.memory_space<vmem_shared>>) offsets(%dma_start3A_262 : memref<64xi32, #tpu.memory_space<vmem>>) semaphore(%run_scoped3A : memref<!tpu.dma_semaphore, #tpu.memory_space<semaphore_mem>>) {add = true}
        %dma_wait3A_266 = arith.constant 0 : i32
        %dma_wait3A_267 = tpu.memref_slice %arg8[%add3A_111, %dma_wait3A_266] : memref<16x64xi32, #tpu.memory_space<vmem>> -> memref<1x64xi32, #tpu.memory_space<vmem>>
        %dma_wait3A_268 = tpu.memref_squeeze %dma_wait3A_267 : memref<1x64xi32, #tpu.memory_space<vmem>> -> memref<64xi32, #tpu.memory_space<vmem>>
        %dma_wait3A_269 = arith.constant 0 : i32
        %dma_wait3A_270 = arith.constant 0 : i32
        %dma_wait3A_271 = tpu.memref_slice %arg13[%dma_wait3A_269, %dma_wait3A_270] : memref<10240x128xf32, #tpu.memory_space<vmem_shared>> -> memref<10240x128xf32, #tpu.memory_space<vmem_shared>>
        tpu.wait_indirect_dma semaphore(%run_scoped3A : memref<!tpu.dma_semaphore, #tpu.memory_space<semaphore_mem>>) src(%arg10 : memref<64x128xf32, #tpu.memory_space<vmem>>) dst(%dma_wait3A_271 : memref<10240x128xf32, #tpu.memory_space<vmem_shared>>)
        tpu.yield
      }) : () -> ()
      %mul3A_126 = arith.constant 8 : i32
      %mul3A_127 = arith.muli %rem3A_56, %mul3A_126 : i32
      %add3A_128 = arith.constant 2 : i32
      %add3A_129 = arith.addi %mul3A_127, %add3A_128 : i32
      %dma_wait3A_130 = arith.constant 0 : i32
      %dma_wait3A_131 = tpu.memref_slice %arg7[%add3A_129, %dma_wait3A_130] : memref<16x64xi32, #tpu.memory_space<vmem>> -> memref<1x64xi32, #tpu.memory_space<vmem>>
      %dma_wait3A_132 = tpu.memref_squeeze %dma_wait3A_131 : memref<1x64xi32, #tpu.memory_space<vmem>> -> memref<64xi32, #tpu.memory_space<vmem>>
      %dma_wait3A_133 = arith.constant 0 : i32
      %dma_wait3A_134 = arith.constant 0 : i32
      %dma_wait3A_135 = tpu.memref_slice %arg2[%dma_wait3A_133, %dma_wait3A_134] : memref<10000x128xf32, #tpu.memory_space<hbm>> -> memref<10000x128xf32, #tpu.memory_space<hbm>>
      tpu.wait_indirect_dma semaphore(%arg16 : memref<!tpu.dma_semaphore, #tpu.memory_space<semaphore_mem>>) src(%dma_wait3A_135 : memref<10000x128xf32, #tpu.memory_space<hbm>>) dst(%arg11 : memref<64x128xf32, #tpu.memory_space<vmem>>)
      %add3A_136 = arith.constant 3 : i32
      %add3A_137 = arith.addi %add3A_129, %add3A_136 : i32
      %dma_start3A_138 = arith.constant 0 : i32
      %dma_start3A_139 = tpu.memref_slice %arg7[%add3A_137, %dma_start3A_138] : memref<16x64xi32, #tpu.memory_space<vmem>> -> memref<1x64xi32, #tpu.memory_space<vmem>>
      %dma_start3A_140 = tpu.memref_squeeze %dma_start3A_139 : memref<1x64xi32, #tpu.memory_space<vmem>> -> memref<64xi32, #tpu.memory_space<vmem>>
      %dma_start3A_141 = arith.constant 0 : i32
      %dma_start3A_142 = arith.constant 0 : i32
      %dma_start3A_143 = tpu.memref_slice %arg2[%dma_start3A_141, %dma_start3A_142] : memref<10000x128xf32, #tpu.memory_space<hbm>> -> memref<10000x128xf32, #tpu.memory_space<hbm>>
      tpu.enqueue_indirect_dma source(%dma_start3A_143 : memref<10000x128xf32, #tpu.memory_space<hbm>>) target(%arg10 : memref<64x128xf32, #tpu.memory_space<vmem>>) offsets(%dma_start3A_140 : memref<64xi32, #tpu.memory_space<vmem>>) semaphore(%arg15 : memref<!tpu.dma_semaphore, #tpu.memory_space<semaphore_mem>>)
      "tpu.region"() ({
        %run_scoped3A = tpu.sem_alloc : memref<!tpu.dma_semaphore, #tpu.memory_space<semaphore_mem>>
        %dma_start3A_260 = arith.constant 0 : i32
        %dma_start3A_261 = tpu.memref_slice %arg8[%add3A_129, %dma_start3A_260] : memref<16x64xi32, #tpu.memory_space<vmem>> -> memref<1x64xi32, #tpu.memory_space<vmem>>
        %dma_start3A_262 = tpu.memref_squeeze %dma_start3A_261 : memref<1x64xi32, #tpu.memory_space<vmem>> -> memref<64xi32, #tpu.memory_space<vmem>>
        %dma_start3A_263 = arith.constant 0 : i32
        %dma_start3A_264 = arith.constant 0 : i32
        %dma_start3A_265 = tpu.memref_slice %arg13[%dma_start3A_263, %dma_start3A_264] : memref<10240x128xf32, #tpu.memory_space<vmem_shared>> -> memref<10240x128xf32, #tpu.memory_space<vmem_shared>>
        tpu.enqueue_indirect_dma source(%arg11 : memref<64x128xf32, #tpu.memory_space<vmem>>) target(%dma_start3A_265 : memref<10240x128xf32, #tpu.memory_space<vmem_shared>>) offsets(%dma_start3A_262 : memref<64xi32, #tpu.memory_space<vmem>>) semaphore(%run_scoped3A : memref<!tpu.dma_semaphore, #tpu.memory_space<semaphore_mem>>) {add = true}
        %dma_wait3A_266 = arith.constant 0 : i32
        %dma_wait3A_267 = tpu.memref_slice %arg8[%add3A_129, %dma_wait3A_266] : memref<16x64xi32, #tpu.memory_space<vmem>> -> memref<1x64xi32, #tpu.memory_space<vmem>>
        %dma_wait3A_268 = tpu.memref_squeeze %dma_wait3A_267 : memref<1x64xi32, #tpu.memory_space<vmem>> -> memref<64xi32, #tpu.memory_space<vmem>>
        %dma_wait3A_269 = arith.constant 0 : i32
        %dma_wait3A_270 = arith.constant 0 : i32
        %dma_wait3A_271 = tpu.memref_slice %arg13[%dma_wait3A_269, %dma_wait3A_270] : memref<10240x128xf32, #tpu.memory_space<vmem_shared>> -> memref<10240x128xf32, #tpu.memory_space<vmem_shared>>
        tpu.wait_indirect_dma semaphore(%run_scoped3A : memref<!tpu.dma_semaphore, #tpu.memory_space<semaphore_mem>>) src(%arg11 : memref<64x128xf32, #tpu.memory_space<vmem>>) dst(%dma_wait3A_271 : memref<10240x128xf32, #tpu.memory_space<vmem_shared>>)
        tpu.yield
      }) : () -> ()
      %mul3A_144 = arith.constant 8 : i32
      %mul3A_145 = arith.muli %rem3A_56, %mul3A_144 : i32
      %add3A_146 = arith.constant 3 : i32
      %add3A_147 = arith.addi %mul3A_145, %add3A_146 : i32
      %dma_wait3A_148 = arith.constant 0 : i32
      %dma_wait3A_149 = tpu.memref_slice %arg7[%add3A_101, %dma_wait3A_148] : memref<16x64xi32, #tpu.memory_space<vmem>> -> memref<1x64xi32, #tpu.memory_space<vmem>>
      %dma_wait3A_150 = tpu.memref_squeeze %dma_wait3A_149 : memref<1x64xi32, #tpu.memory_space<vmem>> -> memref<64xi32, #tpu.memory_space<vmem>>
      %dma_wait3A_151 = arith.constant 0 : i32
      %dma_wait3A_152 = arith.constant 0 : i32
      %dma_wait3A_153 = tpu.memref_slice %arg2[%dma_wait3A_151, %dma_wait3A_152] : memref<10000x128xf32, #tpu.memory_space<hbm>> -> memref<10000x128xf32, #tpu.memory_space<hbm>>
      tpu.wait_indirect_dma semaphore(%arg17 : memref<!tpu.dma_semaphore, #tpu.memory_space<semaphore_mem>>) src(%dma_wait3A_153 : memref<10000x128xf32, #tpu.memory_space<hbm>>) dst(%arg12 : memref<64x128xf32, #tpu.memory_space<vmem>>)
      %add3A_154 = arith.constant 3 : i32
      %add3A_155 = arith.addi %add3A_147, %add3A_154 : i32
      %dma_start3A_156 = arith.constant 0 : i32
      %dma_start3A_157 = tpu.memref_slice %arg7[%add3A_155, %dma_start3A_156] : memref<16x64xi32, #tpu.memory_space<vmem>> -> memref<1x64xi32, #tpu.memory_space<vmem>>
      %dma_start3A_158 = tpu.memref_squeeze %dma_start3A_157 : memref<1x64xi32, #tpu.memory_space<vmem>> -> memref<64xi32, #tpu.memory_space<vmem>>
      %dma_start3A_159 = arith.constant 0 : i32
      %dma_start3A_160 = arith.constant 0 : i32
      %dma_start3A_161 = tpu.memref_slice %arg2[%dma_start3A_159, %dma_start3A_160] : memref<10000x128xf32, #tpu.memory_space<hbm>> -> memref<10000x128xf32, #tpu.memory_space<hbm>>
      tpu.enqueue_indirect_dma source(%dma_start3A_161 : memref<10000x128xf32, #tpu.memory_space<hbm>>) target(%arg11 : memref<64x128xf32, #tpu.memory_space<vmem>>) offsets(%dma_start3A_158 : memref<64xi32, #tpu.memory_space<vmem>>) semaphore(%arg16 : memref<!tpu.dma_semaphore, #tpu.memory_space<semaphore_mem>>)
      "tpu.region"() ({
        %run_scoped3A = tpu.sem_alloc : memref<!tpu.dma_semaphore, #tpu.memory_space<semaphore_mem>>
        %dma_start3A_260 = arith.constant 0 : i32
        %dma_start3A_261 = tpu.memref_slice %arg8[%add3A_147, %dma_start3A_260] : memref<16x64xi32, #tpu.memory_space<vmem>> -> memref<1x64xi32, #tpu.memory_space<vmem>>
        %dma_start3A_262 = tpu.memref_squeeze %dma_start3A_261 : memref<1x64xi32, #tpu.memory_space<vmem>> -> memref<64xi32, #tpu.memory_space<vmem>>
        %dma_start3A_263 = arith.constant 0 : i32
        %dma_start3A_264 = arith.constant 0 : i32
        %dma_start3A_265 = tpu.memref_slice %arg13[%dma_start3A_263, %dma_start3A_264] : memref<10240x128xf32, #tpu.memory_space<vmem_shared>> -> memref<10240x128xf32, #tpu.memory_space<vmem_shared>>
        tpu.enqueue_indirect_dma source(%arg12 : memref<64x128xf32, #tpu.memory_space<vmem>>) target(%dma_start3A_265 : memref<10240x128xf32, #tpu.memory_space<vmem_shared>>) offsets(%dma_start3A_262 : memref<64xi32, #tpu.memory_space<vmem>>) semaphore(%run_scoped3A : memref<!tpu.dma_semaphore, #tpu.memory_space<semaphore_mem>>) {add = true}
        %dma_wait3A_266 = arith.constant 0 : i32
        %dma_wait3A_267 = tpu.memref_slice %arg8[%add3A_147, %dma_wait3A_266] : memref<16x64xi32, #tpu.memory_space<vmem>> -> memref<1x64xi32, #tpu.memory_space<vmem>>
        %dma_wait3A_268 = tpu.memref_squeeze %dma_wait3A_267 : memref<1x64xi32, #tpu.memory_space<vmem>> -> memref<64xi32, #tpu.memory_space<vmem>>
        %dma_wait3A_269 = arith.constant 0 : i32
        %dma_wait3A_270 = arith.constant 0 : i32
        %dma_wait3A_271 = tpu.memref_slice %arg13[%dma_wait3A_269, %dma_wait3A_270] : memref<10240x128xf32, #tpu.memory_space<vmem_shared>> -> memref<10240x128xf32, #tpu.memory_space<vmem_shared>>
        tpu.wait_indirect_dma semaphore(%run_scoped3A : memref<!tpu.dma_semaphore, #tpu.memory_space<semaphore_mem>>) src(%arg12 : memref<64x128xf32, #tpu.memory_space<vmem>>) dst(%dma_wait3A_271 : memref<10240x128xf32, #tpu.memory_space<vmem_shared>>)
        tpu.yield
      }) : () -> ()
      %mul3A_162 = arith.constant 8 : i32
      %mul3A_163 = arith.muli %rem3A_56, %mul3A_162 : i32
      %add3A_164 = arith.constant 4 : i32
      %add3A_165 = arith.addi %mul3A_163, %add3A_164 : i32
      %dma_wait3A_166 = arith.constant 0 : i32
      %dma_wait3A_167 = tpu.memref_slice %arg7[%add3A_119, %dma_wait3A_166] : memref<16x64xi32, #tpu.memory_space<vmem>> -> memref<1x64xi32, #tpu.memory_space<vmem>>
      %dma_wait3A_168 = tpu.memref_squeeze %dma_wait3A_167 : memref<1x64xi32, #tpu.memory_space<vmem>> -> memref<64xi32, #tpu.memory_space<vmem>>
      %dma_wait3A_169 = arith.constant 0 : i32
      %dma_wait3A_170 = arith.constant 0 : i32
      %dma_wait3A_171 = tpu.memref_slice %arg2[%dma_wait3A_169, %dma_wait3A_170] : memref<10000x128xf32, #tpu.memory_space<hbm>> -> memref<10000x128xf32, #tpu.memory_space<hbm>>
      tpu.wait_indirect_dma semaphore(%arg14 : memref<!tpu.dma_semaphore, #tpu.memory_space<semaphore_mem>>) src(%dma_wait3A_171 : memref<10000x128xf32, #tpu.memory_space<hbm>>) dst(%arg9 : memref<64x128xf32, #tpu.memory_space<vmem>>)
      %add3A_172 = arith.constant 3 : i32
      %add3A_173 = arith.addi %add3A_165, %add3A_172 : i32
      %dma_start3A_174 = arith.constant 0 : i32
      %dma_start3A_175 = tpu.memref_slice %arg7[%add3A_173, %dma_start3A_174] : memref<16x64xi32, #tpu.memory_space<vmem>> -> memref<1x64xi32, #tpu.memory_space<vmem>>
      %dma_start3A_176 = tpu.memref_squeeze %dma_start3A_175 : memref<1x64xi32, #tpu.memory_space<vmem>> -> memref<64xi32, #tpu.memory_space<vmem>>
      %dma_start3A_177 = arith.constant 0 : i32
      %dma_start3A_178 = arith.constant 0 : i32
      %dma_start3A_179 = tpu.memref_slice %arg2[%dma_start3A_177, %dma_start3A_178] : memref<10000x128xf32, #tpu.memory_space<hbm>> -> memref<10000x128xf32, #tpu.memory_space<hbm>>
      tpu.enqueue_indirect_dma source(%dma_start3A_179 : memref<10000x128xf32, #tpu.memory_space<hbm>>) target(%arg12 : memref<64x128xf32, #tpu.memory_space<vmem>>) offsets(%dma_start3A_176 : memref<64xi32, #tpu.memory_space<vmem>>) semaphore(%arg17 : memref<!tpu.dma_semaphore, #tpu.memory_space<semaphore_mem>>)
      "tpu.region"() ({
        %run_scoped3A = tpu.sem_alloc : memref<!tpu.dma_semaphore, #tpu.memory_space<semaphore_mem>>
        %dma_start3A_260 = arith.constant 0 : i32
        %dma_start3A_261 = tpu.memref_slice %arg8[%add3A_165, %dma_start3A_260] : memref<16x64xi32, #tpu.memory_space<vmem>> -> memref<1x64xi32, #tpu.memory_space<vmem>>
        %dma_start3A_262 = tpu.memref_squeeze %dma_start3A_261 : memref<1x64xi32, #tpu.memory_space<vmem>> -> memref<64xi32, #tpu.memory_space<vmem>>
        %dma_start3A_263 = arith.constant 0 : i32
        %dma_start3A_264 = arith.constant 0 : i32
        %dma_start3A_265 = tpu.memref_slice %arg13[%dma_start3A_263, %dma_start3A_264] : memref<10240x128xf32, #tpu.memory_space<vmem_shared>> -> memref<10240x128xf32, #tpu.memory_space<vmem_shared>>
        tpu.enqueue_indirect_dma source(%arg9 : memref<64x128xf32, #tpu.memory_space<vmem>>) target(%dma_start3A_265 : memref<10240x128xf32, #tpu.memory_space<vmem_shared>>) offsets(%dma_start3A_262 : memref<64xi32, #tpu.memory_space<vmem>>) semaphore(%run_scoped3A : memref<!tpu.dma_semaphore, #tpu.memory_space<semaphore_mem>>) {add = true}
        %dma_wait3A_266 = arith.constant 0 : i32
        %dma_wait3A_267 = tpu.memref_slice %arg8[%add3A_165, %dma_wait3A_266] : memref<16x64xi32, #tpu.memory_space<vmem>> -> memref<1x64xi32, #tpu.memory_space<vmem>>
        %dma_wait3A_268 = tpu.memref_squeeze %dma_wait3A_267 : memref<1x64xi32, #tpu.memory_space<vmem>> -> memref<64xi32, #tpu.memory_space<vmem>>
        %dma_wait3A_269 = arith.constant 0 : i32
        %dma_wait3A_270 = arith.constant 0 : i32
        %dma_wait3A_271 = tpu.memref_slice %arg13[%dma_wait3A_269, %dma_wait3A_270] : memref<10240x128xf32, #tpu.memory_space<vmem_shared>> -> memref<10240x128xf32, #tpu.memory_space<vmem_shared>>
        tpu.wait_indirect_dma semaphore(%run_scoped3A : memref<!tpu.dma_semaphore, #tpu.memory_space<semaphore_mem>>) src(%arg9 : memref<64x128xf32, #tpu.memory_space<vmem>>) dst(%dma_wait3A_271 : memref<10240x128xf32, #tpu.memory_space<vmem_shared>>)
        tpu.yield
      }) : () -> ()
      %mul3A_180 = arith.constant 8 : i32
      %mul3A_181 = arith.muli %rem3A_56, %mul3A_180 : i32
      %add3A_182 = arith.constant 5 : i32
      %add3A_183 = arith.addi %mul3A_181, %add3A_182 : i32
      %dma_wait3A_184 = arith.constant 0 : i32
      %dma_wait3A_185 = tpu.memref_slice %arg7[%add3A_137, %dma_wait3A_184] : memref<16x64xi32, #tpu.memory_space<vmem>> -> memref<1x64xi32, #tpu.memory_space<vmem>>
      %dma_wait3A_186 = tpu.memref_squeeze %dma_wait3A_185 : memref<1x64xi32, #tpu.memory_space<vmem>> -> memref<64xi32, #tpu.memory_space<vmem>>
      %dma_wait3A_187 = arith.constant 0 : i32
      %dma_wait3A_188 = arith.constant 0 : i32
      %dma_wait3A_189 = tpu.memref_slice %arg2[%dma_wait3A_187, %dma_wait3A_188] : memref<10000x128xf32, #tpu.memory_space<hbm>> -> memref<10000x128xf32, #tpu.memory_space<hbm>>
      tpu.wait_indirect_dma semaphore(%arg15 : memref<!tpu.dma_semaphore, #tpu.memory_space<semaphore_mem>>) src(%dma_wait3A_189 : memref<10000x128xf32, #tpu.memory_space<hbm>>) dst(%arg10 : memref<64x128xf32, #tpu.memory_space<vmem>>)
      %dma_wait3A_190 = arith.constant 0 : i32
      %dma_wait3A_191 = tpu.memref_slice %arg7[%mul3A_67, %dma_wait3A_190] : memref<16x64xi32, #tpu.memory_space<vmem>> -> memref<8x64xi32, #tpu.memory_space<vmem>>
      %dma_wait3A_192 = arith.constant 0 : i32
      %dma_wait3A_193 = tpu.memref_slice %arg3[%add3A, %multiple_of3A, %dma_wait3A_192] : memref<32x160x64xi32, #tpu.memory_space<hbm>> -> memref<1x8x64xi32, #tpu.memory_space<hbm>>
      %dma_wait3A_194 = tpu.memref_squeeze %dma_wait3A_193 : memref<1x8x64xi32, #tpu.memory_space<hbm>> -> memref<8x64xi32, #tpu.memory_space<hbm>>
      %dma_wait3A_195 = arith.constant 0 : i32
      %dma_wait3A_196 = tpu.memref_slice %arg7[%mul3A_67, %dma_wait3A_195] : memref<16x64xi32, #tpu.memory_space<vmem>> -> memref<8x64xi32, #tpu.memory_space<vmem>>
      %dma_wait3A_197 = arith.constant 0 : i32
      %dma_wait3A_198 = tpu.memref_slice %arg3[%add3A, %multiple_of3A, %dma_wait3A_197] : memref<32x160x64xi32, #tpu.memory_space<hbm>> -> memref<1x8x64xi32, #tpu.memory_space<hbm>>
      %dma_wait3A_199 = tpu.memref_squeeze %dma_wait3A_198 : memref<1x8x64xi32, #tpu.memory_space<hbm>> -> memref<8x64xi32, #tpu.memory_space<hbm>>
      tpu.wait_dma2 semaphore(%arg18 : memref<!tpu.dma_semaphore, #tpu.memory_space<semaphore_mem>>) src(%dma_wait3A_199 : memref<8x64xi32, #tpu.memory_space<hbm>>) dst(%dma_wait3A_196 : memref<8x64xi32, #tpu.memory_space<vmem>>)
      %dma_wait3A_200 = arith.constant 0 : i32
      %dma_wait3A_201 = tpu.memref_slice %arg8[%mul3A_79, %dma_wait3A_200] : memref<16x64xi32, #tpu.memory_space<vmem>> -> memref<8x64xi32, #tpu.memory_space<vmem>>
      %dma_wait3A_202 = arith.constant 0 : i32
      %dma_wait3A_203 = tpu.memref_slice %arg4[%add3A, %multiple_of3A, %dma_wait3A_202] : memref<32x160x64xi32, #tpu.memory_space<hbm>> -> memref<1x8x64xi32, #tpu.memory_space<hbm>>
      %dma_wait3A_204 = tpu.memref_squeeze %dma_wait3A_203 : memref<1x8x64xi32, #tpu.memory_space<hbm>> -> memref<8x64xi32, #tpu.memory_space<hbm>>
      %dma_wait3A_205 = arith.constant 0 : i32
      %dma_wait3A_206 = tpu.memref_slice %arg8[%mul3A_79, %dma_wait3A_205] : memref<16x64xi32, #tpu.memory_space<vmem>> -> memref<8x64xi32, #tpu.memory_space<vmem>>
      %dma_wait3A_207 = arith.constant 0 : i32
      %dma_wait3A_208 = tpu.memref_slice %arg4[%add3A, %multiple_of3A, %dma_wait3A_207] : memref<32x160x64xi32, #tpu.memory_space<hbm>> -> memref<1x8x64xi32, #tpu.memory_space<hbm>>
      %dma_wait3A_209 = tpu.memref_squeeze %dma_wait3A_208 : memref<1x8x64xi32, #tpu.memory_space<hbm>> -> memref<8x64xi32, #tpu.memory_space<hbm>>
      tpu.wait_dma2 semaphore(%arg19 : memref<!tpu.dma_semaphore, #tpu.memory_space<semaphore_mem>>) src(%dma_wait3A_209 : memref<8x64xi32, #tpu.memory_space<hbm>>) dst(%dma_wait3A_206 : memref<8x64xi32, #tpu.memory_space<vmem>>)
      %mul3A_210 = arith.constant 8 : i32
      %mul3A_211 = arith.muli %rem3A_60, %mul3A_210 : i32
      %add3A_212 = arith.constant 0 : i32
      %add3A_213 = arith.addi %mul3A_211, %add3A_212 : i32
      %dma_start3A_214 = arith.constant 0 : i32
      %dma_start3A_215 = tpu.memref_slice %arg7[%add3A_213, %dma_start3A_214] : memref<16x64xi32, #tpu.memory_space<vmem>> -> memref<1x64xi32, #tpu.memory_space<vmem>>
      %dma_start3A_216 = tpu.memref_squeeze %dma_start3A_215 : memref<1x64xi32, #tpu.memory_space<vmem>> -> memref<64xi32, #tpu.memory_space<vmem>>
      %dma_start3A_217 = arith.constant 0 : i32
      %dma_start3A_218 = arith.constant 0 : i32
      %dma_start3A_219 = tpu.memref_slice %arg2[%dma_start3A_217, %dma_start3A_218] : memref<10000x128xf32, #tpu.memory_space<hbm>> -> memref<10000x128xf32, #tpu.memory_space<hbm>>
      tpu.enqueue_indirect_dma source(%dma_start3A_219 : memref<10000x128xf32, #tpu.memory_space<hbm>>) target(%arg9 : memref<64x128xf32, #tpu.memory_space<vmem>>) offsets(%dma_start3A_216 : memref<64xi32, #tpu.memory_space<vmem>>) semaphore(%arg14 : memref<!tpu.dma_semaphore, #tpu.memory_space<semaphore_mem>>)
      "tpu.region"() ({
        %run_scoped3A = tpu.sem_alloc : memref<!tpu.dma_semaphore, #tpu.memory_space<semaphore_mem>>
        %dma_start3A_260 = arith.constant 0 : i32
        %dma_start3A_261 = tpu.memref_slice %arg8[%add3A_183, %dma_start3A_260] : memref<16x64xi32, #tpu.memory_space<vmem>> -> memref<1x64xi32, #tpu.memory_space<vmem>>
        %dma_start3A_262 = tpu.memref_squeeze %dma_start3A_261 : memref<1x64xi32, #tpu.memory_space<vmem>> -> memref<64xi32, #tpu.memory_space<vmem>>
        %dma_start3A_263 = arith.constant 0 : i32
        %dma_start3A_264 = arith.constant 0 : i32
        %dma_start3A_265 = tpu.memref_slice %arg13[%dma_start3A_263, %dma_start3A_264] : memref<10240x128xf32, #tpu.memory_space<vmem_shared>> -> memref<10240x128xf32, #tpu.memory_space<vmem_shared>>
        tpu.enqueue_indirect_dma source(%arg10 : memref<64x128xf32, #tpu.memory_space<vmem>>) target(%dma_start3A_265 : memref<10240x128xf32, #tpu.memory_space<vmem_shared>>) offsets(%dma_start3A_262 : memref<64xi32, #tpu.memory_space<vmem>>) semaphore(%run_scoped3A : memref<!tpu.dma_semaphore, #tpu.memory_space<semaphore_mem>>) {add = true}
        %dma_wait3A_266 = arith.constant 0 : i32
        %dma_wait3A_267 = tpu.memref_slice %arg8[%add3A_183, %dma_wait3A_266] : memref<16x64xi32, #tpu.memory_space<vmem>> -> memref<1x64xi32, #tpu.memory_space<vmem>>
        %dma_wait3A_268 = tpu.memref_squeeze %dma_wait3A_267 : memref<1x64xi32, #tpu.memory_space<vmem>> -> memref<64xi32, #tpu.memory_space<vmem>>
        %dma_wait3A_269 = arith.constant 0 : i32
        %dma_wait3A_270 = arith.constant 0 : i32
        %dma_wait3A_271 = tpu.memref_slice %arg13[%dma_wait3A_269, %dma_wait3A_270] : memref<10240x128xf32, #tpu.memory_space<vmem_shared>> -> memref<10240x128xf32, #tpu.memory_space<vmem_shared>>
        tpu.wait_indirect_dma semaphore(%run_scoped3A : memref<!tpu.dma_semaphore, #tpu.memory_space<semaphore_mem>>) src(%arg10 : memref<64x128xf32, #tpu.memory_space<vmem>>) dst(%dma_wait3A_271 : memref<10240x128xf32, #tpu.memory_space<vmem_shared>>)
        tpu.yield
      }) : () -> ()
      %mul3A_220 = arith.constant 8 : i32
      %mul3A_221 = arith.muli %rem3A_56, %mul3A_220 : i32
      %add3A_222 = arith.constant 6 : i32
      %add3A_223 = arith.addi %mul3A_221, %add3A_222 : i32
      %dma_wait3A_224 = arith.constant 0 : i32
      %dma_wait3A_225 = tpu.memref_slice %arg7[%add3A_155, %dma_wait3A_224] : memref<16x64xi32, #tpu.memory_space<vmem>> -> memref<1x64xi32, #tpu.memory_space<vmem>>
      %dma_wait3A_226 = tpu.memref_squeeze %dma_wait3A_225 : memref<1x64xi32, #tpu.memory_space<vmem>> -> memref<64xi32, #tpu.memory_space<vmem>>
      %dma_wait3A_227 = arith.constant 0 : i32
      %dma_wait3A_228 = arith.constant 0 : i32
      %dma_wait3A_229 = tpu.memref_slice %arg2[%dma_wait3A_227, %dma_wait3A_228] : memref<10000x128xf32, #tpu.memory_space<hbm>> -> memref<10000x128xf32, #tpu.memory_space<hbm>>
      tpu.wait_indirect_dma semaphore(%arg16 : memref<!tpu.dma_semaphore, #tpu.memory_space<semaphore_mem>>) src(%dma_wait3A_229 : memref<10000x128xf32, #tpu.memory_space<hbm>>) dst(%arg11 : memref<64x128xf32, #tpu.memory_space<vmem>>)
      %mul3A_230 = arith.constant 8 : i32
      %mul3A_231 = arith.muli %rem3A_60, %mul3A_230 : i32
      %add3A_232 = arith.constant 1 : i32
      %add3A_233 = arith.addi %mul3A_231, %add3A_232 : i32
      %dma_start3A_234 = arith.constant 0 : i32
      %dma_start3A_235 = tpu.memref_slice %arg7[%add3A_233, %dma_start3A_234] : memref<16x64xi32, #tpu.memory_space<vmem>> -> memref<1x64xi32, #tpu.memory_space<vmem>>
      %dma_start3A_236 = tpu.memref_squeeze %dma_start3A_235 : memref<1x64xi32, #tpu.memory_space<vmem>> -> memref<64xi32, #tpu.memory_space<vmem>>
      %dma_start3A_237 = arith.constant 0 : i32
      %dma_start3A_238 = arith.constant 0 : i32
      %dma_start3A_239 = tpu.memref_slice %arg2[%dma_start3A_237, %dma_start3A_238] : memref<10000x128xf32, #tpu.memory_space<hbm>> -> memref<10000x128xf32, #tpu.memory_space<hbm>>
      tpu.enqueue_indirect_dma source(%dma_start3A_239 : memref<10000x128xf32, #tpu.memory_space<hbm>>) target(%arg10 : memref<64x128xf32, #tpu.memory_space<vmem>>) offsets(%dma_start3A_236 : memref<64xi32, #tpu.memory_space<vmem>>) semaphore(%arg15 : memref<!tpu.dma_semaphore, #tpu.memory_space<semaphore_mem>>)
      "tpu.region"() ({
        %run_scoped3A = tpu.sem_alloc : memref<!tpu.dma_semaphore, #tpu.memory_space<semaphore_mem>>
        %dma_start3A_260 = arith.constant 0 : i32
        %dma_start3A_261 = tpu.memref_slice %arg8[%add3A_223, %dma_start3A_260] : memref<16x64xi32, #tpu.memory_space<vmem>> -> memref<1x64xi32, #tpu.memory_space<vmem>>
        %dma_start3A_262 = tpu.memref_squeeze %dma_start3A_261 : memref<1x64xi32, #tpu.memory_space<vmem>> -> memref<64xi32, #tpu.memory_space<vmem>>
        %dma_start3A_263 = arith.constant 0 : i32
        %dma_start3A_264 = arith.constant 0 : i32
        %dma_start3A_265 = tpu.memref_slice %arg13[%dma_start3A_263, %dma_start3A_264] : memref<10240x128xf32, #tpu.memory_space<vmem_shared>> -> memref<10240x128xf32, #tpu.memory_space<vmem_shared>>
        tpu.enqueue_indirect_dma source(%arg11 : memref<64x128xf32, #tpu.memory_space<vmem>>) target(%dma_start3A_265 : memref<10240x128xf32, #tpu.memory_space<vmem_shared>>) offsets(%dma_start3A_262 : memref<64xi32, #tpu.memory_space<vmem>>) semaphore(%run_scoped3A : memref<!tpu.dma_semaphore, #tpu.memory_space<semaphore_mem>>) {add = true}
        %dma_wait3A_266 = arith.constant 0 : i32
        %dma_wait3A_267 = tpu.memref_slice %arg8[%add3A_223, %dma_wait3A_266] : memref<16x64xi32, #tpu.memory_space<vmem>> -> memref<1x64xi32, #tpu.memory_space<vmem>>
        %dma_wait3A_268 = tpu.memref_squeeze %dma_wait3A_267 : memref<1x64xi32, #tpu.memory_space<vmem>> -> memref<64xi32, #tpu.memory_space<vmem>>
        %dma_wait3A_269 = arith.constant 0 : i32
        %dma_wait3A_270 = arith.constant 0 : i32
        %dma_wait3A_271 = tpu.memref_slice %arg13[%dma_wait3A_269, %dma_wait3A_270] : memref<10240x128xf32, #tpu.memory_space<vmem_shared>> -> memref<10240x128xf32, #tpu.memory_space<vmem_shared>>
        tpu.wait_indirect_dma semaphore(%run_scoped3A : memref<!tpu.dma_semaphore, #tpu.memory_space<semaphore_mem>>) src(%arg11 : memref<64x128xf32, #tpu.memory_space<vmem>>) dst(%dma_wait3A_271 : memref<10240x128xf32, #tpu.memory_space<vmem_shared>>)
        tpu.yield
      }) : () -> ()
      %mul3A_240 = arith.constant 8 : i32
      %mul3A_241 = arith.muli %rem3A_56, %mul3A_240 : i32
      %add3A_242 = arith.constant 7 : i32
      %add3A_243 = arith.addi %mul3A_241, %add3A_242 : i32
      %dma_wait3A_244 = arith.constant 0 : i32
      %dma_wait3A_245 = tpu.memref_slice %arg7[%add3A_173, %dma_wait3A_244] : memref<16x64xi32, #tpu.memory_space<vmem>> -> memref<1x64xi32, #tpu.memory_space<vmem>>
      %dma_wait3A_246 = tpu.memref_squeeze %dma_wait3A_245 : memref<1x64xi32, #tpu.memory_space<vmem>> -> memref<64xi32, #tpu.memory_space<vmem>>
      %dma_wait3A_247 = arith.constant 0 : i32
      %dma_wait3A_248 = arith.constant 0 : i32
      %dma_wait3A_249 = tpu.memref_slice %arg2[%dma_wait3A_247, %dma_wait3A_248] : memref<10000x128xf32, #tpu.memory_space<hbm>> -> memref<10000x128xf32, #tpu.memory_space<hbm>>
      tpu.wait_indirect_dma semaphore(%arg17 : memref<!tpu.dma_semaphore, #tpu.memory_space<semaphore_mem>>) src(%dma_wait3A_249 : memref<10000x128xf32, #tpu.memory_space<hbm>>) dst(%arg12 : memref<64x128xf32, #tpu.memory_space<vmem>>)
      %mul3A_250 = arith.constant 8 : i32
      %mul3A_251 = arith.muli %rem3A_60, %mul3A_250 : i32
      %add3A_252 = arith.constant 2 : i32
      %add3A_253 = arith.addi %mul3A_251, %add3A_252 : i32
      %dma_start3A_254 = arith.constant 0 : i32
      %dma_start3A_255 = tpu.memref_slice %arg7[%add3A_253, %dma_start3A_254] : memref<16x64xi32, #tpu.memory_space<vmem>> -> memref<1x64xi32, #tpu.memory_space<vmem>>
      %dma_start3A_256 = tpu.memref_squeeze %dma_start3A_255 : memref<1x64xi32, #tpu.memory_space<vmem>> -> memref<64xi32, #tpu.memory_space<vmem>>
      %dma_start3A_257 = arith.constant 0 : i32
      %dma_start3A_258 = arith.constant 0 : i32
      %dma_start3A_259 = tpu.memref_slice %arg2[%dma_start3A_257, %dma_start3A_258] : memref<10000x128xf32, #tpu.memory_space<hbm>> -> memref<10000x128xf32, #tpu.memory_space<hbm>>
      tpu.enqueue_indirect_dma source(%dma_start3A_259 : memref<10000x128xf32, #tpu.memory_space<hbm>>) target(%arg11 : memref<64x128xf32, #tpu.memory_space<vmem>>) offsets(%dma_start3A_256 : memref<64xi32, #tpu.memory_space<vmem>>) semaphore(%arg16 : memref<!tpu.dma_semaphore, #tpu.memory_space<semaphore_mem>>)
      "tpu.region"() ({
        %run_scoped3A = tpu.sem_alloc : memref<!tpu.dma_semaphore, #tpu.memory_space<semaphore_mem>>
        %dma_start3A_260 = arith.constant 0 : i32
        %dma_start3A_261 = tpu.memref_slice %arg8[%add3A_243, %dma_start3A_260] : memref<16x64xi32, #tpu.memory_space<vmem>> -> memref<1x64xi32, #tpu.memory_space<vmem>>
        %dma_start3A_262 = tpu.memref_squeeze %dma_start3A_261 : memref<1x64xi32, #tpu.memory_space<vmem>> -> memref<64xi32, #tpu.memory_space<vmem>>
        %dma_start3A_263 = arith.constant 0 : i32
        %dma_start3A_264 = arith.constant 0 : i32
        %dma_start3A_265 = tpu.memref_slice %arg13[%dma_start3A_263, %dma_start3A_264] : memref<10240x128xf32, #tpu.memory_space<vmem_shared>> -> memref<10240x128xf32, #tpu.memory_space<vmem_shared>>
        tpu.enqueue_indirect_dma source(%arg12 : memref<64x128xf32, #tpu.memory_space<vmem>>) target(%dma_start3A_265 : memref<10240x128xf32, #tpu.memory_space<vmem_shared>>) offsets(%dma_start3A_262 : memref<64xi32, #tpu.memory_space<vmem>>) semaphore(%run_scoped3A : memref<!tpu.dma_semaphore, #tpu.memory_space<semaphore_mem>>) {add = true}
        %dma_wait3A_266 = arith.constant 0 : i32
        %dma_wait3A_267 = tpu.memref_slice %arg8[%add3A_243, %dma_wait3A_266] : memref<16x64xi32, #tpu.memory_space<vmem>> -> memref<1x64xi32, #tpu.memory_space<vmem>>
        %dma_wait3A_268 = tpu.memref_squeeze %dma_wait3A_267 : memref<1x64xi32, #tpu.memory_space<vmem>> -> memref<64xi32, #tpu.memory_space<vmem>>
        %dma_wait3A_269 = arith.constant 0 : i32
        %dma_wait3A_270 = arith.constant 0 : i32
        %dma_wait3A_271 = tpu.memref_slice %arg13[%dma_wait3A_269, %dma_wait3A_270] : memref<10240x128xf32, #tpu.memory_space<vmem_shared>> -> memref<10240x128xf32, #tpu.memory_space<vmem_shared>>
        tpu.wait_indirect_dma semaphore(%run_scoped3A : memref<!tpu.dma_semaphore, #tpu.memory_space<semaphore_mem>>) src(%arg12 : memref<64x128xf32, #tpu.memory_space<vmem>>) dst(%dma_wait3A_271 : memref<10240x128xf32, #tpu.memory_space<vmem_shared>>)
        tpu.yield
      }) : () -> ()
    }
    %scan3A_29 = arith.constant 20 : i32
    %dma_wait3A = arith.constant 0 : i32
    %dma_wait3A_30 = arith.constant 0 : i32
    %dma_wait3A_31 = tpu.memref_slice %arg7[%dma_wait3A, %dma_wait3A_30] : memref<16x64xi32, #tpu.memory_space<vmem>> -> memref<1x64xi32, #tpu.memory_space<vmem>>
    %dma_wait3A_32 = tpu.memref_squeeze %dma_wait3A_31 : memref<1x64xi32, #tpu.memory_space<vmem>> -> memref<64xi32, #tpu.memory_space<vmem>>
    %dma_wait3A_33 = arith.constant 0 : i32
    %dma_wait3A_34 = arith.constant 0 : i32
    %dma_wait3A_35 = tpu.memref_slice %arg2[%dma_wait3A_33, %dma_wait3A_34] : memref<10000x128xf32, #tpu.memory_space<hbm>> -> memref<10000x128xf32, #tpu.memory_space<hbm>>
    tpu.wait_indirect_dma semaphore(%arg14 : memref<!tpu.dma_semaphore, #tpu.memory_space<semaphore_mem>>) src(%dma_wait3A_35 : memref<10000x128xf32, #tpu.memory_space<hbm>>) dst(%arg9 : memref<64x128xf32, #tpu.memory_space<vmem>>)
    %dma_wait3A_36 = arith.constant 1 : i32
    %dma_wait3A_37 = arith.constant 0 : i32
    %dma_wait3A_38 = tpu.memref_slice %arg7[%dma_wait3A_36, %dma_wait3A_37] : memref<16x64xi32, #tpu.memory_space<vmem>> -> memref<1x64xi32, #tpu.memory_space<vmem>>
    %dma_wait3A_39 = tpu.memref_squeeze %dma_wait3A_38 : memref<1x64xi32, #tpu.memory_space<vmem>> -> memref<64xi32, #tpu.memory_space<vmem>>
    %dma_wait3A_40 = arith.constant 0 : i32
    %dma_wait3A_41 = arith.constant 0 : i32
    %dma_wait3A_42 = tpu.memref_slice %arg2[%dma_wait3A_40, %dma_wait3A_41] : memref<10000x128xf32, #tpu.memory_space<hbm>> -> memref<10000x128xf32, #tpu.memory_space<hbm>>
    tpu.wait_indirect_dma semaphore(%arg15 : memref<!tpu.dma_semaphore, #tpu.memory_space<semaphore_mem>>) src(%dma_wait3A_42 : memref<10000x128xf32, #tpu.memory_space<hbm>>) dst(%arg10 : memref<64x128xf32, #tpu.memory_space<vmem>>)
    %dma_wait3A_43 = arith.constant 2 : i32
    %dma_wait3A_44 = arith.constant 0 : i32
    %dma_wait3A_45 = tpu.memref_slice %arg7[%dma_wait3A_43, %dma_wait3A_44] : memref<16x64xi32, #tpu.memory_space<vmem>> -> memref<1x64xi32, #tpu.memory_space<vmem>>
    %dma_wait3A_46 = tpu.memref_squeeze %dma_wait3A_45 : memref<1x64xi32, #tpu.memory_space<vmem>> -> memref<64xi32, #tpu.memory_space<vmem>>
    %dma_wait3A_47 = arith.constant 0 : i32
    %dma_wait3A_48 = arith.constant 0 : i32
    %dma_wait3A_49 = tpu.memref_slice %arg2[%dma_wait3A_47, %dma_wait3A_48] : memref<10000x128xf32, #tpu.memory_space<hbm>> -> memref<10000x128xf32, #tpu.memory_space<hbm>>
    tpu.wait_indirect_dma semaphore(%arg16 : memref<!tpu.dma_semaphore, #tpu.memory_space<semaphore_mem>>) src(%dma_wait3A_49 : memref<10000x128xf32, #tpu.memory_space<hbm>>) dst(%arg11 : memref<64x128xf32, #tpu.memory_space<vmem>>)
    %barrier3A_50 = arith.constant 0 : index
    tpu.barrier barrier_id(%barrier3A_50)
    %mul3A_51 = arith.constant 640 : i32
    %mul3A_52 = arith.muli %arg1, %mul3A_51 : i32
    %mul3A_53 = arith.constant 640 : i32
    %mul3A_54 = arith.muli %arg1, %mul3A_53 : i32
    "tpu.region"() ({
      %run_scoped3A = tpu.sem_alloc : memref<!tpu.dma_semaphore, #tpu.memory_space<semaphore_mem>>
      %dma_start3A_55 = arith.constant 0 : i32
      %dma_start3A_56 = tpu.memref_slice %arg6[%arg0, %mul3A_54, %dma_start3A_55] : memref<2x10240x128xf32, #tpu.memory_space<hbm>> -> memref<1x640x128xf32, #tpu.memory_space<hbm>>
      %dma_start3A_57 = tpu.memref_squeeze %dma_start3A_56 : memref<1x640x128xf32, #tpu.memory_space<hbm>> -> memref<640x128xf32, #tpu.memory_space<hbm>>
      %dma_start3A_58 = arith.constant 0 : i32
      %dma_start3A_59 = tpu.memref_slice %arg13[%mul3A_52, %dma_start3A_58] : memref<10240x128xf32, #tpu.memory_space<vmem_shared>> -> memref<640x128xf32, #tpu.memory_space<vmem_shared>>
      tpu.enqueue_dma source(%dma_start3A_59 : memref<640x128xf32, #tpu.memory_space<vmem_shared>>) target(%dma_start3A_57 : memref<640x128xf32, #tpu.memory_space<hbm>>) target_semaphore(%run_scoped3A : memref<!tpu.dma_semaphore, #tpu.memory_space<semaphore_mem>>)
      %dma_wait3A_60 = arith.constant 0 : i32
      %dma_wait3A_61 = tpu.memref_slice %arg6[%arg0, %mul3A_54, %dma_wait3A_60] : memref<2x10240x128xf32, #tpu.memory_space<hbm>> -> memref<1x640x128xf32, #tpu.memory_space<hbm>>
      %dma_wait3A_62 = tpu.memref_squeeze %dma_wait3A_61 : memref<1x640x128xf32, #tpu.memory_space<hbm>> -> memref<640x128xf32, #tpu.memory_space<hbm>>
      %dma_wait3A_63 = arith.constant 0 : i32
      %dma_wait3A_64 = tpu.memref_slice %arg13[%mul3A_52, %dma_wait3A_63] : memref<10240x128xf32, #tpu.memory_space<vmem_shared>> -> memref<640x128xf32, #tpu.memory_space<vmem_shared>>
      tpu.wait_dma2 semaphore(%run_scoped3A : memref<!tpu.dma_semaphore, #tpu.memory_space<semaphore_mem>>) src(%dma_wait3A_64 : memref<640x128xf32, #tpu.memory_space<vmem_shared>>) dst(%dma_wait3A_62 : memref<640x128xf32, #tpu.memory_space<hbm>>)
      tpu.yield
    }) : () -> ()
    return
  }
}

#map = affine_map<(d0, d1) -> (0, 0, 0)>
#map1 = affine_map<(d0, d1) -> (0, 0)>
module attributes {stable_mosaic.version = 14 : i64} {
  func.func @sc_count(%arg0: i32, %arg1: i32, %arg2: memref<32x80x128xi32, #tpu.memory_space<hbm>>, %arg3: memref<10240x128xf32, #tpu.memory_space<hbm>>, %arg4: memref<128x128xf32, #tpu.memory_space<hbm>>, %arg5: memref<2x10240x128xf32, #tpu.memory_space<hbm>>, %arg6: memref<16x128xi32, #tpu.memory_space<vmem>>, %arg7: memref<128x128xf32, #tpu.memory_space<vmem>>, %arg8: memref<10240x128xf32, #tpu.memory_space<vmem_shared>>, %arg9: memref<!tpu.dma_semaphore, #tpu.memory_space<semaphore_mem>>, %arg10: memref<!tpu.dma_semaphore, #tpu.memory_space<semaphore_mem>>) attributes {dimension_semantics = [#tpu.dimension_semantics<core_parallel>, #tpu.dimension_semantics<subcore_parallel>], iteration_bounds = array<i64: 2, 16>, scalar_prefetch = 0 : i64, scratch_operands = 5 : i64, tpu.core_type = #tpu.core_type<sc_vector_subcore>, window_params = [{transform_indices = #map}, {transform_indices = #map1}, {transform_indices = #map1}, {transform_indices = #map}]} {
    %mul3A = arith.constant 2 : i32
    %mul3A_0 = arith.muli %arg1, %mul3A : i32
    %add3A = arith.addi %mul3A_0, %arg0 : i32
    %mul3A_1 = arith.constant 640 : i32
    %mul3A_2 = arith.muli %arg1, %mul3A_1 : i32
    %mul3A_3 = arith.constant 640 : i32
    %mul3A_4 = arith.muli %arg1, %mul3A_3 : i32
    "tpu.region"() ({
      %run_scoped3A = tpu.sem_alloc : memref<!tpu.dma_semaphore, #tpu.memory_space<semaphore_mem>>
      %dma_start3A = arith.constant 0 : i32
      %dma_start3A_15 = tpu.memref_slice %arg8[%mul3A_4, %dma_start3A] : memref<10240x128xf32, #tpu.memory_space<vmem_shared>> -> memref<640x128xf32, #tpu.memory_space<vmem_shared>>
      %dma_start3A_16 = arith.constant 0 : i32
      %dma_start3A_17 = tpu.memref_slice %arg3[%mul3A_2, %dma_start3A_16] : memref<10240x128xf32, #tpu.memory_space<hbm>> -> memref<640x128xf32, #tpu.memory_space<hbm>>
      tpu.enqueue_dma source(%dma_start3A_17 : memref<640x128xf32, #tpu.memory_space<hbm>>) target(%dma_start3A_15 : memref<640x128xf32, #tpu.memory_space<vmem_shared>>) target_semaphore(%run_scoped3A : memref<!tpu.dma_semaphore, #tpu.memory_space<semaphore_mem>>)
      %dma_wait3A = arith.constant 0 : i32
      %dma_wait3A_18 = tpu.memref_slice %arg8[%mul3A_4, %dma_wait3A] : memref<10240x128xf32, #tpu.memory_space<vmem_shared>> -> memref<640x128xf32, #tpu.memory_space<vmem_shared>>
      %dma_wait3A_19 = arith.constant 0 : i32
      %dma_wait3A_20 = tpu.memref_slice %arg3[%mul3A_2, %dma_wait3A_19] : memref<10240x128xf32, #tpu.memory_space<hbm>> -> memref<640x128xf32, #tpu.memory_space<hbm>>
      tpu.wait_dma2 semaphore(%run_scoped3A : memref<!tpu.dma_semaphore, #tpu.memory_space<semaphore_mem>>) src(%dma_wait3A_20 : memref<640x128xf32, #tpu.memory_space<hbm>>) dst(%dma_wait3A_18 : memref<640x128xf32, #tpu.memory_space<vmem_shared>>)
      tpu.yield
    }) : () -> ()
    "tpu.region"() ({
      %run_scoped3A = tpu.sem_alloc : memref<!tpu.dma_semaphore, #tpu.memory_space<semaphore_mem>>
      tpu.enqueue_dma source(%arg4 : memref<128x128xf32, #tpu.memory_space<hbm>>) target(%arg7 : memref<128x128xf32, #tpu.memory_space<vmem>>) target_semaphore(%run_scoped3A : memref<!tpu.dma_semaphore, #tpu.memory_space<semaphore_mem>>)
      tpu.wait_dma2 semaphore(%run_scoped3A : memref<!tpu.dma_semaphore, #tpu.memory_space<semaphore_mem>>) src(%arg4 : memref<128x128xf32, #tpu.memory_space<hbm>>) dst(%arg7 : memref<128x128xf32, #tpu.memory_space<vmem>>)
      tpu.yield
    }) : () -> ()
    %barrier3A = arith.constant 0 : index
    tpu.barrier barrier_id(%barrier3A)
    "tpu.region"() ({
      %run_scoped3A = tpu.sem_alloc : memref<!tpu.dma_semaphore, #tpu.memory_space<semaphore_mem>>
      %dma_start3A = arith.constant 0 : i32
      %dma_start3A_15 = arith.constant 0 : i32
      %dma_start3A_16 = tpu.memref_slice %arg6[%dma_start3A, %dma_start3A_15] : memref<16x128xi32, #tpu.memory_space<vmem>> -> memref<8x128xi32, #tpu.memory_space<vmem>>
      %dma_start3A_17 = arith.constant 0 : i32
      %dma_start3A_18 = arith.constant 0 : i32
      %dma_start3A_19 = tpu.memref_slice %arg2[%add3A, %dma_start3A_17, %dma_start3A_18] : memref<32x80x128xi32, #tpu.memory_space<hbm>> -> memref<1x8x128xi32, #tpu.memory_space<hbm>>
      %dma_start3A_20 = tpu.memref_squeeze %dma_start3A_19 : memref<1x8x128xi32, #tpu.memory_space<hbm>> -> memref<8x128xi32, #tpu.memory_space<hbm>>
      %dma_start3A_21 = arith.constant 0 : i32
      %dma_start3A_22 = arith.constant 0 : i32
      %dma_start3A_23 = tpu.memref_slice %arg6[%dma_start3A_21, %dma_start3A_22] : memref<16x128xi32, #tpu.memory_space<vmem>> -> memref<8x128xi32, #tpu.memory_space<vmem>>
      %dma_start3A_24 = arith.constant 0 : i32
      %dma_start3A_25 = arith.constant 0 : i32
      %dma_start3A_26 = tpu.memref_slice %arg2[%add3A, %dma_start3A_24, %dma_start3A_25] : memref<32x80x128xi32, #tpu.memory_space<hbm>> -> memref<1x8x128xi32, #tpu.memory_space<hbm>>
      %dma_start3A_27 = tpu.memref_squeeze %dma_start3A_26 : memref<1x8x128xi32, #tpu.memory_space<hbm>> -> memref<8x128xi32, #tpu.memory_space<hbm>>
      tpu.enqueue_dma source(%dma_start3A_27 : memref<8x128xi32, #tpu.memory_space<hbm>>) target(%dma_start3A_23 : memref<8x128xi32, #tpu.memory_space<vmem>>) target_semaphore(%run_scoped3A : memref<!tpu.dma_semaphore, #tpu.memory_space<semaphore_mem>>)
      %dma_wait3A = arith.constant 0 : i32
      %dma_wait3A_28 = arith.constant 0 : i32
      %dma_wait3A_29 = tpu.memref_slice %arg6[%dma_wait3A, %dma_wait3A_28] : memref<16x128xi32, #tpu.memory_space<vmem>> -> memref<8x128xi32, #tpu.memory_space<vmem>>
      %dma_wait3A_30 = arith.constant 0 : i32
      %dma_wait3A_31 = arith.constant 0 : i32
      %dma_wait3A_32 = tpu.memref_slice %arg2[%add3A, %dma_wait3A_30, %dma_wait3A_31] : memref<32x80x128xi32, #tpu.memory_space<hbm>> -> memref<1x8x128xi32, #tpu.memory_space<hbm>>
      %dma_wait3A_33 = tpu.memref_squeeze %dma_wait3A_32 : memref<1x8x128xi32, #tpu.memory_space<hbm>> -> memref<8x128xi32, #tpu.memory_space<hbm>>
      %dma_wait3A_34 = arith.constant 0 : i32
      %dma_wait3A_35 = arith.constant 0 : i32
      %dma_wait3A_36 = tpu.memref_slice %arg6[%dma_wait3A_34, %dma_wait3A_35] : memref<16x128xi32, #tpu.memory_space<vmem>> -> memref<8x128xi32, #tpu.memory_space<vmem>>
      %dma_wait3A_37 = arith.constant 0 : i32
      %dma_wait3A_38 = arith.constant 0 : i32
      %dma_wait3A_39 = tpu.memref_slice %arg2[%add3A, %dma_wait3A_37, %dma_wait3A_38] : memref<32x80x128xi32, #tpu.memory_space<hbm>> -> memref<1x8x128xi32, #tpu.memory_space<hbm>>
      %dma_wait3A_40 = tpu.memref_squeeze %dma_wait3A_39 : memref<1x8x128xi32, #tpu.memory_space<hbm>> -> memref<8x128xi32, #tpu.memory_space<hbm>>
      tpu.wait_dma2 semaphore(%run_scoped3A : memref<!tpu.dma_semaphore, #tpu.memory_space<semaphore_mem>>) src(%dma_wait3A_40 : memref<8x128xi32, #tpu.memory_space<hbm>>) dst(%dma_wait3A_36 : memref<8x128xi32, #tpu.memory_space<vmem>>)
      tpu.yield
    }) : () -> ()
    %scan3A = arith.constant 0 : i32
    %scan3A_5 = arith.constant 0 : i32
    %scan3A_6 = arith.constant 10 : i32
    %scan3A_7 = arith.addi %scan3A_5, %scan3A_6 : i32
    %scan3A_8 = arith.constant 1 : i32
    scf.for %scan3A_15 = %scan3A_5 to %scan3A_7 step %scan3A_8  : i32 {
      %rem3A = arith.constant 2 : i32
      %rem3A_16 = arith.remsi %scan3A_15, %rem3A : i32
      %add3A_17 = arith.constant 1 : i32
      %add3A_18 = arith.addi %scan3A_15, %add3A_17 : i32
      %rem3A_19 = arith.constant 2 : i32
      %rem3A_20 = arith.remsi %add3A_18, %rem3A_19 : i32
      %add3A_21 = arith.constant 1 : i32
      %add3A_22 = arith.addi %scan3A_15, %add3A_21 : i32
      %min3A = arith.constant 9 : i32
      %min3A_23 = arith.minsi %add3A_22, %min3A : i32
      %mul3A_24 = arith.constant 8 : i32
      %mul3A_25 = arith.muli %min3A_23, %mul3A_24 : i32
      %multiple_of3A = tpu.assume_multiple %mul3A_25, 8 : i32
      %mul3A_26 = arith.constant 8 : i32
      %mul3A_27 = arith.muli %rem3A_20, %mul3A_26 : i32
      %dma_start3A = arith.constant 0 : i32
      %dma_start3A_28 = tpu.memref_slice %arg6[%mul3A_27, %dma_start3A] : memref<16x128xi32, #tpu.memory_space<vmem>> -> memref<8x128xi32, #tpu.memory_space<vmem>>
      %dma_start3A_29 = arith.constant 0 : i32
      %dma_start3A_30 = tpu.memref_slice %arg2[%add3A, %multiple_of3A, %dma_start3A_29] : memref<32x80x128xi32, #tpu.memory_space<hbm>> -> memref<1x8x128xi32, #tpu.memory_space<hbm>>
      %dma_start3A_31 = tpu.memref_squeeze %dma_start3A_30 : memref<1x8x128xi32, #tpu.memory_space<hbm>> -> memref<8x128xi32, #tpu.memory_space<hbm>>
      %dma_start3A_32 = arith.constant 0 : i32
      %dma_start3A_33 = tpu.memref_slice %arg6[%mul3A_27, %dma_start3A_32] : memref<16x128xi32, #tpu.memory_space<vmem>> -> memref<8x128xi32, #tpu.memory_space<vmem>>
      %dma_start3A_34 = arith.constant 0 : i32
      %dma_start3A_35 = tpu.memref_slice %arg2[%add3A, %multiple_of3A, %dma_start3A_34] : memref<32x80x128xi32, #tpu.memory_space<hbm>> -> memref<1x8x128xi32, #tpu.memory_space<hbm>>
      %dma_start3A_36 = tpu.memref_squeeze %dma_start3A_35 : memref<1x8x128xi32, #tpu.memory_space<hbm>> -> memref<8x128xi32, #tpu.memory_space<hbm>>
      tpu.enqueue_dma source(%dma_start3A_36 : memref<8x128xi32, #tpu.memory_space<hbm>>) target(%dma_start3A_33 : memref<8x128xi32, #tpu.memory_space<vmem>>) target_semaphore(%arg9 : memref<!tpu.dma_semaphore, #tpu.memory_space<semaphore_mem>>)
      %mul3A_37 = arith.constant 8 : i32
      %mul3A_38 = arith.muli %rem3A_16, %mul3A_37 : i32
      %add3A_39 = arith.constant 0 : i32
      %add3A_40 = arith.addi %mul3A_38, %add3A_39 : i32
      %dma_start3A_41 = arith.constant 0 : i32
      %dma_start3A_42 = tpu.memref_slice %arg6[%add3A_40, %dma_start3A_41] : memref<16x128xi32, #tpu.memory_space<vmem>> -> memref<1x128xi32, #tpu.memory_space<vmem>>
      %dma_start3A_43 = tpu.memref_squeeze %dma_start3A_42 : memref<1x128xi32, #tpu.memory_space<vmem>> -> memref<128xi32, #tpu.memory_space<vmem>>
      %dma_start3A_44 = arith.constant 0 : i32
      %dma_start3A_45 = arith.constant 0 : i32
      %dma_start3A_46 = tpu.memref_slice %arg8[%dma_start3A_44, %dma_start3A_45] : memref<10240x128xf32, #tpu.memory_space<vmem_shared>> -> memref<10240x128xf32, #tpu.memory_space<vmem_shared>>
      tpu.enqueue_indirect_dma source(%arg7 : memref<128x128xf32, #tpu.memory_space<vmem>>) target(%dma_start3A_46 : memref<10240x128xf32, #tpu.memory_space<vmem_shared>>) offsets(%dma_start3A_43 : memref<128xi32, #tpu.memory_space<vmem>>) semaphore(%arg10 : memref<!tpu.dma_semaphore, #tpu.memory_space<semaphore_mem>>) {add = true}
      %mul3A_47 = arith.constant 8 : i32
      %mul3A_48 = arith.muli %rem3A_16, %mul3A_47 : i32
      %add3A_49 = arith.constant 1 : i32
      %add3A_50 = arith.addi %mul3A_48, %add3A_49 : i32
      %dma_start3A_51 = arith.constant 0 : i32
      %dma_start3A_52 = tpu.memref_slice %arg6[%add3A_50, %dma_start3A_51] : memref<16x128xi32, #tpu.memory_space<vmem>> -> memref<1x128xi32, #tpu.memory_space<vmem>>
      %dma_start3A_53 = tpu.memref_squeeze %dma_start3A_52 : memref<1x128xi32, #tpu.memory_space<vmem>> -> memref<128xi32, #tpu.memory_space<vmem>>
      %dma_start3A_54 = arith.constant 0 : i32
      %dma_start3A_55 = arith.constant 0 : i32
      %dma_start3A_56 = tpu.memref_slice %arg8[%dma_start3A_54, %dma_start3A_55] : memref<10240x128xf32, #tpu.memory_space<vmem_shared>> -> memref<10240x128xf32, #tpu.memory_space<vmem_shared>>
      tpu.enqueue_indirect_dma source(%arg7 : memref<128x128xf32, #tpu.memory_space<vmem>>) target(%dma_start3A_56 : memref<10240x128xf32, #tpu.memory_space<vmem_shared>>) offsets(%dma_start3A_53 : memref<128xi32, #tpu.memory_space<vmem>>) semaphore(%arg10 : memref<!tpu.dma_semaphore, #tpu.memory_space<semaphore_mem>>) {add = true}
      %mul3A_57 = arith.constant 8 : i32
      %mul3A_58 = arith.muli %rem3A_16, %mul3A_57 : i32
      %add3A_59 = arith.constant 2 : i32
      %add3A_60 = arith.addi %mul3A_58, %add3A_59 : i32
      %dma_start3A_61 = arith.constant 0 : i32
      %dma_start3A_62 = tpu.memref_slice %arg6[%add3A_60, %dma_start3A_61] : memref<16x128xi32, #tpu.memory_space<vmem>> -> memref<1x128xi32, #tpu.memory_space<vmem>>
      %dma_start3A_63 = tpu.memref_squeeze %dma_start3A_62 : memref<1x128xi32, #tpu.memory_space<vmem>> -> memref<128xi32, #tpu.memory_space<vmem>>
      %dma_start3A_64 = arith.constant 0 : i32
      %dma_start3A_65 = arith.constant 0 : i32
      %dma_start3A_66 = tpu.memref_slice %arg8[%dma_start3A_64, %dma_start3A_65] : memref<10240x128xf32, #tpu.memory_space<vmem_shared>> -> memref<10240x128xf32, #tpu.memory_space<vmem_shared>>
      tpu.enqueue_indirect_dma source(%arg7 : memref<128x128xf32, #tpu.memory_space<vmem>>) target(%dma_start3A_66 : memref<10240x128xf32, #tpu.memory_space<vmem_shared>>) offsets(%dma_start3A_63 : memref<128xi32, #tpu.memory_space<vmem>>) semaphore(%arg10 : memref<!tpu.dma_semaphore, #tpu.memory_space<semaphore_mem>>) {add = true}
      %mul3A_67 = arith.constant 8 : i32
      %mul3A_68 = arith.muli %rem3A_16, %mul3A_67 : i32
      %add3A_69 = arith.constant 3 : i32
      %add3A_70 = arith.addi %mul3A_68, %add3A_69 : i32
      %dma_start3A_71 = arith.constant 0 : i32
      %dma_start3A_72 = tpu.memref_slice %arg6[%add3A_70, %dma_start3A_71] : memref<16x128xi32, #tpu.memory_space<vmem>> -> memref<1x128xi32, #tpu.memory_space<vmem>>
      %dma_start3A_73 = tpu.memref_squeeze %dma_start3A_72 : memref<1x128xi32, #tpu.memory_space<vmem>> -> memref<128xi32, #tpu.memory_space<vmem>>
      %dma_start3A_74 = arith.constant 0 : i32
      %dma_start3A_75 = arith.constant 0 : i32
      %dma_start3A_76 = tpu.memref_slice %arg8[%dma_start3A_74, %dma_start3A_75] : memref<10240x128xf32, #tpu.memory_space<vmem_shared>> -> memref<10240x128xf32, #tpu.memory_space<vmem_shared>>
      tpu.enqueue_indirect_dma source(%arg7 : memref<128x128xf32, #tpu.memory_space<vmem>>) target(%dma_start3A_76 : memref<10240x128xf32, #tpu.memory_space<vmem_shared>>) offsets(%dma_start3A_73 : memref<128xi32, #tpu.memory_space<vmem>>) semaphore(%arg10 : memref<!tpu.dma_semaphore, #tpu.memory_space<semaphore_mem>>) {add = true}
      %mul3A_77 = arith.constant 8 : i32
      %mul3A_78 = arith.muli %rem3A_16, %mul3A_77 : i32
      %add3A_79 = arith.constant 4 : i32
      %add3A_80 = arith.addi %mul3A_78, %add3A_79 : i32
      %dma_start3A_81 = arith.constant 0 : i32
      %dma_start3A_82 = tpu.memref_slice %arg6[%add3A_80, %dma_start3A_81] : memref<16x128xi32, #tpu.memory_space<vmem>> -> memref<1x128xi32, #tpu.memory_space<vmem>>
      %dma_start3A_83 = tpu.memref_squeeze %dma_start3A_82 : memref<1x128xi32, #tpu.memory_space<vmem>> -> memref<128xi32, #tpu.memory_space<vmem>>
      %dma_start3A_84 = arith.constant 0 : i32
      %dma_start3A_85 = arith.constant 0 : i32
      %dma_start3A_86 = tpu.memref_slice %arg8[%dma_start3A_84, %dma_start3A_85] : memref<10240x128xf32, #tpu.memory_space<vmem_shared>> -> memref<10240x128xf32, #tpu.memory_space<vmem_shared>>
      tpu.enqueue_indirect_dma source(%arg7 : memref<128x128xf32, #tpu.memory_space<vmem>>) target(%dma_start3A_86 : memref<10240x128xf32, #tpu.memory_space<vmem_shared>>) offsets(%dma_start3A_83 : memref<128xi32, #tpu.memory_space<vmem>>) semaphore(%arg10 : memref<!tpu.dma_semaphore, #tpu.memory_space<semaphore_mem>>) {add = true}
      %mul3A_87 = arith.constant 8 : i32
      %mul3A_88 = arith.muli %rem3A_16, %mul3A_87 : i32
      %add3A_89 = arith.constant 5 : i32
      %add3A_90 = arith.addi %mul3A_88, %add3A_89 : i32
      %dma_start3A_91 = arith.constant 0 : i32
      %dma_start3A_92 = tpu.memref_slice %arg6[%add3A_90, %dma_start3A_91] : memref<16x128xi32, #tpu.memory_space<vmem>> -> memref<1x128xi32, #tpu.memory_space<vmem>>
      %dma_start3A_93 = tpu.memref_squeeze %dma_start3A_92 : memref<1x128xi32, #tpu.memory_space<vmem>> -> memref<128xi32, #tpu.memory_space<vmem>>
      %dma_start3A_94 = arith.constant 0 : i32
      %dma_start3A_95 = arith.constant 0 : i32
      %dma_start3A_96 = tpu.memref_slice %arg8[%dma_start3A_94, %dma_start3A_95] : memref<10240x128xf32, #tpu.memory_space<vmem_shared>> -> memref<10240x128xf32, #tpu.memory_space<vmem_shared>>
      tpu.enqueue_indirect_dma source(%arg7 : memref<128x128xf32, #tpu.memory_space<vmem>>) target(%dma_start3A_96 : memref<10240x128xf32, #tpu.memory_space<vmem_shared>>) offsets(%dma_start3A_93 : memref<128xi32, #tpu.memory_space<vmem>>) semaphore(%arg10 : memref<!tpu.dma_semaphore, #tpu.memory_space<semaphore_mem>>) {add = true}
      %mul3A_97 = arith.constant 8 : i32
      %mul3A_98 = arith.muli %rem3A_16, %mul3A_97 : i32
      %add3A_99 = arith.constant 6 : i32
      %add3A_100 = arith.addi %mul3A_98, %add3A_99 : i32
      %dma_start3A_101 = arith.constant 0 : i32
      %dma_start3A_102 = tpu.memref_slice %arg6[%add3A_100, %dma_start3A_101] : memref<16x128xi32, #tpu.memory_space<vmem>> -> memref<1x128xi32, #tpu.memory_space<vmem>>
      %dma_start3A_103 = tpu.memref_squeeze %dma_start3A_102 : memref<1x128xi32, #tpu.memory_space<vmem>> -> memref<128xi32, #tpu.memory_space<vmem>>
      %dma_start3A_104 = arith.constant 0 : i32
      %dma_start3A_105 = arith.constant 0 : i32
      %dma_start3A_106 = tpu.memref_slice %arg8[%dma_start3A_104, %dma_start3A_105] : memref<10240x128xf32, #tpu.memory_space<vmem_shared>> -> memref<10240x128xf32, #tpu.memory_space<vmem_shared>>
      tpu.enqueue_indirect_dma source(%arg7 : memref<128x128xf32, #tpu.memory_space<vmem>>) target(%dma_start3A_106 : memref<10240x128xf32, #tpu.memory_space<vmem_shared>>) offsets(%dma_start3A_103 : memref<128xi32, #tpu.memory_space<vmem>>) semaphore(%arg10 : memref<!tpu.dma_semaphore, #tpu.memory_space<semaphore_mem>>) {add = true}
      %mul3A_107 = arith.constant 8 : i32
      %mul3A_108 = arith.muli %rem3A_16, %mul3A_107 : i32
      %add3A_109 = arith.constant 7 : i32
      %add3A_110 = arith.addi %mul3A_108, %add3A_109 : i32
      %dma_start3A_111 = arith.constant 0 : i32
      %dma_start3A_112 = tpu.memref_slice %arg6[%add3A_110, %dma_start3A_111] : memref<16x128xi32, #tpu.memory_space<vmem>> -> memref<1x128xi32, #tpu.memory_space<vmem>>
      %dma_start3A_113 = tpu.memref_squeeze %dma_start3A_112 : memref<1x128xi32, #tpu.memory_space<vmem>> -> memref<128xi32, #tpu.memory_space<vmem>>
      %dma_start3A_114 = arith.constant 0 : i32
      %dma_start3A_115 = arith.constant 0 : i32
      %dma_start3A_116 = tpu.memref_slice %arg8[%dma_start3A_114, %dma_start3A_115] : memref<10240x128xf32, #tpu.memory_space<vmem_shared>> -> memref<10240x128xf32, #tpu.memory_space<vmem_shared>>
      tpu.enqueue_indirect_dma source(%arg7 : memref<128x128xf32, #tpu.memory_space<vmem>>) target(%dma_start3A_116 : memref<10240x128xf32, #tpu.memory_space<vmem_shared>>) offsets(%dma_start3A_113 : memref<128xi32, #tpu.memory_space<vmem>>) semaphore(%arg10 : memref<!tpu.dma_semaphore, #tpu.memory_space<semaphore_mem>>) {add = true}
      %dma_wait3A = arith.constant 0 : i32
      %dma_wait3A_117 = tpu.memref_slice %arg6[%add3A_40, %dma_wait3A] : memref<16x128xi32, #tpu.memory_space<vmem>> -> memref<1x128xi32, #tpu.memory_space<vmem>>
      %dma_wait3A_118 = tpu.memref_squeeze %dma_wait3A_117 : memref<1x128xi32, #tpu.memory_space<vmem>> -> memref<128xi32, #tpu.memory_space<vmem>>
      %dma_wait3A_119 = arith.constant 0 : i32
      %dma_wait3A_120 = arith.constant 0 : i32
      %dma_wait3A_121 = tpu.memref_slice %arg8[%dma_wait3A_119, %dma_wait3A_120] : memref<10240x128xf32, #tpu.memory_space<vmem_shared>> -> memref<10240x128xf32, #tpu.memory_space<vmem_shared>>
      tpu.wait_indirect_dma semaphore(%arg10 : memref<!tpu.dma_semaphore, #tpu.memory_space<semaphore_mem>>) src(%arg7 : memref<128x128xf32, #tpu.memory_space<vmem>>) dst(%dma_wait3A_121 : memref<10240x128xf32, #tpu.memory_space<vmem_shared>>)
      %dma_wait3A_122 = arith.constant 0 : i32
      %dma_wait3A_123 = tpu.memref_slice %arg6[%add3A_50, %dma_wait3A_122] : memref<16x128xi32, #tpu.memory_space<vmem>> -> memref<1x128xi32, #tpu.memory_space<vmem>>
      %dma_wait3A_124 = tpu.memref_squeeze %dma_wait3A_123 : memref<1x128xi32, #tpu.memory_space<vmem>> -> memref<128xi32, #tpu.memory_space<vmem>>
      %dma_wait3A_125 = arith.constant 0 : i32
      %dma_wait3A_126 = arith.constant 0 : i32
      %dma_wait3A_127 = tpu.memref_slice %arg8[%dma_wait3A_125, %dma_wait3A_126] : memref<10240x128xf32, #tpu.memory_space<vmem_shared>> -> memref<10240x128xf32, #tpu.memory_space<vmem_shared>>
      tpu.wait_indirect_dma semaphore(%arg10 : memref<!tpu.dma_semaphore, #tpu.memory_space<semaphore_mem>>) src(%arg7 : memref<128x128xf32, #tpu.memory_space<vmem>>) dst(%dma_wait3A_127 : memref<10240x128xf32, #tpu.memory_space<vmem_shared>>)
      %dma_wait3A_128 = arith.constant 0 : i32
      %dma_wait3A_129 = tpu.memref_slice %arg6[%add3A_60, %dma_wait3A_128] : memref<16x128xi32, #tpu.memory_space<vmem>> -> memref<1x128xi32, #tpu.memory_space<vmem>>
      %dma_wait3A_130 = tpu.memref_squeeze %dma_wait3A_129 : memref<1x128xi32, #tpu.memory_space<vmem>> -> memref<128xi32, #tpu.memory_space<vmem>>
      %dma_wait3A_131 = arith.constant 0 : i32
      %dma_wait3A_132 = arith.constant 0 : i32
      %dma_wait3A_133 = tpu.memref_slice %arg8[%dma_wait3A_131, %dma_wait3A_132] : memref<10240x128xf32, #tpu.memory_space<vmem_shared>> -> memref<10240x128xf32, #tpu.memory_space<vmem_shared>>
      tpu.wait_indirect_dma semaphore(%arg10 : memref<!tpu.dma_semaphore, #tpu.memory_space<semaphore_mem>>) src(%arg7 : memref<128x128xf32, #tpu.memory_space<vmem>>) dst(%dma_wait3A_133 : memref<10240x128xf32, #tpu.memory_space<vmem_shared>>)
      %dma_wait3A_134 = arith.constant 0 : i32
      %dma_wait3A_135 = tpu.memref_slice %arg6[%add3A_70, %dma_wait3A_134] : memref<16x128xi32, #tpu.memory_space<vmem>> -> memref<1x128xi32, #tpu.memory_space<vmem>>
      %dma_wait3A_136 = tpu.memref_squeeze %dma_wait3A_135 : memref<1x128xi32, #tpu.memory_space<vmem>> -> memref<128xi32, #tpu.memory_space<vmem>>
      %dma_wait3A_137 = arith.constant 0 : i32
      %dma_wait3A_138 = arith.constant 0 : i32
      %dma_wait3A_139 = tpu.memref_slice %arg8[%dma_wait3A_137, %dma_wait3A_138] : memref<10240x128xf32, #tpu.memory_space<vmem_shared>> -> memref<10240x128xf32, #tpu.memory_space<vmem_shared>>
      tpu.wait_indirect_dma semaphore(%arg10 : memref<!tpu.dma_semaphore, #tpu.memory_space<semaphore_mem>>) src(%arg7 : memref<128x128xf32, #tpu.memory_space<vmem>>) dst(%dma_wait3A_139 : memref<10240x128xf32, #tpu.memory_space<vmem_shared>>)
      %dma_wait3A_140 = arith.constant 0 : i32
      %dma_wait3A_141 = tpu.memref_slice %arg6[%add3A_80, %dma_wait3A_140] : memref<16x128xi32, #tpu.memory_space<vmem>> -> memref<1x128xi32, #tpu.memory_space<vmem>>
      %dma_wait3A_142 = tpu.memref_squeeze %dma_wait3A_141 : memref<1x128xi32, #tpu.memory_space<vmem>> -> memref<128xi32, #tpu.memory_space<vmem>>
      %dma_wait3A_143 = arith.constant 0 : i32
      %dma_wait3A_144 = arith.constant 0 : i32
      %dma_wait3A_145 = tpu.memref_slice %arg8[%dma_wait3A_143, %dma_wait3A_144] : memref<10240x128xf32, #tpu.memory_space<vmem_shared>> -> memref<10240x128xf32, #tpu.memory_space<vmem_shared>>
      tpu.wait_indirect_dma semaphore(%arg10 : memref<!tpu.dma_semaphore, #tpu.memory_space<semaphore_mem>>) src(%arg7 : memref<128x128xf32, #tpu.memory_space<vmem>>) dst(%dma_wait3A_145 : memref<10240x128xf32, #tpu.memory_space<vmem_shared>>)
      %dma_wait3A_146 = arith.constant 0 : i32
      %dma_wait3A_147 = tpu.memref_slice %arg6[%add3A_90, %dma_wait3A_146] : memref<16x128xi32, #tpu.memory_space<vmem>> -> memref<1x128xi32, #tpu.memory_space<vmem>>
      %dma_wait3A_148 = tpu.memref_squeeze %dma_wait3A_147 : memref<1x128xi32, #tpu.memory_space<vmem>> -> memref<128xi32, #tpu.memory_space<vmem>>
      %dma_wait3A_149 = arith.constant 0 : i32
      %dma_wait3A_150 = arith.constant 0 : i32
      %dma_wait3A_151 = tpu.memref_slice %arg8[%dma_wait3A_149, %dma_wait3A_150] : memref<10240x128xf32, #tpu.memory_space<vmem_shared>> -> memref<10240x128xf32, #tpu.memory_space<vmem_shared>>
      tpu.wait_indirect_dma semaphore(%arg10 : memref<!tpu.dma_semaphore, #tpu.memory_space<semaphore_mem>>) src(%arg7 : memref<128x128xf32, #tpu.memory_space<vmem>>) dst(%dma_wait3A_151 : memref<10240x128xf32, #tpu.memory_space<vmem_shared>>)
      %dma_wait3A_152 = arith.constant 0 : i32
      %dma_wait3A_153 = tpu.memref_slice %arg6[%add3A_100, %dma_wait3A_152] : memref<16x128xi32, #tpu.memory_space<vmem>> -> memref<1x128xi32, #tpu.memory_space<vmem>>
      %dma_wait3A_154 = tpu.memref_squeeze %dma_wait3A_153 : memref<1x128xi32, #tpu.memory_space<vmem>> -> memref<128xi32, #tpu.memory_space<vmem>>
      %dma_wait3A_155 = arith.constant 0 : i32
      %dma_wait3A_156 = arith.constant 0 : i32
      %dma_wait3A_157 = tpu.memref_slice %arg8[%dma_wait3A_155, %dma_wait3A_156] : memref<10240x128xf32, #tpu.memory_space<vmem_shared>> -> memref<10240x128xf32, #tpu.memory_space<vmem_shared>>
      tpu.wait_indirect_dma semaphore(%arg10 : memref<!tpu.dma_semaphore, #tpu.memory_space<semaphore_mem>>) src(%arg7 : memref<128x128xf32, #tpu.memory_space<vmem>>) dst(%dma_wait3A_157 : memref<10240x128xf32, #tpu.memory_space<vmem_shared>>)
      %dma_wait3A_158 = arith.constant 0 : i32
      %dma_wait3A_159 = tpu.memref_slice %arg6[%add3A_110, %dma_wait3A_158] : memref<16x128xi32, #tpu.memory_space<vmem>> -> memref<1x128xi32, #tpu.memory_space<vmem>>
      %dma_wait3A_160 = tpu.memref_squeeze %dma_wait3A_159 : memref<1x128xi32, #tpu.memory_space<vmem>> -> memref<128xi32, #tpu.memory_space<vmem>>
      %dma_wait3A_161 = arith.constant 0 : i32
      %dma_wait3A_162 = arith.constant 0 : i32
      %dma_wait3A_163 = tpu.memref_slice %arg8[%dma_wait3A_161, %dma_wait3A_162] : memref<10240x128xf32, #tpu.memory_space<vmem_shared>> -> memref<10240x128xf32, #tpu.memory_space<vmem_shared>>
      tpu.wait_indirect_dma semaphore(%arg10 : memref<!tpu.dma_semaphore, #tpu.memory_space<semaphore_mem>>) src(%arg7 : memref<128x128xf32, #tpu.memory_space<vmem>>) dst(%dma_wait3A_163 : memref<10240x128xf32, #tpu.memory_space<vmem_shared>>)
      %dma_wait3A_164 = arith.constant 0 : i32
      %dma_wait3A_165 = tpu.memref_slice %arg6[%mul3A_27, %dma_wait3A_164] : memref<16x128xi32, #tpu.memory_space<vmem>> -> memref<8x128xi32, #tpu.memory_space<vmem>>
      %dma_wait3A_166 = arith.constant 0 : i32
      %dma_wait3A_167 = tpu.memref_slice %arg2[%add3A, %multiple_of3A, %dma_wait3A_166] : memref<32x80x128xi32, #tpu.memory_space<hbm>> -> memref<1x8x128xi32, #tpu.memory_space<hbm>>
      %dma_wait3A_168 = tpu.memref_squeeze %dma_wait3A_167 : memref<1x8x128xi32, #tpu.memory_space<hbm>> -> memref<8x128xi32, #tpu.memory_space<hbm>>
      %dma_wait3A_169 = arith.constant 0 : i32
      %dma_wait3A_170 = tpu.memref_slice %arg6[%mul3A_27, %dma_wait3A_169] : memref<16x128xi32, #tpu.memory_space<vmem>> -> memref<8x128xi32, #tpu.memory_space<vmem>>
      %dma_wait3A_171 = arith.constant 0 : i32
      %dma_wait3A_172 = tpu.memref_slice %arg2[%add3A, %multiple_of3A, %dma_wait3A_171] : memref<32x80x128xi32, #tpu.memory_space<hbm>> -> memref<1x8x128xi32, #tpu.memory_space<hbm>>
      %dma_wait3A_173 = tpu.memref_squeeze %dma_wait3A_172 : memref<1x8x128xi32, #tpu.memory_space<hbm>> -> memref<8x128xi32, #tpu.memory_space<hbm>>
      tpu.wait_dma2 semaphore(%arg9 : memref<!tpu.dma_semaphore, #tpu.memory_space<semaphore_mem>>) src(%dma_wait3A_173 : memref<8x128xi32, #tpu.memory_space<hbm>>) dst(%dma_wait3A_170 : memref<8x128xi32, #tpu.memory_space<vmem>>)
    }
    %scan3A_9 = arith.constant 10 : i32
    %barrier3A_10 = arith.constant 0 : index
    tpu.barrier barrier_id(%barrier3A_10)
    %mul3A_11 = arith.constant 640 : i32
    %mul3A_12 = arith.muli %arg1, %mul3A_11 : i32
    %mul3A_13 = arith.constant 640 : i32
    %mul3A_14 = arith.muli %arg1, %mul3A_13 : i32
    "tpu.region"() ({
      %run_scoped3A = tpu.sem_alloc : memref<!tpu.dma_semaphore, #tpu.memory_space<semaphore_mem>>
      %dma_start3A = arith.constant 0 : i32
      %dma_start3A_15 = tpu.memref_slice %arg5[%arg0, %mul3A_14, %dma_start3A] : memref<2x10240x128xf32, #tpu.memory_space<hbm>> -> memref<1x640x128xf32, #tpu.memory_space<hbm>>
      %dma_start3A_16 = tpu.memref_squeeze %dma_start3A_15 : memref<1x640x128xf32, #tpu.memory_space<hbm>> -> memref<640x128xf32, #tpu.memory_space<hbm>>
      %dma_start3A_17 = arith.constant 0 : i32
      %dma_start3A_18 = tpu.memref_slice %arg8[%mul3A_12, %dma_start3A_17] : memref<10240x128xf32, #tpu.memory_space<vmem_shared>> -> memref<640x128xf32, #tpu.memory_space<vmem_shared>>
      tpu.enqueue_dma source(%dma_start3A_18 : memref<640x128xf32, #tpu.memory_space<vmem_shared>>) target(%dma_start3A_16 : memref<640x128xf32, #tpu.memory_space<hbm>>) target_semaphore(%run_scoped3A : memref<!tpu.dma_semaphore, #tpu.memory_space<semaphore_mem>>)
      %dma_wait3A = arith.constant 0 : i32
      %dma_wait3A_19 = tpu.memref_slice %arg5[%arg0, %mul3A_14, %dma_wait3A] : memref<2x10240x128xf32, #tpu.memory_space<hbm>> -> memref<1x640x128xf32, #tpu.memory_space<hbm>>
      %dma_wait3A_20 = tpu.memref_squeeze %dma_wait3A_19 : memref<1x640x128xf32, #tpu.memory_space<hbm>> -> memref<640x128xf32, #tpu.memory_space<hbm>>
      %dma_wait3A_21 = arith.constant 0 : i32
      %dma_wait3A_22 = tpu.memref_slice %arg8[%mul3A_12, %dma_wait3A_21] : memref<10240x128xf32, #tpu.memory_space<vmem_shared>> -> memref<640x128xf32, #tpu.memory_space<vmem_shared>>
      tpu.wait_dma2 semaphore(%run_scoped3A : memref<!tpu.dma_semaphore, #tpu.memory_space<semaphore_mem>>) src(%dma_wait3A_22 : memref<640x128xf32, #tpu.memory_space<vmem_shared>>) dst(%dma_wait3A_20 : memref<640x128xf32, #tpu.memory_space<hbm>>)
      tpu.yield
    }) : () -> ()
    return
  }
}

#map = affine_map<(d0, d1) -> (0, 0)>
#map1 = affine_map<(d0, d1) -> (0, 0, 0)>
module attributes {stable_mosaic.version = 14 : i64} {
  func.func @sc_agg(%arg0: i32, %arg1: i32, %arg2: memref<10000x128xf32, #tpu.memory_space<hbm>>, %arg3: memref<32x160x64xi32, #tpu.memory_space<hbm>>, %arg4: memref<32x160x64xi32, #tpu.memory_space<hbm>>, %arg5: memref<10240x128xf32, #tpu.memory_space<hbm>>, %arg6: memref<2x10240x128xf32, #tpu.memory_space<hbm>>, %arg7: memref<16x64xi32, #tpu.memory_space<vmem>>, %arg8: memref<16x64xi32, #tpu.memory_space<vmem>>, %arg9: memref<64x128xf32, #tpu.memory_space<vmem>>, %arg10: memref<64x128xf32, #tpu.memory_space<vmem>>, %arg11: memref<64x128xf32, #tpu.memory_space<vmem>>, %arg12: memref<64x128xf32, #tpu.memory_space<vmem>>, %arg13: memref<10240x128xf32, #tpu.memory_space<vmem_shared>>, %arg14: memref<!tpu.dma_semaphore, #tpu.memory_space<semaphore_mem>>, %arg15: memref<!tpu.dma_semaphore, #tpu.memory_space<semaphore_mem>>, %arg16: memref<!tpu.dma_semaphore, #tpu.memory_space<semaphore_mem>>, %arg17: memref<!tpu.dma_semaphore, #tpu.memory_space<semaphore_mem>>, %arg18: memref<!tpu.dma_semaphore, #tpu.memory_space<semaphore_mem>>, %arg19: memref<!tpu.dma_semaphore, #tpu.memory_space<semaphore_mem>>) attributes {dimension_semantics = [#tpu.dimension_semantics<core_parallel>, #tpu.dimension_semantics<subcore_parallel>], iteration_bounds = array<i64: 2, 16>, scalar_prefetch = 0 : i64, scratch_operands = 13 : i64, tpu.core_type = #tpu.core_type<sc_vector_subcore>, window_params = [{transform_indices = #map}, {transform_indices = #map1}, {transform_indices = #map1}, {transform_indices = #map}, {transform_indices = #map1}]} {
    %mul3A = arith.constant 2 : i32
    %mul3A_0 = arith.muli %arg1, %mul3A : i32
    %add3A = arith.addi %mul3A_0, %arg0 : i32
    %mul3A_1 = arith.constant 640 : i32
    %mul3A_2 = arith.muli %arg1, %mul3A_1 : i32
    %mul3A_3 = arith.constant 640 : i32
    %mul3A_4 = arith.muli %arg1, %mul3A_3 : i32
    "tpu.region"() ({
      %run_scoped3A = tpu.sem_alloc : memref<!tpu.dma_semaphore, #tpu.memory_space<semaphore_mem>>
      %dma_start3A_55 = arith.constant 0 : i32
      %dma_start3A_56 = tpu.memref_slice %arg13[%mul3A_4, %dma_start3A_55] : memref<10240x128xf32, #tpu.memory_space<vmem_shared>> -> memref<640x128xf32, #tpu.memory_space<vmem_shared>>
      %dma_start3A_57 = arith.constant 0 : i32
      %dma_start3A_58 = tpu.memref_slice %arg5[%mul3A_2, %dma_start3A_57] : memref<10240x128xf32, #tpu.memory_space<hbm>> -> memref<640x128xf32, #tpu.memory_space<hbm>>
      tpu.enqueue_dma source(%dma_start3A_58 : memref<640x128xf32, #tpu.memory_space<hbm>>) target(%dma_start3A_56 : memref<640x128xf32, #tpu.memory_space<vmem_shared>>) target_semaphore(%run_scoped3A : memref<!tpu.dma_semaphore, #tpu.memory_space<semaphore_mem>>)
      %dma_wait3A_59 = arith.constant 0 : i32
      %dma_wait3A_60 = tpu.memref_slice %arg13[%mul3A_4, %dma_wait3A_59] : memref<10240x128xf32, #tpu.memory_space<vmem_shared>> -> memref<640x128xf32, #tpu.memory_space<vmem_shared>>
      %dma_wait3A_61 = arith.constant 0 : i32
      %dma_wait3A_62 = tpu.memref_slice %arg5[%mul3A_2, %dma_wait3A_61] : memref<10240x128xf32, #tpu.memory_space<hbm>> -> memref<640x128xf32, #tpu.memory_space<hbm>>
      tpu.wait_dma2 semaphore(%run_scoped3A : memref<!tpu.dma_semaphore, #tpu.memory_space<semaphore_mem>>) src(%dma_wait3A_62 : memref<640x128xf32, #tpu.memory_space<hbm>>) dst(%dma_wait3A_60 : memref<640x128xf32, #tpu.memory_space<vmem_shared>>)
      tpu.yield
    }) : () -> ()
    %barrier3A = arith.constant 0 : index
    tpu.barrier barrier_id(%barrier3A)
    "tpu.region"() ({
      %run_scoped3A = tpu.sem_alloc : memref<!tpu.dma_semaphore, #tpu.memory_space<semaphore_mem>>
      %dma_start3A_55 = arith.constant 0 : i32
      %dma_start3A_56 = arith.constant 0 : i32
      %dma_start3A_57 = tpu.memref_slice %arg7[%dma_start3A_55, %dma_start3A_56] : memref<16x64xi32, #tpu.memory_space<vmem>> -> memref<8x64xi32, #tpu.memory_space<vmem>>
      %dma_start3A_58 = arith.constant 0 : i32
      %dma_start3A_59 = arith.constant 0 : i32
      %dma_start3A_60 = tpu.memref_slice %arg3[%add3A, %dma_start3A_58, %dma_start3A_59] : memref<32x160x64xi32, #tpu.memory_space<hbm>> -> memref<1x8x64xi32, #tpu.memory_space<hbm>>
      %dma_start3A_61 = tpu.memref_squeeze %dma_start3A_60 : memref<1x8x64xi32, #tpu.memory_space<hbm>> -> memref<8x64xi32, #tpu.memory_space<hbm>>
      %dma_start3A_62 = arith.constant 0 : i32
      %dma_start3A_63 = arith.constant 0 : i32
      %dma_start3A_64 = tpu.memref_slice %arg7[%dma_start3A_62, %dma_start3A_63] : memref<16x64xi32, #tpu.memory_space<vmem>> -> memref<8x64xi32, #tpu.memory_space<vmem>>
      %dma_start3A_65 = arith.constant 0 : i32
      %dma_start3A_66 = arith.constant 0 : i32
      %dma_start3A_67 = tpu.memref_slice %arg3[%add3A, %dma_start3A_65, %dma_start3A_66] : memref<32x160x64xi32, #tpu.memory_space<hbm>> -> memref<1x8x64xi32, #tpu.memory_space<hbm>>
      %dma_start3A_68 = tpu.memref_squeeze %dma_start3A_67 : memref<1x8x64xi32, #tpu.memory_space<hbm>> -> memref<8x64xi32, #tpu.memory_space<hbm>>
      tpu.enqueue_dma source(%dma_start3A_68 : memref<8x64xi32, #tpu.memory_space<hbm>>) target(%dma_start3A_64 : memref<8x64xi32, #tpu.memory_space<vmem>>) target_semaphore(%run_scoped3A : memref<!tpu.dma_semaphore, #tpu.memory_space<semaphore_mem>>)
      %dma_wait3A_69 = arith.constant 0 : i32
      %dma_wait3A_70 = arith.constant 0 : i32
      %dma_wait3A_71 = tpu.memref_slice %arg7[%dma_wait3A_69, %dma_wait3A_70] : memref<16x64xi32, #tpu.memory_space<vmem>> -> memref<8x64xi32, #tpu.memory_space<vmem>>
      %dma_wait3A_72 = arith.constant 0 : i32
      %dma_wait3A_73 = arith.constant 0 : i32
      %dma_wait3A_74 = tpu.memref_slice %arg3[%add3A, %dma_wait3A_72, %dma_wait3A_73] : memref<32x160x64xi32, #tpu.memory_space<hbm>> -> memref<1x8x64xi32, #tpu.memory_space<hbm>>
      %dma_wait3A_75 = tpu.memref_squeeze %dma_wait3A_74 : memref<1x8x64xi32, #tpu.memory_space<hbm>> -> memref<8x64xi32, #tpu.memory_space<hbm>>
      %dma_wait3A_76 = arith.constant 0 : i32
      %dma_wait3A_77 = arith.constant 0 : i32
      %dma_wait3A_78 = tpu.memref_slice %arg7[%dma_wait3A_76, %dma_wait3A_77] : memref<16x64xi32, #tpu.memory_space<vmem>> -> memref<8x64xi32, #tpu.memory_space<vmem>>
      %dma_wait3A_79 = arith.constant 0 : i32
      %dma_wait3A_80 = arith.constant 0 : i32
      %dma_wait3A_81 = tpu.memref_slice %arg3[%add3A, %dma_wait3A_79, %dma_wait3A_80] : memref<32x160x64xi32, #tpu.memory_space<hbm>> -> memref<1x8x64xi32, #tpu.memory_space<hbm>>
      %dma_wait3A_82 = tpu.memref_squeeze %dma_wait3A_81 : memref<1x8x64xi32, #tpu.memory_space<hbm>> -> memref<8x64xi32, #tpu.memory_space<hbm>>
      tpu.wait_dma2 semaphore(%run_scoped3A : memref<!tpu.dma_semaphore, #tpu.memory_space<semaphore_mem>>) src(%dma_wait3A_82 : memref<8x64xi32, #tpu.memory_space<hbm>>) dst(%dma_wait3A_78 : memref<8x64xi32, #tpu.memory_space<vmem>>)
      tpu.yield
    }) : () -> ()
    "tpu.region"() ({
      %run_scoped3A = tpu.sem_alloc : memref<!tpu.dma_semaphore, #tpu.memory_space<semaphore_mem>>
      %dma_start3A_55 = arith.constant 0 : i32
      %dma_start3A_56 = arith.constant 0 : i32
      %dma_start3A_57 = tpu.memref_slice %arg8[%dma_start3A_55, %dma_start3A_56] : memref<16x64xi32, #tpu.memory_space<vmem>> -> memref<8x64xi32, #tpu.memory_space<vmem>>
      %dma_start3A_58 = arith.constant 0 : i32
      %dma_start3A_59 = arith.constant 0 : i32
      %dma_start3A_60 = tpu.memref_slice %arg4[%add3A, %dma_start3A_58, %dma_start3A_59] : memref<32x160x64xi32, #tpu.memory_space<hbm>> -> memref<1x8x64xi32, #tpu.memory_space<hbm>>
      %dma_start3A_61 = tpu.memref_squeeze %dma_start3A_60 : memref<1x8x64xi32, #tpu.memory_space<hbm>> -> memref<8x64xi32, #tpu.memory_space<hbm>>
      %dma_start3A_62 = arith.constant 0 : i32
      %dma_start3A_63 = arith.constant 0 : i32
      %dma_start3A_64 = tpu.memref_slice %arg8[%dma_start3A_62, %dma_start3A_63] : memref<16x64xi32, #tpu.memory_space<vmem>> -> memref<8x64xi32, #tpu.memory_space<vmem>>
      %dma_start3A_65 = arith.constant 0 : i32
      %dma_start3A_66 = arith.constant 0 : i32
      %dma_start3A_67 = tpu.memref_slice %arg4[%add3A, %dma_start3A_65, %dma_start3A_66] : memref<32x160x64xi32, #tpu.memory_space<hbm>> -> memref<1x8x64xi32, #tpu.memory_space<hbm>>
      %dma_start3A_68 = tpu.memref_squeeze %dma_start3A_67 : memref<1x8x64xi32, #tpu.memory_space<hbm>> -> memref<8x64xi32, #tpu.memory_space<hbm>>
      tpu.enqueue_dma source(%dma_start3A_68 : memref<8x64xi32, #tpu.memory_space<hbm>>) target(%dma_start3A_64 : memref<8x64xi32, #tpu.memory_space<vmem>>) target_semaphore(%run_scoped3A : memref<!tpu.dma_semaphore, #tpu.memory_space<semaphore_mem>>)
      %dma_wait3A_69 = arith.constant 0 : i32
      %dma_wait3A_70 = arith.constant 0 : i32
      %dma_wait3A_71 = tpu.memref_slice %arg8[%dma_wait3A_69, %dma_wait3A_70] : memref<16x64xi32, #tpu.memory_space<vmem>> -> memref<8x64xi32, #tpu.memory_space<vmem>>
      %dma_wait3A_72 = arith.constant 0 : i32
      %dma_wait3A_73 = arith.constant 0 : i32
      %dma_wait3A_74 = tpu.memref_slice %arg4[%add3A, %dma_wait3A_72, %dma_wait3A_73] : memref<32x160x64xi32, #tpu.memory_space<hbm>> -> memref<1x8x64xi32, #tpu.memory_space<hbm>>
      %dma_wait3A_75 = tpu.memref_squeeze %dma_wait3A_74 : memref<1x8x64xi32, #tpu.memory_space<hbm>> -> memref<8x64xi32, #tpu.memory_space<hbm>>
      %dma_wait3A_76 = arith.constant 0 : i32
      %dma_wait3A_77 = arith.constant 0 : i32
      %dma_wait3A_78 = tpu.memref_slice %arg8[%dma_wait3A_76, %dma_wait3A_77] : memref<16x64xi32, #tpu.memory_space<vmem>> -> memref<8x64xi32, #tpu.memory_space<vmem>>
      %dma_wait3A_79 = arith.constant 0 : i32
      %dma_wait3A_80 = arith.constant 0 : i32
      %dma_wait3A_81 = tpu.memref_slice %arg4[%add3A, %dma_wait3A_79, %dma_wait3A_80] : memref<32x160x64xi32, #tpu.memory_space<hbm>> -> memref<1x8x64xi32, #tpu.memory_space<hbm>>
      %dma_wait3A_82 = tpu.memref_squeeze %dma_wait3A_81 : memref<1x8x64xi32, #tpu.memory_space<hbm>> -> memref<8x64xi32, #tpu.memory_space<hbm>>
      tpu.wait_dma2 semaphore(%run_scoped3A : memref<!tpu.dma_semaphore, #tpu.memory_space<semaphore_mem>>) src(%dma_wait3A_82 : memref<8x64xi32, #tpu.memory_space<hbm>>) dst(%dma_wait3A_78 : memref<8x64xi32, #tpu.memory_space<vmem>>)
      tpu.yield
    }) : () -> ()
    %dma_start3A = arith.constant 0 : i32
    %dma_start3A_5 = arith.constant 0 : i32
    %dma_start3A_6 = tpu.memref_slice %arg7[%dma_start3A, %dma_start3A_5] : memref<16x64xi32, #tpu.memory_space<vmem>> -> memref<1x64xi32, #tpu.memory_space<vmem>>
    %dma_start3A_7 = tpu.memref_squeeze %dma_start3A_6 : memref<1x64xi32, #tpu.memory_space<vmem>> -> memref<64xi32, #tpu.memory_space<vmem>>
    %dma_start3A_8 = arith.constant 0 : i32
    %dma_start3A_9 = arith.constant 0 : i32
    %dma_start3A_10 = tpu.memref_slice %arg2[%dma_start3A_8, %dma_start3A_9] : memref<10000x128xf32, #tpu.memory_space<hbm>> -> memref<10000x128xf32, #tpu.memory_space<hbm>>
    tpu.enqueue_indirect_dma source(%dma_start3A_10 : memref<10000x128xf32, #tpu.memory_space<hbm>>) target(%arg9 : memref<64x128xf32, #tpu.memory_space<vmem>>) offsets(%dma_start3A_7 : memref<64xi32, #tpu.memory_space<vmem>>) semaphore(%arg14 : memref<!tpu.dma_semaphore, #tpu.memory_space<semaphore_mem>>)
    %dma_start3A_11 = arith.constant 1 : i32
    %dma_start3A_12 = arith.constant 0 : i32
    %dma_start3A_13 = tpu.memref_slice %arg7[%dma_start3A_11, %dma_start3A_12] : memref<16x64xi32, #tpu.memory_space<vmem>> -> memref<1x64xi32, #tpu.memory_space<vmem>>
    %dma_start3A_14 = tpu.memref_squeeze %dma_start3A_13 : memref<1x64xi32, #tpu.memory_space<vmem>> -> memref<64xi32, #tpu.memory_space<vmem>>
    %dma_start3A_15 = arith.constant 0 : i32
    %dma_start3A_16 = arith.constant 0 : i32
    %dma_start3A_17 = tpu.memref_slice %arg2[%dma_start3A_15, %dma_start3A_16] : memref<10000x128xf32, #tpu.memory_space<hbm>> -> memref<10000x128xf32, #tpu.memory_space<hbm>>
    tpu.enqueue_indirect_dma source(%dma_start3A_17 : memref<10000x128xf32, #tpu.memory_space<hbm>>) target(%arg10 : memref<64x128xf32, #tpu.memory_space<vmem>>) offsets(%dma_start3A_14 : memref<64xi32, #tpu.memory_space<vmem>>) semaphore(%arg15 : memref<!tpu.dma_semaphore, #tpu.memory_space<semaphore_mem>>)
    %dma_start3A_18 = arith.constant 2 : i32
    %dma_start3A_19 = arith.constant 0 : i32
    %dma_start3A_20 = tpu.memref_slice %arg7[%dma_start3A_18, %dma_start3A_19] : memref<16x64xi32, #tpu.memory_space<vmem>> -> memref<1x64xi32, #tpu.memory_space<vmem>>
    %dma_start3A_21 = tpu.memref_squeeze %dma_start3A_20 : memref<1x64xi32, #tpu.memory_space<vmem>> -> memref<64xi32, #tpu.memory_space<vmem>>
    %dma_start3A_22 = arith.constant 0 : i32
    %dma_start3A_23 = arith.constant 0 : i32
    %dma_start3A_24 = tpu.memref_slice %arg2[%dma_start3A_22, %dma_start3A_23] : memref<10000x128xf32, #tpu.memory_space<hbm>> -> memref<10000x128xf32, #tpu.memory_space<hbm>>
    tpu.enqueue_indirect_dma source(%dma_start3A_24 : memref<10000x128xf32, #tpu.memory_space<hbm>>) target(%arg11 : memref<64x128xf32, #tpu.memory_space<vmem>>) offsets(%dma_start3A_21 : memref<64xi32, #tpu.memory_space<vmem>>) semaphore(%arg16 : memref<!tpu.dma_semaphore, #tpu.memory_space<semaphore_mem>>)
    %scan3A = arith.constant 0 : i32
    %scan3A_25 = arith.constant 0 : i32
    %scan3A_26 = arith.constant 20 : i32
    %scan3A_27 = arith.addi %scan3A_25, %scan3A_26 : i32
    %scan3A_28 = arith.constant 1 : i32
    scf.for %scan3A_55 = %scan3A_25 to %scan3A_27 step %scan3A_28  : i32 {
      %rem3A = arith.constant 2 : i32
      %rem3A_56 = arith.remsi %scan3A_55, %rem3A : i32
      %add3A_57 = arith.constant 1 : i32
      %add3A_58 = arith.addi %scan3A_55, %add3A_57 : i32
      %rem3A_59 = arith.constant 2 : i32
      %rem3A_60 = arith.remsi %add3A_58, %rem3A_59 : i32
      %add3A_61 = arith.constant 1 : i32
      %add3A_62 = arith.addi %scan3A_55, %add3A_61 : i32
      %min3A = arith.constant 19 : i32
      %min3A_63 = arith.minsi %add3A_62, %min3A : i32
      %mul3A_64 = arith.constant 8 : i32
      %mul3A_65 = arith.muli %min3A_63, %mul3A_64 : i32
      %multiple_of3A = tpu.assume_multiple %mul3A_65, 8 : i32
      %mul3A_66 = arith.constant 8 : i32
      %mul3A_67 = arith.muli %rem3A_60, %mul3A_66 : i32
      %dma_start3A_68 = arith.constant 0 : i32
      %dma_start3A_69 = tpu.memref_slice %arg7[%mul3A_67, %dma_start3A_68] : memref<16x64xi32, #tpu.memory_space<vmem>> -> memref<8x64xi32, #tpu.memory_space<vmem>>
      %dma_start3A_70 = arith.constant 0 : i32
      %dma_start3A_71 = tpu.memref_slice %arg3[%add3A, %multiple_of3A, %dma_start3A_70] : memref<32x160x64xi32, #tpu.memory_space<hbm>> -> memref<1x8x64xi32, #tpu.memory_space<hbm>>
      %dma_start3A_72 = tpu.memref_squeeze %dma_start3A_71 : memref<1x8x64xi32, #tpu.memory_space<hbm>> -> memref<8x64xi32, #tpu.memory_space<hbm>>
      %dma_start3A_73 = arith.constant 0 : i32
      %dma_start3A_74 = tpu.memref_slice %arg7[%mul3A_67, %dma_start3A_73] : memref<16x64xi32, #tpu.memory_space<vmem>> -> memref<8x64xi32, #tpu.memory_space<vmem>>
      %dma_start3A_75 = arith.constant 0 : i32
      %dma_start3A_76 = tpu.memref_slice %arg3[%add3A, %multiple_of3A, %dma_start3A_75] : memref<32x160x64xi32, #tpu.memory_space<hbm>> -> memref<1x8x64xi32, #tpu.memory_space<hbm>>
      %dma_start3A_77 = tpu.memref_squeeze %dma_start3A_76 : memref<1x8x64xi32, #tpu.memory_space<hbm>> -> memref<8x64xi32, #tpu.memory_space<hbm>>
      tpu.enqueue_dma source(%dma_start3A_77 : memref<8x64xi32, #tpu.memory_space<hbm>>) target(%dma_start3A_74 : memref<8x64xi32, #tpu.memory_space<vmem>>) target_semaphore(%arg18 : memref<!tpu.dma_semaphore, #tpu.memory_space<semaphore_mem>>)
      %mul3A_78 = arith.constant 8 : i32
      %mul3A_79 = arith.muli %rem3A_60, %mul3A_78 : i32
      %dma_start3A_80 = arith.constant 0 : i32
      %dma_start3A_81 = tpu.memref_slice %arg8[%mul3A_79, %dma_start3A_80] : memref<16x64xi32, #tpu.memory_space<vmem>> -> memref<8x64xi32, #tpu.memory_space<vmem>>
      %dma_start3A_82 = arith.constant 0 : i32
      %dma_start3A_83 = tpu.memref_slice %arg4[%add3A, %multiple_of3A, %dma_start3A_82] : memref<32x160x64xi32, #tpu.memory_space<hbm>> -> memref<1x8x64xi32, #tpu.memory_space<hbm>>
      %dma_start3A_84 = tpu.memref_squeeze %dma_start3A_83 : memref<1x8x64xi32, #tpu.memory_space<hbm>> -> memref<8x64xi32, #tpu.memory_space<hbm>>
      %dma_start3A_85 = arith.constant 0 : i32
      %dma_start3A_86 = tpu.memref_slice %arg8[%mul3A_79, %dma_start3A_85] : memref<16x64xi32, #tpu.memory_space<vmem>> -> memref<8x64xi32, #tpu.memory_space<vmem>>
      %dma_start3A_87 = arith.constant 0 : i32
      %dma_start3A_88 = tpu.memref_slice %arg4[%add3A, %multiple_of3A, %dma_start3A_87] : memref<32x160x64xi32, #tpu.memory_space<hbm>> -> memref<1x8x64xi32, #tpu.memory_space<hbm>>
      %dma_start3A_89 = tpu.memref_squeeze %dma_start3A_88 : memref<1x8x64xi32, #tpu.memory_space<hbm>> -> memref<8x64xi32, #tpu.memory_space<hbm>>
      tpu.enqueue_dma source(%dma_start3A_89 : memref<8x64xi32, #tpu.memory_space<hbm>>) target(%dma_start3A_86 : memref<8x64xi32, #tpu.memory_space<vmem>>) target_semaphore(%arg19 : memref<!tpu.dma_semaphore, #tpu.memory_space<semaphore_mem>>)
      %mul3A_90 = arith.constant 8 : i32
      %mul3A_91 = arith.muli %rem3A_56, %mul3A_90 : i32
      %add3A_92 = arith.constant 0 : i32
      %add3A_93 = arith.addi %mul3A_91, %add3A_92 : i32
      %dma_wait3A_94 = arith.constant 0 : i32
      %dma_wait3A_95 = tpu.memref_slice %arg7[%add3A_93, %dma_wait3A_94] : memref<16x64xi32, #tpu.memory_space<vmem>> -> memref<1x64xi32, #tpu.memory_space<vmem>>
      %dma_wait3A_96 = tpu.memref_squeeze %dma_wait3A_95 : memref<1x64xi32, #tpu.memory_space<vmem>> -> memref<64xi32, #tpu.memory_space<vmem>>
      %dma_wait3A_97 = arith.constant 0 : i32
      %dma_wait3A_98 = arith.constant 0 : i32
      %dma_wait3A_99 = tpu.memref_slice %arg2[%dma_wait3A_97, %dma_wait3A_98] : memref<10000x128xf32, #tpu.memory_space<hbm>> -> memref<10000x128xf32, #tpu.memory_space<hbm>>
      tpu.wait_indirect_dma semaphore(%arg14 : memref<!tpu.dma_semaphore, #tpu.memory_space<semaphore_mem>>) src(%dma_wait3A_99 : memref<10000x128xf32, #tpu.memory_space<hbm>>) dst(%arg9 : memref<64x128xf32, #tpu.memory_space<vmem>>)
      %add3A_100 = arith.constant 3 : i32
      %add3A_101 = arith.addi %add3A_93, %add3A_100 : i32
      %dma_start3A_102 = arith.constant 0 : i32
      %dma_start3A_103 = tpu.memref_slice %arg7[%add3A_101, %dma_start3A_102] : memref<16x64xi32, #tpu.memory_space<vmem>> -> memref<1x64xi32, #tpu.memory_space<vmem>>
      %dma_start3A_104 = tpu.memref_squeeze %dma_start3A_103 : memref<1x64xi32, #tpu.memory_space<vmem>> -> memref<64xi32, #tpu.memory_space<vmem>>
      %dma_start3A_105 = arith.constant 0 : i32
      %dma_start3A_106 = arith.constant 0 : i32
      %dma_start3A_107 = tpu.memref_slice %arg2[%dma_start3A_105, %dma_start3A_106] : memref<10000x128xf32, #tpu.memory_space<hbm>> -> memref<10000x128xf32, #tpu.memory_space<hbm>>
      tpu.enqueue_indirect_dma source(%dma_start3A_107 : memref<10000x128xf32, #tpu.memory_space<hbm>>) target(%arg12 : memref<64x128xf32, #tpu.memory_space<vmem>>) offsets(%dma_start3A_104 : memref<64xi32, #tpu.memory_space<vmem>>) semaphore(%arg17 : memref<!tpu.dma_semaphore, #tpu.memory_space<semaphore_mem>>)
      "tpu.region"() ({
        %run_scoped3A = tpu.sem_alloc : memref<!tpu.dma_semaphore, #tpu.memory_space<semaphore_mem>>
        %dma_start3A_260 = arith.constant 0 : i32
        %dma_start3A_261 = tpu.memref_slice %arg8[%add3A_93, %dma_start3A_260] : memref<16x64xi32, #tpu.memory_space<vmem>> -> memref<1x64xi32, #tpu.memory_space<vmem>>
        %dma_start3A_262 = tpu.memref_squeeze %dma_start3A_261 : memref<1x64xi32, #tpu.memory_space<vmem>> -> memref<64xi32, #tpu.memory_space<vmem>>
        %dma_start3A_263 = arith.constant 0 : i32
        %dma_start3A_264 = arith.constant 0 : i32
        %dma_start3A_265 = tpu.memref_slice %arg13[%dma_start3A_263, %dma_start3A_264] : memref<10240x128xf32, #tpu.memory_space<vmem_shared>> -> memref<10240x128xf32, #tpu.memory_space<vmem_shared>>
        tpu.enqueue_indirect_dma source(%arg9 : memref<64x128xf32, #tpu.memory_space<vmem>>) target(%dma_start3A_265 : memref<10240x128xf32, #tpu.memory_space<vmem_shared>>) offsets(%dma_start3A_262 : memref<64xi32, #tpu.memory_space<vmem>>) semaphore(%run_scoped3A : memref<!tpu.dma_semaphore, #tpu.memory_space<semaphore_mem>>) {add = true}
        %dma_wait3A_266 = arith.constant 0 : i32
        %dma_wait3A_267 = tpu.memref_slice %arg8[%add3A_93, %dma_wait3A_266] : memref<16x64xi32, #tpu.memory_space<vmem>> -> memref<1x64xi32, #tpu.memory_space<vmem>>
        %dma_wait3A_268 = tpu.memref_squeeze %dma_wait3A_267 : memref<1x64xi32, #tpu.memory_space<vmem>> -> memref<64xi32, #tpu.memory_space<vmem>>
        %dma_wait3A_269 = arith.constant 0 : i32
        %dma_wait3A_270 = arith.constant 0 : i32
        %dma_wait3A_271 = tpu.memref_slice %arg13[%dma_wait3A_269, %dma_wait3A_270] : memref<10240x128xf32, #tpu.memory_space<vmem_shared>> -> memref<10240x128xf32, #tpu.memory_space<vmem_shared>>
        tpu.wait_indirect_dma semaphore(%run_scoped3A : memref<!tpu.dma_semaphore, #tpu.memory_space<semaphore_mem>>) src(%arg9 : memref<64x128xf32, #tpu.memory_space<vmem>>) dst(%dma_wait3A_271 : memref<10240x128xf32, #tpu.memory_space<vmem_shared>>)
        tpu.yield
      }) : () -> ()
      %mul3A_108 = arith.constant 8 : i32
      %mul3A_109 = arith.muli %rem3A_56, %mul3A_108 : i32
      %add3A_110 = arith.constant 1 : i32
      %add3A_111 = arith.addi %mul3A_109, %add3A_110 : i32
      %dma_wait3A_112 = arith.constant 0 : i32
      %dma_wait3A_113 = tpu.memref_slice %arg7[%add3A_111, %dma_wait3A_112] : memref<16x64xi32, #tpu.memory_space<vmem>> -> memref<1x64xi32, #tpu.memory_space<vmem>>
      %dma_wait3A_114 = tpu.memref_squeeze %dma_wait3A_113 : memref<1x64xi32, #tpu.memory_space<vmem>> -> memref<64xi32, #tpu.memory_space<vmem>>
      %dma_wait3A_115 = arith.constant 0 : i32
      %dma_wait3A_116 = arith.constant 0 : i32
      %dma_wait3A_117 = tpu.memref_slice %arg2[%dma_wait3A_115, %dma_wait3A_116] : memref<10000x128xf32, #tpu.memory_space<hbm>> -> memref<10000x128xf32, #tpu.memory_space<hbm>>
      tpu.wait_indirect_dma semaphore(%arg15 : memref<!tpu.dma_semaphore, #tpu.memory_space<semaphore_mem>>) src(%dma_wait3A_117 : memref<10000x128xf32, #tpu.memory_space<hbm>>) dst(%arg10 : memref<64x128xf32, #tpu.memory_space<vmem>>)
      %add3A_118 = arith.constant 3 : i32
      %add3A_119 = arith.addi %add3A_111, %add3A_118 : i32
      %dma_start3A_120 = arith.constant 0 : i32
      %dma_start3A_121 = tpu.memref_slice %arg7[%add3A_119, %dma_start3A_120] : memref<16x64xi32, #tpu.memory_space<vmem>> -> memref<1x64xi32, #tpu.memory_space<vmem>>
      %dma_start3A_122 = tpu.memref_squeeze %dma_start3A_121 : memref<1x64xi32, #tpu.memory_space<vmem>> -> memref<64xi32, #tpu.memory_space<vmem>>
      %dma_start3A_123 = arith.constant 0 : i32
      %dma_start3A_124 = arith.constant 0 : i32
      %dma_start3A_125 = tpu.memref_slice %arg2[%dma_start3A_123, %dma_start3A_124] : memref<10000x128xf32, #tpu.memory_space<hbm>> -> memref<10000x128xf32, #tpu.memory_space<hbm>>
      tpu.enqueue_indirect_dma source(%dma_start3A_125 : memref<10000x128xf32, #tpu.memory_space<hbm>>) target(%arg9 : memref<64x128xf32, #tpu.memory_space<vmem>>) offsets(%dma_start3A_122 : memref<64xi32, #tpu.memory_space<vmem>>) semaphore(%arg14 : memref<!tpu.dma_semaphore, #tpu.memory_space<semaphore_mem>>)
      "tpu.region"() ({
        %run_scoped3A = tpu.sem_alloc : memref<!tpu.dma_semaphore, #tpu.memory_space<semaphore_mem>>
        %dma_start3A_260 = arith.constant 0 : i32
        %dma_start3A_261 = tpu.memref_slice %arg8[%add3A_111, %dma_start3A_260] : memref<16x64xi32, #tpu.memory_space<vmem>> -> memref<1x64xi32, #tpu.memory_space<vmem>>
        %dma_start3A_262 = tpu.memref_squeeze %dma_start3A_261 : memref<1x64xi32, #tpu.memory_space<vmem>> -> memref<64xi32, #tpu.memory_space<vmem>>
        %dma_start3A_263 = arith.constant 0 : i32
        %dma_start3A_264 = arith.constant 0 : i32
        %dma_start3A_265 = tpu.memref_slice %arg13[%dma_start3A_263, %dma_start3A_264] : memref<10240x128xf32, #tpu.memory_space<vmem_shared>> -> memref<10240x128xf32, #tpu.memory_space<vmem_shared>>
        tpu.enqueue_indirect_dma source(%arg10 : memref<64x128xf32, #tpu.memory_space<vmem>>) target(%dma_start3A_265 : memref<10240x128xf32, #tpu.memory_space<vmem_shared>>) offsets(%dma_start3A_262 : memref<64xi32, #tpu.memory_space<vmem>>) semaphore(%run_scoped3A : memref<!tpu.dma_semaphore, #tpu.memory_space<semaphore_mem>>) {add = true}
        %dma_wait3A_266 = arith.constant 0 : i32
        %dma_wait3A_267 = tpu.memref_slice %arg8[%add3A_111, %dma_wait3A_266] : memref<16x64xi32, #tpu.memory_space<vmem>> -> memref<1x64xi32, #tpu.memory_space<vmem>>
        %dma_wait3A_268 = tpu.memref_squeeze %dma_wait3A_267 : memref<1x64xi32, #tpu.memory_space<vmem>> -> memref<64xi32, #tpu.memory_space<vmem>>
        %dma_wait3A_269 = arith.constant 0 : i32
        %dma_wait3A_270 = arith.constant 0 : i32
        %dma_wait3A_271 = tpu.memref_slice %arg13[%dma_wait3A_269, %dma_wait3A_270] : memref<10240x128xf32, #tpu.memory_space<vmem_shared>> -> memref<10240x128xf32, #tpu.memory_space<vmem_shared>>
        tpu.wait_indirect_dma semaphore(%run_scoped3A : memref<!tpu.dma_semaphore, #tpu.memory_space<semaphore_mem>>) src(%arg10 : memref<64x128xf32, #tpu.memory_space<vmem>>) dst(%dma_wait3A_271 : memref<10240x128xf32, #tpu.memory_space<vmem_shared>>)
        tpu.yield
      }) : () -> ()
      %mul3A_126 = arith.constant 8 : i32
      %mul3A_127 = arith.muli %rem3A_56, %mul3A_126 : i32
      %add3A_128 = arith.constant 2 : i32
      %add3A_129 = arith.addi %mul3A_127, %add3A_128 : i32
      %dma_wait3A_130 = arith.constant 0 : i32
      %dma_wait3A_131 = tpu.memref_slice %arg7[%add3A_129, %dma_wait3A_130] : memref<16x64xi32, #tpu.memory_space<vmem>> -> memref<1x64xi32, #tpu.memory_space<vmem>>
      %dma_wait3A_132 = tpu.memref_squeeze %dma_wait3A_131 : memref<1x64xi32, #tpu.memory_space<vmem>> -> memref<64xi32, #tpu.memory_space<vmem>>
      %dma_wait3A_133 = arith.constant 0 : i32
      %dma_wait3A_134 = arith.constant 0 : i32
      %dma_wait3A_135 = tpu.memref_slice %arg2[%dma_wait3A_133, %dma_wait3A_134] : memref<10000x128xf32, #tpu.memory_space<hbm>> -> memref<10000x128xf32, #tpu.memory_space<hbm>>
      tpu.wait_indirect_dma semaphore(%arg16 : memref<!tpu.dma_semaphore, #tpu.memory_space<semaphore_mem>>) src(%dma_wait3A_135 : memref<10000x128xf32, #tpu.memory_space<hbm>>) dst(%arg11 : memref<64x128xf32, #tpu.memory_space<vmem>>)
      %add3A_136 = arith.constant 3 : i32
      %add3A_137 = arith.addi %add3A_129, %add3A_136 : i32
      %dma_start3A_138 = arith.constant 0 : i32
      %dma_start3A_139 = tpu.memref_slice %arg7[%add3A_137, %dma_start3A_138] : memref<16x64xi32, #tpu.memory_space<vmem>> -> memref<1x64xi32, #tpu.memory_space<vmem>>
      %dma_start3A_140 = tpu.memref_squeeze %dma_start3A_139 : memref<1x64xi32, #tpu.memory_space<vmem>> -> memref<64xi32, #tpu.memory_space<vmem>>
      %dma_start3A_141 = arith.constant 0 : i32
      %dma_start3A_142 = arith.constant 0 : i32
      %dma_start3A_143 = tpu.memref_slice %arg2[%dma_start3A_141, %dma_start3A_142] : memref<10000x128xf32, #tpu.memory_space<hbm>> -> memref<10000x128xf32, #tpu.memory_space<hbm>>
      tpu.enqueue_indirect_dma source(%dma_start3A_143 : memref<10000x128xf32, #tpu.memory_space<hbm>>) target(%arg10 : memref<64x128xf32, #tpu.memory_space<vmem>>) offsets(%dma_start3A_140 : memref<64xi32, #tpu.memory_space<vmem>>) semaphore(%arg15 : memref<!tpu.dma_semaphore, #tpu.memory_space<semaphore_mem>>)
      "tpu.region"() ({
        %run_scoped3A = tpu.sem_alloc : memref<!tpu.dma_semaphore, #tpu.memory_space<semaphore_mem>>
        %dma_start3A_260 = arith.constant 0 : i32
        %dma_start3A_261 = tpu.memref_slice %arg8[%add3A_129, %dma_start3A_260] : memref<16x64xi32, #tpu.memory_space<vmem>> -> memref<1x64xi32, #tpu.memory_space<vmem>>
        %dma_start3A_262 = tpu.memref_squeeze %dma_start3A_261 : memref<1x64xi32, #tpu.memory_space<vmem>> -> memref<64xi32, #tpu.memory_space<vmem>>
        %dma_start3A_263 = arith.constant 0 : i32
        %dma_start3A_264 = arith.constant 0 : i32
        %dma_start3A_265 = tpu.memref_slice %arg13[%dma_start3A_263, %dma_start3A_264] : memref<10240x128xf32, #tpu.memory_space<vmem_shared>> -> memref<10240x128xf32, #tpu.memory_space<vmem_shared>>
        tpu.enqueue_indirect_dma source(%arg11 : memref<64x128xf32, #tpu.memory_space<vmem>>) target(%dma_start3A_265 : memref<10240x128xf32, #tpu.memory_space<vmem_shared>>) offsets(%dma_start3A_262 : memref<64xi32, #tpu.memory_space<vmem>>) semaphore(%run_scoped3A : memref<!tpu.dma_semaphore, #tpu.memory_space<semaphore_mem>>) {add = true}
        %dma_wait3A_266 = arith.constant 0 : i32
        %dma_wait3A_267 = tpu.memref_slice %arg8[%add3A_129, %dma_wait3A_266] : memref<16x64xi32, #tpu.memory_space<vmem>> -> memref<1x64xi32, #tpu.memory_space<vmem>>
        %dma_wait3A_268 = tpu.memref_squeeze %dma_wait3A_267 : memref<1x64xi32, #tpu.memory_space<vmem>> -> memref<64xi32, #tpu.memory_space<vmem>>
        %dma_wait3A_269 = arith.constant 0 : i32
        %dma_wait3A_270 = arith.constant 0 : i32
        %dma_wait3A_271 = tpu.memref_slice %arg13[%dma_wait3A_269, %dma_wait3A_270] : memref<10240x128xf32, #tpu.memory_space<vmem_shared>> -> memref<10240x128xf32, #tpu.memory_space<vmem_shared>>
        tpu.wait_indirect_dma semaphore(%run_scoped3A : memref<!tpu.dma_semaphore, #tpu.memory_space<semaphore_mem>>) src(%arg11 : memref<64x128xf32, #tpu.memory_space<vmem>>) dst(%dma_wait3A_271 : memref<10240x128xf32, #tpu.memory_space<vmem_shared>>)
        tpu.yield
      }) : () -> ()
      %mul3A_144 = arith.constant 8 : i32
      %mul3A_145 = arith.muli %rem3A_56, %mul3A_144 : i32
      %add3A_146 = arith.constant 3 : i32
      %add3A_147 = arith.addi %mul3A_145, %add3A_146 : i32
      %dma_wait3A_148 = arith.constant 0 : i32
      %dma_wait3A_149 = tpu.memref_slice %arg7[%add3A_101, %dma_wait3A_148] : memref<16x64xi32, #tpu.memory_space<vmem>> -> memref<1x64xi32, #tpu.memory_space<vmem>>
      %dma_wait3A_150 = tpu.memref_squeeze %dma_wait3A_149 : memref<1x64xi32, #tpu.memory_space<vmem>> -> memref<64xi32, #tpu.memory_space<vmem>>
      %dma_wait3A_151 = arith.constant 0 : i32
      %dma_wait3A_152 = arith.constant 0 : i32
      %dma_wait3A_153 = tpu.memref_slice %arg2[%dma_wait3A_151, %dma_wait3A_152] : memref<10000x128xf32, #tpu.memory_space<hbm>> -> memref<10000x128xf32, #tpu.memory_space<hbm>>
      tpu.wait_indirect_dma semaphore(%arg17 : memref<!tpu.dma_semaphore, #tpu.memory_space<semaphore_mem>>) src(%dma_wait3A_153 : memref<10000x128xf32, #tpu.memory_space<hbm>>) dst(%arg12 : memref<64x128xf32, #tpu.memory_space<vmem>>)
      %add3A_154 = arith.constant 3 : i32
      %add3A_155 = arith.addi %add3A_147, %add3A_154 : i32
      %dma_start3A_156 = arith.constant 0 : i32
      %dma_start3A_157 = tpu.memref_slice %arg7[%add3A_155, %dma_start3A_156] : memref<16x64xi32, #tpu.memory_space<vmem>> -> memref<1x64xi32, #tpu.memory_space<vmem>>
      %dma_start3A_158 = tpu.memref_squeeze %dma_start3A_157 : memref<1x64xi32, #tpu.memory_space<vmem>> -> memref<64xi32, #tpu.memory_space<vmem>>
      %dma_start3A_159 = arith.constant 0 : i32
      %dma_start3A_160 = arith.constant 0 : i32
      %dma_start3A_161 = tpu.memref_slice %arg2[%dma_start3A_159, %dma_start3A_160] : memref<10000x128xf32, #tpu.memory_space<hbm>> -> memref<10000x128xf32, #tpu.memory_space<hbm>>
      tpu.enqueue_indirect_dma source(%dma_start3A_161 : memref<10000x128xf32, #tpu.memory_space<hbm>>) target(%arg11 : memref<64x128xf32, #tpu.memory_space<vmem>>) offsets(%dma_start3A_158 : memref<64xi32, #tpu.memory_space<vmem>>) semaphore(%arg16 : memref<!tpu.dma_semaphore, #tpu.memory_space<semaphore_mem>>)
      "tpu.region"() ({
        %run_scoped3A = tpu.sem_alloc : memref<!tpu.dma_semaphore, #tpu.memory_space<semaphore_mem>>
        %dma_start3A_260 = arith.constant 0 : i32
        %dma_start3A_261 = tpu.memref_slice %arg8[%add3A_147, %dma_start3A_260] : memref<16x64xi32, #tpu.memory_space<vmem>> -> memref<1x64xi32, #tpu.memory_space<vmem>>
        %dma_start3A_262 = tpu.memref_squeeze %dma_start3A_261 : memref<1x64xi32, #tpu.memory_space<vmem>> -> memref<64xi32, #tpu.memory_space<vmem>>
        %dma_start3A_263 = arith.constant 0 : i32
        %dma_start3A_264 = arith.constant 0 : i32
        %dma_start3A_265 = tpu.memref_slice %arg13[%dma_start3A_263, %dma_start3A_264] : memref<10240x128xf32, #tpu.memory_space<vmem_shared>> -> memref<10240x128xf32, #tpu.memory_space<vmem_shared>>
        tpu.enqueue_indirect_dma source(%arg12 : memref<64x128xf32, #tpu.memory_space<vmem>>) target(%dma_start3A_265 : memref<10240x128xf32, #tpu.memory_space<vmem_shared>>) offsets(%dma_start3A_262 : memref<64xi32, #tpu.memory_space<vmem>>) semaphore(%run_scoped3A : memref<!tpu.dma_semaphore, #tpu.memory_space<semaphore_mem>>) {add = true}
        %dma_wait3A_266 = arith.constant 0 : i32
        %dma_wait3A_267 = tpu.memref_slice %arg8[%add3A_147, %dma_wait3A_266] : memref<16x64xi32, #tpu.memory_space<vmem>> -> memref<1x64xi32, #tpu.memory_space<vmem>>
        %dma_wait3A_268 = tpu.memref_squeeze %dma_wait3A_267 : memref<1x64xi32, #tpu.memory_space<vmem>> -> memref<64xi32, #tpu.memory_space<vmem>>
        %dma_wait3A_269 = arith.constant 0 : i32
        %dma_wait3A_270 = arith.constant 0 : i32
        %dma_wait3A_271 = tpu.memref_slice %arg13[%dma_wait3A_269, %dma_wait3A_270] : memref<10240x128xf32, #tpu.memory_space<vmem_shared>> -> memref<10240x128xf32, #tpu.memory_space<vmem_shared>>
        tpu.wait_indirect_dma semaphore(%run_scoped3A : memref<!tpu.dma_semaphore, #tpu.memory_space<semaphore_mem>>) src(%arg12 : memref<64x128xf32, #tpu.memory_space<vmem>>) dst(%dma_wait3A_271 : memref<10240x128xf32, #tpu.memory_space<vmem_shared>>)
        tpu.yield
      }) : () -> ()
      %mul3A_162 = arith.constant 8 : i32
      %mul3A_163 = arith.muli %rem3A_56, %mul3A_162 : i32
      %add3A_164 = arith.constant 4 : i32
      %add3A_165 = arith.addi %mul3A_163, %add3A_164 : i32
      %dma_wait3A_166 = arith.constant 0 : i32
      %dma_wait3A_167 = tpu.memref_slice %arg7[%add3A_119, %dma_wait3A_166] : memref<16x64xi32, #tpu.memory_space<vmem>> -> memref<1x64xi32, #tpu.memory_space<vmem>>
      %dma_wait3A_168 = tpu.memref_squeeze %dma_wait3A_167 : memref<1x64xi32, #tpu.memory_space<vmem>> -> memref<64xi32, #tpu.memory_space<vmem>>
      %dma_wait3A_169 = arith.constant 0 : i32
      %dma_wait3A_170 = arith.constant 0 : i32
      %dma_wait3A_171 = tpu.memref_slice %arg2[%dma_wait3A_169, %dma_wait3A_170] : memref<10000x128xf32, #tpu.memory_space<hbm>> -> memref<10000x128xf32, #tpu.memory_space<hbm>>
      tpu.wait_indirect_dma semaphore(%arg14 : memref<!tpu.dma_semaphore, #tpu.memory_space<semaphore_mem>>) src(%dma_wait3A_171 : memref<10000x128xf32, #tpu.memory_space<hbm>>) dst(%arg9 : memref<64x128xf32, #tpu.memory_space<vmem>>)
      %add3A_172 = arith.constant 3 : i32
      %add3A_173 = arith.addi %add3A_165, %add3A_172 : i32
      %dma_start3A_174 = arith.constant 0 : i32
      %dma_start3A_175 = tpu.memref_slice %arg7[%add3A_173, %dma_start3A_174] : memref<16x64xi32, #tpu.memory_space<vmem>> -> memref<1x64xi32, #tpu.memory_space<vmem>>
      %dma_start3A_176 = tpu.memref_squeeze %dma_start3A_175 : memref<1x64xi32, #tpu.memory_space<vmem>> -> memref<64xi32, #tpu.memory_space<vmem>>
      %dma_start3A_177 = arith.constant 0 : i32
      %dma_start3A_178 = arith.constant 0 : i32
      %dma_start3A_179 = tpu.memref_slice %arg2[%dma_start3A_177, %dma_start3A_178] : memref<10000x128xf32, #tpu.memory_space<hbm>> -> memref<10000x128xf32, #tpu.memory_space<hbm>>
      tpu.enqueue_indirect_dma source(%dma_start3A_179 : memref<10000x128xf32, #tpu.memory_space<hbm>>) target(%arg12 : memref<64x128xf32, #tpu.memory_space<vmem>>) offsets(%dma_start3A_176 : memref<64xi32, #tpu.memory_space<vmem>>) semaphore(%arg17 : memref<!tpu.dma_semaphore, #tpu.memory_space<semaphore_mem>>)
      "tpu.region"() ({
        %run_scoped3A = tpu.sem_alloc : memref<!tpu.dma_semaphore, #tpu.memory_space<semaphore_mem>>
        %dma_start3A_260 = arith.constant 0 : i32
        %dma_start3A_261 = tpu.memref_slice %arg8[%add3A_165, %dma_start3A_260] : memref<16x64xi32, #tpu.memory_space<vmem>> -> memref<1x64xi32, #tpu.memory_space<vmem>>
        %dma_start3A_262 = tpu.memref_squeeze %dma_start3A_261 : memref<1x64xi32, #tpu.memory_space<vmem>> -> memref<64xi32, #tpu.memory_space<vmem>>
        %dma_start3A_263 = arith.constant 0 : i32
        %dma_start3A_264 = arith.constant 0 : i32
        %dma_start3A_265 = tpu.memref_slice %arg13[%dma_start3A_263, %dma_start3A_264] : memref<10240x128xf32, #tpu.memory_space<vmem_shared>> -> memref<10240x128xf32, #tpu.memory_space<vmem_shared>>
        tpu.enqueue_indirect_dma source(%arg9 : memref<64x128xf32, #tpu.memory_space<vmem>>) target(%dma_start3A_265 : memref<10240x128xf32, #tpu.memory_space<vmem_shared>>) offsets(%dma_start3A_262 : memref<64xi32, #tpu.memory_space<vmem>>) semaphore(%run_scoped3A : memref<!tpu.dma_semaphore, #tpu.memory_space<semaphore_mem>>) {add = true}
        %dma_wait3A_266 = arith.constant 0 : i32
        %dma_wait3A_267 = tpu.memref_slice %arg8[%add3A_165, %dma_wait3A_266] : memref<16x64xi32, #tpu.memory_space<vmem>> -> memref<1x64xi32, #tpu.memory_space<vmem>>
        %dma_wait3A_268 = tpu.memref_squeeze %dma_wait3A_267 : memref<1x64xi32, #tpu.memory_space<vmem>> -> memref<64xi32, #tpu.memory_space<vmem>>
        %dma_wait3A_269 = arith.constant 0 : i32
        %dma_wait3A_270 = arith.constant 0 : i32
        %dma_wait3A_271 = tpu.memref_slice %arg13[%dma_wait3A_269, %dma_wait3A_270] : memref<10240x128xf32, #tpu.memory_space<vmem_shared>> -> memref<10240x128xf32, #tpu.memory_space<vmem_shared>>
        tpu.wait_indirect_dma semaphore(%run_scoped3A : memref<!tpu.dma_semaphore, #tpu.memory_space<semaphore_mem>>) src(%arg9 : memref<64x128xf32, #tpu.memory_space<vmem>>) dst(%dma_wait3A_271 : memref<10240x128xf32, #tpu.memory_space<vmem_shared>>)
        tpu.yield
      }) : () -> ()
      %mul3A_180 = arith.constant 8 : i32
      %mul3A_181 = arith.muli %rem3A_56, %mul3A_180 : i32
      %add3A_182 = arith.constant 5 : i32
      %add3A_183 = arith.addi %mul3A_181, %add3A_182 : i32
      %dma_wait3A_184 = arith.constant 0 : i32
      %dma_wait3A_185 = tpu.memref_slice %arg7[%add3A_137, %dma_wait3A_184] : memref<16x64xi32, #tpu.memory_space<vmem>> -> memref<1x64xi32, #tpu.memory_space<vmem>>
      %dma_wait3A_186 = tpu.memref_squeeze %dma_wait3A_185 : memref<1x64xi32, #tpu.memory_space<vmem>> -> memref<64xi32, #tpu.memory_space<vmem>>
      %dma_wait3A_187 = arith.constant 0 : i32
      %dma_wait3A_188 = arith.constant 0 : i32
      %dma_wait3A_189 = tpu.memref_slice %arg2[%dma_wait3A_187, %dma_wait3A_188] : memref<10000x128xf32, #tpu.memory_space<hbm>> -> memref<10000x128xf32, #tpu.memory_space<hbm>>
      tpu.wait_indirect_dma semaphore(%arg15 : memref<!tpu.dma_semaphore, #tpu.memory_space<semaphore_mem>>) src(%dma_wait3A_189 : memref<10000x128xf32, #tpu.memory_space<hbm>>) dst(%arg10 : memref<64x128xf32, #tpu.memory_space<vmem>>)
      %dma_wait3A_190 = arith.constant 0 : i32
      %dma_wait3A_191 = tpu.memref_slice %arg7[%mul3A_67, %dma_wait3A_190] : memref<16x64xi32, #tpu.memory_space<vmem>> -> memref<8x64xi32, #tpu.memory_space<vmem>>
      %dma_wait3A_192 = arith.constant 0 : i32
      %dma_wait3A_193 = tpu.memref_slice %arg3[%add3A, %multiple_of3A, %dma_wait3A_192] : memref<32x160x64xi32, #tpu.memory_space<hbm>> -> memref<1x8x64xi32, #tpu.memory_space<hbm>>
      %dma_wait3A_194 = tpu.memref_squeeze %dma_wait3A_193 : memref<1x8x64xi32, #tpu.memory_space<hbm>> -> memref<8x64xi32, #tpu.memory_space<hbm>>
      %dma_wait3A_195 = arith.constant 0 : i32
      %dma_wait3A_196 = tpu.memref_slice %arg7[%mul3A_67, %dma_wait3A_195] : memref<16x64xi32, #tpu.memory_space<vmem>> -> memref<8x64xi32, #tpu.memory_space<vmem>>
      %dma_wait3A_197 = arith.constant 0 : i32
      %dma_wait3A_198 = tpu.memref_slice %arg3[%add3A, %multiple_of3A, %dma_wait3A_197] : memref<32x160x64xi32, #tpu.memory_space<hbm>> -> memref<1x8x64xi32, #tpu.memory_space<hbm>>
      %dma_wait3A_199 = tpu.memref_squeeze %dma_wait3A_198 : memref<1x8x64xi32, #tpu.memory_space<hbm>> -> memref<8x64xi32, #tpu.memory_space<hbm>>
      tpu.wait_dma2 semaphore(%arg18 : memref<!tpu.dma_semaphore, #tpu.memory_space<semaphore_mem>>) src(%dma_wait3A_199 : memref<8x64xi32, #tpu.memory_space<hbm>>) dst(%dma_wait3A_196 : memref<8x64xi32, #tpu.memory_space<vmem>>)
      %dma_wait3A_200 = arith.constant 0 : i32
      %dma_wait3A_201 = tpu.memref_slice %arg8[%mul3A_79, %dma_wait3A_200] : memref<16x64xi32, #tpu.memory_space<vmem>> -> memref<8x64xi32, #tpu.memory_space<vmem>>
      %dma_wait3A_202 = arith.constant 0 : i32
      %dma_wait3A_203 = tpu.memref_slice %arg4[%add3A, %multiple_of3A, %dma_wait3A_202] : memref<32x160x64xi32, #tpu.memory_space<hbm>> -> memref<1x8x64xi32, #tpu.memory_space<hbm>>
      %dma_wait3A_204 = tpu.memref_squeeze %dma_wait3A_203 : memref<1x8x64xi32, #tpu.memory_space<hbm>> -> memref<8x64xi32, #tpu.memory_space<hbm>>
      %dma_wait3A_205 = arith.constant 0 : i32
      %dma_wait3A_206 = tpu.memref_slice %arg8[%mul3A_79, %dma_wait3A_205] : memref<16x64xi32, #tpu.memory_space<vmem>> -> memref<8x64xi32, #tpu.memory_space<vmem>>
      %dma_wait3A_207 = arith.constant 0 : i32
      %dma_wait3A_208 = tpu.memref_slice %arg4[%add3A, %multiple_of3A, %dma_wait3A_207] : memref<32x160x64xi32, #tpu.memory_space<hbm>> -> memref<1x8x64xi32, #tpu.memory_space<hbm>>
      %dma_wait3A_209 = tpu.memref_squeeze %dma_wait3A_208 : memref<1x8x64xi32, #tpu.memory_space<hbm>> -> memref<8x64xi32, #tpu.memory_space<hbm>>
      tpu.wait_dma2 semaphore(%arg19 : memref<!tpu.dma_semaphore, #tpu.memory_space<semaphore_mem>>) src(%dma_wait3A_209 : memref<8x64xi32, #tpu.memory_space<hbm>>) dst(%dma_wait3A_206 : memref<8x64xi32, #tpu.memory_space<vmem>>)
      %mul3A_210 = arith.constant 8 : i32
      %mul3A_211 = arith.muli %rem3A_60, %mul3A_210 : i32
      %add3A_212 = arith.constant 0 : i32
      %add3A_213 = arith.addi %mul3A_211, %add3A_212 : i32
      %dma_start3A_214 = arith.constant 0 : i32
      %dma_start3A_215 = tpu.memref_slice %arg7[%add3A_213, %dma_start3A_214] : memref<16x64xi32, #tpu.memory_space<vmem>> -> memref<1x64xi32, #tpu.memory_space<vmem>>
      %dma_start3A_216 = tpu.memref_squeeze %dma_start3A_215 : memref<1x64xi32, #tpu.memory_space<vmem>> -> memref<64xi32, #tpu.memory_space<vmem>>
      %dma_start3A_217 = arith.constant 0 : i32
      %dma_start3A_218 = arith.constant 0 : i32
      %dma_start3A_219 = tpu.memref_slice %arg2[%dma_start3A_217, %dma_start3A_218] : memref<10000x128xf32, #tpu.memory_space<hbm>> -> memref<10000x128xf32, #tpu.memory_space<hbm>>
      tpu.enqueue_indirect_dma source(%dma_start3A_219 : memref<10000x128xf32, #tpu.memory_space<hbm>>) target(%arg9 : memref<64x128xf32, #tpu.memory_space<vmem>>) offsets(%dma_start3A_216 : memref<64xi32, #tpu.memory_space<vmem>>) semaphore(%arg14 : memref<!tpu.dma_semaphore, #tpu.memory_space<semaphore_mem>>)
      "tpu.region"() ({
        %run_scoped3A = tpu.sem_alloc : memref<!tpu.dma_semaphore, #tpu.memory_space<semaphore_mem>>
        %dma_start3A_260 = arith.constant 0 : i32
        %dma_start3A_261 = tpu.memref_slice %arg8[%add3A_183, %dma_start3A_260] : memref<16x64xi32, #tpu.memory_space<vmem>> -> memref<1x64xi32, #tpu.memory_space<vmem>>
        %dma_start3A_262 = tpu.memref_squeeze %dma_start3A_261 : memref<1x64xi32, #tpu.memory_space<vmem>> -> memref<64xi32, #tpu.memory_space<vmem>>
        %dma_start3A_263 = arith.constant 0 : i32
        %dma_start3A_264 = arith.constant 0 : i32
        %dma_start3A_265 = tpu.memref_slice %arg13[%dma_start3A_263, %dma_start3A_264] : memref<10240x128xf32, #tpu.memory_space<vmem_shared>> -> memref<10240x128xf32, #tpu.memory_space<vmem_shared>>
        tpu.enqueue_indirect_dma source(%arg10 : memref<64x128xf32, #tpu.memory_space<vmem>>) target(%dma_start3A_265 : memref<10240x128xf32, #tpu.memory_space<vmem_shared>>) offsets(%dma_start3A_262 : memref<64xi32, #tpu.memory_space<vmem>>) semaphore(%run_scoped3A : memref<!tpu.dma_semaphore, #tpu.memory_space<semaphore_mem>>) {add = true}
        %dma_wait3A_266 = arith.constant 0 : i32
        %dma_wait3A_267 = tpu.memref_slice %arg8[%add3A_183, %dma_wait3A_266] : memref<16x64xi32, #tpu.memory_space<vmem>> -> memref<1x64xi32, #tpu.memory_space<vmem>>
        %dma_wait3A_268 = tpu.memref_squeeze %dma_wait3A_267 : memref<1x64xi32, #tpu.memory_space<vmem>> -> memref<64xi32, #tpu.memory_space<vmem>>
        %dma_wait3A_269 = arith.constant 0 : i32
        %dma_wait3A_270 = arith.constant 0 : i32
        %dma_wait3A_271 = tpu.memref_slice %arg13[%dma_wait3A_269, %dma_wait3A_270] : memref<10240x128xf32, #tpu.memory_space<vmem_shared>> -> memref<10240x128xf32, #tpu.memory_space<vmem_shared>>
        tpu.wait_indirect_dma semaphore(%run_scoped3A : memref<!tpu.dma_semaphore, #tpu.memory_space<semaphore_mem>>) src(%arg10 : memref<64x128xf32, #tpu.memory_space<vmem>>) dst(%dma_wait3A_271 : memref<10240x128xf32, #tpu.memory_space<vmem_shared>>)
        tpu.yield
      }) : () -> ()
      %mul3A_220 = arith.constant 8 : i32
      %mul3A_221 = arith.muli %rem3A_56, %mul3A_220 : i32
      %add3A_222 = arith.constant 6 : i32
      %add3A_223 = arith.addi %mul3A_221, %add3A_222 : i32
      %dma_wait3A_224 = arith.constant 0 : i32
      %dma_wait3A_225 = tpu.memref_slice %arg7[%add3A_155, %dma_wait3A_224] : memref<16x64xi32, #tpu.memory_space<vmem>> -> memref<1x64xi32, #tpu.memory_space<vmem>>
      %dma_wait3A_226 = tpu.memref_squeeze %dma_wait3A_225 : memref<1x64xi32, #tpu.memory_space<vmem>> -> memref<64xi32, #tpu.memory_space<vmem>>
      %dma_wait3A_227 = arith.constant 0 : i32
      %dma_wait3A_228 = arith.constant 0 : i32
      %dma_wait3A_229 = tpu.memref_slice %arg2[%dma_wait3A_227, %dma_wait3A_228] : memref<10000x128xf32, #tpu.memory_space<hbm>> -> memref<10000x128xf32, #tpu.memory_space<hbm>>
      tpu.wait_indirect_dma semaphore(%arg16 : memref<!tpu.dma_semaphore, #tpu.memory_space<semaphore_mem>>) src(%dma_wait3A_229 : memref<10000x128xf32, #tpu.memory_space<hbm>>) dst(%arg11 : memref<64x128xf32, #tpu.memory_space<vmem>>)
      %mul3A_230 = arith.constant 8 : i32
      %mul3A_231 = arith.muli %rem3A_60, %mul3A_230 : i32
      %add3A_232 = arith.constant 1 : i32
      %add3A_233 = arith.addi %mul3A_231, %add3A_232 : i32
      %dma_start3A_234 = arith.constant 0 : i32
      %dma_start3A_235 = tpu.memref_slice %arg7[%add3A_233, %dma_start3A_234] : memref<16x64xi32, #tpu.memory_space<vmem>> -> memref<1x64xi32, #tpu.memory_space<vmem>>
      %dma_start3A_236 = tpu.memref_squeeze %dma_start3A_235 : memref<1x64xi32, #tpu.memory_space<vmem>> -> memref<64xi32, #tpu.memory_space<vmem>>
      %dma_start3A_237 = arith.constant 0 : i32
      %dma_start3A_238 = arith.constant 0 : i32
      %dma_start3A_239 = tpu.memref_slice %arg2[%dma_start3A_237, %dma_start3A_238] : memref<10000x128xf32, #tpu.memory_space<hbm>> -> memref<10000x128xf32, #tpu.memory_space<hbm>>
      tpu.enqueue_indirect_dma source(%dma_start3A_239 : memref<10000x128xf32, #tpu.memory_space<hbm>>) target(%arg10 : memref<64x128xf32, #tpu.memory_space<vmem>>) offsets(%dma_start3A_236 : memref<64xi32, #tpu.memory_space<vmem>>) semaphore(%arg15 : memref<!tpu.dma_semaphore, #tpu.memory_space<semaphore_mem>>)
      "tpu.region"() ({
        %run_scoped3A = tpu.sem_alloc : memref<!tpu.dma_semaphore, #tpu.memory_space<semaphore_mem>>
        %dma_start3A_260 = arith.constant 0 : i32
        %dma_start3A_261 = tpu.memref_slice %arg8[%add3A_223, %dma_start3A_260] : memref<16x64xi32, #tpu.memory_space<vmem>> -> memref<1x64xi32, #tpu.memory_space<vmem>>
        %dma_start3A_262 = tpu.memref_squeeze %dma_start3A_261 : memref<1x64xi32, #tpu.memory_space<vmem>> -> memref<64xi32, #tpu.memory_space<vmem>>
        %dma_start3A_263 = arith.constant 0 : i32
        %dma_start3A_264 = arith.constant 0 : i32
        %dma_start3A_265 = tpu.memref_slice %arg13[%dma_start3A_263, %dma_start3A_264] : memref<10240x128xf32, #tpu.memory_space<vmem_shared>> -> memref<10240x128xf32, #tpu.memory_space<vmem_shared>>
        tpu.enqueue_indirect_dma source(%arg11 : memref<64x128xf32, #tpu.memory_space<vmem>>) target(%dma_start3A_265 : memref<10240x128xf32, #tpu.memory_space<vmem_shared>>) offsets(%dma_start3A_262 : memref<64xi32, #tpu.memory_space<vmem>>) semaphore(%run_scoped3A : memref<!tpu.dma_semaphore, #tpu.memory_space<semaphore_mem>>) {add = true}
        %dma_wait3A_266 = arith.constant 0 : i32
        %dma_wait3A_267 = tpu.memref_slice %arg8[%add3A_223, %dma_wait3A_266] : memref<16x64xi32, #tpu.memory_space<vmem>> -> memref<1x64xi32, #tpu.memory_space<vmem>>
        %dma_wait3A_268 = tpu.memref_squeeze %dma_wait3A_267 : memref<1x64xi32, #tpu.memory_space<vmem>> -> memref<64xi32, #tpu.memory_space<vmem>>
        %dma_wait3A_269 = arith.constant 0 : i32
        %dma_wait3A_270 = arith.constant 0 : i32
        %dma_wait3A_271 = tpu.memref_slice %arg13[%dma_wait3A_269, %dma_wait3A_270] : memref<10240x128xf32, #tpu.memory_space<vmem_shared>> -> memref<10240x128xf32, #tpu.memory_space<vmem_shared>>
        tpu.wait_indirect_dma semaphore(%run_scoped3A : memref<!tpu.dma_semaphore, #tpu.memory_space<semaphore_mem>>) src(%arg11 : memref<64x128xf32, #tpu.memory_space<vmem>>) dst(%dma_wait3A_271 : memref<10240x128xf32, #tpu.memory_space<vmem_shared>>)
        tpu.yield
      }) : () -> ()
      %mul3A_240 = arith.constant 8 : i32
      %mul3A_241 = arith.muli %rem3A_56, %mul3A_240 : i32
      %add3A_242 = arith.constant 7 : i32
      %add3A_243 = arith.addi %mul3A_241, %add3A_242 : i32
      %dma_wait3A_244 = arith.constant 0 : i32
      %dma_wait3A_245 = tpu.memref_slice %arg7[%add3A_173, %dma_wait3A_244] : memref<16x64xi32, #tpu.memory_space<vmem>> -> memref<1x64xi32, #tpu.memory_space<vmem>>
      %dma_wait3A_246 = tpu.memref_squeeze %dma_wait3A_245 : memref<1x64xi32, #tpu.memory_space<vmem>> -> memref<64xi32, #tpu.memory_space<vmem>>
      %dma_wait3A_247 = arith.constant 0 : i32
      %dma_wait3A_248 = arith.constant 0 : i32
      %dma_wait3A_249 = tpu.memref_slice %arg2[%dma_wait3A_247, %dma_wait3A_248] : memref<10000x128xf32, #tpu.memory_space<hbm>> -> memref<10000x128xf32, #tpu.memory_space<hbm>>
      tpu.wait_indirect_dma semaphore(%arg17 : memref<!tpu.dma_semaphore, #tpu.memory_space<semaphore_mem>>) src(%dma_wait3A_249 : memref<10000x128xf32, #tpu.memory_space<hbm>>) dst(%arg12 : memref<64x128xf32, #tpu.memory_space<vmem>>)
      %mul3A_250 = arith.constant 8 : i32
      %mul3A_251 = arith.muli %rem3A_60, %mul3A_250 : i32
      %add3A_252 = arith.constant 2 : i32
      %add3A_253 = arith.addi %mul3A_251, %add3A_252 : i32
      %dma_start3A_254 = arith.constant 0 : i32
      %dma_start3A_255 = tpu.memref_slice %arg7[%add3A_253, %dma_start3A_254] : memref<16x64xi32, #tpu.memory_space<vmem>> -> memref<1x64xi32, #tpu.memory_space<vmem>>
      %dma_start3A_256 = tpu.memref_squeeze %dma_start3A_255 : memref<1x64xi32, #tpu.memory_space<vmem>> -> memref<64xi32, #tpu.memory_space<vmem>>
      %dma_start3A_257 = arith.constant 0 : i32
      %dma_start3A_258 = arith.constant 0 : i32
      %dma_start3A_259 = tpu.memref_slice %arg2[%dma_start3A_257, %dma_start3A_258] : memref<10000x128xf32, #tpu.memory_space<hbm>> -> memref<10000x128xf32, #tpu.memory_space<hbm>>
      tpu.enqueue_indirect_dma source(%dma_start3A_259 : memref<10000x128xf32, #tpu.memory_space<hbm>>) target(%arg11 : memref<64x128xf32, #tpu.memory_space<vmem>>) offsets(%dma_start3A_256 : memref<64xi32, #tpu.memory_space<vmem>>) semaphore(%arg16 : memref<!tpu.dma_semaphore, #tpu.memory_space<semaphore_mem>>)
      "tpu.region"() ({
        %run_scoped3A = tpu.sem_alloc : memref<!tpu.dma_semaphore, #tpu.memory_space<semaphore_mem>>
        %dma_start3A_260 = arith.constant 0 : i32
        %dma_start3A_261 = tpu.memref_slice %arg8[%add3A_243, %dma_start3A_260] : memref<16x64xi32, #tpu.memory_space<vmem>> -> memref<1x64xi32, #tpu.memory_space<vmem>>
        %dma_start3A_262 = tpu.memref_squeeze %dma_start3A_261 : memref<1x64xi32, #tpu.memory_space<vmem>> -> memref<64xi32, #tpu.memory_space<vmem>>
        %dma_start3A_263 = arith.constant 0 : i32
        %dma_start3A_264 = arith.constant 0 : i32
        %dma_start3A_265 = tpu.memref_slice %arg13[%dma_start3A_263, %dma_start3A_264] : memref<10240x128xf32, #tpu.memory_space<vmem_shared>> -> memref<10240x128xf32, #tpu.memory_space<vmem_shared>>
        tpu.enqueue_indirect_dma source(%arg12 : memref<64x128xf32, #tpu.memory_space<vmem>>) target(%dma_start3A_265 : memref<10240x128xf32, #tpu.memory_space<vmem_shared>>) offsets(%dma_start3A_262 : memref<64xi32, #tpu.memory_space<vmem>>) semaphore(%run_scoped3A : memref<!tpu.dma_semaphore, #tpu.memory_space<semaphore_mem>>) {add = true}
        %dma_wait3A_266 = arith.constant 0 : i32
        %dma_wait3A_267 = tpu.memref_slice %arg8[%add3A_243, %dma_wait3A_266] : memref<16x64xi32, #tpu.memory_space<vmem>> -> memref<1x64xi32, #tpu.memory_space<vmem>>
        %dma_wait3A_268 = tpu.memref_squeeze %dma_wait3A_267 : memref<1x64xi32, #tpu.memory_space<vmem>> -> memref<64xi32, #tpu.memory_space<vmem>>
        %dma_wait3A_269 = arith.constant 0 : i32
        %dma_wait3A_270 = arith.constant 0 : i32
        %dma_wait3A_271 = tpu.memref_slice %arg13[%dma_wait3A_269, %dma_wait3A_270] : memref<10240x128xf32, #tpu.memory_space<vmem_shared>> -> memref<10240x128xf32, #tpu.memory_space<vmem_shared>>
        tpu.wait_indirect_dma semaphore(%run_scoped3A : memref<!tpu.dma_semaphore, #tpu.memory_space<semaphore_mem>>) src(%arg12 : memref<64x128xf32, #tpu.memory_space<vmem>>) dst(%dma_wait3A_271 : memref<10240x128xf32, #tpu.memory_space<vmem_shared>>)
        tpu.yield
      }) : () -> ()
    }
    %scan3A_29 = arith.constant 20 : i32
    %dma_wait3A = arith.constant 0 : i32
    %dma_wait3A_30 = arith.constant 0 : i32
    %dma_wait3A_31 = tpu.memref_slice %arg7[%dma_wait3A, %dma_wait3A_30] : memref<16x64xi32, #tpu.memory_space<vmem>> -> memref<1x64xi32, #tpu.memory_space<vmem>>
    %dma_wait3A_32 = tpu.memref_squeeze %dma_wait3A_31 : memref<1x64xi32, #tpu.memory_space<vmem>> -> memref<64xi32, #tpu.memory_space<vmem>>
    %dma_wait3A_33 = arith.constant 0 : i32
    %dma_wait3A_34 = arith.constant 0 : i32
    %dma_wait3A_35 = tpu.memref_slice %arg2[%dma_wait3A_33, %dma_wait3A_34] : memref<10000x128xf32, #tpu.memory_space<hbm>> -> memref<10000x128xf32, #tpu.memory_space<hbm>>
    tpu.wait_indirect_dma semaphore(%arg14 : memref<!tpu.dma_semaphore, #tpu.memory_space<semaphore_mem>>) src(%dma_wait3A_35 : memref<10000x128xf32, #tpu.memory_space<hbm>>) dst(%arg9 : memref<64x128xf32, #tpu.memory_space<vmem>>)
    %dma_wait3A_36 = arith.constant 1 : i32
    %dma_wait3A_37 = arith.constant 0 : i32
    %dma_wait3A_38 = tpu.memref_slice %arg7[%dma_wait3A_36, %dma_wait3A_37] : memref<16x64xi32, #tpu.memory_space<vmem>> -> memref<1x64xi32, #tpu.memory_space<vmem>>
    %dma_wait3A_39 = tpu.memref_squeeze %dma_wait3A_38 : memref<1x64xi32, #tpu.memory_space<vmem>> -> memref<64xi32, #tpu.memory_space<vmem>>
    %dma_wait3A_40 = arith.constant 0 : i32
    %dma_wait3A_41 = arith.constant 0 : i32
    %dma_wait3A_42 = tpu.memref_slice %arg2[%dma_wait3A_40, %dma_wait3A_41] : memref<10000x128xf32, #tpu.memory_space<hbm>> -> memref<10000x128xf32, #tpu.memory_space<hbm>>
    tpu.wait_indirect_dma semaphore(%arg15 : memref<!tpu.dma_semaphore, #tpu.memory_space<semaphore_mem>>) src(%dma_wait3A_42 : memref<10000x128xf32, #tpu.memory_space<hbm>>) dst(%arg10 : memref<64x128xf32, #tpu.memory_space<vmem>>)
    %dma_wait3A_43 = arith.constant 2 : i32
    %dma_wait3A_44 = arith.constant 0 : i32
    %dma_wait3A_45 = tpu.memref_slice %arg7[%dma_wait3A_43, %dma_wait3A_44] : memref<16x64xi32, #tpu.memory_space<vmem>> -> memref<1x64xi32, #tpu.memory_space<vmem>>
    %dma_wait3A_46 = tpu.memref_squeeze %dma_wait3A_45 : memref<1x64xi32, #tpu.memory_space<vmem>> -> memref<64xi32, #tpu.memory_space<vmem>>
    %dma_wait3A_47 = arith.constant 0 : i32
    %dma_wait3A_48 = arith.constant 0 : i32
    %dma_wait3A_49 = tpu.memref_slice %arg2[%dma_wait3A_47, %dma_wait3A_48] : memref<10000x128xf32, #tpu.memory_space<hbm>> -> memref<10000x128xf32, #tpu.memory_space<hbm>>
    tpu.wait_indirect_dma semaphore(%arg16 : memref<!tpu.dma_semaphore, #tpu.memory_space<semaphore_mem>>) src(%dma_wait3A_49 : memref<10000x128xf32, #tpu.memory_space<hbm>>) dst(%arg11 : memref<64x128xf32, #tpu.memory_space<vmem>>)
    %barrier3A_50 = arith.constant 0 : index
    tpu.barrier barrier_id(%barrier3A_50)
    %mul3A_51 = arith.constant 640 : i32
    %mul3A_52 = arith.muli %arg1, %mul3A_51 : i32
    %mul3A_53 = arith.constant 640 : i32
    %mul3A_54 = arith.muli %arg1, %mul3A_53 : i32
    "tpu.region"() ({
      %run_scoped3A = tpu.sem_alloc : memref<!tpu.dma_semaphore, #tpu.memory_space<semaphore_mem>>
      %dma_start3A_55 = arith.constant 0 : i32
      %dma_start3A_56 = tpu.memref_slice %arg6[%arg0, %mul3A_54, %dma_start3A_55] : memref<2x10240x128xf32, #tpu.memory_space<hbm>> -> memref<1x640x128xf32, #tpu.memory_space<hbm>>
      %dma_start3A_57 = tpu.memref_squeeze %dma_start3A_56 : memref<1x640x128xf32, #tpu.memory_space<hbm>> -> memref<640x128xf32, #tpu.memory_space<hbm>>
      %dma_start3A_58 = arith.constant 0 : i32
      %dma_start3A_59 = tpu.memref_slice %arg13[%mul3A_52, %dma_start3A_58] : memref<10240x128xf32, #tpu.memory_space<vmem_shared>> -> memref<640x128xf32, #tpu.memory_space<vmem_shared>>
      tpu.enqueue_dma source(%dma_start3A_59 : memref<640x128xf32, #tpu.memory_space<vmem_shared>>) target(%dma_start3A_57 : memref<640x128xf32, #tpu.memory_space<hbm>>) target_semaphore(%run_scoped3A : memref<!tpu.dma_semaphore, #tpu.memory_space<semaphore_mem>>)
      %dma_wait3A_60 = arith.constant 0 : i32
      %dma_wait3A_61 = tpu.memref_slice %arg6[%arg0, %mul3A_54, %dma_wait3A_60] : memref<2x10240x128xf32, #tpu.memory_space<hbm>> -> memref<1x640x128xf32, #tpu.memory_space<hbm>>
      %dma_wait3A_62 = tpu.memref_squeeze %dma_wait3A_61 : memref<1x640x128xf32, #tpu.memory_space<hbm>> -> memref<640x128xf32, #tpu.memory_space<hbm>>
      %dma_wait3A_63 = arith.constant 0 : i32
      %dma_wait3A_64 = tpu.memref_slice %arg13[%mul3A_52, %dma_wait3A_63] : memref<10240x128xf32, #tpu.memory_space<vmem_shared>> -> memref<640x128xf32, #tpu.memory_space<vmem_shared>>
      tpu.wait_dma2 semaphore(%run_scoped3A : memref<!tpu.dma_semaphore, #tpu.memory_space<semaphore_mem>>) src(%dma_wait3A_64 : memref<640x128xf32, #tpu.memory_space<vmem_shared>>) dst(%dma_wait3A_62 : memref<640x128xf32, #tpu.memory_space<hbm>>)
      tpu.yield
    }) : () -> ()
    return
  }
}

module attributes {stable_mosaic.version = 14 : i64} {
  func.func @_tc_layer_body(%arg0: i32, %arg1: memref<2x2000x128xf32, #tpu.memory_space<vmem>>, %arg2: memref<2x2000x128xf32, #tpu.memory_space<vmem>>, %arg3: memref<2000x128xf32, #tpu.memory_space<vmem>>, %arg4: memref<1x1x2000xi32, #tpu.memory_space<vmem>>, %arg5: memref<128x128xf32, #tpu.memory_space<vmem>>, %arg6: memref<1x128xf32, #tpu.memory_space<vmem>>, %arg7: memref<128x128xf32, #tpu.memory_space<vmem>>, %arg8: memref<2000x128xf32, #tpu.memory_space<vmem>>, %arg9: memref<64x128xf32, #tpu.memory_space<vmem>>) attributes {dimension_semantics = [#tpu.dimension_semantics<arbitrary>], iteration_bounds = array<i64: 5>, scalar_prefetch = 0 : i64, scratch_operands = 0 : i64, tpu.core_type = #tpu.core_type<tc>, window_params = [{transform_indices = @transform_0, window_bounds = array<i64: 2, 2000, 128>}, {transform_indices = @transform_1, window_bounds = array<i64: 2, 2000, 128>}, {transform_indices = @transform_2, window_bounds = array<i64: 2000, 128>}, {transform_indices = @transform_3, window_bounds = array<i64: 1, 1, 2000>}, {pipeline_mode = #tpu.pipeline_mode<synchronous>, transform_indices = @transform_4, window_bounds = array<i64: 128, 128>}, {pipeline_mode = #tpu.pipeline_mode<synchronous>, transform_indices = @transform_5, window_bounds = array<i64: 1, 128>}, {pipeline_mode = #tpu.pipeline_mode<synchronous>, transform_indices = @transform_6, window_bounds = array<i64: 128, 128>}, {transform_indices = @transform_7, window_bounds = array<i64: 2000, 128>}, {pipeline_mode = #tpu.pipeline_mode<synchronous>, transform_indices = @transform_8, window_bounds = array<i64: 64, 128>}]} {
    %get3A = arith.constant 0 : index
    %get3A_0 = arith.constant 0 : index
    %get3A_1 = arith.constant 0 : index
    %get3A_2 = vector.load %arg2[%get3A, %get3A_0, %get3A_1] : memref<2x2000x128xf32, #tpu.memory_space<vmem>>, vector<1x2000x1xf32>
    %get3A_3 = vector.shape_cast %get3A_2 : vector<1x2000x1xf32> to vector<2000x1xf32>
    %get3A_4 = arith.constant 1 : index
    %get3A_5 = arith.constant 0 : index
    %get3A_6 = arith.constant 0 : index
    %get3A_7 = vector.load %arg2[%get3A_4, %get3A_5, %get3A_6] : memref<2x2000x128xf32, #tpu.memory_space<vmem>>, vector<1x2000x1xf32>
    %get3A_8 = vector.shape_cast %get3A_7 : vector<1x2000x1xf32> to vector<2000x1xf32>
    %add3A = arith.addf %get3A_3, %get3A_8 : vector<2000x1xf32>
    %max3A = arith.constant 1.000000e+00 : f32
    %max3A_9 = vector.broadcast %max3A : f32 to vector<2000x1xf32>
    %max3A_10 = arith.maximumf %add3A, %max3A_9 : vector<2000x1xf32>
    %div3A = arith.constant 1.000000e+00 : f32
    %div3A_11 = vector.broadcast %div3A : f32 to vector<2000x1xf32>
    %div3A_12 = arith.divf %div3A_11, %max3A_10 : vector<2000x1xf32>
    %get3A_13 = arith.constant 0 : index
    %get3A_14 = arith.constant 0 : index
    %get3A_15 = arith.constant 0 : index
    %get3A_16 = vector.load %arg1[%get3A_13, %get3A_14, %get3A_15] : memref<2x2000x128xf32, #tpu.memory_space<vmem>>, vector<1x2000x128xf32>
    %get3A_17 = vector.shape_cast %get3A_16 : vector<1x2000x128xf32> to vector<2000x128xf32>
    %get3A_18 = arith.constant 1 : index
    %get3A_19 = arith.constant 0 : index
    %get3A_20 = arith.constant 0 : index
    %get3A_21 = vector.load %arg1[%get3A_18, %get3A_19, %get3A_20] : memref<2x2000x128xf32, #tpu.memory_space<vmem>>, vector<1x2000x128xf32>
    %get3A_22 = vector.shape_cast %get3A_21 : vector<1x2000x128xf32> to vector<2000x128xf32>
    %add3A_23 = arith.addf %get3A_17, %get3A_22 : vector<2000x128xf32>
    %mul3A = vector.broadcast %div3A_12 : vector<2000x1xf32> to vector<2000x128xf32>
    %mul3A_24 = arith.mulf %add3A_23, %mul3A : vector<2000x128xf32>
    %get3A_25 = arith.constant 0 : index
    %get3A_26 = arith.constant 0 : index
    %get3A_27 = vector.load %arg3[%get3A_25, %get3A_26] : memref<2000x128xf32, #tpu.memory_space<vmem>>, vector<2000x128xf32>
    %get3A_28 = arith.constant 0 : index
    %get3A_29 = arith.constant 0 : index
    %get3A_30 = vector.load %arg5[%get3A_28, %get3A_29] : memref<128x128xf32, #tpu.memory_space<vmem>>, vector<128x128xf32>
    %dot_general3A = arith.constant dense<0.000000e+00> : vector<2000x128xf32>
    %dot_general3A_31 = tpu.matmul %mul3A_24, %get3A_30, %dot_general3A {dimension_numbers = #tpu.dot_dimension_numbers<[1], [1], [0], [0], [0, 0, 1, 0], [], []>, transpose_lhs_hint = false} : vector<2000x128xf32>, vector<128x128xf32>, vector<2000x128xf32> -> vector<2000x128xf32>
    %get3A_32 = arith.constant 0 : index
    %get3A_33 = arith.constant 0 : index
    %get3A_34 = vector.load %arg6[%get3A_32, %get3A_33] : memref<1x128xf32, #tpu.memory_space<vmem>>, vector<1x128xf32>
    %add3A_35 = vector.broadcast %get3A_34 : vector<1x128xf32> to vector<2000x128xf32>
    %add3A_36 = arith.addf %dot_general3A_31, %add3A_35 : vector<2000x128xf32>
    %get3A_37 = arith.constant 0 : index
    %get3A_38 = arith.constant 0 : index
    %get3A_39 = vector.load %arg7[%get3A_37, %get3A_38] : memref<128x128xf32, #tpu.memory_space<vmem>>, vector<128x128xf32>
    %dot_general3A_40 = arith.constant dense<0.000000e+00> : vector<2000x128xf32>
    %dot_general3A_41 = tpu.matmul %get3A_27, %get3A_39, %dot_general3A_40 {dimension_numbers = #tpu.dot_dimension_numbers<[1], [1], [0], [0], [0, 0, 1, 0], [], []>, transpose_lhs_hint = false} : vector<2000x128xf32>, vector<128x128xf32>, vector<2000x128xf32> -> vector<2000x128xf32>
    %add3A_42 = arith.addf %add3A_36, %dot_general3A_41 : vector<2000x128xf32>
    %swap3A = arith.constant 0 : index
    %swap3A_43 = arith.constant 0 : index
    %swap3A_44 = vector.load %arg8[%swap3A, %swap3A_43] : memref<2000x128xf32, #tpu.memory_space<vmem>>, vector<2000x128xf32>
    tpu.vector_store %arg8[%swap3A, %swap3A_43], %add3A_42 {strides = array<i32>} : memref<2000x128xf32, #tpu.memory_space<vmem>>, vector<2000x128xf32>,
    %iota3A = tpu.iota {dimensions = array<i32: 0>} : vector<64x2000xi32>
    %get3A_45 = arith.constant 0 : index
    %get3A_46 = arith.constant 0 : index
    %get3A_47 = arith.constant 0 : index
    %get3A_48 = vector.load %arg4[%get3A_45, %get3A_46, %get3A_47] : memref<1x1x2000xi32, #tpu.memory_space<vmem>>, vector<1x1x2000xi32>
    %get3A_49 = vector.shape_cast %get3A_48 : vector<1x1x2000xi32> to vector<1x2000xi32>
    %eq3A = vector.broadcast %get3A_49 : vector<1x2000xi32> to vector<64x2000xi32>
    %eq3A_50 = arith.cmpi eq, %iota3A, %eq3A : vector<64x2000xi32>
    %convert_element_type3A = arith.extui %eq3A_50 : vector<64x2000xi1> to vector<64x2000xi32>
    %convert_element_type3A_51 = arith.sitofp %convert_element_type3A : vector<64x2000xi32> to vector<64x2000xf32>
    %dot_general3A_52 = arith.constant dense<0.000000e+00> : vector<64x128xf32>
    %dot_general3A_53 = tpu.matmul %convert_element_type3A_51, %add3A_42, %dot_general3A_52 {dimension_numbers = #tpu.dot_dimension_numbers<[1], [0], [0], [1], [0, 0, 1, 1], [], []>, transpose_lhs_hint = false} : vector<64x2000xf32>, vector<2000x128xf32>, vector<64x128xf32> -> vector<64x128xf32>
    %eq3A_54 = arith.constant 0 : i32
    %eq3A_55 = arith.cmpi eq, %arg0, %eq3A_54 : i32
    %convert_element_type3A_56 = arith.extui %eq3A_55 : i1 to i32
    %cond3A = arith.constant 0 : i32
    %cond3A_57 = arith.cmpi ne, %convert_element_type3A_56, %cond3A : i32
    scf.if %cond3A_57 {
      %broadcast_in_dim3A = arith.constant 0.000000e+00 : f32
      %broadcast_in_dim3A_65 = vector.broadcast %broadcast_in_dim3A : f32 to vector<64x128xf32>
      %swap3A_66 = arith.constant 0 : index
      %swap3A_67 = arith.constant 0 : index
      %swap3A_68 = vector.load %arg9[%swap3A_66, %swap3A_67] : memref<64x128xf32, #tpu.memory_space<vmem>>, vector<64x128xf32>
      tpu.vector_store %arg9[%swap3A_66, %swap3A_67], %broadcast_in_dim3A_65 {strides = array<i32>} : memref<64x128xf32, #tpu.memory_space<vmem>>, vector<64x128xf32>,
    } else {
    }
    %get3A_58 = arith.constant 0 : index
    %get3A_59 = arith.constant 0 : index
    %get3A_60 = vector.load %arg9[%get3A_58, %get3A_59] : memref<64x128xf32, #tpu.memory_space<vmem>>, vector<64x128xf32>
    %add3A_61 = arith.addf %get3A_60, %dot_general3A_53 : vector<64x128xf32>
    %swap3A_62 = arith.constant 0 : index
    %swap3A_63 = arith.constant 0 : index
    %swap3A_64 = vector.load %arg9[%swap3A_62, %swap3A_63] : memref<64x128xf32, #tpu.memory_space<vmem>>, vector<64x128xf32>
    tpu.vector_store %arg9[%swap3A_62, %swap3A_63], %add3A_61 {strides = array<i32>} : memref<64x128xf32, #tpu.memory_space<vmem>>, vector<64x128xf32>,
    return
  }
  func.func @transform_0(%arg0: i32) -> (i32, i32, i32) {
    %c0_i32 = arith.constant 0 : i32
    %c0_i32_0 = arith.constant 0 : i32
    %c0_i32_1 = arith.constant 0 : i32
    return %c0_i32, %arg0, %c0_i32_0 : i32, i32, i32
  }
  func.func @transform_1(%arg0: i32) -> (i32, i32, i32) {
    %c0_i32 = arith.constant 0 : i32
    %c0_i32_0 = arith.constant 0 : i32
    %c0_i32_1 = arith.constant 0 : i32
    return %c0_i32, %arg0, %c0_i32_0 : i32, i32, i32
  }
  func.func @transform_2(%arg0: i32) -> (i32, i32) {
    %c0_i32 = arith.constant 0 : i32
    %c0_i32_0 = arith.constant 0 : i32
    return %arg0, %c0_i32 : i32, i32
  }
  func.func @transform_3(%arg0: i32) -> (i32, i32, i32) {
    %c0_i32 = arith.constant 0 : i32
    %c0_i32_0 = arith.constant 0 : i32
    %c0_i32_1 = arith.constant 0 : i32
    return %arg0, %c0_i32, %c0_i32_0 : i32, i32, i32
  }
  func.func @transform_4(%arg0: i32) -> (i32, i32) {
    %c0_i32 = arith.constant 0 : i32
    %c0_i32_0 = arith.constant 0 : i32
    %c0_i32_1 = arith.constant 0 : i32
    return %c0_i32, %c0_i32_0 : i32, i32
  }
  func.func @transform_5(%arg0: i32) -> (i32, i32) {
    %c0_i32 = arith.constant 0 : i32
    %c0_i32_0 = arith.constant 0 : i32
    %c0_i32_1 = arith.constant 0 : i32
    return %c0_i32, %c0_i32_0 : i32, i32
  }
  func.func @transform_6(%arg0: i32) -> (i32, i32) {
    %c0_i32 = arith.constant 0 : i32
    %c0_i32_0 = arith.constant 0 : i32
    %c0_i32_1 = arith.constant 0 : i32
    return %c0_i32, %c0_i32_0 : i32, i32
  }
  func.func @transform_7(%arg0: i32) -> (i32, i32) {
    %c0_i32 = arith.constant 0 : i32
    %c0_i32_0 = arith.constant 0 : i32
    return %arg0, %c0_i32 : i32, i32
  }
  func.func @transform_8(%arg0: i32) -> (i32, i32) {
    %c0_i32 = arith.constant 0 : i32
    %c0_i32_0 = arith.constant 0 : i32
    %c0_i32_1 = arith.constant 0 : i32
    return %c0_i32, %c0_i32_0 : i32, i32
  }
}

module attributes {stable_mosaic.version = 14 : i64} {
  func.func @_tc_layer3_body(%arg0: i32, %arg1: memref<2x2000x128xf32, #tpu.memory_space<vmem>>, %arg2: memref<2x2000x128xf32, #tpu.memory_space<vmem>>, %arg3: memref<2000x128xf32, #tpu.memory_space<vmem>>, %arg4: memref<1x1x2000xi32, #tpu.memory_space<vmem>>, %arg5: memref<128x128xf32, #tpu.memory_space<vmem>>, %arg6: memref<1x128xf32, #tpu.memory_space<vmem>>, %arg7: memref<128x128xf32, #tpu.memory_space<vmem>>, %arg8: memref<64x128xf32, #tpu.memory_space<vmem>>, %arg9: memref<64x128xf32, #tpu.memory_space<vmem>>, %arg10: memref<128x384xf32, #tpu.memory_space<vmem>>, %arg11: memref<1x128xf32, #tpu.memory_space<vmem>>, %arg12: memref<10x128xf32, #tpu.memory_space<vmem>>, %arg13: memref<1x10xf32, #tpu.memory_space<vmem>>, %arg14: memref<2000x128xf32, #tpu.memory_space<vmem>>, %arg15: memref<64x128xf32, #tpu.memory_space<vmem>>, %arg16: memref<64x10xf32, #tpu.memory_space<vmem>>) attributes {dimension_semantics = [#tpu.dimension_semantics<arbitrary>], iteration_bounds = array<i64: 5>, scalar_prefetch = 0 : i64, scratch_operands = 0 : i64, tpu.core_type = #tpu.core_type<tc>, window_params = [{transform_indices = @transform_0, window_bounds = array<i64: 2, 2000, 128>}, {transform_indices = @transform_1, window_bounds = array<i64: 2, 2000, 128>}, {transform_indices = @transform_2, window_bounds = array<i64: 2000, 128>}, {transform_indices = @transform_3, window_bounds = array<i64: 1, 1, 2000>}, {pipeline_mode = #tpu.pipeline_mode<synchronous>, transform_indices = @transform_4, window_bounds = array<i64: 128, 128>}, {pipeline_mode = #tpu.pipeline_mode<synchronous>, transform_indices = @transform_5, window_bounds = array<i64: 1, 128>}, {pipeline_mode = #tpu.pipeline_mode<synchronous>, transform_indices = @transform_6, window_bounds = array<i64: 128, 128>}, {pipeline_mode = #tpu.pipeline_mode<synchronous>, transform_indices = @transform_7, window_bounds = array<i64: 64, 128>}, {pipeline_mode = #tpu.pipeline_mode<synchronous>, transform_indices = @transform_8, window_bounds = array<i64: 64, 128>}, {pipeline_mode = #tpu.pipeline_mode<synchronous>, transform_indices = @transform_9, window_bounds = array<i64: 128, 384>}, {pipeline_mode = #tpu.pipeline_mode<synchronous>, transform_indices = @transform_10, window_bounds = array<i64: 1, 128>}, {pipeline_mode = #tpu.pipeline_mode<synchronous>, transform_indices = @transform_11, window_bounds = array<i64: 10, 128>}, {pipeline_mode = #tpu.pipeline_mode<synchronous>, transform_indices = @transform_12, window_bounds = array<i64: 1, 10>}, {transform_indices = @transform_13, window_bounds = array<i64: 2000, 128>}, {pipeline_mode = #tpu.pipeline_mode<synchronous>, transform_indices = @transform_14, window_bounds = array<i64: 64, 128>}, {pipeline_mode = #tpu.pipeline_mode<synchronous>, transform_indices = @transform_15, window_bounds = array<i64: 64, 10>}]} {
    %get3A = arith.constant 0 : index
    %get3A_0 = arith.constant 0 : index
    %get3A_1 = arith.constant 0 : index
    %get3A_2 = vector.load %arg2[%get3A, %get3A_0, %get3A_1] : memref<2x2000x128xf32, #tpu.memory_space<vmem>>, vector<1x2000x1xf32>
    %get3A_3 = vector.shape_cast %get3A_2 : vector<1x2000x1xf32> to vector<2000x1xf32>
    %get3A_4 = arith.constant 1 : index
    %get3A_5 = arith.constant 0 : index
    %get3A_6 = arith.constant 0 : index
    %get3A_7 = vector.load %arg2[%get3A_4, %get3A_5, %get3A_6] : memref<2x2000x128xf32, #tpu.memory_space<vmem>>, vector<1x2000x1xf32>
    %get3A_8 = vector.shape_cast %get3A_7 : vector<1x2000x1xf32> to vector<2000x1xf32>
    %add3A = arith.addf %get3A_3, %get3A_8 : vector<2000x1xf32>
    %max3A = arith.constant 1.000000e+00 : f32
    %max3A_9 = vector.broadcast %max3A : f32 to vector<2000x1xf32>
    %max3A_10 = arith.maximumf %add3A, %max3A_9 : vector<2000x1xf32>
    %div3A = arith.constant 1.000000e+00 : f32
    %div3A_11 = vector.broadcast %div3A : f32 to vector<2000x1xf32>
    %div3A_12 = arith.divf %div3A_11, %max3A_10 : vector<2000x1xf32>
    %get3A_13 = arith.constant 0 : index
    %get3A_14 = arith.constant 0 : index
    %get3A_15 = arith.constant 0 : index
    %get3A_16 = vector.load %arg1[%get3A_13, %get3A_14, %get3A_15] : memref<2x2000x128xf32, #tpu.memory_space<vmem>>, vector<1x2000x128xf32>
    %get3A_17 = vector.shape_cast %get3A_16 : vector<1x2000x128xf32> to vector<2000x128xf32>
    %get3A_18 = arith.constant 1 : index
    %get3A_19 = arith.constant 0 : index
    %get3A_20 = arith.constant 0 : index
    %get3A_21 = vector.load %arg1[%get3A_18, %get3A_19, %get3A_20] : memref<2x2000x128xf32, #tpu.memory_space<vmem>>, vector<1x2000x128xf32>
    %get3A_22 = vector.shape_cast %get3A_21 : vector<1x2000x128xf32> to vector<2000x128xf32>
    %add3A_23 = arith.addf %get3A_17, %get3A_22 : vector<2000x128xf32>
    %mul3A = vector.broadcast %div3A_12 : vector<2000x1xf32> to vector<2000x128xf32>
    %mul3A_24 = arith.mulf %add3A_23, %mul3A : vector<2000x128xf32>
    %get3A_25 = arith.constant 0 : index
    %get3A_26 = arith.constant 0 : index
    %get3A_27 = vector.load %arg3[%get3A_25, %get3A_26] : memref<2000x128xf32, #tpu.memory_space<vmem>>, vector<2000x128xf32>
    %get3A_28 = arith.constant 0 : index
    %get3A_29 = arith.constant 0 : index
    %get3A_30 = vector.load %arg5[%get3A_28, %get3A_29] : memref<128x128xf32, #tpu.memory_space<vmem>>, vector<128x128xf32>
    %dot_general3A = arith.constant dense<0.000000e+00> : vector<2000x128xf32>
    %dot_general3A_31 = tpu.matmul %mul3A_24, %get3A_30, %dot_general3A {dimension_numbers = #tpu.dot_dimension_numbers<[1], [1], [0], [0], [0, 0, 1, 0], [], []>, transpose_lhs_hint = false} : vector<2000x128xf32>, vector<128x128xf32>, vector<2000x128xf32> -> vector<2000x128xf32>
    %get3A_32 = arith.constant 0 : index
    %get3A_33 = arith.constant 0 : index
    %get3A_34 = vector.load %arg6[%get3A_32, %get3A_33] : memref<1x128xf32, #tpu.memory_space<vmem>>, vector<1x128xf32>
    %add3A_35 = vector.broadcast %get3A_34 : vector<1x128xf32> to vector<2000x128xf32>
    %add3A_36 = arith.addf %dot_general3A_31, %add3A_35 : vector<2000x128xf32>
    %get3A_37 = arith.constant 0 : index
    %get3A_38 = arith.constant 0 : index
    %get3A_39 = vector.load %arg7[%get3A_37, %get3A_38] : memref<128x128xf32, #tpu.memory_space<vmem>>, vector<128x128xf32>
    %dot_general3A_40 = arith.constant dense<0.000000e+00> : vector<2000x128xf32>
    %dot_general3A_41 = tpu.matmul %get3A_27, %get3A_39, %dot_general3A_40 {dimension_numbers = #tpu.dot_dimension_numbers<[1], [1], [0], [0], [0, 0, 1, 0], [], []>, transpose_lhs_hint = false} : vector<2000x128xf32>, vector<128x128xf32>, vector<2000x128xf32> -> vector<2000x128xf32>
    %add3A_42 = arith.addf %add3A_36, %dot_general3A_41 : vector<2000x128xf32>
    %swap3A = arith.constant 0 : index
    %swap3A_43 = arith.constant 0 : index
    %swap3A_44 = vector.load %arg14[%swap3A, %swap3A_43] : memref<2000x128xf32, #tpu.memory_space<vmem>>, vector<2000x128xf32>
    tpu.vector_store %arg14[%swap3A, %swap3A_43], %add3A_42 {strides = array<i32>} : memref<2000x128xf32, #tpu.memory_space<vmem>>, vector<2000x128xf32>,
    %iota3A = tpu.iota {dimensions = array<i32: 0>} : vector<64x2000xi32>
    %get3A_45 = arith.constant 0 : index
    %get3A_46 = arith.constant 0 : index
    %get3A_47 = arith.constant 0 : index
    %get3A_48 = vector.load %arg4[%get3A_45, %get3A_46, %get3A_47] : memref<1x1x2000xi32, #tpu.memory_space<vmem>>, vector<1x1x2000xi32>
    %get3A_49 = vector.shape_cast %get3A_48 : vector<1x1x2000xi32> to vector<1x2000xi32>
    %eq3A = vector.broadcast %get3A_49 : vector<1x2000xi32> to vector<64x2000xi32>
    %eq3A_50 = arith.cmpi eq, %iota3A, %eq3A : vector<64x2000xi32>
    %convert_element_type3A = arith.extui %eq3A_50 : vector<64x2000xi1> to vector<64x2000xi32>
    %convert_element_type3A_51 = arith.sitofp %convert_element_type3A : vector<64x2000xi32> to vector<64x2000xf32>
    %dot_general3A_52 = arith.constant dense<0.000000e+00> : vector<64x128xf32>
    %dot_general3A_53 = tpu.matmul %convert_element_type3A_51, %add3A_42, %dot_general3A_52 {dimension_numbers = #tpu.dot_dimension_numbers<[1], [0], [0], [1], [0, 0, 1, 1], [], []>, transpose_lhs_hint = false} : vector<64x2000xf32>, vector<2000x128xf32>, vector<64x128xf32> -> vector<64x128xf32>
    %eq3A_54 = arith.constant 0 : i32
    %eq3A_55 = arith.cmpi eq, %arg0, %eq3A_54 : i32
    %convert_element_type3A_56 = arith.extui %eq3A_55 : i1 to i32
    %cond3A = arith.constant 0 : i32
    %cond3A_57 = arith.cmpi ne, %convert_element_type3A_56, %cond3A : i32
    scf.if %cond3A_57 {
      %broadcast_in_dim3A = arith.constant 0.000000e+00 : f32
      %broadcast_in_dim3A_70 = vector.broadcast %broadcast_in_dim3A : f32 to vector<64x128xf32>
      %swap3A_71 = arith.constant 0 : index
      %swap3A_72 = arith.constant 0 : index
      %swap3A_73 = vector.load %arg15[%swap3A_71, %swap3A_72] : memref<64x128xf32, #tpu.memory_space<vmem>>, vector<64x128xf32>
      tpu.vector_store %arg15[%swap3A_71, %swap3A_72], %broadcast_in_dim3A_70 {strides = array<i32>} : memref<64x128xf32, #tpu.memory_space<vmem>>, vector<64x128xf32>,
    } else {
    }
    %get3A_58 = arith.constant 0 : index
    %get3A_59 = arith.constant 0 : index
    %get3A_60 = vector.load %arg15[%get3A_58, %get3A_59] : memref<64x128xf32, #tpu.memory_space<vmem>>, vector<64x128xf32>
    %add3A_61 = arith.addf %get3A_60, %dot_general3A_53 : vector<64x128xf32>
    %swap3A_62 = arith.constant 0 : index
    %swap3A_63 = arith.constant 0 : index
    %swap3A_64 = vector.load %arg15[%swap3A_62, %swap3A_63] : memref<64x128xf32, #tpu.memory_space<vmem>>, vector<64x128xf32>
    tpu.vector_store %arg15[%swap3A_62, %swap3A_63], %add3A_61 {strides = array<i32>} : memref<64x128xf32, #tpu.memory_space<vmem>>, vector<64x128xf32>,
    %eq3A_65 = arith.constant 4 : i32
    %eq3A_66 = arith.cmpi eq, %arg0, %eq3A_65 : i32
    %convert_element_type3A_67 = arith.extui %eq3A_66 : i1 to i32
    %cond3A_68 = arith.constant 0 : i32
    %cond3A_69 = arith.cmpi ne, %convert_element_type3A_67, %cond3A_68 : i32
    scf.if %cond3A_69 {
      %get3A_70 = arith.constant 0 : index
      %get3A_71 = arith.constant 0 : index
      %get3A_72 = vector.load %arg8[%get3A_70, %get3A_71] : memref<64x128xf32, #tpu.memory_space<vmem>>, vector<64x128xf32>
      %get3A_73 = arith.constant 0 : index
      %get3A_74 = arith.constant 0 : index
      %get3A_75 = vector.load %arg10[%get3A_73, %get3A_74] : memref<128x384xf32, #tpu.memory_space<vmem>>, vector<128x128xf32>
      %dot_general3A_76 = arith.constant dense<0.000000e+00> : vector<64x128xf32>
      %dot_general3A_77 = tpu.matmul %get3A_72, %get3A_75, %dot_general3A_76 {dimension_numbers = #tpu.dot_dimension_numbers<[1], [1], [0], [0], [0, 0, 1, 0], [], []>, transpose_lhs_hint = false} : vector<64x128xf32>, vector<128x128xf32>, vector<64x128xf32> -> vector<64x128xf32>
      %get3A_78 = arith.constant 0 : index
      %get3A_79 = arith.constant 0 : index
      %get3A_80 = vector.load %arg9[%get3A_78, %get3A_79] : memref<64x128xf32, #tpu.memory_space<vmem>>, vector<64x128xf32>
      %get3A_81 = arith.constant 0 : index
      %get3A_82 = arith.constant 128 : index
      %get3A_83 = vector.load %arg10[%get3A_81, %get3A_82] : memref<128x384xf32, #tpu.memory_space<vmem>>, vector<128x128xf32>
      %dot_general3A_84 = arith.constant dense<0.000000e+00> : vector<64x128xf32>
      %dot_general3A_85 = tpu.matmul %get3A_80, %get3A_83, %dot_general3A_84 {dimension_numbers = #tpu.dot_dimension_numbers<[1], [1], [0], [0], [0, 0, 1, 0], [], []>, transpose_lhs_hint = false} : vector<64x128xf32>, vector<128x128xf32>, vector<64x128xf32> -> vector<64x128xf32>
      %add3A_86 = arith.addf %dot_general3A_77, %dot_general3A_85 : vector<64x128xf32>
      %get3A_87 = arith.constant 0 : index
      %get3A_88 = arith.constant 0 : index
      %get3A_89 = vector.load %arg15[%get3A_87, %get3A_88] : memref<64x128xf32, #tpu.memory_space<vmem>>, vector<64x128xf32>
      %get3A_90 = arith.constant 0 : index
      %get3A_91 = arith.constant 256 : index
      %get3A_92 = vector.load %arg10[%get3A_90, %get3A_91] : memref<128x384xf32, #tpu.memory_space<vmem>>, vector<128x128xf32>
      %dot_general3A_93 = arith.constant dense<0.000000e+00> : vector<64x128xf32>
      %dot_general3A_94 = tpu.matmul %get3A_89, %get3A_92, %dot_general3A_93 {dimension_numbers = #tpu.dot_dimension_numbers<[1], [1], [0], [0], [0, 0, 1, 0], [], []>, transpose_lhs_hint = false} : vector<64x128xf32>, vector<128x128xf32>, vector<64x128xf32> -> vector<64x128xf32>
      %add3A_95 = arith.addf %add3A_86, %dot_general3A_94 : vector<64x128xf32>
      %get3A_96 = arith.constant 0 : index
      %get3A_97 = arith.constant 0 : index
      %get3A_98 = vector.load %arg11[%get3A_96, %get3A_97] : memref<1x128xf32, #tpu.memory_space<vmem>>, vector<1x128xf32>
      %add3A_99 = vector.broadcast %get3A_98 : vector<1x128xf32> to vector<64x128xf32>
      %add3A_100 = arith.addf %add3A_95, %add3A_99 : vector<64x128xf32>
      %max3A_101 = arith.constant 0.000000e+00 : f32
      %max3A_102 = vector.broadcast %max3A_101 : f32 to vector<64x128xf32>
      %max3A_103 = arith.maximumf %add3A_100, %max3A_102 : vector<64x128xf32>
      %get3A_104 = arith.constant 0 : index
      %get3A_105 = arith.constant 0 : index
      %get3A_106 = vector.load %arg12[%get3A_104, %get3A_105] : memref<10x128xf32, #tpu.memory_space<vmem>>, vector<10x128xf32>
      %dot_general3A_107 = arith.constant dense<0.000000e+00> : vector<64x10xf32>
      %dot_general3A_108 = tpu.matmul %max3A_103, %get3A_106, %dot_general3A_107 {dimension_numbers = #tpu.dot_dimension_numbers<[1], [1], [0], [0], [0, 0, 1, 0], [], []>, transpose_lhs_hint = false} : vector<64x128xf32>, vector<10x128xf32>, vector<64x10xf32> -> vector<64x10xf32>
      %get3A_109 = arith.constant 0 : index
      %get3A_110 = arith.constant 0 : index
      %get3A_111 = vector.load %arg13[%get3A_109, %get3A_110] : memref<1x10xf32, #tpu.memory_space<vmem>>, vector<1x10xf32>
      %add3A_112 = vector.broadcast %get3A_111 : vector<1x10xf32> to vector<64x10xf32>
      %add3A_113 = arith.addf %dot_general3A_108, %add3A_112 : vector<64x10xf32>
      %reduce_max3A = arith.constant dense<0xFF800000> : vector<64xf32>
      %reduce_max3A_114 = vector.multi_reduction <maximumf>, %add3A_113, %reduce_max3A [1] : vector<64x10xf32> to vector<64xf32>
      %broadcast_in_dim3A = vector.shape_cast %reduce_max3A_114 : vector<64xf32> to vector<64x1xf32>
      %sub3A = vector.broadcast %broadcast_in_dim3A : vector<64x1xf32> to vector<64x10xf32>
      %sub3A_115 = arith.subf %add3A_113, %sub3A : vector<64x10xf32>
      %exp3A = math.exp %sub3A_115 : vector<64x10xf32>
      %reduce_sum3A = arith.constant dense<0.000000e+00> : vector<64xf32>
      %reduce_sum3A_116 = vector.multi_reduction <add>, %exp3A, %reduce_sum3A [1] : vector<64x10xf32> to vector<64xf32>
      %broadcast_in_dim3A_117 = vector.shape_cast %reduce_sum3A_116 : vector<64xf32> to vector<64x1xf32>
      %log3A = math.log %broadcast_in_dim3A_117 : vector<64x1xf32>
      %add3A_118 = arith.addf %log3A, %broadcast_in_dim3A : vector<64x1xf32>
      %sub3A_119 = vector.broadcast %add3A_118 : vector<64x1xf32> to vector<64x10xf32>
      %sub3A_120 = arith.subf %add3A_113, %sub3A_119 : vector<64x10xf32>
      %swap3A_121 = arith.constant 0 : index
      %swap3A_122 = arith.constant 0 : index
      %swap3A_123 = vector.load %arg16[%swap3A_121, %swap3A_122] : memref<64x10xf32, #tpu.memory_space<vmem>>, vector<64x10xf32>
      tpu.vector_store %arg16[%swap3A_121, %swap3A_122], %sub3A_120 {strides = array<i32>} : memref<64x10xf32, #tpu.memory_space<vmem>>, vector<64x10xf32>,
    } else {
    }
    return
  }
  func.func @transform_0(%arg0: i32) -> (i32, i32, i32) {
    %c0_i32 = arith.constant 0 : i32
    %c0_i32_0 = arith.constant 0 : i32
    %c0_i32_1 = arith.constant 0 : i32
    return %c0_i32, %arg0, %c0_i32_0 : i32, i32, i32
  }
  func.func @transform_1(%arg0: i32) -> (i32, i32, i32) {
    %c0_i32 = arith.constant 0 : i32
    %c0_i32_0 = arith.constant 0 : i32
    %c0_i32_1 = arith.constant 0 : i32
    return %c0_i32, %arg0, %c0_i32_0 : i32, i32, i32
  }
  func.func @transform_2(%arg0: i32) -> (i32, i32) {
    %c0_i32 = arith.constant 0 : i32
    %c0_i32_0 = arith.constant 0 : i32
    return %arg0, %c0_i32 : i32, i32
  }
  func.func @transform_3(%arg0: i32) -> (i32, i32, i32) {
    %c0_i32 = arith.constant 0 : i32
    %c0_i32_0 = arith.constant 0 : i32
    %c0_i32_1 = arith.constant 0 : i32
    return %arg0, %c0_i32, %c0_i32_0 : i32, i32, i32
  }
  func.func @transform_4(%arg0: i32) -> (i32, i32) {
    %c0_i32 = arith.constant 0 : i32
    %c0_i32_0 = arith.constant 0 : i32
    %c0_i32_1 = arith.constant 0 : i32
    return %c0_i32, %c0_i32_0 : i32, i32
  }
  func.func @transform_5(%arg0: i32) -> (i32, i32) {
    %c0_i32 = arith.constant 0 : i32
    %c0_i32_0 = arith.constant 0 : i32
    %c0_i32_1 = arith.constant 0 : i32
    return %c0_i32, %c0_i32_0 : i32, i32
  }
  func.func @transform_6(%arg0: i32) -> (i32, i32) {
    %c0_i32 = arith.constant 0 : i32
    %c0_i32_0 = arith.constant 0 : i32
    %c0_i32_1 = arith.constant 0 : i32
    return %c0_i32, %c0_i32_0 : i32, i32
  }
  func.func @transform_7(%arg0: i32) -> (i32, i32) {
    %c0_i32 = arith.constant 0 : i32
    %c0_i32_0 = arith.constant 0 : i32
    %c0_i32_1 = arith.constant 0 : i32
    return %c0_i32, %c0_i32_0 : i32, i32
  }
  func.func @transform_8(%arg0: i32) -> (i32, i32) {
    %c0_i32 = arith.constant 0 : i32
    %c0_i32_0 = arith.constant 0 : i32
    %c0_i32_1 = arith.constant 0 : i32
    return %c0_i32, %c0_i32_0 : i32, i32
  }
  func.func @transform_9(%arg0: i32) -> (i32, i32) {
    %c0_i32 = arith.constant 0 : i32
    %c0_i32_0 = arith.constant 0 : i32
    %c0_i32_1 = arith.constant 0 : i32
    return %c0_i32, %c0_i32_0 : i32, i32
  }
  func.func @transform_10(%arg0: i32) -> (i32, i32) {
    %c0_i32 = arith.constant 0 : i32
    %c0_i32_0 = arith.constant 0 : i32
    %c0_i32_1 = arith.constant 0 : i32
    return %c0_i32, %c0_i32_0 : i32, i32
  }
  func.func @transform_11(%arg0: i32) -> (i32, i32) {
    %c0_i32 = arith.constant 0 : i32
    %c0_i32_0 = arith.constant 0 : i32
    %c0_i32_1 = arith.constant 0 : i32
    return %c0_i32, %c0_i32_0 : i32, i32
  }
  func.func @transform_12(%arg0: i32) -> (i32, i32) {
    %c0_i32 = arith.constant 0 : i32
    %c0_i32_0 = arith.constant 0 : i32
    %c0_i32_1 = arith.constant 0 : i32
    return %c0_i32, %c0_i32_0 : i32, i32
  }
  func.func @transform_13(%arg0: i32) -> (i32, i32) {
    %c0_i32 = arith.constant 0 : i32
    %c0_i32_0 = arith.constant 0 : i32
    return %arg0, %c0_i32 : i32, i32
  }
  func.func @transform_14(%arg0: i32) -> (i32, i32) {
    %c0_i32 = arith.constant 0 : i32
    %c0_i32_0 = arith.constant 0 : i32
    %c0_i32_1 = arith.constant 0 : i32
    return %c0_i32, %c0_i32_0 : i32, i32
  }
  func.func @transform_15(%arg0: i32) -> (i32, i32) {
    %c0_i32 = arith.constant 0 : i32
    %c0_i32_0 = arith.constant 0 : i32
    %c0_i32_1 = arith.constant 0 : i32
    return %c0_i32, %c0_i32_0 : i32, i32
  }
}

</mosaic_0001>

<sc_bundles>
// kernel: sc_agg.11.cloned.1.call-start
scs
__scs_entry_jumppad:
0x0: {  	(pc) =	sbr.rel $0x88, $3  }
0x1: {  	(tag) =	ssettag $0x0;
	lr =	simm.s32 $0x1  }
0x2: {  	[smem:$0x3F91] =	sst lr;
	_ =	strace $0xD0000000  }
0x3: {  	_ = 	snop  }
0x4: {  	_ = 	snop  }
0x5: {  	_ = 	snop  }
0x6: {  	_ = 	snop  }
0x7: {  	_ = 	snop  }
__scs_overlays_trampoline_lowered:
0x8: {  	[smem:$0x3FA0] =	sst s0  }
0x9: {  	[smem:$0x3FA1] =	sst s1  }
0xa: {  	[smem:$0x3FA2] =	sst s2  }
0xb: {  	[smem:$0x3FA3] =	sst s3  }
0xc: {  	[smem:$0x3FA4] =	sst s4  }
0xd: {  	[smem:$0x3FA5] =	sst s5  }
0xe: {  	[smem:$0x3FA6] =	sst s6  }
0xf: {  	[smem:$0x3FA7] =	sst s7  }
0x10: {  	[smem:$0x3FA8] =	sst s8  }
0x11: {  	[smem:$0x3FA9] =	sst s9;
	s0 =	simm.s32 @!p0 $0x0  }
0x12: {  	s1 =	sld [smem:$0x3F8F];
	s0 =	simm.s32 @p0 $0x1  }
0x13: {  	[smem:$0x3FAA] =	sst s0;
	s0 =	simm.s32 @!p1 $0x0  }
0x14: {  	s2 =	sld [smem:$0x3F8E];
	s0 =	simm.s32 @p1 $0x1  }
0x15: {  	[smem:$0x3FAB] =	sst s0;
	s0 =	simm.s32 @!p2 $0x0  }
0x16: {  	s3 =	sld [smem:$0x3FDB];
	s0 =	simm.s32 @p2 $0x1  }
0x17: {  	s4 =	simm.s32 $0x1BF5;
	[smem:$0x3FAD] =	sst s0  }
0x18: {  	s0 =	sld [smem:$0x3F90];
	_ =	swait.ge [sflag:s4], $0x0  }
0x19: {  	s7 =	sld [smem:$0x3F91]  }
0x1a: {  	s8 =	sadd.s32 $0xFFFFE003, lr  }
0x1b: {  	s9 =	sadd.s32 $0xFFFFFEF7, lr;
	s5 =	simm.s32 $0xFFFFFFFF;
	p2 =	slt.u32 s8, $0xFFFFF086  }
0x1c: {  	p1 =	slt.u32 s9, $0xF7A;
	s5 =	simm.s32 @!p2 $0x0  }
0x1d: {  	s5 =	simm.s32 @p1 $0x1;
	p0 =	seq.s32 s7, s2  }
0x1e: {  	s7 =	smul.u32 @!p0 $0xF7A, s2;
	p2 =	seq.s32 @!p0 s5, $0x0  }
0x1f: {  	s9 =	smul.u32 $0xF7A, s1;
	s8 =	simm.s32 @!p0 $0x1BF5;
	p2 =	por !p2, p0  }
0x20: {  	[sflag:s8] =	ssyncset.s32 @!p0 $0xFFFFF086;
	s6 =	sadd.s32 @!p0 s3, s7;
	s7 =	simm.s32 @!p0 $0x108  }
0x21: {  	s3 =	sadd.s32 s3, s9;
	s6 =	sadd.s32 @!p0 $0x88, s6;
	s7 =	simm.s32 @p2 $0x1082  }
0x22: {  	[simem:s7], [sflag:s8] =	dma.local @!p0 [hbm:s6], $0xF7A  }
0x23: {  	s9 =	sor.u32 $0xD0000000, s2;
	s6 =	simm.s32 $0x108;
	_ =	swait.ge @!p0 [sflag:s8], $0x0  }
0x24: {  	s3 =	sadd.s32 $0x88, s3;
	s6 =	simm.s32 @!p1 $0x1082;
	[sflag:s4] =	ssyncset.s32 $0xFFFFF086  }
0x25: {  	[simem:s6], [sflag:s4] =	dma.local [hbm:s3], $0xF7A  }
0x26: {  	[smem:$0x3F91] =	sst s1;
	(tag) =	ssettag s2;
	_ =	strace s9  }
0x27: {  	s1 =	sld [smem:$0x3FA1]  }
0x28: {  	s2 =	sld [smem:$0x3FA2]  }
0x29: {  	s4 =	sld [smem:$0x3FA4]  }
0x2a: {  	p0 =	seq.s32 s5, $0x0;
	s5 =	sld [smem:$0x3FA5]  }
0x2b: {  	s6 =	sld [smem:$0x3FA6]  }
0x2c: {  	s7 =	sld [smem:$0x3FA7]  }
0x2d: {  	s3 =	simm.s32 $0x108;
	s8 =	sld [smem:$0x3FA8]  }
0x2e: {  	s3 =	simm.s32 @!p0 $0x1082;
	s9 =	sld [smem:$0x3FA9]  }
0x2f: {  	lr =	sadd.s32 s0, s3;
	s0 =	sld [smem:$0x3FA0]  }
0x30: {  	s3 =	sld [smem:$0x3FA3]  }
0x31: {  	[smem:$0x3FAC] =	sst s10  }
0x32: {  	s10 =	sld [smem:$0x3FAA];
	_ =	sdelay $0x3  }
0x33: {  	p0 =	seq.s32 s10, $0x1;
	s10 =	sld [smem:$0x3FAC];
	_ =	sdelay $0x3  }
0x34: {  	[smem:$0x3FAC] =	sst s10  }
0x35: {  	s10 =	sld [smem:$0x3FAB];
	_ =	sdelay $0x3  }
0x36: {  	p1 =	seq.s32 s10, $0x1;
	s10 =	sld [smem:$0x3FAC];
	_ =	sdelay $0x3  }
0x37: {  	[smem:$0x3FAC] =	sst s10  }
0x38: {  	s10 =	sld [smem:$0x3FAD]  }
0x39: {  	_ = 	snop;
	(pc) =	sbr.ind lr, $3  }
0x3a: {  	_ = 	snop  }
0x3b: {  	_ = 	snop  }
0x3c: {  	p2 =	seq.s32 s10, $0x1;
	s10 =	sld [smem:$0x3FAC]  }
0x3d: {  	_ =	shalt  }
0x3e: {  	_ =	shalt  }
0x3f: {  	_ =	shalt  }
0x40: {  	_ =	shalt  }
0x41: {  	_ =	shalt  }
0x42: {  	_ =	shalt  }
0x43: {  	_ =	shalt  }
0x44: {  	_ =	shalt  }
0x45: {  	_ =	shalt  }
0x46: {  	_ =	shalt  }
0x47: {  	_ =	shalt  }
0x48: {  	_ =	shalt  }
0x49: {  	_ =	shalt  }
0x4a: {  	_ =	shalt  }
0x4b: {  	_ =	shalt  }
0x4c: {  	_ =	shalt  }
0x4d: {  	_ =	shalt  }
0x4e: {  	_ =	shalt  }
0x4f: {  	_ =	shalt  }
0x50: {  	_ =	shalt  }
0x51: {  	_ =	shalt  }
0x52: {  	_ =	shalt  }
0x53: {  	_ =	shalt  }
0x54: {  	_ =	shalt  }
0x55: {  	_ =	shalt  }
0x56: {  	_ =	shalt  }
0x57: {  	_ =	shalt  }
0x58: {  	_ =	shalt  }
0x59: {  	_ =	shalt  }
0x5a: {  	_ =	shalt  }
0x5b: {  	_ =	shalt  }
0x5c: {  	_ =	shalt  }
0x5d: {  	_ =	shalt  }
0x5e: {  	_ =	shalt  }
0x5f: {  	_ =	shalt  }
0x60: {  	_ =	shalt  }
0x61: {  	_ =	shalt  }
0x62: {  	_ =	shalt  }
0x63: {  	_ =	shalt  }
0x64: {  	_ =	shalt  }
0x65: {  	_ =	shalt  }
0x66: {  	_ =	shalt  }
0x67: {  	_ =	shalt  }
0x68: {  	_ =	shalt  }
0x69: {  	_ =	shalt  }
0x6a: {  	_ =	shalt  }
0x6b: {  	_ =	shalt  }
0x6c: {  	_ =	shalt  }
0x6d: {  	_ =	shalt  }
0x6e: {  	_ =	shalt  }
0x6f: {  	_ =	shalt  }
0x70: {  	_ =	shalt  }
0x71: {  	_ =	shalt  }
0x72: {  	_ =	shalt  }
0x73: {  	_ =	shalt  }
0x74: {  	_ =	shalt  }
0x75: {  	_ =	shalt  }
0x76: {  	_ =	shalt  }
0x77: {  	_ =	shalt  }
0x78: {  	_ =	shalt  }
0x79: {  	_ =	shalt  }
0x7a: {  	_ =	shalt  }
0x7b: {  	_ =	shalt  }
0x7c: {  	_ =	shalt  }
0x7d: {  	_ =	shalt  }
0x7e: {  	_ =	shalt  }
0x7f: {  	_ =	shalt  }
0x80: {  	_ =	shalt  }
0x81: {  	_ =	shalt  }
0x82: {  	_ =	shalt  }
0x83: {  	_ =	shalt  }
0x84: {  	_ =	shalt  }
0x85: {  	_ =	shalt  }
0x86: {  	_ =	shalt  }
0x87: {  	_ =	shalt  }
.Lfunc_end0:
.L_simem_size_0:
called_computation.3_lowered:
.L_overlay_start_0:
0x88: {  	s2 =	sld [smem:$0x3FD9]  }
0x89: {  	s3 =	sld [smem:$0x3FFE];
	_ =	sdelay $0x1  }
0x8a: {  	s1 =	srdreg.scid  }
0x8b: {  	s0 =	sand.u32 $0x1, s1  }
0x8c: {  	s16 =	sshll.u32 s0, $0xA;
	s2 =	sadd.s32 s3, s2  }
0x8d: {  	s2 =	sadd.s32 s2, s16  }
0x8e: {  	[smem:$0x3FB8] =	sst s2  }
0x8f: {  	_ = 	snop  }
0x90: {  	(tm) =	ssettm $0x1  }
0x91: {  	s17 =	sld [smem:$0x3FFB];
	_ =	sdelay $0x3  }
0x92: {  	_ =	strace s17  }
0x93: {  	s2 =	sld [smem:$0x3FFC];
	_ =	sdelay $0x3  }
0x94: {  	_ =	strace s2  }
0x95: {  	s2 =	sld [smem:$0x3FFD];
	_ =	sdelay $0x3  }
0x96: {  	_ =	strace s2  }
0x97: {  	_ =	strace $0x8FFFFFFF  }
0x98: {  	s18 =	sld [smem:$0x3FDB];
	_ =	sdelay $0x1  }
0x99: {  	s19 =	simm.s32 $_scs_section_size  }
0x9a: {  	s4 =	simm.s32 $_size__tile_overlayer_lowered;
	s5 =	simm.s32 $_tile_overlayer_lowered  }
0x9b: {  	s22 =	simm.s32 $0x1BFF;
	s21 =	sshll.u32 s5, $0x1;
	s2 =	sadd.s32 s19, s18  }
0x9c: {  	s6 =	simm.s32 $0x0;
	s20 =	sshll.u32 s4, $0x1;
	s4 =	sadd.s32 s21, s2  }
0x9d: {  	[timem:s6], [sflag:s22] =	dma.local [hbm:s4], s20  }
0x9e: {  	_ =	swait.ge [sflag:s22], s20  }
0x9f: {  	s3 =	ssub.s32 $0x0, s20;
	[sflag:s22] =	ssyncset.done $0x0  }
0xa0: {  	[sflag:s22] =	ssyncadd.s32 s3;
	_ =	sdelay $0x1  }
0xa1: {  	s23 =	simm.s32 $0x1B8B  }
0xa2: {  	_ =	swait.ge [sflag:s23], $0x1  }
0xa3: {  	[sflag:s23] =	ssyncset.done $0x0  }
0xa4: {  	s25 =	simm.s32 $0x1B8E;
	s24 =	sld [smem:$0x3FFE];
	[sflag:s23] =	ssyncadd.s32 $0xFFFFFFFF  }
0xa5: {  	s26 =	simm.s32 $execute0_lowered;
	[smem:$0x3FD2] =	sst s25  }
0xa6: {  	s4 =	sshll.u32 s26, $0x1;
	_ =	strace $0x8000004F;
	[dreg:$0x1] =	wrdreg $0xFFFFFFFF  }
0xa7: {  	s28 =	simm.s32 $_size_execute0_lowered;
	s2 =	sadd.s32 s2, s4;
	[dreg:$0x0] =	wrdreg $0x0  }
0xa8: {  	s4 =	sshll.u32 s28, $0x1;
	[dreg:$0x2] =	wrdreg s2  }
0xa9: {  	[dreg:$0x3] =	wrdreg s4  }
0xaa: {  	[dreg:$0x4] =	wrdreg $0xC0  }
0xab: {  	_ =	task [dreg:s6], $0x5FFFF  }
0xac: {  	[dreg:$0x1] =	wrdreg $0xFFFFFFFF  }
0xad: {  	[dreg:$0x0] =	wrdreg $0x60  }
0xae: {  	[dreg:$0x2] =	wrdreg s24  }
0xaf: {  	[dreg:$0x3] =	wrdreg $0x90000  }
0xb0: {  	[dreg:$0x4] =	wrdreg $0x9  }
0xb1: {  	_ =	task.clear_ibuf [dreg:s6], $0x5FFFF;
	_ =	strace $0x9000004F  }
0xb2: {  	s29 =	simm.s32 $0x9;
	_ =	strace $0x80000051  }
0xb3: {  	_ =	swait.ge [sflag:s29], $0x1  }
0xb4: {  	[sflag:s29] =	ssyncadd.s32 $0xFFFFFFFF  }
0xb5: {  	_ =	strace $0x90000051  }
0xb6: {  	_ =	sfence  }
0xb7: {  	s30 =	sld [smem:$0x0];
	_ =	sdelay $0x2  }
0xb8: {  	s31 =	sshll.u32 s1, $0xD;
	s1 =	sshrl.u32 s1, $0x2  }
0xb9: {  	s3 =	sand.u32 $0x4000, s31;
	s1 =	sadd.s32 s1, s30  }
0xba: {  	s0 =	sor.u32 s3, s0;
	s1 =	sshll.u32 s1, $0x11  }
0xbb: {  	s0 =	sor.u32 s1, s0  }
0xbc: {  	s0 =	sadd.s32 $0x8F2B, s0  }
0xbd: {  	[sflag:s0] =	ssyncadd.remote.s32 $0x1  }
0xbe: {  	_ =	sfence.sel $0xFFFF  }
0xbf: {  	[dreg:$0x0] =	wrdreg $0xFFFFFFFF;
	(pc) =	sbr.abs _section_cstart, $3  }
0xc0: {  	[dreg:$0x1] =	wrdreg $0xFFFFFFFF  }
0xc1: {  	_ =	task.clear_ibuf [dreg:s6], $0x2FFFF;
	_ =	strace $0x9FFFFFFF  }
0xc2: {  	(tm) =	ssettm $0x7FFFFFFF  }
0xc3: {  	_ =	shalt  }
tec
execute0_lowered:
.L_overlay_start_1:
0x0: {  	(tag) =	ssettag $0x1  }
0x1: {  	s0 =	rddreg [dreg:$0x0]  }
0x2: {  	s2 =	rddreg [dreg:$0x1];
	s3 =	simm.s32 $0x0  }
0x3: {  	s12 =	stileid.u32;
	s1 =	srdreg.scid;
	s15 =	simm.s32 $0x7  }
0x4: {  	s17 =	simm.s32 $0x40;
	s18 =	simm.s32 $0x1000;
	s28 =	simm.s32 $0x4  }
0x5: {  	s29 =	simm.s32 $0x5;
	s30 =	simm.s32 $0x6;
	s31 =	simm.s32 $0x0  }
0x6: {  	[smem:$0x7FF] =	sst s3;
	s7 =	smul.u32 $0x14000, s12;
	s1 =	sand.u32 $0x1, s1  }
0x7: {  	s4 =	sadd.s32 $0xAF400, s0;
	s5 =	sadd.s32 $0x87400, s0;
	s6 =	sadd.s32 $0x9B400, s0  }
0x8: {  	s20 =	smul.u32 $0x50000, s12;
	s10 =	sshll.u32 s12, $0x1;
	s23 =	sshll.u32 s12, $0x6  }
0x9: {  	_ =	strace $0x80000050;
	s8 =	smul.u32 $0x140000, s1;
	s11 =	ssub.s32 $0x2, s1  }
0xa: {  	s1 =	sor.u32 s1, s10;
	s9 =	sshrl.u32 s7, $0x3;
	s21 =	sshrl.u32 s11, $0x1  }
0xb: {  	s9 =	sadd.s32 s9, s0;
	s7 =	sadd.s32 s7, s8;
	s8 =	sshrl.u32 s20, $0x2  }
0xc: {  	s22 =	ssub.s32 s11, s21;
	s20 =	simm.s32 $0x3000;
	s7 =	sshrl.u32 s7, $0x3  }
0xd: {  	s14 =	sadd.s32 s8, s2;
	s24 =	sadd.s32 $0xF400, s9;
	s9 =	sor.u32 $0x1C07, s23  }
0xe: {  	s13 =	smax.u32 s22, $0x1;
	s0 =	sadd.s32 s7, s0;
	s7 =	smul.u32 $0x5000, s1  }
0xf: {  	s22 =	simm.s32 $0x5000;
	s23 =	simm.s32 $0x1;
	[dreg:$0x3] =	wrdreg s24  }
0x10: {  	s14 =	sshrl.u32 s14, $0x3;
	s24 =	simm.s32 $0x7000;
	s25 =	sshrl.u32 s7, $0x3  }
0x11: {  	s12 =	sadd.s32 $0xD6600, s0;
	s26 =	sadd.s32 s5, s25;
	s11 =	sadd.s32 s6, s25  }
0x12: {  	s25 =	simm.s32 $0x2;
	[dreg:$0x4] =	wrdreg s26;
	s26 =	simm.s32 $0x3  }
.LBB2_1:
0x13: {  	s0 =	rddreg [dreg:$0x3]  }
0x14: {  	[spmem:s14], [sflag:s9] =	dma.local [hbm:s0], $0x2800  }
0x15: {  	_ =	swait.ge [sflag:s15], $0x2800  }
0x16: {  	[sflag:s15] =	ssyncset.done $0x0  }
0x17: {  	[sflag:s15] =	ssyncadd.s32 $0xFFFFD800  }
0x18: {  	[bflag:$0x0] =	sbarrier.arrive $0xFFFF  }
0x19: {  	s16 =	rddreg [dreg:$0x4]  }
0x1a: {  	[tilespmem:s3], [sflag:$0x7] =	stream.linear.gather [hbm4b:s16+s3], $0x400, $0x38;
	[tilespmem:$0x1D000] =	vst v63  }
0x1b: {  	_ =	swait.ge [sflag:s15], $0x400  }
0x1c: {  	[sflag:s15] =	ssyncset.done $0x0  }
0x1d: {  	s19 =	simm.s32 $0x800;
	[sflag:s15] =	ssyncadd.s32 $0xFFFFFC00  }
0x1e: {  	[tilespmem:s19], [sflag:$0x7] =	stream.linear.gather [hbm4b:s11+s3], $0x400, $0x38;
	[tilespmem:$0x1D000] =	vst v63  }
0x1f: {  	_ =	swait.ge [sflag:s15], $0x400  }
0x20: {  	[sflag:s15] =	ssyncset.done $0x0  }
0x21: {  	s8 =	smin.u32 s23, $0x13;
	[sflag:s15] =	ssyncadd.s32 $0xFFFFFC00  }
0x22: {  	[tilespmem:s18], [sflag:$0x1] =	stream.indirect.gather [hbm4b:s4+s17], $0x80, s3, s17, $0xb8;
	[tilespmem:$0x1D000] =	vst v63  }
0x23: {  	s21 =	simm.s32 $0x80;
	s0 =	sshll.u32 s8, $0xA  }
0x24: {  	[tilespmem:s20], [sflag:$0x2] =	stream.indirect.gather [hbm4b:s4+s17], $0x80, s21, s17, $0xb8;
	[tilespmem:$0x1D000] =	vst v63  }
0x25: {  	s1 =	simm.s32 $0x100;
	s0 =	sadd.s32 s7, s0  }
0x26: {  	[tilespmem:s22], [sflag:$0x3] =	stream.indirect.gather [hbm4b:s4+s17], $0x80, s1, s17, $0xb8;
	[tilespmem:$0x1D000] =	vst v63  }
0x27: {  	s0 =	sshrl.u32 s0, $0x3;
	s1 =	simm.s32 $0x400  }
0x28: {  	s16 =	sadd.s32 s5, s0;
	s1 =	sand.u32 $0x400, s1  }
0x29: {  	[tilespmem:s1], [sflag:$0x5] =	stream.linear.gather [hbm4b:s16+s3], $0x400, $0x38;
	[tilespmem:$0x1D000] =	vst v63  }
0x2a: {  	s0 =	sadd.s32 s6, s0;
	s19 =	simm.s32 $0x0;
	s10 =	sor.u32 $0x800, s1  }
0x2b: {  	[tilespmem:s10], [sflag:$0x6] =	stream.linear.gather [hbm4b:s0+s3], $0x400, $0x38;
	[tilespmem:$0x1D000] =	vst v63  }
0x2c: {  	s0 =	sand.u32 $0x1, s19;
	_ =	swait.ge [sflag:s23], $0x2000  }
0x2d: {  	s16 =	sshll.u32 s0, $0xA;
	[sflag:s23] =	ssyncset.done $0x0  }
0x2e: {  	s0 =	sor.u32 $0x180, s16;
	[sflag:s23] =	ssyncadd.s32 $0xFFFFE000  }
0x2f: {  	[tilespmem:s24], [sflag:$0x4] =	stream.indirect.gather [hbm4b:s4+s17], $0x80, s0, s17, $0xb8;
	[tilespmem:$0x1D000] =	vst v63  }
0x30: {  	s21 =	sor.u32 $0x800, s16  }
0x31: {  	[spmem:s2] =	stream.indirect.scatter.add.f32 [tilespmem:s18], [sflag:$0x7], $0x80, s21, s17, $0xb8;
	[tilespmem:$0x1D000] =	vst v63  }
0x32: {  	_ =	swait.ge [sflag:s15], $0x2000  }
0x33: {  	[sflag:s15] =	ssyncset.done $0x0  }
0x34: {  	[sflag:s15] =	ssyncadd.s32 $0xFFFFE000  }
0x35: {  	_ =	swait.ge [sflag:s25], $0x2000  }
0x36: {  	[sflag:s25] =	ssyncset.done $0x0  }
0x37: {  	s8 =	sor.u32 $0x200, s16;
	[sflag:s25] =	ssyncadd.s32 $0xFFFFE000  }
0x38: {  	[tilespmem:s18], [sflag:$0x1] =	stream.indirect.gather [hbm4b:s4+s17], $0x80, s8, s17, $0xb8;
	[tilespmem:$0x1D000] =	vst v63  }
0x39: {  	s10 =	sor.u32 $0x880, s16  }
0x3a: {  	[spmem:s2] =	stream.indirect.scatter.add.f32 [tilespmem:s20], [sflag:$0x7], $0x80, s10, s17, $0xb8;
	[tilespmem:$0x1D000] =	vst v63  }
0x3b: {  	_ =	swait.ge [sflag:s15], $0x2000  }
0x3c: {  	[sflag:s15] =	ssyncset.done $0x0  }
0x3d: {  	[sflag:s15] =	ssyncadd.s32 $0xFFFFE000  }
0x3e: {  	_ =	swait.ge [sflag:s26], $0x2000  }
0x3f: {  	[sflag:s26] =	ssyncset.done $0x0  }
0x40: {  	s19 =	sor.u32 $0x280, s16;
	[sflag:s26] =	ssyncadd.s32 $0xFFFFE000  }
0x41: {  	[tilespmem:s20], [sflag:$0x2] =	stream.indirect.gather [hbm4b:s4+s17], $0x80, s19, s17, $0xb8;
	[tilespmem:$0x1D000] =	vst v63  }
0x42: {  	s21 =	sor.u32 $0x900, s16  }
0x43: {  	[spmem:s2] =	stream.indirect.scatter.add.f32 [tilespmem:s22], [sflag:$0x7], $0x80, s21, s17, $0xb8;
	[tilespmem:$0x1D000] =	vst v63  }
0x44: {  	_ =	swait.ge [sflag:s15], $0x2000  }
0x45: {  	[sflag:s15] =	ssyncset.done $0x0  }
0x46: {  	[sflag:s15] =	ssyncadd.s32 $0xFFFFE000  }
0x47: {  	_ =	swait.ge [sflag:s28], $0x2000  }
0x48: {  	[sflag:s28] =	ssyncset.done $0x0  }
0x49: {  	s8 =	sor.u32 $0x300, s16;
	[sflag:s28] =	ssyncadd.s32 $0xFFFFE000  }
0x4a: {  	[tilespmem:s22], [sflag:$0x3] =	stream.indirect.gather [hbm4b:s4+s17], $0x80, s8, s17, $0xb8;
	[tilespmem:$0x1D000] =	vst v63  }
0x4b: {  	s10 =	sor.u32 $0x980, s16  }
0x4c: {  	[spmem:s2] =	stream.indirect.scatter.add.f32 [tilespmem:s24], [sflag:$0x7], $0x80, s10, s17, $0xb8;
	[tilespmem:$0x1D000] =	vst v63  }
0x4d: {  	_ =	swait.ge [sflag:s15], $0x2000  }
0x4e: {  	[sflag:s15] =	ssyncset.done $0x0  }
0x4f: {  	[sflag:s15] =	ssyncadd.s32 $0xFFFFE000  }
0x50: {  	_ =	swait.ge [sflag:s23], $0x2000  }
0x51: {  	[sflag:s23] =	ssyncset.done $0x0  }
0x52: {  	s19 =	sor.u32 $0x380, s16;
	[sflag:s23] =	ssyncadd.s32 $0xFFFFE000  }
0x53: {  	[tilespmem:s24], [sflag:$0x4] =	stream.indirect.gather [hbm4b:s4+s17], $0x80, s19, s17, $0xb8;
	[tilespmem:$0x1D000] =	vst v63  }
0x54: {  	s21 =	sor.u32 $0xA00, s16  }
0x55: {  	[spmem:s2] =	stream.indirect.scatter.add.f32 [tilespmem:s18], [sflag:$0x7], $0x80, s21, s17, $0xb8;
	[tilespmem:$0x1D000] =	vst v63  }
0x56: {  	_ =	swait.ge [sflag:s15], $0x2000  }
0x57: {  	[sflag:s15] =	ssyncset.done $0x0  }
0x58: {  	[sflag:s15] =	ssyncadd.s32 $0xFFFFE000  }
0x59: {  	_ =	swait.ge [sflag:s25], $0x2000  }
0x5a: {  	[sflag:s25] =	ssyncset.done $0x0  }
0x5b: {  	[sflag:s25] =	ssyncadd.s32 $0xFFFFE000  }
0x5c: {  	_ =	swait.ge [sflag:s29], $0x400  }
0x5d: {  	[sflag:s29] =	ssyncset.done $0x0  }
0x5e: {  	[sflag:s29] =	ssyncadd.s32 $0xFFFFFC00  }
0x5f: {  	_ =	swait.ge [sflag:s30], $0x400  }
0x60: {  	[sflag:s30] =	ssyncset.done $0x0  }
0x61: {  	[sflag:s30] =	ssyncadd.s32 $0xFFFFFC00  }
0x62: {  	[tilespmem:s18], [sflag:$0x1] =	stream.indirect.gather [hbm4b:s4+s17], $0x80, s1, s17, $0xb8;
	[tilespmem:$0x1D000] =	vst v63  }
0x63: {  	s8 =	sor.u32 $0xA80, s16  }
0x64: {  	[spmem:s2] =	stream.indirect.scatter.add.f32 [tilespmem:s20], [sflag:$0x7], $0x80, s8, s17, $0xb8;
	[tilespmem:$0x1D000] =	vst v63  }
0x65: {  	_ =	swait.ge [sflag:s15], $0x2000  }
0x66: {  	[sflag:s15] =	ssyncset.done $0x0  }
0x67: {  	[sflag:s15] =	ssyncadd.s32 $0xFFFFE000  }
0x68: {  	_ =	swait.ge [sflag:s26], $0x2000  }
0x69: {  	[sflag:s26] =	ssyncset.done $0x0  }
0x6a: {  	s10 =	sor.u32 $0x80, s1;
	[sflag:s26] =	ssyncadd.s32 $0xFFFFE000  }
0x6b: {  	[tilespmem:s20], [sflag:$0x2] =	stream.indirect.gather [hbm4b:s4+s17], $0x80, s10, s17, $0xb8;
	[tilespmem:$0x1D000] =	vst v63  }
0x6c: {  	s19 =	sor.u32 $0xB00, s16  }
0x6d: {  	[spmem:s2] =	stream.indirect.scatter.add.f32 [tilespmem:s22], [sflag:$0x7], $0x80, s19, s17, $0xb8;
	[tilespmem:$0x1D000] =	vst v63  }
0x6e: {  	_ =	swait.ge [sflag:s15], $0x2000  }
0x6f: {  	[sflag:s15] =	ssyncset.done $0x0  }
0x70: {  	[sflag:s15] =	ssyncadd.s32 $0xFFFFE000  }
0x71: {  	_ =	swait.ge [sflag:s28], $0x2000  }
0x72: {  	[sflag:s28] =	ssyncset.done $0x0  }
0x73: {  	s0 =	simm.s32 $0x2;
	s1 =	sor.u32 $0x100, s1;
	[sflag:s28] =	ssyncadd.s32 $0xFFFFE000  }
0x74: {  	[tilespmem:s22], [sflag:$0x3] =	stream.indirect.gather [hbm4b:s4+s17], $0x80, s1, s17, $0xb8;
	[tilespmem:$0x1D000] =	vst v63  }
0x75: {  	s16 =	sor.u32 $0xB80, s16;
	s21 =	smin.u32 s0, $0x13  }
0x76: {  	[spmem:s2] =	stream.indirect.scatter.add.f32 [tilespmem:s24], [sflag:$0x7], $0x80, s16, s17, $0xb8;
	[tilespmem:$0x1D000] =	vst v63  }
0x77: {  	s1 =	sshll.u32 s21, $0xA;
	_ =	swait.ge [sflag:s15], $0x2000  }
0x78: {  	s19 =	simm.s32 $0x3;
	s16 =	sadd.s32 s7, s1;
	[sflag:s15] =	ssyncset.done $0x0  }
.LBB2_2:
0x79: {  	s21 =	sshll.u32 s0, $0xA  }
0x7a: {  	s8 =	sshrl.u32 s16, $0x3;
	[sflag:s15] =	ssyncadd.s32 $0xFFFFE000;
	s10 =	smov.u32 s19  }
0x7b: {  	s1 =	sadd.s32 $0x1, s19;
	s16 =	sand.u32 $0x400, s21;
	s21 =	sadd.s32 s5, s8  }
0x7c: {  	[tilespmem:s16], [sflag:$0x5] =	stream.linear.gather [hbm4b:s21+s3], $0x400, $0x38;
	[tilespmem:$0x1D000] =	vst v63  }
0x7d: {  	s0 =	sadd.s32 $0xFFFFFFFF, s0;
	s8 =	sadd.s32 s6, s8;
	s21 =	sor.u32 $0x800, s16  }
0x7e: {  	[tilespmem:s21], [sflag:$0x6] =	stream.linear.gather [hbm4b:s8+s3], $0x400, $0x38;
	[tilespmem:$0x1D000] =	vst v63  }
0x7f: {  	p0 =	sne.s32 s19, $0x14;
	s0 =	sand.u32 $0x1, s0;
	_ =	swait.ge [sflag:s23], $0x2000  }
0x80: {  	s19 =	sshll.u32 s0, $0xA;
	s0 =	smov.u32 s10;
	[sflag:s23] =	ssyncset.done $0x0  }
0x81: {  	s8 =	sor.u32 $0x180, s19;
	[sflag:s23] =	ssyncadd.s32 $0xFFFFE000  }
0x82: {  	[tilespmem:s24], [sflag:$0x4] =	stream.indirect.gather [hbm4b:s4+s17], $0x80, s8, s17, $0xb8;
	[tilespmem:$0x1D000] =	vst v63  }
0x83: {  	s8 =	sor.u32 $0x800, s19  }
0x84: {  	[spmem:s2] =	stream.indirect.scatter.add.f32 [tilespmem:s18], [sflag:$0x7], $0x80, s8, s17, $0xb8;
	[tilespmem:$0x1D000] =	vst v63  }
0x85: {  	_ =	swait.ge [sflag:s15], $0x2000  }
0x86: {  	[sflag:s15] =	ssyncset.done $0x0  }
0x87: {  	[sflag:s15] =	ssyncadd.s32 $0xFFFFE000  }
0x88: {  	_ =	swait.ge [sflag:s25], $0x2000  }
0x89: {  	[sflag:s25] =	ssyncset.done $0x0  }
0x8a: {  	s8 =	sor.u32 $0x200, s19;
	[sflag:s25] =	ssyncadd.s32 $0xFFFFE000  }
0x8b: {  	[tilespmem:s18], [sflag:$0x1] =	stream.indirect.gather [hbm4b:s4+s17], $0x80, s8, s17, $0xb8;
	[tilespmem:$0x1D000] =	vst v63  }
0x8c: {  	s8 =	sor.u32 $0x880, s19  }
0x8d: {  	[spmem:s2] =	stream.indirect.scatter.add.f32 [tilespmem:s20], [sflag:$0x7], $0x80, s8, s17, $0xb8;
	[tilespmem:$0x1D000] =	vst v63  }
0x8e: {  	_ =	swait.ge [sflag:s15], $0x2000  }
0x8f: {  	[sflag:s15] =	ssyncset.done $0x0  }
0x90: {  	[sflag:s15] =	ssyncadd.s32 $0xFFFFE000  }
0x91: {  	_ =	swait.ge [sflag:s26], $0x2000  }
0x92: {  	[sflag:s26] =	ssyncset.done $0x0  }
0x93: {  	s8 =	sor.u32 $0x280, s19;
	[sflag:s26] =	ssyncadd.s32 $0xFFFFE000  }
0x94: {  	[tilespmem:s20], [sflag:$0x2] =	stream.indirect.gather [hbm4b:s4+s17], $0x80, s8, s17, $0xb8;
	[tilespmem:$0x1D000] =	vst v63  }
0x95: {  	s8 =	sor.u32 $0x900, s19  }
0x96: {  	[spmem:s2] =	stream.indirect.scatter.add.f32 [tilespmem:s22], [sflag:$0x7], $0x80, s8, s17, $0xb8;
	[tilespmem:$0x1D000] =	vst v63  }
0x97: {  	_ =	swait.ge [sflag:s15], $0x2000  }
0x98: {  	[sflag:s15] =	ssyncset.done $0x0  }
0x99: {  	[sflag:s15] =	ssyncadd.s32 $0xFFFFE000  }
0x9a: {  	_ =	swait.ge [sflag:s28], $0x2000  }
0x9b: {  	[sflag:s28] =	ssyncset.done $0x0  }
0x9c: {  	s8 =	sor.u32 $0x300, s19;
	[sflag:s28] =	ssyncadd.s32 $0xFFFFE000  }
0x9d: {  	[tilespmem:s22], [sflag:$0x3] =	stream.indirect.gather [hbm4b:s4+s17], $0x80, s8, s17, $0xb8;
	[tilespmem:$0x1D000] =	vst v63  }
0x9e: {  	s8 =	sor.u32 $0x980, s19  }
0x9f: {  	[spmem:s2] =	stream.indirect.scatter.add.f32 [tilespmem:s24], [sflag:$0x7], $0x80, s8, s17, $0xb8;
	[tilespmem:$0x1D000] =	vst v63  }
0xa0: {  	_ =	swait.ge [sflag:s15], $0x2000  }
0xa1: {  	[sflag:s15] =	ssyncset.done $0x0  }
0xa2: {  	[sflag:s15] =	ssyncadd.s32 $0xFFFFE000  }
0xa3: {  	_ =	swait.ge [sflag:s23], $0x2000  }
0xa4: {  	[sflag:s23] =	ssyncset.done $0x0  }
0xa5: {  	s8 =	sor.u32 $0x380, s19;
	[sflag:s23] =	ssyncadd.s32 $0xFFFFE000  }
0xa6: {  	[tilespmem:s24], [sflag:$0x4] =	stream.indirect.gather [hbm4b:s4+s17], $0x80, s8, s17, $0xb8;
	[tilespmem:$0x1D000] =	vst v63  }
0xa7: {  	s8 =	sor.u32 $0xA00, s19  }
0xa8: {  	[spmem:s2] =	stream.indirect.scatter.add.f32 [tilespmem:s18], [sflag:$0x7], $0x80, s8, s17, $0xb8;
	[tilespmem:$0x1D000] =	vst v63  }
0xa9: {  	_ =	swait.ge [sflag:s15], $0x2000  }
0xaa: {  	[sflag:s15] =	ssyncset.done $0x0  }
0xab: {  	[sflag:s15] =	ssyncadd.s32 $0xFFFFE000  }
0xac: {  	_ =	swait.ge [sflag:s25], $0x2000  }
0xad: {  	[sflag:s25] =	ssyncset.done $0x0  }
0xae: {  	[sflag:s25] =	ssyncadd.s32 $0xFFFFE000  }
0xaf: {  	_ =	swait.ge [sflag:s29], $0x400  }
0xb0: {  	[sflag:s29] =	ssyncset.done $0x0  }
0xb1: {  	[sflag:s29] =	ssyncadd.s32 $0xFFFFFC00  }
0xb2: {  	_ =	swait.ge [sflag:s30], $0x400  }
0xb3: {  	[sflag:s30] =	ssyncset.done $0x0  }
0xb4: {  	[sflag:s30] =	ssyncadd.s32 $0xFFFFFC00  }
0xb5: {  	[tilespmem:s18], [sflag:$0x1] =	stream.indirect.gather [hbm4b:s4+s17], $0x80, s16, s17, $0xb8;
	[tilespmem:$0x1D000] =	vst v63  }
0xb6: {  	s8 =	sor.u32 $0xA80, s19  }
0xb7: {  	[spmem:s2] =	stream.indirect.scatter.add.f32 [tilespmem:s20], [sflag:$0x7], $0x80, s8, s17, $0xb8;
	[tilespmem:$0x1D000] =	vst v63  }
0xb8: {  	_ =	swait.ge [sflag:s15], $0x2000  }
0xb9: {  	[sflag:s15] =	ssyncset.done $0x0  }
0xba: {  	[sflag:s15] =	ssyncadd.s32 $0xFFFFE000  }
0xbb: {  	_ =	swait.ge [sflag:s26], $0x2000  }
0xbc: {  	[sflag:s26] =	ssyncset.done $0x0  }
0xbd: {  	s8 =	sor.u32 $0x80, s16;
	[sflag:s26] =	ssyncadd.s32 $0xFFFFE000  }
0xbe: {  	[tilespmem:s20], [sflag:$0x2] =	stream.indirect.gather [hbm4b:s4+s17], $0x80, s8, s17, $0xb8;
	[tilespmem:$0x1D000] =	vst v63  }
0xbf: {  	s8 =	sor.u32 $0xB00, s19  }
0xc0: {  	[spmem:s2] =	stream.indirect.scatter.add.f32 [tilespmem:s22], [sflag:$0x7], $0x80, s8, s17, $0xb8;
	[tilespmem:$0x1D000] =	vst v63  }
0xc1: {  	_ =	swait.ge [sflag:s15], $0x2000  }
0xc2: {  	[sflag:s15] =	ssyncset.done $0x0  }
0xc3: {  	[sflag:s15] =	ssyncadd.s32 $0xFFFFE000  }
0xc4: {  	_ =	swait.ge [sflag:s28], $0x2000  }
0xc5: {  	[sflag:s28] =	ssyncset.done $0x0  }
0xc6: {  	s8 =	sor.u32 $0x100, s16;
	[sflag:s28] =	ssyncadd.s32 $0xFFFFE000  }
0xc7: {  	[tilespmem:s22], [sflag:$0x3] =	stream.indirect.gather [hbm4b:s4+s17], $0x80, s8, s17, $0xb8;
	[tilespmem:$0x1D000] =	vst v63  }
.Ltmp0:
0xc8: {  	_ = 	snop;
	(pc) =	sbr.rel @p0 .LBB2_2-.Ltmp0, $4  }
0xc9: {  	s10 =	sor.u32 $0xB80, s19;
	s8 =	smin.u32 s0, $0x13  }
0xca: {  	[spmem:s2] =	stream.indirect.scatter.add.f32 [tilespmem:s24], [sflag:$0x7], $0x80, s10, s17, $0xb8;
	[tilespmem:$0x1D000] =	vst v63  }
0xcb: {  	s8 =	sshll.u32 s8, $0xA;
	_ =	swait.ge [sflag:s15], $0x2000  }
0xcc: {  	s19 =	smov.u32 s1;
	s16 =	sadd.s32 s7, s8;
	[sflag:s15] =	ssyncset.done $0x0  }
0xcd: {  	s1 =	sshll.u32 s0, $0xA;
	s8 =	sshrl.u32 s16, $0x3  }
0xce: {  	[sflag:s15] =	ssyncadd.s32 $0xFFFFE000;
	s1 =	sand.u32 $0x400, s1;
	s10 =	sadd.s32 s5, s8  }
0xcf: {  	[tilespmem:s1], [sflag:$0x5] =	stream.linear.gather [hbm4b:s10+s3], $0x400, $0x38;
	[tilespmem:$0x1D000] =	vst v63  }
0xd0: {  	s16 =	sadd.s32 $0xFFFFFFFF, s0;
	s8 =	sadd.s32 s6, s8;
	s19 =	sor.u32 $0x800, s1  }
0xd1: {  	[tilespmem:s19], [sflag:$0x6] =	stream.linear.gather [hbm4b:s8+s3], $0x400, $0x38;
	[tilespmem:$0x1D000] =	vst v63  }
0xd2: {  	s0 =	sand.u32 $0x1, s16;
	_ =	swait.ge [sflag:s23], $0x2000  }
0xd3: {  	s0 =	sshll.u32 s0, $0xA;
	[sflag:s23] =	ssyncset.done $0x0  }
0xd4: {  	s21 =	sor.u32 $0x180, s0;
	[sflag:s23] =	ssyncadd.s32 $0xFFFFE000  }
0xd5: {  	[tilespmem:s24], [sflag:$0x4] =	stream.indirect.gather [hbm4b:s4+s17], $0x80, s21, s17, $0xb8;
	[tilespmem:$0x1D000] =	vst v63  }
0xd6: {  	s10 =	sor.u32 $0x800, s0  }
0xd7: {  	[spmem:s2] =	stream.indirect.scatter.add.f32 [tilespmem:s18], [sflag:$0x7], $0x80, s10, s17, $0xb8;
	[tilespmem:$0x1D000] =	vst v63  }
0xd8: {  	_ =	swait.ge [sflag:s15], $0x2000  }
0xd9: {  	[sflag:s15] =	ssyncset.done $0x0  }
0xda: {  	[sflag:s15] =	ssyncadd.s32 $0xFFFFE000  }
0xdb: {  	_ =	swait.ge [sflag:s25], $0x2000  }
0xdc: {  	[sflag:s25] =	ssyncset.done $0x0  }
0xdd: {  	s16 =	sor.u32 $0x200, s0;
	[sflag:s25] =	ssyncadd.s32 $0xFFFFE000  }
0xde: {  	[tilespmem:s18], [sflag:$0x1] =	stream.indirect.gather [hbm4b:s4+s17], $0x80, s16, s17, $0xb8;
	[tilespmem:$0x1D000] =	vst v63  }
0xdf: {  	s19 =	sor.u32 $0x880, s0  }
0xe0: {  	[spmem:s2] =	stream.indirect.scatter.add.f32 [tilespmem:s20], [sflag:$0x7], $0x80, s19, s17, $0xb8;
	[tilespmem:$0x1D000] =	vst v63  }
0xe1: {  	_ =	swait.ge [sflag:s15], $0x2000  }
0xe2: {  	[sflag:s15] =	ssyncset.done $0x0  }
0xe3: {  	[sflag:s15] =	ssyncadd.s32 $0xFFFFE000  }
0xe4: {  	_ =	swait.ge [sflag:s26], $0x2000  }
0xe5: {  	[sflag:s26] =	ssyncset.done $0x0  }
0xe6: {  	s21 =	sor.u32 $0x280, s0;
	[sflag:s26] =	ssyncadd.s32 $0xFFFFE000  }
0xe7: {  	[tilespmem:s20], [sflag:$0x2] =	stream.indirect.gather [hbm4b:s4+s17], $0x80, s21, s17, $0xb8;
	[tilespmem:$0x1D000] =	vst v63  }
0xe8: {  	s10 =	sor.u32 $0x900, s0  }
0xe9: {  	[spmem:s2] =	stream.indirect.scatter.add.f32 [tilespmem:s22], [sflag:$0x7], $0x80, s10, s17, $0xb8;
	[tilespmem:$0x1D000] =	vst v63  }
0xea: {  	_ =	swait.ge [sflag:s15], $0x2000  }
0xeb: {  	[sflag:s15] =	ssyncset.done $0x0  }
0xec: {  	[sflag:s15] =	ssyncadd.s32 $0xFFFFE000  }
0xed: {  	_ =	swait.ge [sflag:s28], $0x2000  }
0xee: {  	[sflag:s28] =	ssyncset.done $0x0  }
0xef: {  	s16 =	sor.u32 $0x300, s0;
	[sflag:s28] =	ssyncadd.s32 $0xFFFFE000  }
0xf0: {  	[tilespmem:s22], [sflag:$0x3] =	stream.indirect.gather [hbm4b:s4+s17], $0x80, s16, s17, $0xb8;
	[tilespmem:$0x1D000] =	vst v63  }
0xf1: {  	s19 =	sor.u32 $0x980, s0  }
0xf2: {  	[spmem:s2] =	stream.indirect.scatter.add.f32 [tilespmem:s24], [sflag:$0x7], $0x80, s19, s17, $0xb8;
	[tilespmem:$0x1D000] =	vst v63  }
0xf3: {  	_ =	swait.ge [sflag:s15], $0x2000  }
0xf4: {  	[sflag:s15] =	ssyncset.done $0x0  }
0xf5: {  	[sflag:s15] =	ssyncadd.s32 $0xFFFFE000  }
0xf6: {  	_ =	swait.ge [sflag:s23], $0x2000  }
0xf7: {  	[sflag:s23] =	ssyncset.done $0x0  }
0xf8: {  	s21 =	sor.u32 $0x380, s0;
	[sflag:s23] =	ssyncadd.s32 $0xFFFFE000  }
0xf9: {  	[tilespmem:s24], [sflag:$0x4] =	stream.indirect.gather [hbm4b:s4+s17], $0x80, s21, s17, $0xb8;
	[tilespmem:$0x1D000] =	vst v63  }
0xfa: {  	s10 =	sor.u32 $0xA00, s0  }
0xfb: {  	[spmem:s2] =	stream.indirect.scatter.add.f32 [tilespmem:s18], [sflag:$0x7], $0x80, s10, s17, $0xb8;
	[tilespmem:$0x1D000] =	vst v63  }
0xfc: {  	_ =	swait.ge [sflag:s15], $0x2000  }
0xfd: {  	[sflag:s15] =	ssyncset.done $0x0  }
0xfe: {  	[sflag:s15] =	ssyncadd.s32 $0xFFFFE000  }
0xff: {  	_ =	swait.ge [sflag:s25], $0x2000  }
0x100: {  	[sflag:s25] =	ssyncset.done $0x0  }
0x101: {  	[sflag:s25] =	ssyncadd.s32 $0xFFFFE000  }
0x102: {  	_ =	swait.ge [sflag:s29], $0x400  }
0x103: {  	[sflag:s29] =	ssyncset.done $0x0  }
0x104: {  	[sflag:s29] =	ssyncadd.s32 $0xFFFFFC00  }
0x105: {  	_ =	swait.ge [sflag:s30], $0x400  }
0x106: {  	[sflag:s30] =	ssyncset.done $0x0  }
0x107: {  	[sflag:s30] =	ssyncadd.s32 $0xFFFFFC00  }
0x108: {  	[tilespmem:s18], [sflag:$0x1] =	stream.indirect.gather [hbm4b:s4+s17], $0x80, s1, s17, $0xb8;
	[tilespmem:$0x1D000] =	vst v63  }
0x109: {  	s16 =	sor.u32 $0xA80, s0  }
0x10a: {  	[spmem:s2] =	stream.indirect.scatter.add.f32 [tilespmem:s20], [sflag:$0x7], $0x80, s16, s17, $0xb8;
	[tilespmem:$0x1D000] =	vst v63  }
0x10b: {  	_ =	swait.ge [sflag:s15], $0x2000  }
0x10c: {  	[sflag:s15] =	ssyncset.done $0x0  }
0x10d: {  	[sflag:s15] =	ssyncadd.s32 $0xFFFFE000  }
0x10e: {  	_ =	swait.ge [sflag:s26], $0x2000  }
0x10f: {  	[sflag:s26] =	ssyncset.done $0x0  }
0x110: {  	s19 =	sor.u32 $0x80, s1;
	[sflag:s26] =	ssyncadd.s32 $0xFFFFE000  }
0x111: {  	[tilespmem:s20], [sflag:$0x2] =	stream.indirect.gather [hbm4b:s4+s17], $0x80, s19, s17, $0xb8;
	[tilespmem:$0x1D000] =	vst v63  }
0x112: {  	s21 =	sor.u32 $0xB00, s0  }
0x113: {  	[spmem:s2] =	stream.indirect.scatter.add.f32 [tilespmem:s22], [sflag:$0x7], $0x80, s21, s17, $0xb8;
	[tilespmem:$0x1D000] =	vst v63  }
0x114: {  	_ =	swait.ge [sflag:s15], $0x2000  }
0x115: {  	[sflag:s15] =	ssyncset.done $0x0  }
0x116: {  	[sflag:s15] =	ssyncadd.s32 $0xFFFFE000  }
0x117: {  	_ =	swait.ge [sflag:s28], $0x2000  }
0x118: {  	[sflag:s28] =	ssyncset.done $0x0  }
0x119: {  	s1 =	sor.u32 $0x100, s1;
	[sflag:s28] =	ssyncadd.s32 $0xFFFFE000  }
0x11a: {  	[tilespmem:s22], [sflag:$0x3] =	stream.indirect.gather [hbm4b:s4+s17], $0x80, s1, s17, $0xb8;
	[tilespmem:$0x1D000] =	vst v63  }
0x11b: {  	s0 =	sor.u32 $0xB80, s0  }
0x11c: {  	[spmem:s2] =	stream.indirect.scatter.add.f32 [tilespmem:s24], [sflag:$0x7], $0x80, s0, s17, $0xb8;
	[tilespmem:$0x1D000] =	vst v63  }
0x11d: {  	_ =	swait.ge [sflag:s15], $0x2000  }
0x11e: {  	[sflag:s15] =	ssyncset.done $0x0  }
0x11f: {  	[sflag:s15] =	ssyncadd.s32 $0xFFFFE000  }
0x120: {  	_ =	swait.ge [sflag:s23], $0x2000  }
0x121: {  	[sflag:s23] =	ssyncset.done $0x0  }
0x122: {  	[sflag:s23] =	ssyncadd.s32 $0xFFFFE000  }
0x123: {  	_ =	swait.ge [sflag:s25], $0x2000  }
0x124: {  	[sflag:s25] =	ssyncset.done $0x0  }
0x125: {  	[sflag:s25] =	ssyncadd.s32 $0xFFFFE000  }
0x126: {  	_ =	swait.ge [sflag:s26], $0x2000  }
0x127: {  	s31 =	sadd.s32 $0x1, s31;
	[sflag:s26] =	ssyncset.done $0x0  }
0x128: {  	p0 =	sne.s32 s31, s13;
	[sflag:s26] =	ssyncadd.s32 $0xFFFFE000  }
.Ltmp1:
0x129: {  	[bflag:$0x0] =	sbarrier.arrive $0xFFFF;
	(pc) =	sbr.rel @p0 .LBB2_1-.Ltmp1, $4  }
0x12a: {  	[hbm:s12], [sflag:s9] =	dma.local [spmem:s14], $0x2800  }
0x12b: {  	_ =	swait.ge [sflag:s15], $0x2800  }
0x12c: {  	[sflag:s15] =	ssyncset.done $0x0  }
0x12d: {  	[sflag:s15] =	ssyncadd.s32 $0xFFFFD800  }
0x12e: {  	_ =	sfence.sel $0x180000  }
0x12f: {  	[bflag:$0x0] =	sbarrier.arrive $0xFFFF  }
0x130: {  	_ =	strace $0x90000050  }
0x131: {  	s0 =	stileid.u32;
	[bflag:$0x2] =	sbarrier.arrive $0xFFFF  }
0x132: {  	p0 =	sne.s32 s0, $0x0;
	s0 =	rddreg [dreg:$0x2]  }
0x133: {  	s0 =	sadd.s32 @!p0 $0x100000, s0  }
0x134: {  	[sflag:s0] =	ssyncadd.tile.s32 @!p0 $0x1;
	_ =	shalt  }
.Lfunc_end2:
_tile_overlayer_lowered:
.L_overlay_start_2:
0x135: {  	(tag) =	ssettag $0x2  }
0x136: {  	s0 =	rddreg [dreg:$0x0];
	s2 =	stileid.u32  }
0x137: {  	s1 =	rddreg [dreg:$0x1];
	p0 =	sne.s32 s2, $0x0  }
0x138: {  	s3 =	rddreg [dreg:$0x2];
	[bflag:$0x3] =	sbarrier.arrive $0xFFFF;
	s2 =	simm.s32 @!p0 $0x1C07  }
0x139: {  	[timem:s3], [sflag:s2] =	dma.local @!p0 [hbm:s0], s1  }
0x13a: {  	s0 =	simm.s32 @!p0 $0x7  }
0x13b: {  	_ =	swait.ge @!p0 [sflag:s0], s1  }
0x13c: {  	s1 =	ssub.s32 @!p0 $0x0, s1;
	[sflag:s0] =	ssyncset.done @!p0 $0x0  }
0x13d: {  	[sflag:s0] =	ssyncadd.s32 @!p0 s1  }
0x13e: {  	[bflag:$0x3] =	sbarrier.arrive $0xFFFF  }
0x13f: {  	_ =	shalt  }

// kernel: sc_agg.5.cloned.1.call-start
scs
__scs_entry_jumppad:
0x0: {  	(pc) =	sbr.rel $0x88, $3  }
0x1: {  	(tag) =	ssettag $0x0;
	lr =	simm.s32 $0x1  }
0x2: {  	[smem:$0x3F91] =	sst lr;
	_ =	strace $0xD0000000  }
0x3: {  	_ = 	snop  }
0x4: {  	_ = 	snop  }
0x5: {  	_ = 	snop  }
0x6: {  	_ = 	snop  }
0x7: {  	_ = 	snop  }
__scs_overlays_trampoline_lowered:
0x8: {  	[smem:$0x3FA0] =	sst s0  }
0x9: {  	[smem:$0x3FA1] =	sst s1  }
0xa: {  	[smem:$0x3FA2] =	sst s2  }
0xb: {  	[smem:$0x3FA3] =	sst s3  }
0xc: {  	[smem:$0x3FA4] =	sst s4  }
0xd: {  	[smem:$0x3FA5] =	sst s5  }
0xe: {  	[smem:$0x3FA6] =	sst s6  }
0xf: {  	[smem:$0x3FA7] =	sst s7  }
0x10: {  	[smem:$0x3FA8] =	sst s8  }
0x11: {  	[smem:$0x3FA9] =	sst s9;
	s0 =	simm.s32 @!p0 $0x0  }
0x12: {  	s1 =	sld [smem:$0x3F8F];
	s0 =	simm.s32 @p0 $0x1  }
0x13: {  	[smem:$0x3FAA] =	sst s0;
	s0 =	simm.s32 @!p1 $0x0  }
0x14: {  	s2 =	sld [smem:$0x3F8E];
	s0 =	simm.s32 @p1 $0x1  }
0x15: {  	[smem:$0x3FAB] =	sst s0;
	s0 =	simm.s32 @!p2 $0x0  }
0x16: {  	s3 =	sld [smem:$0x3FDB];
	s0 =	simm.s32 @p2 $0x1  }
0x17: {  	s4 =	simm.s32 $0x1BF5;
	[smem:$0x3FAD] =	sst s0  }
0x18: {  	s0 =	sld [smem:$0x3F90];
	_ =	swait.ge [sflag:s4], $0x0  }
0x19: {  	s7 =	sld [smem:$0x3F91]  }
0x1a: {  	s8 =	sadd.s32 $0xFFFFE003, lr  }
0x1b: {  	s9 =	sadd.s32 $0xFFFFFEF7, lr;
	s5 =	simm.s32 $0xFFFFFFFF;
	p2 =	slt.u32 s8, $0xFFFFF086  }
0x1c: {  	p1 =	slt.u32 s9, $0xF7A;
	s5 =	simm.s32 @!p2 $0x0  }
0x1d: {  	s5 =	simm.s32 @p1 $0x1;
	p0 =	seq.s32 s7, s2  }
0x1e: {  	s7 =	smul.u32 @!p0 $0xF7A, s2;
	p2 =	seq.s32 @!p0 s5, $0x0  }
0x1f: {  	s9 =	smul.u32 $0xF7A, s1;
	s8 =	simm.s32 @!p0 $0x1BF5;
	p2 =	por !p2, p0  }
0x20: {  	[sflag:s8] =	ssyncset.s32 @!p0 $0xFFFFF086;
	s6 =	sadd.s32 @!p0 s3, s7;
	s7 =	simm.s32 @!p0 $0x108  }
0x21: {  	s3 =	sadd.s32 s3, s9;
	s6 =	sadd.s32 @!p0 $0x88, s6;
	s7 =	simm.s32 @p2 $0x1082  }
0x22: {  	[simem:s7], [sflag:s8] =	dma.local @!p0 [hbm:s6], $0xF7A  }
0x23: {  	s9 =	sor.u32 $0xD0000000, s2;
	s6 =	simm.s32 $0x108;
	_ =	swait.ge @!p0 [sflag:s8], $0x0  }
0x24: {  	s3 =	sadd.s32 $0x88, s3;
	s6 =	simm.s32 @!p1 $0x1082;
	[sflag:s4] =	ssyncset.s32 $0xFFFFF086  }
0x25: {  	[simem:s6], [sflag:s4] =	dma.local [hbm:s3], $0xF7A  }
0x26: {  	[smem:$0x3F91] =	sst s1;
	(tag) =	ssettag s2;
	_ =	strace s9  }
0x27: {  	s1 =	sld [smem:$0x3FA1]  }
0x28: {  	s2 =	sld [smem:$0x3FA2]  }
0x29: {  	s4 =	sld [smem:$0x3FA4]  }
0x2a: {  	p0 =	seq.s32 s5, $0x0;
	s5 =	sld [smem:$0x3FA5]  }
0x2b: {  	s6 =	sld [smem:$0x3FA6]  }
0x2c: {  	s7 =	sld [smem:$0x3FA7]  }
0x2d: {  	s3 =	simm.s32 $0x108;
	s8 =	sld [smem:$0x3FA8]  }
0x2e: {  	s3 =	simm.s32 @!p0 $0x1082;
	s9 =	sld [smem:$0x3FA9]  }
0x2f: {  	lr =	sadd.s32 s0, s3;
	s0 =	sld [smem:$0x3FA0]  }
0x30: {  	s3 =	sld [smem:$0x3FA3]  }
0x31: {  	[smem:$0x3FAC] =	sst s10  }
0x32: {  	s10 =	sld [smem:$0x3FAA];
	_ =	sdelay $0x3  }
0x33: {  	p0 =	seq.s32 s10, $0x1;
	s10 =	sld [smem:$0x3FAC];
	_ =	sdelay $0x3  }
0x34: {  	[smem:$0x3FAC] =	sst s10  }
0x35: {  	s10 =	sld [smem:$0x3FAB];
	_ =	sdelay $0x3  }
0x36: {  	p1 =	seq.s32 s10, $0x1;
	s10 =	sld [smem:$0x3FAC];
	_ =	sdelay $0x3  }
0x37: {  	[smem:$0x3FAC] =	sst s10  }
0x38: {  	s10 =	sld [smem:$0x3FAD]  }
0x39: {  	_ = 	snop;
	(pc) =	sbr.ind lr, $3  }
0x3a: {  	_ = 	snop  }
0x3b: {  	_ = 	snop  }
0x3c: {  	p2 =	seq.s32 s10, $0x1;
	s10 =	sld [smem:$0x3FAC]  }
0x3d: {  	_ =	shalt  }
0x3e: {  	_ =	shalt  }
0x3f: {  	_ =	shalt  }
0x40: {  	_ =	shalt  }
0x41: {  	_ =	shalt  }
0x42: {  	_ =	shalt  }
0x43: {  	_ =	shalt  }
0x44: {  	_ =	shalt  }
0x45: {  	_ =	shalt  }
0x46: {  	_ =	shalt  }
0x47: {  	_ =	shalt  }
0x48: {  	_ =	shalt  }
0x49: {  	_ =	shalt  }
0x4a: {  	_ =	shalt  }
0x4b: {  	_ =	shalt  }
0x4c: {  	_ =	shalt  }
0x4d: {  	_ =	shalt  }
0x4e: {  	_ =	shalt  }
0x4f: {  	_ =	shalt  }
0x50: {  	_ =	shalt  }
0x51: {  	_ =	shalt  }
0x52: {  	_ =	shalt  }
0x53: {  	_ =	shalt  }
0x54: {  	_ =	shalt  }
0x55: {  	_ =	shalt  }
0x56: {  	_ =	shalt  }
0x57: {  	_ =	shalt  }
0x58: {  	_ =	shalt  }
0x59: {  	_ =	shalt  }
0x5a: {  	_ =	shalt  }
0x5b: {  	_ =	shalt  }
0x5c: {  	_ =	shalt  }
0x5d: {  	_ =	shalt  }
0x5e: {  	_ =	shalt  }
0x5f: {  	_ =	shalt  }
0x60: {  	_ =	shalt  }
0x61: {  	_ =	shalt  }
0x62: {  	_ =	shalt  }
0x63: {  	_ =	shalt  }
0x64: {  	_ =	shalt  }
0x65: {  	_ =	shalt  }
0x66: {  	_ =	shalt  }
0x67: {  	_ =	shalt  }
0x68: {  	_ =	shalt  }
0x69: {  	_ =	shalt  }
0x6a: {  	_ =	shalt  }
0x6b: {  	_ =	shalt  }
0x6c: {  	_ =	shalt  }
0x6d: {  	_ =	shalt  }
0x6e: {  	_ =	shalt  }
0x6f: {  	_ =	shalt  }
0x70: {  	_ =	shalt  }
0x71: {  	_ =	shalt  }
0x72: {  	_ =	shalt  }
0x73: {  	_ =	shalt  }
0x74: {  	_ =	shalt  }
0x75: {  	_ =	shalt  }
0x76: {  	_ =	shalt  }
0x77: {  	_ =	shalt  }
0x78: {  	_ =	shalt  }
0x79: {  	_ =	shalt  }
0x7a: {  	_ =	shalt  }
0x7b: {  	_ =	shalt  }
0x7c: {  	_ =	shalt  }
0x7d: {  	_ =	shalt  }
0x7e: {  	_ =	shalt  }
0x7f: {  	_ =	shalt  }
0x80: {  	_ =	shalt  }
0x81: {  	_ =	shalt  }
0x82: {  	_ =	shalt  }
0x83: {  	_ =	shalt  }
0x84: {  	_ =	shalt  }
0x85: {  	_ =	shalt  }
0x86: {  	_ =	shalt  }
0x87: {  	_ =	shalt  }
.Lfunc_end0:
.L_simem_size_0:
called_computation.1_lowered:
.L_overlay_start_0:
0x88: {  	s2 =	sld [smem:$0x3FD9]  }
0x89: {  	s3 =	sld [smem:$0x3FFE];
	_ =	sdelay $0x1  }
0x8a: {  	s1 =	srdreg.scid  }
0x8b: {  	s0 =	sand.u32 $0x1, s1  }
0x8c: {  	s17 =	sshll.u32 s0, $0xA;
	s2 =	sadd.s32 s3, s2  }
0x8d: {  	s2 =	sadd.s32 s2, s17  }
0x8e: {  	[smem:$0x3FB8] =	sst s2  }
0x8f: {  	_ = 	snop  }
0x90: {  	s18 =	sld [smem:$0x3FC9];
	(tm) =	ssettm $0x1  }
0x91: {  	s19 =	sld [smem:$0x3FFB];
	_ =	sdelay $0x3  }
0x92: {  	_ =	strace s19  }
0x93: {  	s2 =	sld [smem:$0x3FFC];
	_ =	sdelay $0x3  }
0x94: {  	_ =	strace s2  }
0x95: {  	s2 =	sld [smem:$0x3FFD];
	_ =	sdelay $0x3  }
0x96: {  	_ =	strace s2  }
0x97: {  	_ =	strace $0x8FFFFFFF  }
0x98: {  	s20 =	sld [smem:$0x3FDB];
	_ =	sdelay $0x1  }
0x99: {  	s4 =	simm.s32 $_scs_section_size  }
0x9a: {  	s5 =	simm.s32 $_size__tile_overlayer_lowered;
	s6 =	simm.s32 $_tile_overlayer_lowered  }
0x9b: {  	s7 =	simm.s32 $0x1BFF;
	s21 =	sshll.u32 s6, $0x1;
	s4 =	sadd.s32 s4, s20  }
0x9c: {  	s22 =	simm.s32 $0x0;
	s5 =	sshll.u32 s5, $0x1;
	s6 =	sadd.s32 s21, s4  }
0x9d: {  	[timem:s22], [sflag:s7] =	dma.local [hbm:s6], s5  }
0x9e: {  	_ =	swait.ge [sflag:s7], s5  }
0x9f: {  	s5 =	ssub.s32 $0x0, s5;
	[sflag:s7] =	ssyncset.done $0x0  }
0xa0: {  	[sflag:s7] =	ssyncadd.s32 s5;
	_ =	sdelay $0x1  }
0xa1: {  	s23 =	simm.s32 $0x1B8B  }
0xa2: {  	_ =	swait.ge [sflag:s23], $0x1  }
0xa3: {  	[sflag:s23] =	ssyncset.done $0x0  }
0xa4: {  	[sflag:s23] =	ssyncadd.s32 $0xFFFFFFFF  }
0xa5: {  	s5 =	sld [smem:$0x0]  }
0xa6: {  	s6 =	sand.u32 $0xFFFFFFFE, s1  }
0xa7: {  	p0 =	sne.s32 s1, s6  }
0xa8: {  	s6 =	sshll.u32 @p0 s6, $0xE  }
0xa9: {  	s6 =	sadd.s32 @p0 $0x11B8D, s6;
	s7 =	sshll.u32 @p0 s5, $0x11  }
0xaa: {  	s6 =	sor.u32 @p0 s7, s6  }
0xab: {  	[sflag:s6] =	ssyncadd.remote.s32 @p0 $0x1;
	_ =	sdelay $0x1  }
0xac: {  	s6 =	simm.s32 @p0 $0x1B8D  }
0xad: {  	_ =	swait.eq @p0 [sflag:s6], $0x1  }
0xae: {  	[sflag:s6] =	ssyncadd.s32 @p0 $0xFFFFFFFF  }
0xaf: {  	s7 =	sshll.u32 @!p0 s1, $0xE  }
0xb0: {  	s7 =	sor.u32 @!p0 $0x4000, s7;
	s6 =	simm.s32 @!p0 $0x1B8D  }
0xb1: {  	s5 =	sshll.u32 @!p0 s5, $0x11;
	s7 =	sadd.s32 @!p0 $0x11B8D, s7;
	_ =	swait.eq @!p0 [sflag:s6], $0x1  }
0xb2: {  	s5 =	sor.u32 @!p0 s5, s7;
	[sflag:s6] =	ssyncadd.s32 @!p0 $0xFFFFFFFF  }
0xb3: {  	s25 =	simm.s32 $0x1B8E;
	s24 =	sld [smem:$0x3FFE];
	[sflag:s5] =	ssyncadd.remote.s32 @!p0 $0x1  }
0xb4: {  	s26 =	simm.s32 $execute0_lowered;
	[smem:$0x3FD2] =	sst s25  }
0xb5: {  	s6 =	sshll.u32 s26, $0x1;
	_ =	strace $0x80000049;
	[dreg:$0x1] =	wrdreg $0xFFFFFFFF  }
0xb6: {  	s28 =	simm.s32 $_size_execute0_lowered;
	s4 =	sadd.s32 s4, s6;
	[dreg:$0x0] =	wrdreg $0x0  }
0xb7: {  	s6 =	sshll.u32 s28, $0x1;
	[dreg:$0x2] =	wrdreg s4  }
0xb8: {  	[dreg:$0x3] =	wrdreg s6  }
0xb9: {  	[dreg:$0x4] =	wrdreg $0xC0  }
0xba: {  	_ =	task [dreg:s22], $0x5FFFF  }
0xbb: {  	[dreg:$0x1] =	wrdreg $0xFFFFFFFF  }
0xbc: {  	[dreg:$0x0] =	wrdreg $0x60  }
0xbd: {  	[dreg:$0x2] =	wrdreg s18  }
0xbe: {  	[dreg:$0x3] =	wrdreg s24  }
0xbf: {  	[dreg:$0x4] =	wrdreg $0x90000  }
0xc0: {  	[dreg:$0x5] =	wrdreg $0xA  }
0xc1: {  	_ =	task.clear_ibuf [dreg:s22], $0x6FFFF;
	_ =	strace $0x90000049  }
0xc2: {  	s29 =	simm.s32 $0xA;
	_ =	strace $0x8000004B  }
0xc3: {  	_ =	swait.ge [sflag:s29], $0x1  }
0xc4: {  	[sflag:s29] =	ssyncadd.s32 $0xFFFFFFFF  }
0xc5: {  	_ =	strace $0x9000004B  }
0xc6: {  	_ =	sfence  }
0xc7: {  	s30 =	sld [smem:$0x0];
	_ =	sdelay $0x2  }
0xc8: {  	s31 =	sshll.u32 s1, $0xD;
	s1 =	sshrl.u32 s1, $0x2  }
0xc9: {  	s4 =	sand.u32 $0x4000, s31;
	s1 =	sadd.s32 s1, s30  }
0xca: {  	s0 =	sor.u32 s4, s0;
	s1 =	sshll.u32 s1, $0x11  }
0xcb: {  	s0 =	sor.u32 s1, s0  }
0xcc: {  	s0 =	sadd.s32 $0x8F2B, s0  }
0xcd: {  	[sflag:s0] =	ssyncadd.remote.s32 $0x1  }
0xce: {  	_ =	sfence.sel $0xFFFF  }
0xcf: {  	[dreg:$0x0] =	wrdreg $0xFFFFFFFF;
	(pc) =	sbr.abs _section_cstart, $3  }
0xd0: {  	[dreg:$0x1] =	wrdreg $0xFFFFFFFF  }
0xd1: {  	_ =	task.clear_ibuf [dreg:s22], $0x2FFFF;
	_ =	strace $0x9FFFFFFF  }
0xd2: {  	(tm) =	ssettm $0x7FFFFFFF  }
0xd3: {  	_ =	shalt  }
tec
execute0_lowered:
.L_overlay_start_1:
0x0: {  	(tag) =	ssettag $0x1  }
0x1: {  	s2 =	rddreg [dreg:$0x0]  }
0x2: {  	s0 =	rddreg [dreg:$0x1]  }
0x3: {  	s3 =	rddreg [dreg:$0x2]  }
0x4: {  	s12 =	stileid.u32;
	s1 =	srdreg.scid;
	s4 =	simm.s32 $0x0  }
0x5: {  	s15 =	simm.s32 $0x7;
	s17 =	simm.s32 $0x40;
	s18 =	simm.s32 $0x1000  }
0x6: {  	s28 =	simm.s32 $0x4;
	s29 =	simm.s32 $0x5;
	s30 =	simm.s32 $0x6  }
0x7: {  	s31 =	simm.s32 $0x0;
	s7 =	smul.u32 $0x14000, s12;
	s1 =	sand.u32 $0x1, s1  }
0x8: {  	[smem:$0x7FF] =	sst s4;
	s5 =	sadd.s32 $0x87400, s0;
	s6 =	sadd.s32 $0x9B400, s0  }
0x9: {  	s20 =	smul.u32 $0x50000, s12;
	s10 =	sshll.u32 s12, $0x1;
	s23 =	sshll.u32 s12, $0x6  }
0xa: {  	s8 =	smul.u32 $0x140000, s1;
	_ =	strace $0x8000004A;
	s11 =	ssub.s32 $0x2, s1  }
0xb: {  	s1 =	sor.u32 s1, s10;
	s9 =	sshrl.u32 s7, $0x3;
	s21 =	sshrl.u32 s11, $0x1  }
0xc: {  	s9 =	sadd.s32 s9, s0;
	s7 =	sadd.s32 s7, s8;
	s8 =	sshrl.u32 s20, $0x2  }
0xd: {  	s22 =	ssub.s32 s11, s21;
	s20 =	simm.s32 $0x3000;
	s7 =	sshrl.u32 s7, $0x3  }
0xe: {  	s14 =	sadd.s32 s8, s3;
	s24 =	sadd.s32 $0xF400, s9;
	s9 =	sor.u32 $0x1C07, s23  }
0xf: {  	s13 =	smax.u32 s22, $0x1;
	s0 =	sadd.s32 s7, s0;
	s7 =	smul.u32 $0x5000, s1  }
0x10: {  	s22 =	simm.s32 $0x5000;
	s23 =	simm.s32 $0x1;
	[dreg:$0x4] =	wrdreg s24  }
0x11: {  	s14 =	sshrl.u32 s14, $0x3;
	s24 =	simm.s32 $0x7000;
	s25 =	sshrl.u32 s7, $0x3  }
0x12: {  	s12 =	sadd.s32 $0xAF400, s0;
	s26 =	sadd.s32 s5, s25;
	s11 =	sadd.s32 s6, s25  }
0x13: {  	s25 =	simm.s32 $0x2;
	[dreg:$0x5] =	wrdreg s26;
	s26 =	simm.s32 $0x3  }
.LBB2_1:
0x14: {  	s0 =	rddreg [dreg:$0x4]  }
0x15: {  	[spmem:s14], [sflag:s9] =	dma.local [hbm:s0], $0x2800  }
0x16: {  	_ =	swait.ge [sflag:s15], $0x2800  }
0x17: {  	[sflag:s15] =	ssyncset.done $0x0  }
0x18: {  	[sflag:s15] =	ssyncadd.s32 $0xFFFFD800  }
0x19: {  	[bflag:$0x0] =	sbarrier.arrive $0xFFFF  }
0x1a: {  	s16 =	rddreg [dreg:$0x5]  }
0x1b: {  	[tilespmem:s4], [sflag:$0x7] =	stream.linear.gather [hbm4b:s16+s4], $0x400, $0x38;
	[tilespmem:$0x1D000] =	vst v63  }
0x1c: {  	_ =	swait.ge [sflag:s15], $0x400  }
0x1d: {  	[sflag:s15] =	ssyncset.done $0x0  }
0x1e: {  	s19 =	simm.s32 $0x800;
	[sflag:s15] =	ssyncadd.s32 $0xFFFFFC00  }
0x1f: {  	[tilespmem:s19], [sflag:$0x7] =	stream.linear.gather [hbm4b:s11+s4], $0x400, $0x38;
	[tilespmem:$0x1D000] =	vst v63  }
0x20: {  	_ =	swait.ge [sflag:s15], $0x400  }
0x21: {  	[sflag:s15] =	ssyncset.done $0x0  }
0x22: {  	s8 =	smin.u32 s23, $0x13;
	[sflag:s15] =	ssyncadd.s32 $0xFFFFFC00  }
0x23: {  	[tilespmem:s18], [sflag:$0x1] =	stream.indirect.gather [hbm4b:s2+s17], $0x80, s4, s17, $0xb8;
	[tilespmem:$0x1D000] =	vst v63  }
0x24: {  	s21 =	simm.s32 $0x80;
	s0 =	sshll.u32 s8, $0xA  }
0x25: {  	[tilespmem:s20], [sflag:$0x2] =	stream.indirect.gather [hbm4b:s2+s17], $0x80, s21, s17, $0xb8;
	[tilespmem:$0x1D000] =	vst v63  }
0x26: {  	s1 =	simm.s32 $0x100;
	s0 =	sadd.s32 s7, s0  }
0x27: {  	[tilespmem:s22], [sflag:$0x3] =	stream.indirect.gather [hbm4b:s2+s17], $0x80, s1, s17, $0xb8;
	[tilespmem:$0x1D000] =	vst v63  }
0x28: {  	s0 =	sshrl.u32 s0, $0x3;
	s1 =	simm.s32 $0x400  }
0x29: {  	s16 =	sadd.s32 s5, s0;
	s1 =	sand.u32 $0x400, s1  }
0x2a: {  	[tilespmem:s1], [sflag:$0x5] =	stream.linear.gather [hbm4b:s16+s4], $0x400, $0x38;
	[tilespmem:$0x1D000] =	vst v63  }
0x2b: {  	s0 =	sadd.s32 s6, s0;
	s19 =	simm.s32 $0x0;
	s10 =	sor.u32 $0x800, s1  }
0x2c: {  	[tilespmem:s10], [sflag:$0x6] =	stream.linear.gather [hbm4b:s0+s4], $0x400, $0x38;
	[tilespmem:$0x1D000] =	vst v63  }
0x2d: {  	s0 =	sand.u32 $0x1, s19;
	_ =	swait.ge [sflag:s23], $0x2000  }
0x2e: {  	s16 =	sshll.u32 s0, $0xA;
	[sflag:s23] =	ssyncset.done $0x0  }
0x2f: {  	s0 =	sor.u32 $0x180, s16;
	[sflag:s23] =	ssyncadd.s32 $0xFFFFE000  }
0x30: {  	[tilespmem:s24], [sflag:$0x4] =	stream.indirect.gather [hbm4b:s2+s17], $0x80, s0, s17, $0xb8;
	[tilespmem:$0x1D000] =	vst v63  }
0x31: {  	s21 =	sor.u32 $0x800, s16  }
0x32: {  	[spmem:s3] =	stream.indirect.scatter.add.f32 [tilespmem:s18], [sflag:$0x7], $0x80, s21, s17, $0xb8;
	[tilespmem:$0x1D000] =	vst v63  }
0x33: {  	_ =	swait.ge [sflag:s15], $0x2000  }
0x34: {  	[sflag:s15] =	ssyncset.done $0x0  }
0x35: {  	[sflag:s15] =	ssyncadd.s32 $0xFFFFE000  }
0x36: {  	_ =	swait.ge [sflag:s25], $0x2000  }
0x37: {  	[sflag:s25] =	ssyncset.done $0x0  }
0x38: {  	s8 =	sor.u32 $0x200, s16;
	[sflag:s25] =	ssyncadd.s32 $0xFFFFE000  }
0x39: {  	[tilespmem:s18], [sflag:$0x1] =	stream.indirect.gather [hbm4b:s2+s17], $0x80, s8, s17, $0xb8;
	[tilespmem:$0x1D000] =	vst v63  }
0x3a: {  	s10 =	sor.u32 $0x880, s16  }
0x3b: {  	[spmem:s3] =	stream.indirect.scatter.add.f32 [tilespmem:s20], [sflag:$0x7], $0x80, s10, s17, $0xb8;
	[tilespmem:$0x1D000] =	vst v63  }
0x3c: {  	_ =	swait.ge [sflag:s15], $0x2000  }
0x3d: {  	[sflag:s15] =	ssyncset.done $0x0  }
0x3e: {  	[sflag:s15] =	ssyncadd.s32 $0xFFFFE000  }
0x3f: {  	_ =	swait.ge [sflag:s26], $0x2000  }
0x40: {  	[sflag:s26] =	ssyncset.done $0x0  }
0x41: {  	s19 =	sor.u32 $0x280, s16;
	[sflag:s26] =	ssyncadd.s32 $0xFFFFE000  }
0x42: {  	[tilespmem:s20], [sflag:$0x2] =	stream.indirect.gather [hbm4b:s2+s17], $0x80, s19, s17, $0xb8;
	[tilespmem:$0x1D000] =	vst v63  }
0x43: {  	s21 =	sor.u32 $0x900, s16  }
0x44: {  	[spmem:s3] =	stream.indirect.scatter.add.f32 [tilespmem:s22], [sflag:$0x7], $0x80, s21, s17, $0xb8;
	[tilespmem:$0x1D000] =	vst v63  }
0x45: {  	_ =	swait.ge [sflag:s15], $0x2000  }
0x46: {  	[sflag:s15] =	ssyncset.done $0x0  }
0x47: {  	[sflag:s15] =	ssyncadd.s32 $0xFFFFE000  }
0x48: {  	_ =	swait.ge [sflag:s28], $0x2000  }
0x49: {  	[sflag:s28] =	ssyncset.done $0x0  }
0x4a: {  	s8 =	sor.u32 $0x300, s16;
	[sflag:s28] =	ssyncadd.s32 $0xFFFFE000  }
0x4b: {  	[tilespmem:s22], [sflag:$0x3] =	stream.indirect.gather [hbm4b:s2+s17], $0x80, s8, s17, $0xb8;
	[tilespmem:$0x1D000] =	vst v63  }
0x4c: {  	s10 =	sor.u32 $0x980, s16  }
0x4d: {  	[spmem:s3] =	stream.indirect.scatter.add.f32 [tilespmem:s24], [sflag:$0x7], $0x80, s10, s17, $0xb8;
	[tilespmem:$0x1D000] =	vst v63  }
0x4e: {  	_ =	swait.ge [sflag:s15], $0x2000  }
0x4f: {  	[sflag:s15] =	ssyncset.done $0x0  }
0x50: {  	[sflag:s15] =	ssyncadd.s32 $0xFFFFE000  }
0x51: {  	_ =	swait.ge [sflag:s23], $0x2000  }
0x52: {  	[sflag:s23] =	ssyncset.done $0x0  }
0x53: {  	s19 =	sor.u32 $0x380, s16;
	[sflag:s23] =	ssyncadd.s32 $0xFFFFE000  }
0x54: {  	[tilespmem:s24], [sflag:$0x4] =	stream.indirect.gather [hbm4b:s2+s17], $0x80, s19, s17, $0xb8;
	[tilespmem:$0x1D000] =	vst v63  }
0x55: {  	s21 =	sor.u32 $0xA00, s16  }
0x56: {  	[spmem:s3] =	stream.indirect.scatter.add.f32 [tilespmem:s18], [sflag:$0x7], $0x80, s21, s17, $0xb8;
	[tilespmem:$0x1D000] =	vst v63  }
0x57: {  	_ =	swait.ge [sflag:s15], $0x2000  }
0x58: {  	[sflag:s15] =	ssyncset.done $0x0  }
0x59: {  	[sflag:s15] =	ssyncadd.s32 $0xFFFFE000  }
0x5a: {  	_ =	swait.ge [sflag:s25], $0x2000  }
0x5b: {  	[sflag:s25] =	ssyncset.done $0x0  }
0x5c: {  	[sflag:s25] =	ssyncadd.s32 $0xFFFFE000  }
0x5d: {  	_ =	swait.ge [sflag:s29], $0x400  }
0x5e: {  	[sflag:s29] =	ssyncset.done $0x0  }
0x5f: {  	[sflag:s29] =	ssyncadd.s32 $0xFFFFFC00  }
0x60: {  	_ =	swait.ge [sflag:s30], $0x400  }
0x61: {  	[sflag:s30] =	ssyncset.done $0x0  }
0x62: {  	[sflag:s30] =	ssyncadd.s32 $0xFFFFFC00  }
0x63: {  	[tilespmem:s18], [sflag:$0x1] =	stream.indirect.gather [hbm4b:s2+s17], $0x80, s1, s17, $0xb8;
	[tilespmem:$0x1D000] =	vst v63  }
0x64: {  	s8 =	sor.u32 $0xA80, s16  }
0x65: {  	[spmem:s3] =	stream.indirect.scatter.add.f32 [tilespmem:s20], [sflag:$0x7], $0x80, s8, s17, $0xb8;
	[tilespmem:$0x1D000] =	vst v63  }
0x66: {  	_ =	swait.ge [sflag:s15], $0x2000  }
0x67: {  	[sflag:s15] =	ssyncset.done $0x0  }
0x68: {  	[sflag:s15] =	ssyncadd.s32 $0xFFFFE000  }
0x69: {  	_ =	swait.ge [sflag:s26], $0x2000  }
0x6a: {  	[sflag:s26] =	ssyncset.done $0x0  }
0x6b: {  	s10 =	sor.u32 $0x80, s1;
	[sflag:s26] =	ssyncadd.s32 $0xFFFFE000  }
0x6c: {  	[tilespmem:s20], [sflag:$0x2] =	stream.indirect.gather [hbm4b:s2+s17], $0x80, s10, s17, $0xb8;
	[tilespmem:$0x1D000] =	vst v63  }
0x6d: {  	s19 =	sor.u32 $0xB00, s16  }
0x6e: {  	[spmem:s3] =	stream.indirect.scatter.add.f32 [tilespmem:s22], [sflag:$0x7], $0x80, s19, s17, $0xb8;
	[tilespmem:$0x1D000] =	vst v63  }
0x6f: {  	_ =	swait.ge [sflag:s15], $0x2000  }
0x70: {  	[sflag:s15] =	ssyncset.done $0x0  }
0x71: {  	[sflag:s15] =	ssyncadd.s32 $0xFFFFE000  }
0x72: {  	_ =	swait.ge [sflag:s28], $0x2000  }
0x73: {  	[sflag:s28] =	ssyncset.done $0x0  }
0x74: {  	s0 =	simm.s32 $0x2;
	s1 =	sor.u32 $0x100, s1;
	[sflag:s28] =	ssyncadd.s32 $0xFFFFE000  }
0x75: {  	[tilespmem:s22], [sflag:$0x3] =	stream.indirect.gather [hbm4b:s2+s17], $0x80, s1, s17, $0xb8;
	[tilespmem:$0x1D000] =	vst v63  }
0x76: {  	s16 =	sor.u32 $0xB80, s16;
	s21 =	smin.u32 s0, $0x13  }
0x77: {  	[spmem:s3] =	stream.indirect.scatter.add.f32 [tilespmem:s24], [sflag:$0x7], $0x80, s16, s17, $0xb8;
	[tilespmem:$0x1D000] =	vst v63  }
0x78: {  	s1 =	sshll.u32 s21, $0xA;
	_ =	swait.ge [sflag:s15], $0x2000  }
0x79: {  	s19 =	simm.s32 $0x3;
	s16 =	sadd.s32 s7, s1;
	[sflag:s15] =	ssyncset.done $0x0  }
.LBB2_2:
0x7a: {  	s21 =	sshll.u32 s0, $0xA  }
0x7b: {  	s8 =	sshrl.u32 s16, $0x3;
	[sflag:s15] =	ssyncadd.s32 $0xFFFFE000;
	s10 =	smov.u32 s19  }
0x7c: {  	s1 =	sadd.s32 $0x1, s19;
	s16 =	sand.u32 $0x400, s21;
	s21 =	sadd.s32 s5, s8  }
0x7d: {  	[tilespmem:s16], [sflag:$0x5] =	stream.linear.gather [hbm4b:s21+s4], $0x400, $0x38;
	[tilespmem:$0x1D000] =	vst v63  }
0x7e: {  	s0 =	sadd.s32 $0xFFFFFFFF, s0;
	s8 =	sadd.s32 s6, s8;
	s21 =	sor.u32 $0x800, s16  }
0x7f: {  	[tilespmem:s21], [sflag:$0x6] =	stream.linear.gather [hbm4b:s8+s4], $0x400, $0x38;
	[tilespmem:$0x1D000] =	vst v63  }
0x80: {  	p0 =	sne.s32 s19, $0x14;
	s0 =	sand.u32 $0x1, s0;
	_ =	swait.ge [sflag:s23], $0x2000  }
0x81: {  	s19 =	sshll.u32 s0, $0xA;
	s0 =	smov.u32 s10;
	[sflag:s23] =	ssyncset.done $0x0  }
0x82: {  	s8 =	sor.u32 $0x180, s19;
	[sflag:s23] =	ssyncadd.s32 $0xFFFFE000  }
0x83: {  	[tilespmem:s24], [sflag:$0x4] =	stream.indirect.gather [hbm4b:s2+s17], $0x80, s8, s17, $0xb8;
	[tilespmem:$0x1D000] =	vst v63  }
0x84: {  	s8 =	sor.u32 $0x800, s19  }
0x85: {  	[spmem:s3] =	stream.indirect.scatter.add.f32 [tilespmem:s18], [sflag:$0x7], $0x80, s8, s17, $0xb8;
	[tilespmem:$0x1D000] =	vst v63  }
0x86: {  	_ =	swait.ge [sflag:s15], $0x2000  }
0x87: {  	[sflag:s15] =	ssyncset.done $0x0  }
0x88: {  	[sflag:s15] =	ssyncadd.s32 $0xFFFFE000  }
0x89: {  	_ =	swait.ge [sflag:s25], $0x2000  }
0x8a: {  	[sflag:s25] =	ssyncset.done $0x0  }
0x8b: {  	s8 =	sor.u32 $0x200, s19;
	[sflag:s25] =	ssyncadd.s32 $0xFFFFE000  }
0x8c: {  	[tilespmem:s18], [sflag:$0x1] =	stream.indirect.gather [hbm4b:s2+s17], $0x80, s8, s17, $0xb8;
	[tilespmem:$0x1D000] =	vst v63  }
0x8d: {  	s8 =	sor.u32 $0x880, s19  }
0x8e: {  	[spmem:s3] =	stream.indirect.scatter.add.f32 [tilespmem:s20], [sflag:$0x7], $0x80, s8, s17, $0xb8;
	[tilespmem:$0x1D000] =	vst v63  }
0x8f: {  	_ =	swait.ge [sflag:s15], $0x2000  }
0x90: {  	[sflag:s15] =	ssyncset.done $0x0  }
0x91: {  	[sflag:s15] =	ssyncadd.s32 $0xFFFFE000  }
0x92: {  	_ =	swait.ge [sflag:s26], $0x2000  }
0x93: {  	[sflag:s26] =	ssyncset.done $0x0  }
0x94: {  	s8 =	sor.u32 $0x280, s19;
	[sflag:s26] =	ssyncadd.s32 $0xFFFFE000  }
0x95: {  	[tilespmem:s20], [sflag:$0x2] =	stream.indirect.gather [hbm4b:s2+s17], $0x80, s8, s17, $0xb8;
	[tilespmem:$0x1D000] =	vst v63  }
0x96: {  	s8 =	sor.u32 $0x900, s19  }
0x97: {  	[spmem:s3] =	stream.indirect.scatter.add.f32 [tilespmem:s22], [sflag:$0x7], $0x80, s8, s17, $0xb8;
	[tilespmem:$0x1D000] =	vst v63  }
0x98: {  	_ =	swait.ge [sflag:s15], $0x2000  }
0x99: {  	[sflag:s15] =	ssyncset.done $0x0  }
0x9a: {  	[sflag:s15] =	ssyncadd.s32 $0xFFFFE000  }
0x9b: {  	_ =	swait.ge [sflag:s28], $0x2000  }
0x9c: {  	[sflag:s28] =	ssyncset.done $0x0  }
0x9d: {  	s8 =	sor.u32 $0x300, s19;
	[sflag:s28] =	ssyncadd.s32 $0xFFFFE000  }
0x9e: {  	[tilespmem:s22], [sflag:$0x3] =	stream.indirect.gather [hbm4b:s2+s17], $0x80, s8, s17, $0xb8;
	[tilespmem:$0x1D000] =	vst v63  }
0x9f: {  	s8 =	sor.u32 $0x980, s19  }
0xa0: {  	[spmem:s3] =	stream.indirect.scatter.add.f32 [tilespmem:s24], [sflag:$0x7], $0x80, s8, s17, $0xb8;
	[tilespmem:$0x1D000] =	vst v63  }
0xa1: {  	_ =	swait.ge [sflag:s15], $0x2000  }
0xa2: {  	[sflag:s15] =	ssyncset.done $0x0  }
0xa3: {  	[sflag:s15] =	ssyncadd.s32 $0xFFFFE000  }
0xa4: {  	_ =	swait.ge [sflag:s23], $0x2000  }
0xa5: {  	[sflag:s23] =	ssyncset.done $0x0  }
0xa6: {  	s8 =	sor.u32 $0x380, s19;
	[sflag:s23] =	ssyncadd.s32 $0xFFFFE000  }
0xa7: {  	[tilespmem:s24], [sflag:$0x4] =	stream.indirect.gather [hbm4b:s2+s17], $0x80, s8, s17, $0xb8;
	[tilespmem:$0x1D000] =	vst v63  }
0xa8: {  	s8 =	sor.u32 $0xA00, s19  }
0xa9: {  	[spmem:s3] =	stream.indirect.scatter.add.f32 [tilespmem:s18], [sflag:$0x7], $0x80, s8, s17, $0xb8;
	[tilespmem:$0x1D000] =	vst v63  }
0xaa: {  	_ =	swait.ge [sflag:s15], $0x2000  }
0xab: {  	[sflag:s15] =	ssyncset.done $0x0  }
0xac: {  	[sflag:s15] =	ssyncadd.s32 $0xFFFFE000  }
0xad: {  	_ =	swait.ge [sflag:s25], $0x2000  }
0xae: {  	[sflag:s25] =	ssyncset.done $0x0  }
0xaf: {  	[sflag:s25] =	ssyncadd.s32 $0xFFFFE000  }
0xb0: {  	_ =	swait.ge [sflag:s29], $0x400  }
0xb1: {  	[sflag:s29] =	ssyncset.done $0x0  }
0xb2: {  	[sflag:s29] =	ssyncadd.s32 $0xFFFFFC00  }
0xb3: {  	_ =	swait.ge [sflag:s30], $0x400  }
0xb4: {  	[sflag:s30] =	ssyncset.done $0x0  }
0xb5: {  	[sflag:s30] =	ssyncadd.s32 $0xFFFFFC00  }
0xb6: {  	[tilespmem:s18], [sflag:$0x1] =	stream.indirect.gather [hbm4b:s2+s17], $0x80, s16, s17, $0xb8;
	[tilespmem:$0x1D000] =	vst v63  }
0xb7: {  	s8 =	sor.u32 $0xA80, s19  }
0xb8: {  	[spmem:s3] =	stream.indirect.scatter.add.f32 [tilespmem:s20], [sflag:$0x7], $0x80, s8, s17, $0xb8;
	[tilespmem:$0x1D000] =	vst v63  }
0xb9: {  	_ =	swait.ge [sflag:s15], $0x2000  }
0xba: {  	[sflag:s15] =	ssyncset.done $0x0  }
0xbb: {  	[sflag:s15] =	ssyncadd.s32 $0xFFFFE000  }
0xbc: {  	_ =	swait.ge [sflag:s26], $0x2000  }
0xbd: {  	[sflag:s26] =	ssyncset.done $0x0  }
0xbe: {  	s8 =	sor.u32 $0x80, s16;
	[sflag:s26] =	ssyncadd.s32 $0xFFFFE000  }
0xbf: {  	[tilespmem:s20], [sflag:$0x2] =	stream.indirect.gather [hbm4b:s2+s17], $0x80, s8, s17, $0xb8;
	[tilespmem:$0x1D000] =	vst v63  }
0xc0: {  	s8 =	sor.u32 $0xB00, s19  }
0xc1: {  	[spmem:s3] =	stream.indirect.scatter.add.f32 [tilespmem:s22], [sflag:$0x7], $0x80, s8, s17, $0xb8;
	[tilespmem:$0x1D000] =	vst v63  }
0xc2: {  	_ =	swait.ge [sflag:s15], $0x2000  }
0xc3: {  	[sflag:s15] =	ssyncset.done $0x0  }
0xc4: {  	[sflag:s15] =	ssyncadd.s32 $0xFFFFE000  }
0xc5: {  	_ =	swait.ge [sflag:s28], $0x2000  }
0xc6: {  	[sflag:s28] =	ssyncset.done $0x0  }
0xc7: {  	s8 =	sor.u32 $0x100, s16;
	[sflag:s28] =	ssyncadd.s32 $0xFFFFE000  }
0xc8: {  	[tilespmem:s22], [sflag:$0x3] =	stream.indirect.gather [hbm4b:s2+s17], $0x80, s8, s17, $0xb8;
	[tilespmem:$0x1D000] =	vst v63  }
.Ltmp0:
0xc9: {  	_ = 	snop;
	(pc) =	sbr.rel @p0 .LBB2_2-.Ltmp0, $4  }
0xca: {  	s10 =	sor.u32 $0xB80, s19;
	s8 =	smin.u32 s0, $0x13  }
0xcb: {  	[spmem:s3] =	stream.indirect.scatter.add.f32 [tilespmem:s24], [sflag:$0x7], $0x80, s10, s17, $0xb8;
	[tilespmem:$0x1D000] =	vst v63  }
0xcc: {  	s8 =	sshll.u32 s8, $0xA;
	_ =	swait.ge [sflag:s15], $0x2000  }
0xcd: {  	s19 =	smov.u32 s1;
	s16 =	sadd.s32 s7, s8;
	[sflag:s15] =	ssyncset.done $0x0  }
0xce: {  	s1 =	sshll.u32 s0, $0xA;
	s8 =	sshrl.u32 s16, $0x3  }
0xcf: {  	[sflag:s15] =	ssyncadd.s32 $0xFFFFE000;
	s1 =	sand.u32 $0x400, s1;
	s10 =	sadd.s32 s5, s8  }
0xd0: {  	[tilespmem:s1], [sflag:$0x5] =	stream.linear.gather [hbm4b:s10+s4], $0x400, $0x38;
	[tilespmem:$0x1D000] =	vst v63  }
0xd1: {  	s16 =	sadd.s32 $0xFFFFFFFF, s0;
	s8 =	sadd.s32 s6, s8;
	s19 =	sor.u32 $0x800, s1  }
0xd2: {  	[tilespmem:s19], [sflag:$0x6] =	stream.linear.gather [hbm4b:s8+s4], $0x400, $0x38;
	[tilespmem:$0x1D000] =	vst v63  }
0xd3: {  	s0 =	sand.u32 $0x1, s16;
	_ =	swait.ge [sflag:s23], $0x2000  }
0xd4: {  	s0 =	sshll.u32 s0, $0xA;
	[sflag:s23] =	ssyncset.done $0x0  }
0xd5: {  	s21 =	sor.u32 $0x180, s0;
	[sflag:s23] =	ssyncadd.s32 $0xFFFFE000  }
0xd6: {  	[tilespmem:s24], [sflag:$0x4] =	stream.indirect.gather [hbm4b:s2+s17], $0x80, s21, s17, $0xb8;
	[tilespmem:$0x1D000] =	vst v63  }
0xd7: {  	s10 =	sor.u32 $0x800, s0  }
0xd8: {  	[spmem:s3] =	stream.indirect.scatter.add.f32 [tilespmem:s18], [sflag:$0x7], $0x80, s10, s17, $0xb8;
	[tilespmem:$0x1D000] =	vst v63  }
0xd9: {  	_ =	swait.ge [sflag:s15], $0x2000  }
0xda: {  	[sflag:s15] =	ssyncset.done $0x0  }
0xdb: {  	[sflag:s15] =	ssyncadd.s32 $0xFFFFE000  }
0xdc: {  	_ =	swait.ge [sflag:s25], $0x2000  }
0xdd: {  	[sflag:s25] =	ssyncset.done $0x0  }
0xde: {  	s16 =	sor.u32 $0x200, s0;
	[sflag:s25] =	ssyncadd.s32 $0xFFFFE000  }
0xdf: {  	[tilespmem:s18], [sflag:$0x1] =	stream.indirect.gather [hbm4b:s2+s17], $0x80, s16, s17, $0xb8;
	[tilespmem:$0x1D000] =	vst v63  }
0xe0: {  	s19 =	sor.u32 $0x880, s0  }
0xe1: {  	[spmem:s3] =	stream.indirect.scatter.add.f32 [tilespmem:s20], [sflag:$0x7], $0x80, s19, s17, $0xb8;
	[tilespmem:$0x1D000] =	vst v63  }
0xe2: {  	_ =	swait.ge [sflag:s15], $0x2000  }
0xe3: {  	[sflag:s15] =	ssyncset.done $0x0  }
0xe4: {  	[sflag:s15] =	ssyncadd.s32 $0xFFFFE000  }
0xe5: {  	_ =	swait.ge [sflag:s26], $0x2000  }
0xe6: {  	[sflag:s26] =	ssyncset.done $0x0  }
0xe7: {  	s21 =	sor.u32 $0x280, s0;
	[sflag:s26] =	ssyncadd.s32 $0xFFFFE000  }
0xe8: {  	[tilespmem:s20], [sflag:$0x2] =	stream.indirect.gather [hbm4b:s2+s17], $0x80, s21, s17, $0xb8;
	[tilespmem:$0x1D000] =	vst v63  }
0xe9: {  	s10 =	sor.u32 $0x900, s0  }
0xea: {  	[spmem:s3] =	stream.indirect.scatter.add.f32 [tilespmem:s22], [sflag:$0x7], $0x80, s10, s17, $0xb8;
	[tilespmem:$0x1D000] =	vst v63  }
0xeb: {  	_ =	swait.ge [sflag:s15], $0x2000  }
0xec: {  	[sflag:s15] =	ssyncset.done $0x0  }
0xed: {  	[sflag:s15] =	ssyncadd.s32 $0xFFFFE000  }
0xee: {  	_ =	swait.ge [sflag:s28], $0x2000  }
0xef: {  	[sflag:s28] =	ssyncset.done $0x0  }
0xf0: {  	s16 =	sor.u32 $0x300, s0;
	[sflag:s28] =	ssyncadd.s32 $0xFFFFE000  }
0xf1: {  	[tilespmem:s22], [sflag:$0x3] =	stream.indirect.gather [hbm4b:s2+s17], $0x80, s16, s17, $0xb8;
	[tilespmem:$0x1D000] =	vst v63  }
0xf2: {  	s19 =	sor.u32 $0x980, s0  }
0xf3: {  	[spmem:s3] =	stream.indirect.scatter.add.f32 [tilespmem:s24], [sflag:$0x7], $0x80, s19, s17, $0xb8;
	[tilespmem:$0x1D000] =	vst v63  }
0xf4: {  	_ =	swait.ge [sflag:s15], $0x2000  }
0xf5: {  	[sflag:s15] =	ssyncset.done $0x0  }
0xf6: {  	[sflag:s15] =	ssyncadd.s32 $0xFFFFE000  }
0xf7: {  	_ =	swait.ge [sflag:s23], $0x2000  }
0xf8: {  	[sflag:s23] =	ssyncset.done $0x0  }
0xf9: {  	s21 =	sor.u32 $0x380, s0;
	[sflag:s23] =	ssyncadd.s32 $0xFFFFE000  }
0xfa: {  	[tilespmem:s24], [sflag:$0x4] =	stream.indirect.gather [hbm4b:s2+s17], $0x80, s21, s17, $0xb8;
	[tilespmem:$0x1D000] =	vst v63  }
0xfb: {  	s10 =	sor.u32 $0xA00, s0  }
0xfc: {  	[spmem:s3] =	stream.indirect.scatter.add.f32 [tilespmem:s18], [sflag:$0x7], $0x80, s10, s17, $0xb8;
	[tilespmem:$0x1D000] =	vst v63  }
0xfd: {  	_ =	swait.ge [sflag:s15], $0x2000  }
0xfe: {  	[sflag:s15] =	ssyncset.done $0x0  }
0xff: {  	[sflag:s15] =	ssyncadd.s32 $0xFFFFE000  }
0x100: {  	_ =	swait.ge [sflag:s25], $0x2000  }
0x101: {  	[sflag:s25] =	ssyncset.done $0x0  }
0x102: {  	[sflag:s25] =	ssyncadd.s32 $0xFFFFE000  }
0x103: {  	_ =	swait.ge [sflag:s29], $0x400  }
0x104: {  	[sflag:s29] =	ssyncset.done $0x0  }
0x105: {  	[sflag:s29] =	ssyncadd.s32 $0xFFFFFC00  }
0x106: {  	_ =	swait.ge [sflag:s30], $0x400  }
0x107: {  	[sflag:s30] =	ssyncset.done $0x0  }
0x108: {  	[sflag:s30] =	ssyncadd.s32 $0xFFFFFC00  }
0x109: {  	[tilespmem:s18], [sflag:$0x1] =	stream.indirect.gather [hbm4b:s2+s17], $0x80, s1, s17, $0xb8;
	[tilespmem:$0x1D000] =	vst v63  }
0x10a: {  	s16 =	sor.u32 $0xA80, s0  }
0x10b: {  	[spmem:s3] =	stream.indirect.scatter.add.f32 [tilespmem:s20], [sflag:$0x7], $0x80, s16, s17, $0xb8;
	[tilespmem:$0x1D000] =	vst v63  }
0x10c: {  	_ =	swait.ge [sflag:s15], $0x2000  }
0x10d: {  	[sflag:s15] =	ssyncset.done $0x0  }
0x10e: {  	[sflag:s15] =	ssyncadd.s32 $0xFFFFE000  }
0x10f: {  	_ =	swait.ge [sflag:s26], $0x2000  }
0x110: {  	[sflag:s26] =	ssyncset.done $0x0  }
0x111: {  	s19 =	sor.u32 $0x80, s1;
	[sflag:s26] =	ssyncadd.s32 $0xFFFFE000  }
0x112: {  	[tilespmem:s20], [sflag:$0x2] =	stream.indirect.gather [hbm4b:s2+s17], $0x80, s19, s17, $0xb8;
	[tilespmem:$0x1D000] =	vst v63  }
0x113: {  	s21 =	sor.u32 $0xB00, s0  }
0x114: {  	[spmem:s3] =	stream.indirect.scatter.add.f32 [tilespmem:s22], [sflag:$0x7], $0x80, s21, s17, $0xb8;
	[tilespmem:$0x1D000] =	vst v63  }
0x115: {  	_ =	swait.ge [sflag:s15], $0x2000  }
0x116: {  	[sflag:s15] =	ssyncset.done $0x0  }
0x117: {  	[sflag:s15] =	ssyncadd.s32 $0xFFFFE000  }
0x118: {  	_ =	swait.ge [sflag:s28], $0x2000  }
0x119: {  	[sflag:s28] =	ssyncset.done $0x0  }
0x11a: {  	s1 =	sor.u32 $0x100, s1;
	[sflag:s28] =	ssyncadd.s32 $0xFFFFE000  }
0x11b: {  	[tilespmem:s22], [sflag:$0x3] =	stream.indirect.gather [hbm4b:s2+s17], $0x80, s1, s17, $0xb8;
	[tilespmem:$0x1D000] =	vst v63  }
0x11c: {  	s0 =	sor.u32 $0xB80, s0  }
0x11d: {  	[spmem:s3] =	stream.indirect.scatter.add.f32 [tilespmem:s24], [sflag:$0x7], $0x80, s0, s17, $0xb8;
	[tilespmem:$0x1D000] =	vst v63  }
0x11e: {  	_ =	swait.ge [sflag:s15], $0x2000  }
0x11f: {  	[sflag:s15] =	ssyncset.done $0x0  }
0x120: {  	[sflag:s15] =	ssyncadd.s32 $0xFFFFE000  }
0x121: {  	_ =	swait.ge [sflag:s23], $0x2000  }
0x122: {  	[sflag:s23] =	ssyncset.done $0x0  }
0x123: {  	[sflag:s23] =	ssyncadd.s32 $0xFFFFE000  }
0x124: {  	_ =	swait.ge [sflag:s25], $0x2000  }
0x125: {  	[sflag:s25] =	ssyncset.done $0x0  }
0x126: {  	[sflag:s25] =	ssyncadd.s32 $0xFFFFE000  }
0x127: {  	_ =	swait.ge [sflag:s26], $0x2000  }
0x128: {  	s31 =	sadd.s32 $0x1, s31;
	[sflag:s26] =	ssyncset.done $0x0  }
0x129: {  	p0 =	sne.s32 s31, s13;
	[sflag:s26] =	ssyncadd.s32 $0xFFFFE000  }
.Ltmp1:
0x12a: {  	[bflag:$0x0] =	sbarrier.arrive $0xFFFF;
	(pc) =	sbr.rel @p0 .LBB2_1-.Ltmp1, $4  }
0x12b: {  	[hbm:s12], [sflag:s9] =	dma.local [spmem:s14], $0x2800  }
0x12c: {  	_ =	swait.ge [sflag:s15], $0x2800  }
0x12d: {  	[sflag:s15] =	ssyncset.done $0x0  }
0x12e: {  	[sflag:s15] =	ssyncadd.s32 $0xFFFFD800  }
0x12f: {  	_ =	sfence.sel $0x180000  }
0x130: {  	[bflag:$0x0] =	sbarrier.arrive $0xFFFF  }
0x131: {  	_ =	strace $0x9000004A  }
0x132: {  	s0 =	stileid.u32;
	[bflag:$0x2] =	sbarrier.arrive $0xFFFF  }
0x133: {  	p0 =	sne.s32 s0, $0x0;
	s0 =	rddreg [dreg:$0x3]  }
0x134: {  	s0 =	sadd.s32 @!p0 $0x100000, s0  }
0x135: {  	[sflag:s0] =	ssyncadd.tile.s32 @!p0 $0x1;
	_ =	shalt  }
.Lfunc_end2:
_tile_overlayer_lowered:
.L_overlay_start_2:
0x136: {  	(tag) =	ssettag $0x2  }
0x137: {  	s0 =	rddreg [dreg:$0x0];
	s2 =	stileid.u32  }
0x138: {  	s1 =	rddreg [dreg:$0x1];
	p0 =	sne.s32 s2, $0x0  }
0x139: {  	s3 =	rddreg [dreg:$0x2];
	[bflag:$0x3] =	sbarrier.arrive $0xFFFF;
	s2 =	simm.s32 @!p0 $0x1C07  }
0x13a: {  	[timem:s3], [sflag:s2] =	dma.local @!p0 [hbm:s0], s1  }
0x13b: {  	s0 =	simm.s32 @!p0 $0x7  }
0x13c: {  	_ =	swait.ge @!p0 [sflag:s0], s1  }
0x13d: {  	s1 =	ssub.s32 @!p0 $0x0, s1;
	[sflag:s0] =	ssyncset.done @!p0 $0x0  }
0x13e: {  	[sflag:s0] =	ssyncadd.s32 @!p0 s1  }
0x13f: {  	[bflag:$0x3] =	sbarrier.arrive $0xFFFF  }
0x140: {  	_ =	shalt  }

// kernel: sc_agg.8.cloned.1.call-start
scs
__scs_entry_jumppad:
0x0: {  	(pc) =	sbr.rel $0x88, $3  }
0x1: {  	(tag) =	ssettag $0x0;
	lr =	simm.s32 $0x1  }
0x2: {  	[smem:$0x3F91] =	sst lr;
	_ =	strace $0xD0000000  }
0x3: {  	_ = 	snop  }
0x4: {  	_ = 	snop  }
0x5: {  	_ = 	snop  }
0x6: {  	_ = 	snop  }
0x7: {  	_ = 	snop  }
__scs_overlays_trampoline_lowered:
0x8: {  	[smem:$0x3FA0] =	sst s0  }
0x9: {  	[smem:$0x3FA1] =	sst s1  }
0xa: {  	[smem:$0x3FA2] =	sst s2  }
0xb: {  	[smem:$0x3FA3] =	sst s3  }
0xc: {  	[smem:$0x3FA4] =	sst s4  }
0xd: {  	[smem:$0x3FA5] =	sst s5  }
0xe: {  	[smem:$0x3FA6] =	sst s6  }
0xf: {  	[smem:$0x3FA7] =	sst s7  }
0x10: {  	[smem:$0x3FA8] =	sst s8  }
0x11: {  	[smem:$0x3FA9] =	sst s9;
	s0 =	simm.s32 @!p0 $0x0  }
0x12: {  	s1 =	sld [smem:$0x3F8F];
	s0 =	simm.s32 @p0 $0x1  }
0x13: {  	[smem:$0x3FAA] =	sst s0;
	s0 =	simm.s32 @!p1 $0x0  }
0x14: {  	s2 =	sld [smem:$0x3F8E];
	s0 =	simm.s32 @p1 $0x1  }
0x15: {  	[smem:$0x3FAB] =	sst s0;
	s0 =	simm.s32 @!p2 $0x0  }
0x16: {  	s3 =	sld [smem:$0x3FDB];
	s0 =	simm.s32 @p2 $0x1  }
0x17: {  	s4 =	simm.s32 $0x1BF5;
	[smem:$0x3FAD] =	sst s0  }
0x18: {  	s0 =	sld [smem:$0x3F90];
	_ =	swait.ge [sflag:s4], $0x0  }
0x19: {  	s7 =	sld [smem:$0x3F91]  }
0x1a: {  	s8 =	sadd.s32 $0xFFFFE003, lr  }
0x1b: {  	s9 =	sadd.s32 $0xFFFFFEF7, lr;
	s5 =	simm.s32 $0xFFFFFFFF;
	p2 =	slt.u32 s8, $0xFFFFF086  }
0x1c: {  	p1 =	slt.u32 s9, $0xF7A;
	s5 =	simm.s32 @!p2 $0x0  }
0x1d: {  	s5 =	simm.s32 @p1 $0x1;
	p0 =	seq.s32 s7, s2  }
0x1e: {  	s7 =	smul.u32 @!p0 $0xF7A, s2;
	p2 =	seq.s32 @!p0 s5, $0x0  }
0x1f: {  	s9 =	smul.u32 $0xF7A, s1;
	s8 =	simm.s32 @!p0 $0x1BF5;
	p2 =	por !p2, p0  }
0x20: {  	[sflag:s8] =	ssyncset.s32 @!p0 $0xFFFFF086;
	s6 =	sadd.s32 @!p0 s3, s7;
	s7 =	simm.s32 @!p0 $0x108  }
0x21: {  	s3 =	sadd.s32 s3, s9;
	s6 =	sadd.s32 @!p0 $0x88, s6;
	s7 =	simm.s32 @p2 $0x1082  }
0x22: {  	[simem:s7], [sflag:s8] =	dma.local @!p0 [hbm:s6], $0xF7A  }
0x23: {  	s9 =	sor.u32 $0xD0000000, s2;
	s6 =	simm.s32 $0x108;
	_ =	swait.ge @!p0 [sflag:s8], $0x0  }
0x24: {  	s3 =	sadd.s32 $0x88, s3;
	s6 =	simm.s32 @!p1 $0x1082;
	[sflag:s4] =	ssyncset.s32 $0xFFFFF086  }
0x25: {  	[simem:s6], [sflag:s4] =	dma.local [hbm:s3], $0xF7A  }
0x26: {  	[smem:$0x3F91] =	sst s1;
	(tag) =	ssettag s2;
	_ =	strace s9  }
0x27: {  	s1 =	sld [smem:$0x3FA1]  }
0x28: {  	s2 =	sld [smem:$0x3FA2]  }
0x29: {  	s4 =	sld [smem:$0x3FA4]  }
0x2a: {  	p0 =	seq.s32 s5, $0x0;
	s5 =	sld [smem:$0x3FA5]  }
0x2b: {  	s6 =	sld [smem:$0x3FA6]  }
0x2c: {  	s7 =	sld [smem:$0x3FA7]  }
0x2d: {  	s3 =	simm.s32 $0x108;
	s8 =	sld [smem:$0x3FA8]  }
0x2e: {  	s3 =	simm.s32 @!p0 $0x1082;
	s9 =	sld [smem:$0x3FA9]  }
0x2f: {  	lr =	sadd.s32 s0, s3;
	s0 =	sld [smem:$0x3FA0]  }
0x30: {  	s3 =	sld [smem:$0x3FA3]  }
0x31: {  	[smem:$0x3FAC] =	sst s10  }
0x32: {  	s10 =	sld [smem:$0x3FAA];
	_ =	sdelay $0x3  }
0x33: {  	p0 =	seq.s32 s10, $0x1;
	s10 =	sld [smem:$0x3FAC];
	_ =	sdelay $0x3  }
0x34: {  	[smem:$0x3FAC] =	sst s10  }
0x35: {  	s10 =	sld [smem:$0x3FAB];
	_ =	sdelay $0x3  }
0x36: {  	p1 =	seq.s32 s10, $0x1;
	s10 =	sld [smem:$0x3FAC];
	_ =	sdelay $0x3  }
0x37: {  	[smem:$0x3FAC] =	sst s10  }
0x38: {  	s10 =	sld [smem:$0x3FAD]  }
0x39: {  	_ = 	snop;
	(pc) =	sbr.ind lr, $3  }
0x3a: {  	_ = 	snop  }
0x3b: {  	_ = 	snop  }
0x3c: {  	p2 =	seq.s32 s10, $0x1;
	s10 =	sld [smem:$0x3FAC]  }
0x3d: {  	_ =	shalt  }
0x3e: {  	_ =	shalt  }
0x3f: {  	_ =	shalt  }
0x40: {  	_ =	shalt  }
0x41: {  	_ =	shalt  }
0x42: {  	_ =	shalt  }
0x43: {  	_ =	shalt  }
0x44: {  	_ =	shalt  }
0x45: {  	_ =	shalt  }
0x46: {  	_ =	shalt  }
0x47: {  	_ =	shalt  }
0x48: {  	_ =	shalt  }
0x49: {  	_ =	shalt  }
0x4a: {  	_ =	shalt  }
0x4b: {  	_ =	shalt  }
0x4c: {  	_ =	shalt  }
0x4d: {  	_ =	shalt  }
0x4e: {  	_ =	shalt  }
0x4f: {  	_ =	shalt  }
0x50: {  	_ =	shalt  }
0x51: {  	_ =	shalt  }
0x52: {  	_ =	shalt  }
0x53: {  	_ =	shalt  }
0x54: {  	_ =	shalt  }
0x55: {  	_ =	shalt  }
0x56: {  	_ =	shalt  }
0x57: {  	_ =	shalt  }
0x58: {  	_ =	shalt  }
0x59: {  	_ =	shalt  }
0x5a: {  	_ =	shalt  }
0x5b: {  	_ =	shalt  }
0x5c: {  	_ =	shalt  }
0x5d: {  	_ =	shalt  }
0x5e: {  	_ =	shalt  }
0x5f: {  	_ =	shalt  }
0x60: {  	_ =	shalt  }
0x61: {  	_ =	shalt  }
0x62: {  	_ =	shalt  }
0x63: {  	_ =	shalt  }
0x64: {  	_ =	shalt  }
0x65: {  	_ =	shalt  }
0x66: {  	_ =	shalt  }
0x67: {  	_ =	shalt  }
0x68: {  	_ =	shalt  }
0x69: {  	_ =	shalt  }
0x6a: {  	_ =	shalt  }
0x6b: {  	_ =	shalt  }
0x6c: {  	_ =	shalt  }
0x6d: {  	_ =	shalt  }
0x6e: {  	_ =	shalt  }
0x6f: {  	_ =	shalt  }
0x70: {  	_ =	shalt  }
0x71: {  	_ =	shalt  }
0x72: {  	_ =	shalt  }
0x73: {  	_ =	shalt  }
0x74: {  	_ =	shalt  }
0x75: {  	_ =	shalt  }
0x76: {  	_ =	shalt  }
0x77: {  	_ =	shalt  }
0x78: {  	_ =	shalt  }
0x79: {  	_ =	shalt  }
0x7a: {  	_ =	shalt  }
0x7b: {  	_ =	shalt  }
0x7c: {  	_ =	shalt  }
0x7d: {  	_ =	shalt  }
0x7e: {  	_ =	shalt  }
0x7f: {  	_ =	shalt  }
0x80: {  	_ =	shalt  }
0x81: {  	_ =	shalt  }
0x82: {  	_ =	shalt  }
0x83: {  	_ =	shalt  }
0x84: {  	_ =	shalt  }
0x85: {  	_ =	shalt  }
0x86: {  	_ =	shalt  }
0x87: {  	_ =	shalt  }
.Lfunc_end0:
.L_simem_size_0:
called_computation.2_lowered:
.L_overlay_start_0:
0x88: {  	s2 =	sld [smem:$0x3FD9]  }
0x89: {  	s3 =	sld [smem:$0x3FFE];
	_ =	sdelay $0x1  }
0x8a: {  	s1 =	srdreg.scid  }
0x8b: {  	s0 =	sand.u32 $0x1, s1  }
0x8c: {  	s16 =	sshll.u32 s0, $0xA;
	s2 =	sadd.s32 s3, s2  }
0x8d: {  	s2 =	sadd.s32 s2, s16  }
0x8e: {  	[smem:$0x3FB8] =	sst s2  }
0x8f: {  	_ = 	snop  }
0x90: {  	(tm) =	ssettm $0x1  }
0x91: {  	s17 =	sld [smem:$0x3FFB];
	_ =	sdelay $0x3  }
0x92: {  	_ =	strace s17  }
0x93: {  	s2 =	sld [smem:$0x3FFC];
	_ =	sdelay $0x3  }
0x94: {  	_ =	strace s2  }
0x95: {  	s2 =	sld [smem:$0x3FFD];
	_ =	sdelay $0x3  }
0x96: {  	_ =	strace s2  }
0x97: {  	_ =	strace $0x8FFFFFFF  }
0x98: {  	s18 =	sld [smem:$0x3FDB];
	_ =	sdelay $0x1  }
0x99: {  	s19 =	simm.s32 $_scs_section_size  }
0x9a: {  	s4 =	simm.s32 $_size__tile_overlayer_lowered;
	s5 =	simm.s32 $_tile_overlayer_lowered  }
0x9b: {  	s22 =	simm.s32 $0x1BFF;
	s21 =	sshll.u32 s5, $0x1;
	s2 =	sadd.s32 s19, s18  }
0x9c: {  	s6 =	simm.s32 $0x0;
	s20 =	sshll.u32 s4, $0x1;
	s4 =	sadd.s32 s21, s2  }
0x9d: {  	[timem:s6], [sflag:s22] =	dma.local [hbm:s4], s20  }
0x9e: {  	_ =	swait.ge [sflag:s22], s20  }
0x9f: {  	s3 =	ssub.s32 $0x0, s20;
	[sflag:s22] =	ssyncset.done $0x0  }
0xa0: {  	[sflag:s22] =	ssyncadd.s32 s3;
	_ =	sdelay $0x1  }
0xa1: {  	s23 =	simm.s32 $0x1B8B  }
0xa2: {  	_ =	swait.ge [sflag:s23], $0x1  }
0xa3: {  	[sflag:s23] =	ssyncset.done $0x0  }
0xa4: {  	s25 =	simm.s32 $0x1B8E;
	s24 =	sld [smem:$0x3FFE];
	[sflag:s23] =	ssyncadd.s32 $0xFFFFFFFF  }
0xa5: {  	s26 =	simm.s32 $execute0_lowered;
	[smem:$0x3FD2] =	sst s25  }
0xa6: {  	s4 =	sshll.u32 s26, $0x1;
	_ =	strace $0x8000004C;
	[dreg:$0x1] =	wrdreg $0xFFFFFFFF  }
0xa7: {  	s28 =	simm.s32 $_size_execute0_lowered;
	s2 =	sadd.s32 s2, s4;
	[dreg:$0x0] =	wrdreg $0x0  }
0xa8: {  	s4 =	sshll.u32 s28, $0x1;
	[dreg:$0x2] =	wrdreg s2  }
0xa9: {  	[dreg:$0x3] =	wrdreg s4  }
0xaa: {  	[dreg:$0x4] =	wrdreg $0xC0  }
0xab: {  	_ =	task [dreg:s6], $0x5FFFF  }
0xac: {  	[dreg:$0x1] =	wrdreg $0xFFFFFFFF  }
0xad: {  	[dreg:$0x0] =	wrdreg $0x60  }
0xae: {  	[dreg:$0x2] =	wrdreg s24  }
0xaf: {  	[dreg:$0x3] =	wrdreg $0x90000  }
0xb0: {  	[dreg:$0x4] =	wrdreg $0x9  }
0xb1: {  	_ =	task.clear_ibuf [dreg:s6], $0x5FFFF;
	_ =	strace $0x9000004C  }
0xb2: {  	s29 =	simm.s32 $0x9;
	_ =	strace $0x8000004E  }
0xb3: {  	_ =	swait.ge [sflag:s29], $0x1  }
0xb4: {  	[sflag:s29] =	ssyncadd.s32 $0xFFFFFFFF  }
0xb5: {  	_ =	strace $0x9000004E  }
0xb6: {  	_ =	sfence  }
0xb7: {  	s30 =	sld [smem:$0x0];
	_ =	sdelay $0x2  }
0xb8: {  	s31 =	sshll.u32 s1, $0xD;
	s1 =	sshrl.u32 s1, $0x2  }
0xb9: {  	s3 =	sand.u32 $0x4000, s31;
	s1 =	sadd.s32 s1, s30  }
0xba: {  	s0 =	sor.u32 s3, s0;
	s1 =	sshll.u32 s1, $0x11  }
0xbb: {  	s0 =	sor.u32 s1, s0  }
0xbc: {  	s0 =	sadd.s32 $0x8F2B, s0  }
0xbd: {  	[sflag:s0] =	ssyncadd.remote.s32 $0x1  }
0xbe: {  	_ =	sfence.sel $0xFFFF  }
0xbf: {  	[dreg:$0x0] =	wrdreg $0xFFFFFFFF;
	(pc) =	sbr.abs _section_cstart, $3  }
0xc0: {  	[dreg:$0x1] =	wrdreg $0xFFFFFFFF  }
0xc1: {  	_ =	task.clear_ibuf [dreg:s6], $0x2FFFF;
	_ =	strace $0x9FFFFFFF  }
0xc2: {  	(tm) =	ssettm $0x7FFFFFFF  }
0xc3: {  	_ =	shalt  }
tec
execute0_lowered:
.L_overlay_start_1:
0x0: {  	(tag) =	ssettag $0x1  }
0x1: {  	s0 =	rddreg [dreg:$0x0]  }
0x2: {  	s2 =	rddreg [dreg:$0x1];
	s3 =	simm.s32 $0x0  }
0x3: {  	s12 =	stileid.u32;
	s1 =	srdreg.scid;
	s15 =	simm.s32 $0x7  }
0x4: {  	s17 =	simm.s32 $0x40;
	s18 =	simm.s32 $0x1000;
	s28 =	simm.s32 $0x4  }
0x5: {  	s29 =	simm.s32 $0x5;
	s30 =	simm.s32 $0x6;
	s31 =	simm.s32 $0x0  }
0x6: {  	[smem:$0x7FF] =	sst s3;
	s7 =	smul.u32 $0x14000, s12;
	s1 =	sand.u32 $0x1, s1  }
0x7: {  	s4 =	sadd.s32 $0xAF400, s0;
	s5 =	sadd.s32 $0x87400, s0;
	s6 =	sadd.s32 $0x9B400, s0  }
0x8: {  	s20 =	smul.u32 $0x50000, s12;
	s10 =	sshll.u32 s12, $0x1;
	s23 =	sshll.u32 s12, $0x6  }
0x9: {  	_ =	strace $0x8000004D;
	s8 =	smul.u32 $0x140000, s1;
	s11 =	ssub.s32 $0x2, s1  }
0xa: {  	s1 =	sor.u32 s1, s10;
	s9 =	sshrl.u32 s7, $0x3;
	s21 =	sshrl.u32 s11, $0x1  }
0xb: {  	s9 =	sadd.s32 s9, s0;
	s7 =	sadd.s32 s7, s8;
	s8 =	sshrl.u32 s20, $0x2  }
0xc: {  	s22 =	ssub.s32 s11, s21;
	s20 =	simm.s32 $0x3000;
	s7 =	sshrl.u32 s7, $0x3  }
0xd: {  	s14 =	sadd.s32 s8, s2;
	s24 =	sadd.s32 $0xF400, s9;
	s9 =	sor.u32 $0x1C07, s23  }
0xe: {  	s13 =	smax.u32 s22, $0x1;
	s0 =	sadd.s32 s7, s0;
	s7 =	smul.u32 $0x5000, s1  }
0xf: {  	s22 =	simm.s32 $0x5000;
	s23 =	simm.s32 $0x1;
	[dreg:$0x3] =	wrdreg s24  }
0x10: {  	s14 =	sshrl.u32 s14, $0x3;
	s24 =	simm.s32 $0x7000;
	s25 =	sshrl.u32 s7, $0x3  }
0x11: {  	s12 =	sadd.s32 $0xD6600, s0;
	s26 =	sadd.s32 s5, s25;
	s11 =	sadd.s32 s6, s25  }
0x12: {  	s25 =	simm.s32 $0x2;
	[dreg:$0x4] =	wrdreg s26;
	s26 =	simm.s32 $0x3  }
.LBB2_1:
0x13: {  	s0 =	rddreg [dreg:$0x3]  }
0x14: {  	[spmem:s14], [sflag:s9] =	dma.local [hbm:s0], $0x2800  }
0x15: {  	_ =	swait.ge [sflag:s15], $0x2800  }
0x16: {  	[sflag:s15] =	ssyncset.done $0x0  }
0x17: {  	[sflag:s15] =	ssyncadd.s32 $0xFFFFD800  }
0x18: {  	[bflag:$0x0] =	sbarrier.arrive $0xFFFF  }
0x19: {  	s16 =	rddreg [dreg:$0x4]  }
0x1a: {  	[tilespmem:s3], [sflag:$0x7] =	stream.linear.gather [hbm4b:s16+s3], $0x400, $0x38;
	[tilespmem:$0x1D000] =	vst v63  }
0x1b: {  	_ =	swait.ge [sflag:s15], $0x400  }
0x1c: {  	[sflag:s15] =	ssyncset.done $0x0  }
0x1d: {  	s19 =	simm.s32 $0x800;
	[sflag:s15] =	ssyncadd.s32 $0xFFFFFC00  }
0x1e: {  	[tilespmem:s19], [sflag:$0x7] =	stream.linear.gather [hbm4b:s11+s3], $0x400, $0x38;
	[tilespmem:$0x1D000] =	vst v63  }
0x1f: {  	_ =	swait.ge [sflag:s15], $0x400  }
0x20: {  	[sflag:s15] =	ssyncset.done $0x0  }
0x21: {  	s8 =	smin.u32 s23, $0x13;
	[sflag:s15] =	ssyncadd.s32 $0xFFFFFC00  }
0x22: {  	[tilespmem:s18], [sflag:$0x1] =	stream.indirect.gather [hbm4b:s4+s17], $0x80, s3, s17, $0xb8;
	[tilespmem:$0x1D000] =	vst v63  }
0x23: {  	s21 =	simm.s32 $0x80;
	s0 =	sshll.u32 s8, $0xA  }
0x24: {  	[tilespmem:s20], [sflag:$0x2] =	stream.indirect.gather [hbm4b:s4+s17], $0x80, s21, s17, $0xb8;
	[tilespmem:$0x1D000] =	vst v63  }
0x25: {  	s1 =	simm.s32 $0x100;
	s0 =	sadd.s32 s7, s0  }
0x26: {  	[tilespmem:s22], [sflag:$0x3] =	stream.indirect.gather [hbm4b:s4+s17], $0x80, s1, s17, $0xb8;
	[tilespmem:$0x1D000] =	vst v63  }
0x27: {  	s0 =	sshrl.u32 s0, $0x3;
	s1 =	simm.s32 $0x400  }
0x28: {  	s16 =	sadd.s32 s5, s0;
	s1 =	sand.u32 $0x400, s1  }
0x29: {  	[tilespmem:s1], [sflag:$0x5] =	stream.linear.gather [hbm4b:s16+s3], $0x400, $0x38;
	[tilespmem:$0x1D000] =	vst v63  }
0x2a: {  	s0 =	sadd.s32 s6, s0;
	s19 =	simm.s32 $0x0;
	s10 =	sor.u32 $0x800, s1  }
0x2b: {  	[tilespmem:s10], [sflag:$0x6] =	stream.linear.gather [hbm4b:s0+s3], $0x400, $0x38;
	[tilespmem:$0x1D000] =	vst v63  }
0x2c: {  	s0 =	sand.u32 $0x1, s19;
	_ =	swait.ge [sflag:s23], $0x2000  }
0x2d: {  	s16 =	sshll.u32 s0, $0xA;
	[sflag:s23] =	ssyncset.done $0x0  }
0x2e: {  	s0 =	sor.u32 $0x180, s16;
	[sflag:s23] =	ssyncadd.s32 $0xFFFFE000  }
0x2f: {  	[tilespmem:s24], [sflag:$0x4] =	stream.indirect.gather [hbm4b:s4+s17], $0x80, s0, s17, $0xb8;
	[tilespmem:$0x1D000] =	vst v63  }
0x30: {  	s21 =	sor.u32 $0x800, s16  }
0x31: {  	[spmem:s2] =	stream.indirect.scatter.add.f32 [tilespmem:s18], [sflag:$0x7], $0x80, s21, s17, $0xb8;
	[tilespmem:$0x1D000] =	vst v63  }
0x32: {  	_ =	swait.ge [sflag:s15], $0x2000  }
0x33: {  	[sflag:s15] =	ssyncset.done $0x0  }
0x34: {  	[sflag:s15] =	ssyncadd.s32 $0xFFFFE000  }
0x35: {  	_ =	swait.ge [sflag:s25], $0x2000  }
0x36: {  	[sflag:s25] =	ssyncset.done $0x0  }
0x37: {  	s8 =	sor.u32 $0x200, s16;
	[sflag:s25] =	ssyncadd.s32 $0xFFFFE000  }
0x38: {  	[tilespmem:s18], [sflag:$0x1] =	stream.indirect.gather [hbm4b:s4+s17], $0x80, s8, s17, $0xb8;
	[tilespmem:$0x1D000] =	vst v63  }
0x39: {  	s10 =	sor.u32 $0x880, s16  }
0x3a: {  	[spmem:s2] =	stream.indirect.scatter.add.f32 [tilespmem:s20], [sflag:$0x7], $0x80, s10, s17, $0xb8;
	[tilespmem:$0x1D000] =	vst v63  }
0x3b: {  	_ =	swait.ge [sflag:s15], $0x2000  }
0x3c: {  	[sflag:s15] =	ssyncset.done $0x0  }
0x3d: {  	[sflag:s15] =	ssyncadd.s32 $0xFFFFE000  }
0x3e: {  	_ =	swait.ge [sflag:s26], $0x2000  }
0x3f: {  	[sflag:s26] =	ssyncset.done $0x0  }
0x40: {  	s19 =	sor.u32 $0x280, s16;
	[sflag:s26] =	ssyncadd.s32 $0xFFFFE000  }
0x41: {  	[tilespmem:s20], [sflag:$0x2] =	stream.indirect.gather [hbm4b:s4+s17], $0x80, s19, s17, $0xb8;
	[tilespmem:$0x1D000] =	vst v63  }
0x42: {  	s21 =	sor.u32 $0x900, s16  }
0x43: {  	[spmem:s2] =	stream.indirect.scatter.add.f32 [tilespmem:s22], [sflag:$0x7], $0x80, s21, s17, $0xb8;
	[tilespmem:$0x1D000] =	vst v63  }
0x44: {  	_ =	swait.ge [sflag:s15], $0x2000  }
0x45: {  	[sflag:s15] =	ssyncset.done $0x0  }
0x46: {  	[sflag:s15] =	ssyncadd.s32 $0xFFFFE000  }
0x47: {  	_ =	swait.ge [sflag:s28], $0x2000  }
0x48: {  	[sflag:s28] =	ssyncset.done $0x0  }
0x49: {  	s8 =	sor.u32 $0x300, s16;
	[sflag:s28] =	ssyncadd.s32 $0xFFFFE000  }
0x4a: {  	[tilespmem:s22], [sflag:$0x3] =	stream.indirect.gather [hbm4b:s4+s17], $0x80, s8, s17, $0xb8;
	[tilespmem:$0x1D000] =	vst v63  }
0x4b: {  	s10 =	sor.u32 $0x980, s16  }
0x4c: {  	[spmem:s2] =	stream.indirect.scatter.add.f32 [tilespmem:s24], [sflag:$0x7], $0x80, s10, s17, $0xb8;
	[tilespmem:$0x1D000] =	vst v63  }
0x4d: {  	_ =	swait.ge [sflag:s15], $0x2000  }
0x4e: {  	[sflag:s15] =	ssyncset.done $0x0  }
0x4f: {  	[sflag:s15] =	ssyncadd.s32 $0xFFFFE000  }
0x50: {  	_ =	swait.ge [sflag:s23], $0x2000  }
0x51: {  	[sflag:s23] =	ssyncset.done $0x0  }
0x52: {  	s19 =	sor.u32 $0x380, s16;
	[sflag:s23] =	ssyncadd.s32 $0xFFFFE000  }
0x53: {  	[tilespmem:s24], [sflag:$0x4] =	stream.indirect.gather [hbm4b:s4+s17], $0x80, s19, s17, $0xb8;
	[tilespmem:$0x1D000] =	vst v63  }
0x54: {  	s21 =	sor.u32 $0xA00, s16  }
0x55: {  	[spmem:s2] =	stream.indirect.scatter.add.f32 [tilespmem:s18], [sflag:$0x7], $0x80, s21, s17, $0xb8;
	[tilespmem:$0x1D000] =	vst v63  }
0x56: {  	_ =	swait.ge [sflag:s15], $0x2000  }
0x57: {  	[sflag:s15] =	ssyncset.done $0x0  }
0x58: {  	[sflag:s15] =	ssyncadd.s32 $0xFFFFE000  }
0x59: {  	_ =	swait.ge [sflag:s25], $0x2000  }
0x5a: {  	[sflag:s25] =	ssyncset.done $0x0  }
0x5b: {  	[sflag:s25] =	ssyncadd.s32 $0xFFFFE000  }
0x5c: {  	_ =	swait.ge [sflag:s29], $0x400  }
0x5d: {  	[sflag:s29] =	ssyncset.done $0x0  }
0x5e: {  	[sflag:s29] =	ssyncadd.s32 $0xFFFFFC00  }
0x5f: {  	_ =	swait.ge [sflag:s30], $0x400  }
0x60: {  	[sflag:s30] =	ssyncset.done $0x0  }
0x61: {  	[sflag:s30] =	ssyncadd.s32 $0xFFFFFC00  }
0x62: {  	[tilespmem:s18], [sflag:$0x1] =	stream.indirect.gather [hbm4b:s4+s17], $0x80, s1, s17, $0xb8;
	[tilespmem:$0x1D000] =	vst v63  }
0x63: {  	s8 =	sor.u32 $0xA80, s16  }
0x64: {  	[spmem:s2] =	stream.indirect.scatter.add.f32 [tilespmem:s20], [sflag:$0x7], $0x80, s8, s17, $0xb8;
	[tilespmem:$0x1D000] =	vst v63  }
0x65: {  	_ =	swait.ge [sflag:s15], $0x2000  }
0x66: {  	[sflag:s15] =	ssyncset.done $0x0  }
0x67: {  	[sflag:s15] =	ssyncadd.s32 $0xFFFFE000  }
0x68: {  	_ =	swait.ge [sflag:s26], $0x2000  }
0x69: {  	[sflag:s26] =	ssyncset.done $0x0  }
0x6a: {  	s10 =	sor.u32 $0x80, s1;
	[sflag:s26] =	ssyncadd.s32 $0xFFFFE000  }
0x6b: {  	[tilespmem:s20], [sflag:$0x2] =	stream.indirect.gather [hbm4b:s4+s17], $0x80, s10, s17, $0xb8;
	[tilespmem:$0x1D000] =	vst v63  }
0x6c: {  	s19 =	sor.u32 $0xB00, s16  }
0x6d: {  	[spmem:s2] =	stream.indirect.scatter.add.f32 [tilespmem:s22], [sflag:$0x7], $0x80, s19, s17, $0xb8;
	[tilespmem:$0x1D000] =	vst v63  }
0x6e: {  	_ =	swait.ge [sflag:s15], $0x2000  }
0x6f: {  	[sflag:s15] =	ssyncset.done $0x0  }
0x70: {  	[sflag:s15] =	ssyncadd.s32 $0xFFFFE000  }
0x71: {  	_ =	swait.ge [sflag:s28], $0x2000  }
0x72: {  	[sflag:s28] =	ssyncset.done $0x0  }
0x73: {  	s0 =	simm.s32 $0x2;
	s1 =	sor.u32 $0x100, s1;
	[sflag:s28] =	ssyncadd.s32 $0xFFFFE000  }
0x74: {  	[tilespmem:s22], [sflag:$0x3] =	stream.indirect.gather [hbm4b:s4+s17], $0x80, s1, s17, $0xb8;
	[tilespmem:$0x1D000] =	vst v63  }
0x75: {  	s16 =	sor.u32 $0xB80, s16;
	s21 =	smin.u32 s0, $0x13  }
0x76: {  	[spmem:s2] =	stream.indirect.scatter.add.f32 [tilespmem:s24], [sflag:$0x7], $0x80, s16, s17, $0xb8;
	[tilespmem:$0x1D000] =	vst v63  }
0x77: {  	s1 =	sshll.u32 s21, $0xA;
	_ =	swait.ge [sflag:s15], $0x2000  }
0x78: {  	s19 =	simm.s32 $0x3;
	s16 =	sadd.s32 s7, s1;
	[sflag:s15] =	ssyncset.done $0x0  }
.LBB2_2:
0x79: {  	s21 =	sshll.u32 s0, $0xA  }
0x7a: {  	s8 =	sshrl.u32 s16, $0x3;
	[sflag:s15] =	ssyncadd.s32 $0xFFFFE000;
	s10 =	smov.u32 s19  }
0x7b: {  	s1 =	sadd.s32 $0x1, s19;
	s16 =	sand.u32 $0x400, s21;
	s21 =	sadd.s32 s5, s8  }
0x7c: {  	[tilespmem:s16], [sflag:$0x5] =	stream.linear.gather [hbm4b:s21+s3], $0x400, $0x38;
	[tilespmem:$0x1D000] =	vst v63  }
0x7d: {  	s0 =	sadd.s32 $0xFFFFFFFF, s0;
	s8 =	sadd.s32 s6, s8;
	s21 =	sor.u32 $0x800, s16  }
0x7e: {  	[tilespmem:s21], [sflag:$0x6] =	stream.linear.gather [hbm4b:s8+s3], $0x400, $0x38;
	[tilespmem:$0x1D000] =	vst v63  }
0x7f: {  	p0 =	sne.s32 s19, $0x14;
	s0 =	sand.u32 $0x1, s0;
	_ =	swait.ge [sflag:s23], $0x2000  }
0x80: {  	s19 =	sshll.u32 s0, $0xA;
	s0 =	smov.u32 s10;
	[sflag:s23] =	ssyncset.done $0x0  }
0x81: {  	s8 =	sor.u32 $0x180, s19;
	[sflag:s23] =	ssyncadd.s32 $0xFFFFE000  }
0x82: {  	[tilespmem:s24], [sflag:$0x4] =	stream.indirect.gather [hbm4b:s4+s17], $0x80, s8, s17, $0xb8;
	[tilespmem:$0x1D000] =	vst v63  }
0x83: {  	s8 =	sor.u32 $0x800, s19  }
0x84: {  	[spmem:s2] =	stream.indirect.scatter.add.f32 [tilespmem:s18], [sflag:$0x7], $0x80, s8, s17, $0xb8;
	[tilespmem:$0x1D000] =	vst v63  }
0x85: {  	_ =	swait.ge [sflag:s15], $0x2000  }
0x86: {  	[sflag:s15] =	ssyncset.done $0x0  }
0x87: {  	[sflag:s15] =	ssyncadd.s32 $0xFFFFE000  }
0x88: {  	_ =	swait.ge [sflag:s25], $0x2000  }
0x89: {  	[sflag:s25] =	ssyncset.done $0x0  }
0x8a: {  	s8 =	sor.u32 $0x200, s19;
	[sflag:s25] =	ssyncadd.s32 $0xFFFFE000  }
0x8b: {  	[tilespmem:s18], [sflag:$0x1] =	stream.indirect.gather [hbm4b:s4+s17], $0x80, s8, s17, $0xb8;
	[tilespmem:$0x1D000] =	vst v63  }
0x8c: {  	s8 =	sor.u32 $0x880, s19  }
0x8d: {  	[spmem:s2] =	stream.indirect.scatter.add.f32 [tilespmem:s20], [sflag:$0x7], $0x80, s8, s17, $0xb8;
	[tilespmem:$0x1D000] =	vst v63  }
0x8e: {  	_ =	swait.ge [sflag:s15], $0x2000  }
0x8f: {  	[sflag:s15] =	ssyncset.done $0x0  }
0x90: {  	[sflag:s15] =	ssyncadd.s32 $0xFFFFE000  }
0x91: {  	_ =	swait.ge [sflag:s26], $0x2000  }
0x92: {  	[sflag:s26] =	ssyncset.done $0x0  }
0x93: {  	s8 =	sor.u32 $0x280, s19;
	[sflag:s26] =	ssyncadd.s32 $0xFFFFE000  }
0x94: {  	[tilespmem:s20], [sflag:$0x2] =	stream.indirect.gather [hbm4b:s4+s17], $0x80, s8, s17, $0xb8;
	[tilespmem:$0x1D000] =	vst v63  }
0x95: {  	s8 =	sor.u32 $0x900, s19  }
0x96: {  	[spmem:s2] =	stream.indirect.scatter.add.f32 [tilespmem:s22], [sflag:$0x7], $0x80, s8, s17, $0xb8;
	[tilespmem:$0x1D000] =	vst v63  }
0x97: {  	_ =	swait.ge [sflag:s15], $0x2000  }
0x98: {  	[sflag:s15] =	ssyncset.done $0x0  }
0x99: {  	[sflag:s15] =	ssyncadd.s32 $0xFFFFE000  }
0x9a: {  	_ =	swait.ge [sflag:s28], $0x2000  }
0x9b: {  	[sflag:s28] =	ssyncset.done $0x0  }
0x9c: {  	s8 =	sor.u32 $0x300, s19;
	[sflag:s28] =	ssyncadd.s32 $0xFFFFE000  }
0x9d: {  	[tilespmem:s22], [sflag:$0x3] =	stream.indirect.gather [hbm4b:s4+s17], $0x80, s8, s17, $0xb8;
	[tilespmem:$0x1D000] =	vst v63  }
0x9e: {  	s8 =	sor.u32 $0x980, s19  }
0x9f: {  	[spmem:s2] =	stream.indirect.scatter.add.f32 [tilespmem:s24], [sflag:$0x7], $0x80, s8, s17, $0xb8;
	[tilespmem:$0x1D000] =	vst v63  }
0xa0: {  	_ =	swait.ge [sflag:s15], $0x2000  }
0xa1: {  	[sflag:s15] =	ssyncset.done $0x0  }
0xa2: {  	[sflag:s15] =	ssyncadd.s32 $0xFFFFE000  }
0xa3: {  	_ =	swait.ge [sflag:s23], $0x2000  }
0xa4: {  	[sflag:s23] =	ssyncset.done $0x0  }
0xa5: {  	s8 =	sor.u32 $0x380, s19;
	[sflag:s23] =	ssyncadd.s32 $0xFFFFE000  }
0xa6: {  	[tilespmem:s24], [sflag:$0x4] =	stream.indirect.gather [hbm4b:s4+s17], $0x80, s8, s17, $0xb8;
	[tilespmem:$0x1D000] =	vst v63  }
0xa7: {  	s8 =	sor.u32 $0xA00, s19  }
0xa8: {  	[spmem:s2] =	stream.indirect.scatter.add.f32 [tilespmem:s18], [sflag:$0x7], $0x80, s8, s17, $0xb8;
	[tilespmem:$0x1D000] =	vst v63  }
0xa9: {  	_ =	swait.ge [sflag:s15], $0x2000  }
0xaa: {  	[sflag:s15] =	ssyncset.done $0x0  }
0xab: {  	[sflag:s15] =	ssyncadd.s32 $0xFFFFE000  }
0xac: {  	_ =	swait.ge [sflag:s25], $0x2000  }
0xad: {  	[sflag:s25] =	ssyncset.done $0x0  }
0xae: {  	[sflag:s25] =	ssyncadd.s32 $0xFFFFE000  }
0xaf: {  	_ =	swait.ge [sflag:s29], $0x400  }
0xb0: {  	[sflag:s29] =	ssyncset.done $0x0  }
0xb1: {  	[sflag:s29] =	ssyncadd.s32 $0xFFFFFC00  }
0xb2: {  	_ =	swait.ge [sflag:s30], $0x400  }
0xb3: {  	[sflag:s30] =	ssyncset.done $0x0  }
0xb4: {  	[sflag:s30] =	ssyncadd.s32 $0xFFFFFC00  }
0xb5: {  	[tilespmem:s18], [sflag:$0x1] =	stream.indirect.gather [hbm4b:s4+s17], $0x80, s16, s17, $0xb8;
	[tilespmem:$0x1D000] =	vst v63  }
0xb6: {  	s8 =	sor.u32 $0xA80, s19  }
0xb7: {  	[spmem:s2] =	stream.indirect.scatter.add.f32 [tilespmem:s20], [sflag:$0x7], $0x80, s8, s17, $0xb8;
	[tilespmem:$0x1D000] =	vst v63  }
0xb8: {  	_ =	swait.ge [sflag:s15], $0x2000  }
0xb9: {  	[sflag:s15] =	ssyncset.done $0x0  }
0xba: {  	[sflag:s15] =	ssyncadd.s32 $0xFFFFE000  }
0xbb: {  	_ =	swait.ge [sflag:s26], $0x2000  }
0xbc: {  	[sflag:s26] =	ssyncset.done $0x0  }
0xbd: {  	s8 =	sor.u32 $0x80, s16;
	[sflag:s26] =	ssyncadd.s32 $0xFFFFE000  }
0xbe: {  	[tilespmem:s20], [sflag:$0x2] =	stream.indirect.gather [hbm4b:s4+s17], $0x80, s8, s17, $0xb8;
	[tilespmem:$0x1D000] =	vst v63  }
0xbf: {  	s8 =	sor.u32 $0xB00, s19  }
0xc0: {  	[spmem:s2] =	stream.indirect.scatter.add.f32 [tilespmem:s22], [sflag:$0x7], $0x80, s8, s17, $0xb8;
	[tilespmem:$0x1D000] =	vst v63  }
0xc1: {  	_ =	swait.ge [sflag:s15], $0x2000  }
0xc2: {  	[sflag:s15] =	ssyncset.done $0x0  }
0xc3: {  	[sflag:s15] =	ssyncadd.s32 $0xFFFFE000  }
0xc4: {  	_ =	swait.ge [sflag:s28], $0x2000  }
0xc5: {  	[sflag:s28] =	ssyncset.done $0x0  }
0xc6: {  	s8 =	sor.u32 $0x100, s16;
	[sflag:s28] =	ssyncadd.s32 $0xFFFFE000  }
0xc7: {  	[tilespmem:s22], [sflag:$0x3] =	stream.indirect.gather [hbm4b:s4+s17], $0x80, s8, s17, $0xb8;
	[tilespmem:$0x1D000] =	vst v63  }
.Ltmp0:
0xc8: {  	_ = 	snop;
	(pc) =	sbr.rel @p0 .LBB2_2-.Ltmp0, $4  }
0xc9: {  	s10 =	sor.u32 $0xB80, s19;
	s8 =	smin.u32 s0, $0x13  }
0xca: {  	[spmem:s2] =	stream.indirect.scatter.add.f32 [tilespmem:s24], [sflag:$0x7], $0x80, s10, s17, $0xb8;
	[tilespmem:$0x1D000] =	vst v63  }
0xcb: {  	s8 =	sshll.u32 s8, $0xA;
	_ =	swait.ge [sflag:s15], $0x2000  }
0xcc: {  	s19 =	smov.u32 s1;
	s16 =	sadd.s32 s7, s8;
	[sflag:s15] =	ssyncset.done $0x0  }
0xcd: {  	s1 =	sshll.u32 s0, $0xA;
	s8 =	sshrl.u32 s16, $0x3  }
0xce: {  	[sflag:s15] =	ssyncadd.s32 $0xFFFFE000;
	s1 =	sand.u32 $0x400, s1;
	s10 =	sadd.s32 s5, s8  }
0xcf: {  	[tilespmem:s1], [sflag:$0x5] =	stream.linear.gather [hbm4b:s10+s3], $0x400, $0x38;
	[tilespmem:$0x1D000] =	vst v63  }
0xd0: {  	s16 =	sadd.s32 $0xFFFFFFFF, s0;
	s8 =	sadd.s32 s6, s8;
	s19 =	sor.u32 $0x800, s1  }
0xd1: {  	[tilespmem:s19], [sflag:$0x6] =	stream.linear.gather [hbm4b:s8+s3], $0x400, $0x38;
	[tilespmem:$0x1D000] =	vst v63  }
0xd2: {  	s0 =	sand.u32 $0x1, s16;
	_ =	swait.ge [sflag:s23], $0x2000  }
0xd3: {  	s0 =	sshll.u32 s0, $0xA;
	[sflag:s23] =	ssyncset.done $0x0  }
0xd4: {  	s21 =	sor.u32 $0x180, s0;
	[sflag:s23] =	ssyncadd.s32 $0xFFFFE000  }
0xd5: {  	[tilespmem:s24], [sflag:$0x4] =	stream.indirect.gather [hbm4b:s4+s17], $0x80, s21, s17, $0xb8;
	[tilespmem:$0x1D000] =	vst v63  }
0xd6: {  	s10 =	sor.u32 $0x800, s0  }
0xd7: {  	[spmem:s2] =	stream.indirect.scatter.add.f32 [tilespmem:s18], [sflag:$0x7], $0x80, s10, s17, $0xb8;
	[tilespmem:$0x1D000] =	vst v63  }
0xd8: {  	_ =	swait.ge [sflag:s15], $0x2000  }
0xd9: {  	[sflag:s15] =	ssyncset.done $0x0  }
0xda: {  	[sflag:s15] =	ssyncadd.s32 $0xFFFFE000  }
0xdb: {  	_ =	swait.ge [sflag:s25], $0x2000  }
0xdc: {  	[sflag:s25] =	ssyncset.done $0x0  }
0xdd: {  	s16 =	sor.u32 $0x200, s0;
	[sflag:s25] =	ssyncadd.s32 $0xFFFFE000  }
0xde: {  	[tilespmem:s18], [sflag:$0x1] =	stream.indirect.gather [hbm4b:s4+s17], $0x80, s16, s17, $0xb8;
	[tilespmem:$0x1D000] =	vst v63  }
0xdf: {  	s19 =	sor.u32 $0x880, s0  }
0xe0: {  	[spmem:s2] =	stream.indirect.scatter.add.f32 [tilespmem:s20], [sflag:$0x7], $0x80, s19, s17, $0xb8;
	[tilespmem:$0x1D000] =	vst v63  }
0xe1: {  	_ =	swait.ge [sflag:s15], $0x2000  }
0xe2: {  	[sflag:s15] =	ssyncset.done $0x0  }
0xe3: {  	[sflag:s15] =	ssyncadd.s32 $0xFFFFE000  }
0xe4: {  	_ =	swait.ge [sflag:s26], $0x2000  }
0xe5: {  	[sflag:s26] =	ssyncset.done $0x0  }
0xe6: {  	s21 =	sor.u32 $0x280, s0;
	[sflag:s26] =	ssyncadd.s32 $0xFFFFE000  }
0xe7: {  	[tilespmem:s20], [sflag:$0x2] =	stream.indirect.gather [hbm4b:s4+s17], $0x80, s21, s17, $0xb8;
	[tilespmem:$0x1D000] =	vst v63  }
0xe8: {  	s10 =	sor.u32 $0x900, s0  }
0xe9: {  	[spmem:s2] =	stream.indirect.scatter.add.f32 [tilespmem:s22], [sflag:$0x7], $0x80, s10, s17, $0xb8;
	[tilespmem:$0x1D000] =	vst v63  }
0xea: {  	_ =	swait.ge [sflag:s15], $0x2000  }
0xeb: {  	[sflag:s15] =	ssyncset.done $0x0  }
0xec: {  	[sflag:s15] =	ssyncadd.s32 $0xFFFFE000  }
0xed: {  	_ =	swait.ge [sflag:s28], $0x2000  }
0xee: {  	[sflag:s28] =	ssyncset.done $0x0  }
0xef: {  	s16 =	sor.u32 $0x300, s0;
	[sflag:s28] =	ssyncadd.s32 $0xFFFFE000  }
0xf0: {  	[tilespmem:s22], [sflag:$0x3] =	stream.indirect.gather [hbm4b:s4+s17], $0x80, s16, s17, $0xb8;
	[tilespmem:$0x1D000] =	vst v63  }
0xf1: {  	s19 =	sor.u32 $0x980, s0  }
0xf2: {  	[spmem:s2] =	stream.indirect.scatter.add.f32 [tilespmem:s24], [sflag:$0x7], $0x80, s19, s17, $0xb8;
	[tilespmem:$0x1D000] =	vst v63  }
0xf3: {  	_ =	swait.ge [sflag:s15], $0x2000  }
0xf4: {  	[sflag:s15] =	ssyncset.done $0x0  }
0xf5: {  	[sflag:s15] =	ssyncadd.s32 $0xFFFFE000  }
0xf6: {  	_ =	swait.ge [sflag:s23], $0x2000  }
0xf7: {  	[sflag:s23] =	ssyncset.done $0x0  }
0xf8: {  	s21 =	sor.u32 $0x380, s0;
	[sflag:s23] =	ssyncadd.s32 $0xFFFFE000  }
0xf9: {  	[tilespmem:s24], [sflag:$0x4] =	stream.indirect.gather [hbm4b:s4+s17], $0x80, s21, s17, $0xb8;
	[tilespmem:$0x1D000] =	vst v63  }
0xfa: {  	s10 =	sor.u32 $0xA00, s0  }
0xfb: {  	[spmem:s2] =	stream.indirect.scatter.add.f32 [tilespmem:s18], [sflag:$0x7], $0x80, s10, s17, $0xb8;
	[tilespmem:$0x1D000] =	vst v63  }
0xfc: {  	_ =	swait.ge [sflag:s15], $0x2000  }
0xfd: {  	[sflag:s15] =	ssyncset.done $0x0  }
0xfe: {  	[sflag:s15] =	ssyncadd.s32 $0xFFFFE000  }
0xff: {  	_ =	swait.ge [sflag:s25], $0x2000  }
0x100: {  	[sflag:s25] =	ssyncset.done $0x0  }
0x101: {  	[sflag:s25] =	ssyncadd.s32 $0xFFFFE000  }
0x102: {  	_ =	swait.ge [sflag:s29], $0x400  }
0x103: {  	[sflag:s29] =	ssyncset.done $0x0  }
0x104: {  	[sflag:s29] =	ssyncadd.s32 $0xFFFFFC00  }
0x105: {  	_ =	swait.ge [sflag:s30], $0x400  }
0x106: {  	[sflag:s30] =	ssyncset.done $0x0  }
0x107: {  	[sflag:s30] =	ssyncadd.s32 $0xFFFFFC00  }
0x108: {  	[tilespmem:s18], [sflag:$0x1] =	stream.indirect.gather [hbm4b:s4+s17], $0x80, s1, s17, $0xb8;
	[tilespmem:$0x1D000] =	vst v63  }
0x109: {  	s16 =	sor.u32 $0xA80, s0  }
0x10a: {  	[spmem:s2] =	stream.indirect.scatter.add.f32 [tilespmem:s20], [sflag:$0x7], $0x80, s16, s17, $0xb8;
	[tilespmem:$0x1D000] =	vst v63  }
0x10b: {  	_ =	swait.ge [sflag:s15], $0x2000  }
0x10c: {  	[sflag:s15] =	ssyncset.done $0x0  }
0x10d: {  	[sflag:s15] =	ssyncadd.s32 $0xFFFFE000  }
0x10e: {  	_ =	swait.ge [sflag:s26], $0x2000  }
0x10f: {  	[sflag:s26] =	ssyncset.done $0x0  }
0x110: {  	s19 =	sor.u32 $0x80, s1;
	[sflag:s26] =	ssyncadd.s32 $0xFFFFE000  }
0x111: {  	[tilespmem:s20], [sflag:$0x2] =	stream.indirect.gather [hbm4b:s4+s17], $0x80, s19, s17, $0xb8;
	[tilespmem:$0x1D000] =	vst v63  }
0x112: {  	s21 =	sor.u32 $0xB00, s0  }
0x113: {  	[spmem:s2] =	stream.indirect.scatter.add.f32 [tilespmem:s22], [sflag:$0x7], $0x80, s21, s17, $0xb8;
	[tilespmem:$0x1D000] =	vst v63  }
0x114: {  	_ =	swait.ge [sflag:s15], $0x2000  }
0x115: {  	[sflag:s15] =	ssyncset.done $0x0  }
0x116: {  	[sflag:s15] =	ssyncadd.s32 $0xFFFFE000  }
0x117: {  	_ =	swait.ge [sflag:s28], $0x2000  }
0x118: {  	[sflag:s28] =	ssyncset.done $0x0  }
0x119: {  	s1 =	sor.u32 $0x100, s1;
	[sflag:s28] =	ssyncadd.s32 $0xFFFFE000  }
0x11a: {  	[tilespmem:s22], [sflag:$0x3] =	stream.indirect.gather [hbm4b:s4+s17], $0x80, s1, s17, $0xb8;
	[tilespmem:$0x1D000] =	vst v63  }
0x11b: {  	s0 =	sor.u32 $0xB80, s0  }
0x11c: {  	[spmem:s2] =	stream.indirect.scatter.add.f32 [tilespmem:s24], [sflag:$0x7], $0x80, s0, s17, $0xb8;
	[tilespmem:$0x1D000] =	vst v63  }
0x11d: {  	_ =	swait.ge [sflag:s15], $0x2000  }
0x11e: {  	[sflag:s15] =	ssyncset.done $0x0  }
0x11f: {  	[sflag:s15] =	ssyncadd.s32 $0xFFFFE000  }
0x120: {  	_ =	swait.ge [sflag:s23], $0x2000  }
0x121: {  	[sflag:s23] =	ssyncset.done $0x0  }
0x122: {  	[sflag:s23] =	ssyncadd.s32 $0xFFFFE000  }
0x123: {  	_ =	swait.ge [sflag:s25], $0x2000  }
0x124: {  	[sflag:s25] =	ssyncset.done $0x0  }
0x125: {  	[sflag:s25] =	ssyncadd.s32 $0xFFFFE000  }
0x126: {  	_ =	swait.ge [sflag:s26], $0x2000  }
0x127: {  	s31 =	sadd.s32 $0x1, s31;
	[sflag:s26] =	ssyncset.done $0x0  }
0x128: {  	p0 =	sne.s32 s31, s13;
	[sflag:s26] =	ssyncadd.s32 $0xFFFFE000  }
.Ltmp1:
0x129: {  	[bflag:$0x0] =	sbarrier.arrive $0xFFFF;
	(pc) =	sbr.rel @p0 .LBB2_1-.Ltmp1, $4  }
0x12a: {  	[hbm:s12], [sflag:s9] =	dma.local [spmem:s14], $0x2800  }
0x12b: {  	_ =	swait.ge [sflag:s15], $0x2800  }
0x12c: {  	[sflag:s15] =	ssyncset.done $0x0  }
0x12d: {  	[sflag:s15] =	ssyncadd.s32 $0xFFFFD800  }
0x12e: {  	_ =	sfence.sel $0x180000  }
0x12f: {  	[bflag:$0x0] =	sbarrier.arrive $0xFFFF  }
0x130: {  	_ =	strace $0x9000004D  }
0x131: {  	s0 =	stileid.u32;
	[bflag:$0x2] =	sbarrier.arrive $0xFFFF  }
0x132: {  	p0 =	sne.s32 s0, $0x0;
	s0 =	rddreg [dreg:$0x2]  }
0x133: {  	s0 =	sadd.s32 @!p0 $0x100000, s0  }
0x134: {  	[sflag:s0] =	ssyncadd.tile.s32 @!p0 $0x1;
	_ =	shalt  }
.Lfunc_end2:
_tile_overlayer_lowered:
.L_overlay_start_2:
0x135: {  	(tag) =	ssettag $0x2  }
0x136: {  	s0 =	rddreg [dreg:$0x0];
	s2 =	stileid.u32  }
0x137: {  	s1 =	rddreg [dreg:$0x1];
	p0 =	sne.s32 s2, $0x0  }
0x138: {  	s3 =	rddreg [dreg:$0x2];
	[bflag:$0x3] =	sbarrier.arrive $0xFFFF;
	s2 =	simm.s32 @!p0 $0x1C07  }
0x139: {  	[timem:s3], [sflag:s2] =	dma.local @!p0 [hbm:s0], s1  }
0x13a: {  	s0 =	simm.s32 @!p0 $0x7  }
0x13b: {  	_ =	swait.ge @!p0 [sflag:s0], s1  }
0x13c: {  	s1 =	ssub.s32 @!p0 $0x0, s1;
	[sflag:s0] =	ssyncset.done @!p0 $0x0  }
0x13d: {  	[sflag:s0] =	ssyncadd.s32 @!p0 s1  }
0x13e: {  	[bflag:$0x3] =	sbarrier.arrive $0xFFFF  }
0x13f: {  	_ =	shalt  }

// kernel: sc_count.3.cloned.1.call-start
scs
__scs_entry_jumppad:
0x0: {  	(pc) =	sbr.rel $0x88, $3  }
0x1: {  	(tag) =	ssettag $0x0;
	lr =	simm.s32 $0x1  }
0x2: {  	[smem:$0x3F91] =	sst lr;
	_ =	strace $0xD0000000  }
0x3: {  	_ = 	snop  }
0x4: {  	_ = 	snop  }
0x5: {  	_ = 	snop  }
0x6: {  	_ = 	snop  }
0x7: {  	_ = 	snop  }
__scs_overlays_trampoline_lowered:
0x8: {  	[smem:$0x3FA0] =	sst s0  }
0x9: {  	[smem:$0x3FA1] =	sst s1  }
0xa: {  	[smem:$0x3FA2] =	sst s2  }
0xb: {  	[smem:$0x3FA3] =	sst s3  }
0xc: {  	[smem:$0x3FA4] =	sst s4  }
0xd: {  	[smem:$0x3FA5] =	sst s5  }
0xe: {  	[smem:$0x3FA6] =	sst s6  }
0xf: {  	[smem:$0x3FA7] =	sst s7  }
0x10: {  	[smem:$0x3FA8] =	sst s8  }
0x11: {  	[smem:$0x3FA9] =	sst s9;
	s0 =	simm.s32 @!p0 $0x0  }
0x12: {  	s1 =	sld [smem:$0x3F8F];
	s0 =	simm.s32 @p0 $0x1  }
0x13: {  	[smem:$0x3FAA] =	sst s0;
	s0 =	simm.s32 @!p1 $0x0  }
0x14: {  	s2 =	sld [smem:$0x3F8E];
	s0 =	simm.s32 @p1 $0x1  }
0x15: {  	[smem:$0x3FAB] =	sst s0;
	s0 =	simm.s32 @!p2 $0x0  }
0x16: {  	s3 =	sld [smem:$0x3FDB];
	s0 =	simm.s32 @p2 $0x1  }
0x17: {  	s4 =	simm.s32 $0x1BF5;
	[smem:$0x3FAD] =	sst s0  }
0x18: {  	s0 =	sld [smem:$0x3F90];
	_ =	swait.ge [sflag:s4], $0x0  }
0x19: {  	s7 =	sld [smem:$0x3F91]  }
0x1a: {  	s8 =	sadd.s32 $0xFFFFE003, lr  }
0x1b: {  	s9 =	sadd.s32 $0xFFFFFEF7, lr;
	s5 =	simm.s32 $0xFFFFFFFF;
	p2 =	slt.u32 s8, $0xFFFFF086  }
0x1c: {  	p1 =	slt.u32 s9, $0xF7A;
	s5 =	simm.s32 @!p2 $0x0  }
0x1d: {  	s5 =	simm.s32 @p1 $0x1;
	p0 =	seq.s32 s7, s2  }
0x1e: {  	s7 =	smul.u32 @!p0 $0xF7A, s2;
	p2 =	seq.s32 @!p0 s5, $0x0  }
0x1f: {  	s9 =	smul.u32 $0xF7A, s1;
	s8 =	simm.s32 @!p0 $0x1BF5;
	p2 =	por !p2, p0  }
0x20: {  	[sflag:s8] =	ssyncset.s32 @!p0 $0xFFFFF086;
	s6 =	sadd.s32 @!p0 s3, s7;
	s7 =	simm.s32 @!p0 $0x108  }
0x21: {  	s3 =	sadd.s32 s3, s9;
	s6 =	sadd.s32 @!p0 $0x88, s6;
	s7 =	simm.s32 @p2 $0x1082  }
0x22: {  	[simem:s7], [sflag:s8] =	dma.local @!p0 [hbm:s6], $0xF7A  }
0x23: {  	s9 =	sor.u32 $0xD0000000, s2;
	s6 =	simm.s32 $0x108;
	_ =	swait.ge @!p0 [sflag:s8], $0x0  }
0x24: {  	s3 =	sadd.s32 $0x88, s3;
	s6 =	simm.s32 @!p1 $0x1082;
	[sflag:s4] =	ssyncset.s32 $0xFFFFF086  }
0x25: {  	[simem:s6], [sflag:s4] =	dma.local [hbm:s3], $0xF7A  }
0x26: {  	[smem:$0x3F91] =	sst s1;
	(tag) =	ssettag s2;
	_ =	strace s9  }
0x27: {  	s1 =	sld [smem:$0x3FA1]  }
0x28: {  	s2 =	sld [smem:$0x3FA2]  }
0x29: {  	s4 =	sld [smem:$0x3FA4]  }
0x2a: {  	p0 =	seq.s32 s5, $0x0;
	s5 =	sld [smem:$0x3FA5]  }
0x2b: {  	s6 =	sld [smem:$0x3FA6]  }
0x2c: {  	s7 =	sld [smem:$0x3FA7]  }
0x2d: {  	s3 =	simm.s32 $0x108;
	s8 =	sld [smem:$0x3FA8]  }
0x2e: {  	s3 =	simm.s32 @!p0 $0x1082;
	s9 =	sld [smem:$0x3FA9]  }
0x2f: {  	lr =	sadd.s32 s0, s3;
	s0 =	sld [smem:$0x3FA0]  }
0x30: {  	s3 =	sld [smem:$0x3FA3]  }
0x31: {  	[smem:$0x3FAC] =	sst s10  }
0x32: {  	s10 =	sld [smem:$0x3FAA];
	_ =	sdelay $0x3  }
0x33: {  	p0 =	seq.s32 s10, $0x1;
	s10 =	sld [smem:$0x3FAC];
	_ =	sdelay $0x3  }
0x34: {  	[smem:$0x3FAC] =	sst s10  }
0x35: {  	s10 =	sld [smem:$0x3FAB];
	_ =	sdelay $0x3  }
0x36: {  	p1 =	seq.s32 s10, $0x1;
	s10 =	sld [smem:$0x3FAC];
	_ =	sdelay $0x3  }
0x37: {  	[smem:$0x3FAC] =	sst s10  }
0x38: {  	s10 =	sld [smem:$0x3FAD]  }
0x39: {  	_ = 	snop;
	(pc) =	sbr.ind lr, $3  }
0x3a: {  	_ = 	snop  }
0x3b: {  	_ = 	snop  }
0x3c: {  	p2 =	seq.s32 s10, $0x1;
	s10 =	sld [smem:$0x3FAC]  }
0x3d: {  	_ =	shalt  }
0x3e: {  	_ =	shalt  }
0x3f: {  	_ =	shalt  }
0x40: {  	_ =	shalt  }
0x41: {  	_ =	shalt  }
0x42: {  	_ =	shalt  }
0x43: {  	_ =	shalt  }
0x44: {  	_ =	shalt  }
0x45: {  	_ =	shalt  }
0x46: {  	_ =	shalt  }
0x47: {  	_ =	shalt  }
0x48: {  	_ =	shalt  }
0x49: {  	_ =	shalt  }
0x4a: {  	_ =	shalt  }
0x4b: {  	_ =	shalt  }
0x4c: {  	_ =	shalt  }
0x4d: {  	_ =	shalt  }
0x4e: {  	_ =	shalt  }
0x4f: {  	_ =	shalt  }
0x50: {  	_ =	shalt  }
0x51: {  	_ =	shalt  }
0x52: {  	_ =	shalt  }
0x53: {  	_ =	shalt  }
0x54: {  	_ =	shalt  }
0x55: {  	_ =	shalt  }
0x56: {  	_ =	shalt  }
0x57: {  	_ =	shalt  }
0x58: {  	_ =	shalt  }
0x59: {  	_ =	shalt  }
0x5a: {  	_ =	shalt  }
0x5b: {  	_ =	shalt  }
0x5c: {  	_ =	shalt  }
0x5d: {  	_ =	shalt  }
0x5e: {  	_ =	shalt  }
0x5f: {  	_ =	shalt  }
0x60: {  	_ =	shalt  }
0x61: {  	_ =	shalt  }
0x62: {  	_ =	shalt  }
0x63: {  	_ =	shalt  }
0x64: {  	_ =	shalt  }
0x65: {  	_ =	shalt  }
0x66: {  	_ =	shalt  }
0x67: {  	_ =	shalt  }
0x68: {  	_ =	shalt  }
0x69: {  	_ =	shalt  }
0x6a: {  	_ =	shalt  }
0x6b: {  	_ =	shalt  }
0x6c: {  	_ =	shalt  }
0x6d: {  	_ =	shalt  }
0x6e: {  	_ =	shalt  }
0x6f: {  	_ =	shalt  }
0x70: {  	_ =	shalt  }
0x71: {  	_ =	shalt  }
0x72: {  	_ =	shalt  }
0x73: {  	_ =	shalt  }
0x74: {  	_ =	shalt  }
0x75: {  	_ =	shalt  }
0x76: {  	_ =	shalt  }
0x77: {  	_ =	shalt  }
0x78: {  	_ =	shalt  }
0x79: {  	_ =	shalt  }
0x7a: {  	_ =	shalt  }
0x7b: {  	_ =	shalt  }
0x7c: {  	_ =	shalt  }
0x7d: {  	_ =	shalt  }
0x7e: {  	_ =	shalt  }
0x7f: {  	_ =	shalt  }
0x80: {  	_ =	shalt  }
0x81: {  	_ =	shalt  }
0x82: {  	_ =	shalt  }
0x83: {  	_ =	shalt  }
0x84: {  	_ =	shalt  }
0x85: {  	_ =	shalt  }
0x86: {  	_ =	shalt  }
0x87: {  	_ =	shalt  }
.Lfunc_end0:
.L_simem_size_0:
called_computation_lowered:
.L_overlay_start_0:
0x88: {  	s2 =	sld [smem:$0x3FD9]  }
0x89: {  	s3 =	sld [smem:$0x3FFE];
	_ =	sdelay $0x1  }
0x8a: {  	s1 =	srdreg.scid  }
0x8b: {  	s0 =	sand.u32 $0x1, s1  }
0x8c: {  	s16 =	sshll.u32 s0, $0xA;
	s2 =	sadd.s32 s3, s2  }
0x8d: {  	s2 =	sadd.s32 s2, s16  }
0x8e: {  	[smem:$0x3FB8] =	sst s2  }
0x8f: {  	_ = 	snop  }
0x90: {  	(tm) =	ssettm $0x1  }
0x91: {  	s17 =	sld [smem:$0x3FFB];
	_ =	sdelay $0x3  }
0x92: {  	_ =	strace s17  }
0x93: {  	s2 =	sld [smem:$0x3FFC];
	_ =	sdelay $0x3  }
0x94: {  	_ =	strace s2  }
0x95: {  	s2 =	sld [smem:$0x3FFD];
	_ =	sdelay $0x3  }
0x96: {  	_ =	strace s2  }
0x97: {  	_ =	strace $0x8FFFFFFF  }
0x98: {  	s18 =	sld [smem:$0x3FDB];
	_ =	sdelay $0x1  }
0x99: {  	s19 =	simm.s32 $_scs_section_size  }
0x9a: {  	s4 =	simm.s32 $_size__tile_overlayer_lowered;
	s5 =	simm.s32 $_tile_overlayer_lowered  }
0x9b: {  	s22 =	simm.s32 $0x1BFF;
	s21 =	sshll.u32 s5, $0x1;
	s2 =	sadd.s32 s19, s18  }
0x9c: {  	s6 =	simm.s32 $0x0;
	s20 =	sshll.u32 s4, $0x1;
	s4 =	sadd.s32 s21, s2  }
0x9d: {  	[timem:s6], [sflag:s22] =	dma.local [hbm:s4], s20  }
0x9e: {  	_ =	swait.ge [sflag:s22], s20  }
0x9f: {  	s3 =	ssub.s32 $0x0, s20;
	[sflag:s22] =	ssyncset.done $0x0  }
0xa0: {  	[sflag:s22] =	ssyncadd.s32 s3;
	_ =	sdelay $0x1  }
0xa1: {  	s23 =	simm.s32 $0x1B8B  }
0xa2: {  	_ =	swait.ge [sflag:s23], $0x1  }
0xa3: {  	[sflag:s23] =	ssyncset.done $0x0  }
0xa4: {  	s25 =	simm.s32 $0x1B8E;
	s24 =	sld [smem:$0x3FFE];
	[sflag:s23] =	ssyncadd.s32 $0xFFFFFFFF  }
0xa5: {  	s26 =	simm.s32 $execute0_lowered;
	[smem:$0x3FD2] =	sst s25  }
0xa6: {  	s4 =	sshll.u32 s26, $0x1;
	_ =	strace $0x80000046;
	[dreg:$0x1] =	wrdreg $0xFFFFFFFF  }
0xa7: {  	s28 =	simm.s32 $_size_execute0_lowered;
	s2 =	sadd.s32 s2, s4;
	[dreg:$0x0] =	wrdreg $0x0  }
0xa8: {  	s4 =	sshll.u32 s28, $0x1;
	[dreg:$0x2] =	wrdreg s2  }
0xa9: {  	[dreg:$0x3] =	wrdreg s4  }
0xaa: {  	[dreg:$0x4] =	wrdreg $0xC0  }
0xab: {  	_ =	task [dreg:s6], $0x5FFFF  }
0xac: {  	[dreg:$0x1] =	wrdreg $0xFFFFFFFF  }
0xad: {  	[dreg:$0x0] =	wrdreg $0x60  }
0xae: {  	[dreg:$0x2] =	wrdreg s24  }
0xaf: {  	[dreg:$0x3] =	wrdreg $0x48000  }
0xb0: {  	[dreg:$0x4] =	wrdreg $0x9  }
0xb1: {  	_ =	task.clear_ibuf [dreg:s6], $0x5FFFF;
	_ =	strace $0x90000046  }
0xb2: {  	s29 =	simm.s32 $0x9;
	_ =	strace $0x80000048  }
0xb3: {  	_ =	swait.ge [sflag:s29], $0x1  }
0xb4: {  	[sflag:s29] =	ssyncadd.s32 $0xFFFFFFFF  }
0xb5: {  	_ =	strace $0x90000048  }
0xb6: {  	_ =	sfence  }
0xb7: {  	s30 =	sld [smem:$0x0];
	_ =	sdelay $0x2  }
0xb8: {  	s31 =	sshll.u32 s1, $0xD;
	s1 =	sshrl.u32 s1, $0x2  }
0xb9: {  	s3 =	sand.u32 $0x4000, s31;
	s1 =	sadd.s32 s1, s30  }
0xba: {  	s0 =	sor.u32 s3, s0;
	s1 =	sshll.u32 s1, $0x11  }
0xbb: {  	s0 =	sor.u32 s1, s0  }
0xbc: {  	s0 =	sadd.s32 $0x8F2B, s0  }
0xbd: {  	[sflag:s0] =	ssyncadd.remote.s32 $0x1  }
0xbe: {  	_ =	sfence.sel $0xFFFF  }
0xbf: {  	[dreg:$0x0] =	wrdreg $0xFFFFFFFF;
	(pc) =	sbr.abs _section_cstart, $3  }
0xc0: {  	[dreg:$0x1] =	wrdreg $0xFFFFFFFF  }
0xc1: {  	_ =	task.clear_ibuf [dreg:s6], $0x2FFFF;
	_ =	strace $0x9FFFFFFF  }
0xc2: {  	(tm) =	ssettm $0x7FFFFFFF  }
0xc3: {  	_ =	shalt  }
tec
execute0_lowered:
.L_overlay_start_1:
0x0: {  	(tag) =	ssettag $0x1  }
0x1: {  	s7 =	rddreg [dreg:$0x0]  }
0x2: {  	s2 =	rddreg [dreg:$0x1];
	s0 =	stileid.u32  }
0x3: {  	s4 =	srdreg.scid;
	s1 =	rddreg [dreg:$0x2]  }
0x4: {  	s3 =	simm.s32 $0x0;
	s15 =	simm.s32 $0x80;
	s16 =	simm.s32 $0x2  }
0x5: {  	s17 =	simm.s32 $0x1;
	s18 =	simm.s32 $0x0;
	s6 =	smul.u32 $0x14000, s0  }
0x6: {  	s8 =	sand.u32 $0x1, s4;
	[smem:$0x7FF] =	sst s3;
	s4 =	sadd.s32 $0x4C00, s7  }
0x7: {  	s26 =	sshll.u32 s0, $0x1;
	s12 =	smul.u32 $0x50000, s0;
	s30 =	sshll.u32 s0, $0x6  }
0x8: {  	s9 =	smul.u32 $0x140000, s8;
	_ =	strace $0x80000047;
	s11 =	ssub.s32 $0x2, s8  }
0x9: {  	s8 =	sor.u32 s8, s26;
	s5 =	sshrl.u32 s6, $0x3;
	s13 =	sshrl.u32 s11, $0x1  }
0xa: {  	s29 =	sshrl.u32 s12, $0x2;
	s10 =	sadd.s32 s5, s7;
	s5 =	sadd.s32 $0xEC00, s7  }
0xb: {  	s6 =	sadd.s32 s6, s9;
	s11 =	ssub.s32 s11, s13;
	s12 =	sadd.s32 s29, s2  }
0xc: {  	s13 =	simm.s32 $0x3;
	s28 =	sshrl.u32 s6, $0x3;
	s6 =	smul.u32 $0x2800, s8  }
0xd: {  	s8 =	sor.u32 $0x1C03, s30;
	s11 =	smax.u32 s11, $0x1;
	s12 =	sshrl.u32 s12, $0x3  }
0xe: {  	s14 =	sadd.s32 s28, s7;
	s7 =	sadd.s32 $0xF400, s10;
	s31 =	sshrl.u32 s6, $0x3  }
0xf: {  	s10 =	sadd.s32 $0x37400, s14;
	s14 =	simm.s32 $0x800;
	s9 =	sadd.s32 s4, s31  }
.LBB2_1:
0x10: {  	[spmem:s12], [sflag:s8] =	dma.local [hbm:s7], $0x2800  }
0x11: {  	_ =	swait.ge [sflag:s13], $0x2800  }
0x12: {  	[sflag:s13] =	ssyncset.done $0x0  }
0x13: {  	[sflag:s13] =	ssyncadd.s32 $0xFFFFD800  }
0x14: {  	[tilespmem:s14], [sflag:$0x3] =	stream.linear.gather [hbm4b:s5+s3], $0x4000, $0x38;
	[tilespmem:$0x18800] =	vst v63  }
0x15: {  	_ =	swait.ge [sflag:s13], $0x4000  }
0x16: {  	[sflag:s13] =	ssyncset.done $0x0  }
0x17: {  	s19 =	smin.u32 s17, $0x9;
	[sflag:s13] =	ssyncadd.s32 $0xFFFFC000  }
0x18: {  	s20 =	simm.s32 $0x1000;
	s19 =	sshll.u32 s19, $0xA;
	[bflag:$0x0] =	sbarrier.arrive $0xFFFF  }
0x19: {  	[tilespmem:s3], [sflag:$0x3] =	stream.linear.gather [hbm4b:s9+s3], $0x400, $0x38;
	[tilespmem:$0x18800] =	vst v63  }
0x1a: {  	s21 =	simm.s32 $0x0;
	s19 =	sadd.s32 s6, s19;
	_ =	swait.ge [sflag:s13], $0x400  }
0x1b: {  	s20 =	sand.u32 $0x1000, s20;
	s19 =	sshrl.u32 s19, $0x3;
	[sflag:s13] =	ssyncset.done $0x0  }
0x1c: {  	s20 =	sshrl.u32 s20, $0x2;
	s19 =	sadd.s32 s4, s19;
	[sflag:s13] =	ssyncadd.s32 $0xFFFFFC00  }
0x1d: {  	[tilespmem:s20], [sflag:$0x1] =	stream.linear.gather [hbm4b:s19+s3], $0x400, $0x38;
	[tilespmem:$0x18800] =	vst v63  }
0x1e: {  	s23 =	sand.u32 $0x400, s21  }
0x1f: {  	[spmem:s2] =	stream.indirect.scatter.add.f32 [tilespmem:s14], [sflag:$0x2], $0x80, s23, s15, $0xb8;
	[tilespmem:$0x18800] =	vst v63  }
0x20: {  	s24 =	sor.u32 $0x80, s23  }
0x21: {  	[spmem:s2] =	stream.indirect.scatter.add.f32 [tilespmem:s14], [sflag:$0x2], $0x80, s24, s15, $0xb8;
	[tilespmem:$0x18800] =	vst v63  }
0x22: {  	s25 =	sor.u32 $0x100, s23  }
0x23: {  	[spmem:s2] =	stream.indirect.scatter.add.f32 [tilespmem:s14], [sflag:$0x2], $0x80, s25, s15, $0xb8;
	[tilespmem:$0x18800] =	vst v63  }
0x24: {  	s26 =	sor.u32 $0x180, s23  }
0x25: {  	[spmem:s2] =	stream.indirect.scatter.add.f32 [tilespmem:s14], [sflag:$0x2], $0x80, s26, s15, $0xb8;
	[tilespmem:$0x18800] =	vst v63  }
0x26: {  	s28 =	sor.u32 $0x200, s23  }
0x27: {  	[spmem:s2] =	stream.indirect.scatter.add.f32 [tilespmem:s14], [sflag:$0x2], $0x80, s28, s15, $0xb8;
	[tilespmem:$0x18800] =	vst v63  }
0x28: {  	s29 =	sor.u32 $0x280, s23  }
0x29: {  	[spmem:s2] =	stream.indirect.scatter.add.f32 [tilespmem:s14], [sflag:$0x2], $0x80, s29, s15, $0xb8;
	[tilespmem:$0x18800] =	vst v63  }
0x2a: {  	s30 =	sor.u32 $0x300, s23  }
0x2b: {  	[spmem:s2] =	stream.indirect.scatter.add.f32 [tilespmem:s14], [sflag:$0x2], $0x80, s30, s15, $0xb8;
	[tilespmem:$0x18800] =	vst v63  }
0x2c: {  	s19 =	sor.u32 $0x380, s23  }
0x2d: {  	[spmem:s2] =	stream.indirect.scatter.add.f32 [tilespmem:s14], [sflag:$0x2], $0x80, s19, s15, $0xb8;
	[tilespmem:$0x18800] =	vst v63  }
0x2e: {  	_ =	swait.ge [sflag:s16], $0x4000  }
0x2f: {  	[sflag:s16] =	ssyncset.done $0x0  }
0x30: {  	[sflag:s16] =	ssyncadd.s32 $0xFFFFC000  }
0x31: {  	_ =	swait.ge [sflag:s16], $0x4000  }
0x32: {  	[sflag:s16] =	ssyncset.done $0x0  }
0x33: {  	[sflag:s16] =	ssyncadd.s32 $0xFFFFC000  }
0x34: {  	_ =	swait.ge [sflag:s16], $0x4000  }
0x35: {  	[sflag:s16] =	ssyncset.done $0x0  }
0x36: {  	[sflag:s16] =	ssyncadd.s32 $0xFFFFC000  }
0x37: {  	_ =	swait.ge [sflag:s16], $0x4000  }
0x38: {  	[sflag:s16] =	ssyncset.done $0x0  }
0x39: {  	[sflag:s16] =	ssyncadd.s32 $0xFFFFC000  }
0x3a: {  	_ =	swait.ge [sflag:s16], $0x4000  }
0x3b: {  	[sflag:s16] =	ssyncset.done $0x0  }
0x3c: {  	[sflag:s16] =	ssyncadd.s32 $0xFFFFC000  }
0x3d: {  	_ =	swait.ge [sflag:s16], $0x4000  }
0x3e: {  	[sflag:s16] =	ssyncset.done $0x0  }
0x3f: {  	[sflag:s16] =	ssyncadd.s32 $0xFFFFC000  }
0x40: {  	_ =	swait.ge [sflag:s16], $0x4000  }
0x41: {  	[sflag:s16] =	ssyncset.done $0x0  }
0x42: {  	s31 =	simm.s32 $0x2;
	[sflag:s16] =	ssyncadd.s32 $0xFFFFC000  }
0x43: {  	s20 =	smin.u32 s31, $0x9;
	_ =	swait.ge [sflag:s16], $0x4000  }
0x44: {  	s20 =	sshll.u32 s20, $0xA;
	[sflag:s16] =	ssyncset.done $0x0  }
0x45: {  	s23 =	sadd.s32 s6, s20;
	s20 =	simm.s32 $0x2000;
	[sflag:s16] =	ssyncadd.s32 $0xFFFFC000  }
0x46: {  	s22 =	simm.s32 $0x400;
	s21 =	sand.u32 $0x1000, s20;
	_ =	swait.ge [sflag:s17], $0x400  }
0x47: {  	s23 =	sshrl.u32 s23, $0x3;
	s19 =	simm.s32 $0x3;
	[sflag:s17] =	ssyncset.done $0x0  }
.LBB2_2:
0x48: {  	s24 =	sshrl.u32 s21, $0x2  }
0x49: {  	s23 =	sadd.s32 s4, s23;
	[sflag:s17] =	ssyncadd.s32 $0xFFFFFC00;
	s21 =	smov.u32 s19  }
0x4a: {  	[tilespmem:s24], [sflag:$0x1] =	stream.linear.gather [hbm4b:s23+s3], $0x400, $0x38;
	[tilespmem:$0x18800] =	vst v63  }
0x4b: {  	p0 =	sne.s32 s19, $0xA;
	s19 =	sadd.s32 $0x1, s19;
	s22 =	sand.u32 $0x400, s22  }
0x4c: {  	[spmem:s2] =	stream.indirect.scatter.add.f32 [tilespmem:s14], [sflag:$0x2], $0x80, s22, s15, $0xb8;
	[tilespmem:$0x18800] =	vst v63  }
0x4d: {  	s23 =	sor.u32 $0x80, s22  }
0x4e: {  	[spmem:s2] =	stream.indirect.scatter.add.f32 [tilespmem:s14], [sflag:$0x2], $0x80, s23, s15, $0xb8;
	[tilespmem:$0x18800] =	vst v63  }
0x4f: {  	s23 =	sor.u32 $0x100, s22  }
0x50: {  	[spmem:s2] =	stream.indirect.scatter.add.f32 [tilespmem:s14], [sflag:$0x2], $0x80, s23, s15, $0xb8;
	[tilespmem:$0x18800] =	vst v63  }
0x51: {  	s23 =	sor.u32 $0x180, s22  }
0x52: {  	[spmem:s2] =	stream.indirect.scatter.add.f32 [tilespmem:s14], [sflag:$0x2], $0x80, s23, s15, $0xb8;
	[tilespmem:$0x18800] =	vst v63  }
0x53: {  	s23 =	sor.u32 $0x200, s22  }
0x54: {  	[spmem:s2] =	stream.indirect.scatter.add.f32 [tilespmem:s14], [sflag:$0x2], $0x80, s23, s15, $0xb8;
	[tilespmem:$0x18800] =	vst v63  }
0x55: {  	s23 =	sor.u32 $0x280, s22  }
0x56: {  	[spmem:s2] =	stream.indirect.scatter.add.f32 [tilespmem:s14], [sflag:$0x2], $0x80, s23, s15, $0xb8;
	[tilespmem:$0x18800] =	vst v63  }
0x57: {  	s23 =	sor.u32 $0x300, s22  }
0x58: {  	[spmem:s2] =	stream.indirect.scatter.add.f32 [tilespmem:s14], [sflag:$0x2], $0x80, s23, s15, $0xb8;
	[tilespmem:$0x18800] =	vst v63  }
0x59: {  	s22 =	sor.u32 $0x380, s22  }
0x5a: {  	[spmem:s2] =	stream.indirect.scatter.add.f32 [tilespmem:s14], [sflag:$0x2], $0x80, s22, s15, $0xb8;
	[tilespmem:$0x18800] =	vst v63  }
0x5b: {  	_ =	swait.ge [sflag:s16], $0x4000  }
0x5c: {  	[sflag:s16] =	ssyncset.done $0x0  }
0x5d: {  	[sflag:s16] =	ssyncadd.s32 $0xFFFFC000  }
0x5e: {  	_ =	swait.ge [sflag:s16], $0x4000  }
0x5f: {  	[sflag:s16] =	ssyncset.done $0x0  }
0x60: {  	[sflag:s16] =	ssyncadd.s32 $0xFFFFC000  }
0x61: {  	_ =	swait.ge [sflag:s16], $0x4000  }
0x62: {  	[sflag:s16] =	ssyncset.done $0x0  }
0x63: {  	[sflag:s16] =	ssyncadd.s32 $0xFFFFC000  }
0x64: {  	_ =	swait.ge [sflag:s16], $0x4000  }
0x65: {  	[sflag:s16] =	ssyncset.done $0x0  }
0x66: {  	[sflag:s16] =	ssyncadd.s32 $0xFFFFC000  }
0x67: {  	_ =	swait.ge [sflag:s16], $0x4000  }
0x68: {  	[sflag:s16] =	ssyncset.done $0x0  }
0x69: {  	[sflag:s16] =	ssyncadd.s32 $0xFFFFC000  }
0x6a: {  	_ =	swait.ge [sflag:s16], $0x4000  }
0x6b: {  	[sflag:s16] =	ssyncset.done $0x0  }
0x6c: {  	[sflag:s16] =	ssyncadd.s32 $0xFFFFC000  }
0x6d: {  	_ =	swait.ge [sflag:s16], $0x4000  }
0x6e: {  	[sflag:s16] =	ssyncset.done $0x0  }
0x6f: {  	[sflag:s16] =	ssyncadd.s32 $0xFFFFC000  }
.Ltmp0:
0x70: {  	_ =	swait.ge [sflag:s16], $0x4000;
	(pc) =	sbr.rel @p0 .LBB2_2-.Ltmp0, $4  }
0x71: {  	s21 =	smin.u32 s21, $0x9;
	[sflag:s16] =	ssyncset.done $0x0  }
0x72: {  	s21 =	sshll.u32 s21, $0xA;
	s22 =	sshrl.u32 s20, $0x2;
	[sflag:s16] =	ssyncadd.s32 $0xFFFFC000  }
0x73: {  	s23 =	sadd.s32 s6, s21;
	s20 =	sadd.s32 $0x1000, s20;
	_ =	swait.ge [sflag:s17], $0x400  }
0x74: {  	s23 =	sshrl.u32 s23, $0x3;
	s21 =	sand.u32 $0x1000, s20;
	[sflag:s17] =	ssyncset.done $0x0  }
0x75: {  	s19 =	sshrl.u32 s21, $0x2;
	s20 =	sadd.s32 s4, s23;
	[sflag:s17] =	ssyncadd.s32 $0xFFFFFC00  }
0x76: {  	[tilespmem:s19], [sflag:$0x1] =	stream.linear.gather [hbm4b:s20+s3], $0x400, $0x38;
	[tilespmem:$0x18800] =	vst v63  }
0x77: {  	s24 =	sand.u32 $0x400, s22  }
0x78: {  	[spmem:s2] =	stream.indirect.scatter.add.f32 [tilespmem:s14], [sflag:$0x2], $0x80, s24, s15, $0xb8;
	[tilespmem:$0x18800] =	vst v63  }
0x79: {  	s25 =	sor.u32 $0x80, s24  }
0x7a: {  	[spmem:s2] =	stream.indirect.scatter.add.f32 [tilespmem:s14], [sflag:$0x2], $0x80, s25, s15, $0xb8;
	[tilespmem:$0x18800] =	vst v63  }
0x7b: {  	s26 =	sor.u32 $0x100, s24  }
0x7c: {  	[spmem:s2] =	stream.indirect.scatter.add.f32 [tilespmem:s14], [sflag:$0x2], $0x80, s26, s15, $0xb8;
	[tilespmem:$0x18800] =	vst v63  }
0x7d: {  	s28 =	sor.u32 $0x180, s24  }
0x7e: {  	[spmem:s2] =	stream.indirect.scatter.add.f32 [tilespmem:s14], [sflag:$0x2], $0x80, s28, s15, $0xb8;
	[tilespmem:$0x18800] =	vst v63  }
0x7f: {  	s29 =	sor.u32 $0x200, s24  }
0x80: {  	[spmem:s2] =	stream.indirect.scatter.add.f32 [tilespmem:s14], [sflag:$0x2], $0x80, s29, s15, $0xb8;
	[tilespmem:$0x18800] =	vst v63  }
0x81: {  	s30 =	sor.u32 $0x280, s24  }
0x82: {  	[spmem:s2] =	stream.indirect.scatter.add.f32 [tilespmem:s14], [sflag:$0x2], $0x80, s30, s15, $0xb8;
	[tilespmem:$0x18800] =	vst v63  }
0x83: {  	s31 =	sor.u32 $0x300, s24  }
0x84: {  	[spmem:s2] =	stream.indirect.scatter.add.f32 [tilespmem:s14], [sflag:$0x2], $0x80, s31, s15, $0xb8;
	[tilespmem:$0x18800] =	vst v63  }
0x85: {  	s19 =	sor.u32 $0x380, s24  }
0x86: {  	[spmem:s2] =	stream.indirect.scatter.add.f32 [tilespmem:s14], [sflag:$0x2], $0x80, s19, s15, $0xb8;
	[tilespmem:$0x18800] =	vst v63  }
0x87: {  	_ =	swait.ge [sflag:s16], $0x4000  }
0x88: {  	[sflag:s16] =	ssyncset.done $0x0  }
0x89: {  	[sflag:s16] =	ssyncadd.s32 $0xFFFFC000  }
0x8a: {  	_ =	swait.ge [sflag:s16], $0x4000  }
0x8b: {  	[sflag:s16] =	ssyncset.done $0x0  }
0x8c: {  	[sflag:s16] =	ssyncadd.s32 $0xFFFFC000  }
0x8d: {  	_ =	swait.ge [sflag:s16], $0x4000  }
0x8e: {  	[sflag:s16] =	ssyncset.done $0x0  }
0x8f: {  	[sflag:s16] =	ssyncadd.s32 $0xFFFFC000  }
0x90: {  	_ =	swait.ge [sflag:s16], $0x4000  }
0x91: {  	[sflag:s16] =	ssyncset.done $0x0  }
0x92: {  	[sflag:s16] =	ssyncadd.s32 $0xFFFFC000  }
0x93: {  	_ =	swait.ge [sflag:s16], $0x4000  }
0x94: {  	[sflag:s16] =	ssyncset.done $0x0  }
0x95: {  	[sflag:s16] =	ssyncadd.s32 $0xFFFFC000  }
0x96: {  	_ =	swait.ge [sflag:s16], $0x4000  }
0x97: {  	[sflag:s16] =	ssyncset.done $0x0  }
0x98: {  	[sflag:s16] =	ssyncadd.s32 $0xFFFFC000  }
0x99: {  	_ =	swait.ge [sflag:s16], $0x4000  }
0x9a: {  	[sflag:s16] =	ssyncset.done $0x0  }
0x9b: {  	[sflag:s16] =	ssyncadd.s32 $0xFFFFC000  }
0x9c: {  	_ =	swait.ge [sflag:s16], $0x4000  }
0x9d: {  	[sflag:s16] =	ssyncset.done $0x0  }
0x9e: {  	[sflag:s16] =	ssyncadd.s32 $0xFFFFC000  }
0x9f: {  	_ =	swait.ge [sflag:s17], $0x400  }
0xa0: {  	s18 =	sadd.s32 $0x1, s18;
	[sflag:s17] =	ssyncset.done $0x0  }
0xa1: {  	p0 =	sne.s32 s18, s11;
	[sflag:s17] =	ssyncadd.s32 $0xFFFFFC00  }
.Ltmp1:
0xa2: {  	[bflag:$0x0] =	sbarrier.arrive $0xFFFF;
	(pc) =	sbr.rel @p0 .LBB2_1-.Ltmp1, $4  }
0xa3: {  	[hbm:s10], [sflag:s8] =	dma.local [spmem:s12], $0x2800  }
0xa4: {  	_ =	swait.ge [sflag:s13], $0x2800  }
0xa5: {  	[sflag:s13] =	ssyncset.done $0x0  }
0xa6: {  	[sflag:s13] =	ssyncadd.s32 $0xFFFFD800  }
0xa7: {  	_ =	sfence.sel $0x180000  }
0xa8: {  	[bflag:$0x0] =	sbarrier.arrive $0xFFFF  }
0xa9: {  	p0 =	sne.s32 s0, $0x0;
	_ =	strace $0x90000047  }
0xaa: {  	s0 =	sadd.s32 @!p0 $0x100000, s1;
	[bflag:$0x2] =	sbarrier.arrive $0xFFFF  }
0xab: {  	[sflag:s0] =	ssyncadd.tile.s32 @!p0 $0x1;
	_ =	shalt  }
.Lfunc_end2:
_tile_overlayer_lowered:
.L_overlay_start_2:
0xac: {  	(tag) =	ssettag $0x2  }
0xad: {  	s0 =	rddreg [dreg:$0x0];
	s2 =	stileid.u32  }
0xae: {  	s1 =	rddreg [dreg:$0x1];
	p0 =	sne.s32 s2, $0x0  }
0xaf: {  	s3 =	rddreg [dreg:$0x2];
	[bflag:$0x3] =	sbarrier.arrive $0xFFFF;
	s2 =	simm.s32 @!p0 $0x1C03  }
0xb0: {  	[timem:s3], [sflag:s2] =	dma.local @!p0 [hbm:s0], s1  }
0xb1: {  	s0 =	simm.s32 @!p0 $0x3  }
0xb2: {  	_ =	swait.ge @!p0 [sflag:s0], s1  }
0xb3: {  	s1 =	ssub.s32 @!p0 $0x0, s1;
	[sflag:s0] =	ssyncset.done @!p0 $0x0  }
0xb4: {  	[sflag:s0] =	ssyncadd.s32 @!p0 s1  }
0xb5: {  	[bflag:$0x3] =	sbarrier.arrive $0xFFFF  }
0xb6: {  	_ =	shalt  }

</sc_bundles>
